<compile_context>
chip_gen: v7x
topology: tpu7x:2x2x1
jax: 0.10.2.dev20260603
libtpu: 0.0.44.dev20260713+nightly
codegen_flags: <defaults>
</compile_context>

<pallas_src>
import functools

import jax
import jax.numpy as jnp
from jax import lax
from jax.experimental import pallas as pl
from jax.experimental.pallas import tpu as pltpu
from jax.experimental.pallas import tpu_sc as plsc

F32 = jnp.float32

_NC = 2
_NS = 16
_NW = _NC * _NS


def _tc1_body(x_ref, w_ref, asm_ref, adm_ref, xwa_ref, ad_ref):
    d = w_ref.shape[1]
    xw = jnp.dot(x_ref[...], w_ref[...], preferred_element_type=F32)
    xwa_ref[:, :d] = xw
    xwa_ref[:, d:] = jnp.dot(xw, asm_ref[...], preferred_element_type=F32)
    ad_ref[...] = jnp.dot(xw, adm_ref[...], preferred_element_type=F32)


def _run_tc1(x, W, Asm, Adm, blk):
    n, f_in = x.shape
    d = W.shape[1]
    grid = n // blk
    return pl.pallas_call(
        _tc1_body,
        grid=(grid,),
        in_specs=[
            pl.BlockSpec((blk, f_in), lambda i: (i, 0)),
            pl.BlockSpec((f_in, d), lambda i: (0, 0)),
            pl.BlockSpec((d, 16), lambda i: (0, 0)),
            pl.BlockSpec((d, 16), lambda i: (0, 0)),
        ],
        out_specs=[
            pl.BlockSpec((blk, d + 16), lambda i: (i, 0)),
            pl.BlockSpec((blk, 16), lambda i: (i, 0)),
        ],
        out_shape=[
            jax.ShapeDtypeStruct((n, d + 16), F32),
            jax.ShapeDtypeStruct((n, 16), F32),
        ],
    )(x, W, Asm, Adm)


def _tc_mid_body(comb_ref, xwa1_ref, ad1_ref, b1_ref, e16_ref, w2_ref,
                 asm2_ref, adm2_ref, xwa2_ref, ad2_ref):
    d1 = w2_ref.shape[0]
    d2 = w2_ref.shape[1]
    a = xwa1_ref[:, d1:] + ad1_ref[...]
    wself = jnp.exp(jnp.where(a > 0, a, 0.2 * a))
    den16 = comb_ref[0, :, d1:] + comb_ref[1, :, d1:] + wself
    wself_x = jnp.dot(wself, e16_ref[...], preferred_element_type=F32)
    num = (comb_ref[0, :, :d1] + comb_ref[1, :, :d1]
           + xwa1_ref[:, :d1] * wself_x)
    den = jnp.dot(den16, e16_ref[...], preferred_element_type=F32)
    h = num / den + b1_ref[...]
    h = jnp.where(h > 0, h, jnp.exp(h) - 1.0)
    xw2 = jnp.dot(h, w2_ref[...], preferred_element_type=F32)
    xwa2_ref[:, :d2] = xw2
    xwa2_ref[:, d2:] = jnp.dot(xw2, asm2_ref[...], preferred_element_type=F32)
    ad2_ref[...] = jnp.dot(xw2, adm2_ref[...], preferred_element_type=F32)


def _run_tc_mid(comb, xwa1, ad1, b1, E16, W2, Asm2, Adm2, blk):
    n = xwa1.shape[0]
    d1, d2 = W2.shape
    grid = n // blk
    return pl.pallas_call(
        _tc_mid_body,
        grid=(grid,),
        in_specs=[
            pl.BlockSpec((2, blk, d1 + 16), lambda i: (0, i, 0)),
            pl.BlockSpec((blk, d1 + 16), lambda i: (i, 0)),
            pl.BlockSpec((blk, 16), lambda i: (i, 0)),
            pl.BlockSpec((1, d1), lambda i: (0, 0)),
            pl.BlockSpec((16, d1), lambda i: (0, 0)),
            pl.BlockSpec((d1, d2), lambda i: (0, 0)),
            pl.BlockSpec((d2, 16), lambda i: (0, 0)),
            pl.BlockSpec((d2, 16), lambda i: (0, 0)),
        ],
        out_specs=[
            pl.BlockSpec((blk, d2 + 16), lambda i: (i, 0)),
            pl.BlockSpec((blk, 16), lambda i: (i, 0)),
        ],
        out_shape=[
            jax.ShapeDtypeStruct((n, d2 + 16), F32),
            jax.ShapeDtypeStruct((n, 16), F32),
        ],
    )(comb, xwa1, ad1, b1, E16, W2, Asm2, Adm2)


def _tc_final_body(comb_ref, xwa2_ref, ad2_ref, b2_ref, e1_ref, out_ref):
    d2 = out_ref.shape[1]
    a = xwa2_ref[:, d2:] + ad2_ref[...]
    wself = jnp.exp(jnp.where(a > 0, a, 0.2 * a))
    den16 = comb_ref[0, :, d2:] + comb_ref[1, :, d2:] + wself
    den = jnp.dot(den16, e1_ref[...], preferred_element_type=F32)
    wself_x = jnp.dot(wself, e1_ref[...], preferred_element_type=F32)
    num = (comb_ref[0, :, :d2] + comb_ref[1, :, :d2]
           + xwa2_ref[:, :d2] * wself_x)
    out_ref[...] = num / den + b2_ref[...]


def _run_tc_final(comb, xwa2, ad2, b2, E1, blk):
    n = xwa2.shape[0]
    d2 = xwa2.shape[1] - 16
    grid = n // blk
    return pl.pallas_call(
        _tc_final_body,
        grid=(grid,),
        in_specs=[
            pl.BlockSpec((2, blk, d2 + 16), lambda i: (0, i, 0)),
            pl.BlockSpec((blk, d2 + 16), lambda i: (i, 0)),
            pl.BlockSpec((blk, 16), lambda i: (i, 0)),
            pl.BlockSpec((1, d2), lambda i: (0, 0)),
            pl.BlockSpec((16, d2), lambda i: (0, 0)),
        ],
        out_specs=pl.BlockSpec((blk, d2), lambda i: (i, 0)),
        out_shape=jax.ShapeDtypeStruct((n, d2), F32),
    )(comb, xwa2, ad2, b2, E1)


def _make_edge_kernel(n, n_pad, e_total, d, nheads):
    e_per_w = e_total // _NW
    K = 80
    n_chunks = e_per_w // K
    rows_per_tile = n_pad // _NS
    nblk = d // 16
    dc = d + 16
    mesh = plsc.VectorSubcoreMesh(core_axis_name="c", subcore_axis_name="s")

    @functools.partial(
        pl.kernel,
        mesh=mesh,
        compiler_params=pltpu.CompilerParams(
            needs_layout_passes=False, use_tc_tiling_on_sc=False),
        out_type=jax.ShapeDtypeStruct((_NC, n_pad, dc), F32),
        scratch_types=[
            pltpu.VMEM((2, K), jnp.int32),
            pltpu.VMEM((n_chunks, K), jnp.int32),
            pltpu.VMEM((2, K, 16), F32),
            pltpu.VMEM((2, K, dc), F32),
            pltpu.VMEM_SHARED((n_pad, dc), F32),
            pltpu.SemaphoreType.DMA,
            pltpu.SemaphoreType.DMA,
            pltpu.SemaphoreType.DMA,
            pltpu.SemaphoreType.DMA,
            pltpu.SemaphoreType.DMA,
            pltpu.SemaphoreType.DMA,
        ],
    )
    def edge_kernel(src_hbm, dst_hbm, xwa_hbm, ad_hbm, zcomb_hbm, comb_out,
                    srcB, dstA, adb, xwb, comb_acc,
                    semg0, semg1, semi0, semi1, sems0, sems1):
        cid = lax.axis_index("c")
        sid = lax.axis_index("s")
        wid = sid * _NC + cid
        r0 = sid * rows_per_tile
        pltpu.sync_copy(zcomb_hbm.at[pl.ds(r0, rows_per_tile)],
                        comb_acc.at[pl.ds(r0, rows_per_tile)])
        pltpu.sync_copy(dst_hbm.at[wid], dstA)
        plsc.subcore_barrier()

        semg = (semg0, semg1)
        semi = (semi0, semi1)
        sems = (sems0, sems1)

        def idx_issue(p, ci):
            pltpu.async_copy(src_hbm.at[wid, ci], srcB.at[p], semi[p])

        def idx_wait(p):
            pltpu.make_async_copy(src_hbm.at[wid, 0], srcB.at[p],
                                  semi[p]).wait()

        def premask(b, ci):
            for j in range(K // 16):
                s = srcB[b, pl.ds(j * 16, 16)]
                t = dstA[ci, pl.ds(j * 16, 16)]
                dstA[ci, pl.ds(j * 16, 16)] = jnp.where(s == t, n, t)

        def gath(b, ci):
            sem = semg[b]
            pltpu.async_copy(xwa_hbm.at[srcB.at[b]], xwb.at[b], sem)
            pltpu.async_copy(ad_hbm.at[dstA.at[ci]], adb.at[b], sem)

        def gwait(b):
            sem = semg[b]
            pltpu.make_async_copy(xwa_hbm.at[srcB.at[0]], xwb.at[b],
                                  sem).wait()
            pltpu.make_async_copy(ad_hbm.at[dstA.at[0]], adb.at[b],
                                  sem).wait()

        def compute(b, ci):
            @plsc.parallel_loop(0, K, unroll=2)
            def _edge(ei):
                a = xwb[b, ei, pl.ds(d, 16)] + adb[b, ei, :]
                w = jnp.exp(jnp.where(a > 0.0, a, 0.2 * a))
                xwb[b, ei, pl.ds(d, 16)] = w
                for h in range(nblk):
                    hsel = h if nheads > 1 else 0
                    cf = lax.gather(
                        w, jnp.full((16, 1), hsel, jnp.int32),
                        lax.GatherDimensionNumbers(
                            offset_dims=(), collapsed_slice_dims=(0,),
                            start_index_map=(0,)),
                        (1,), mode=lax.GatherScatterMode.PROMISE_IN_BOUNDS)
                    xwb[b, ei, pl.ds(h * 16, 16)] = (
                        xwb[b, ei, pl.ds(h * 16, 16)] * cf)
            pltpu.async_copy(xwb.at[b], comb_acc.at[dstA.at[ci]], sems[b],
                             add=True)

        def scwait(b):
            pltpu.make_async_copy(xwb.at[b], comb_acc.at[dstA.at[0]],
                                  sems[b]).wait()

        last = n_chunks - 1
        idx_issue(0, 0)
        idx_wait(0)
        premask(0, 0)
        gath(0, 0)
        pltpu.async_copy(zcomb_hbm.at[pl.ds(0, K)], xwb.at[1], sems1)
        idx_issue(1, 1)

        def pair(i, carry):
            idx_wait(1)
            premask(1, 2 * i + 1)
            scwait(1)
            gath(1, 2 * i + 1)
            gwait(0)
            idx_issue(0, 2 * i + 2)
            compute(0, 2 * i)
            idx_wait(0)
            premask(0, 2 * i + 2)
            scwait(0)
            gath(0, 2 * i + 2)
            gwait(1)
            idx_issue(1, jnp.minimum(2 * i + 3, last))
            compute(1, 2 * i + 1)
            return carry

        lax.fori_loop(0, (n_chunks - 1) // 2, pair, 0)
        gwait(0)
        compute(0, last)
        idx_wait(1)
        scwait(0)
        scwait(1)

        plsc.subcore_barrier()
        pltpu.sync_copy(comb_acc.at[pl.ds(r0, rows_per_tile)],
                        comb_out.at[cid, pl.ds(r0, rows_per_tile)])

    return edge_kernel


def kernel(x, edge_index, W1, a_src1, a_dst1, b1, W2, a_src2, a_dst2, b2):
    n, f_in = x.shape
    e_total = edge_index.shape[1]
    h1, c1 = a_src1.shape[1], a_src1.shape[2]
    d1 = h1 * c1
    d2 = a_src2.shape[2]
    n_pad = -(-(n + 1) // (_NS * 8)) * (_NS * 8)
    blk = n_pad // 8

    src = edge_index[0].astype(jnp.int32)
    dst = edge_index[1].astype(jnp.int32)
    kchunk = 80
    src3 = src.reshape(_NW, e_total // (_NW * kchunk), kchunk)
    dst3 = dst.reshape(_NW, e_total // (_NW * kchunk), kchunk)

    rows1 = jnp.arange(d1)
    cols1 = jnp.repeat(jnp.arange(h1), c1)
    Asm1 = jnp.zeros((d1, 16), F32).at[rows1, cols1].set(a_src1.reshape(-1))
    Adm1 = jnp.zeros((d1, 16), F32).at[rows1, cols1].set(a_dst1.reshape(-1))
    Asm2 = jnp.zeros((d2, 16), F32).at[:, 0].set(a_src2.reshape(-1))
    Adm2 = jnp.zeros((d2, 16), F32).at[:, 0].set(a_dst2.reshape(-1))
    E16 = jnp.zeros((16, d1), F32).at[cols1, rows1].set(1.0)
    E1 = jnp.zeros((16, d2), F32).at[0, :].set(1.0)

    x_pad = jnp.concatenate([x, jnp.zeros((n_pad - n, f_in), F32)], axis=0)
    zcomb1 = jnp.zeros((n_pad, d1 + 16), F32)
    zcomb2 = jnp.zeros((n_pad, d2 + 16), F32)

    xwa1, ad1 = _run_tc1(x_pad, W1, Asm1, Adm1, blk)
    comb1 = _make_edge_kernel(n, n_pad, e_total, d1, h1)(
        src3, dst3, xwa1, ad1, zcomb1)
    xwa2, ad2 = _run_tc_mid(comb1, xwa1, ad1, b1.reshape(1, -1), E16,
                            W2, Asm2, Adm2, blk)
    comb2 = _make_edge_kernel(n, n_pad, e_total, d2, 1)(
        src3, dst3, xwa2, ad2, zcomb2)
    out = _run_tc_final(comb2, xwa2, ad2, b2.reshape(1, -1), E1, blk)
    return out[:n]

# --- scband reference (transcript-rebuilt; emitter-appended) ---
"""Pipeline reference for scband-preggat-59219009077518 (READ-ONLY COPY).

The authoritative reference and input builder live on the scoring server;
editing this copy changes nothing except your own understanding.
"""

import jax, jax.numpy as jnp
import numpy as np

N = 10000
E = 320000
F_IN = 128
H1, C1 = 8, 16
NUM_CLASSES = 64


def setup_inputs(seed: int = 0) -> dict:
    key = jax.random.key(seed)
    ks = jax.random.split(key, 12)
    x = jax.random.normal(ks[0], (N, F_IN), dtype=jnp.float32)
    edge_index = jax.random.randint(ks[1], (2, E), 0, N, dtype=jnp.int64)
    # conv1: GATConv(128 -> 16, heads=8)
    W1 = jax.random.normal(ks[2], (F_IN, H1 * C1), dtype=jnp.float32) * (1.0 / np.sqrt(F_IN))
    a_src1 = jax.random.normal(ks[3], (1, H1, C1), dtype=jnp.float32) * (1.0 / np.sqrt(C1))
    a_dst1 = jax.random.normal(ks[4], (1, H1, C1), dtype=jnp.float32) * (1.0 / np.sqrt(C1))
    b1 = jnp.zeros((H1 * C1,), dtype=jnp.float32)
    # conv2: GATConv(128 -> 64, heads=1, concat=True)
    W2 = jax.random.normal(ks[5], (H1 * C1, NUM_CLASSES), dtype=jnp.float32) * (1.0 / np.sqrt(H1 * C1))
    a_src2 = jax.random.normal(ks[6], (1, 1, NUM_CLASSES), dtype=jnp.float32) * (1.0 / np.sqrt(NUM_CLASSES))
    a_dst2 = jax.random.normal(ks[7], (1, 1, NUM_CLASSES), dtype=jnp.float32) * (1.0 / np.sqrt(NUM_CLASSES))
    b2 = jnp.zeros((NUM_CLASSES,), dtype=jnp.float32)
    return {"x": x, "edge_index": edge_index, "W1": W1, "a_src1": a_src1, "a_dst1": a_dst1, "b1": b1,
            "W2": W2, "a_src2": a_src2, "a_dst2": a_dst2, "b2": b2}


def _gat_conv(x, src, dst, mask, W, a_src, a_dst, b, H, C):
    # Faithful PyG GATConv (eval mode: dropout on attention is identity).
    n = x.shape[0]
    xw = (x @ W).reshape(n, H, C)
    alpha_src = (xw * a_src).sum(-1)  # [n, H]
    alpha_dst = (xw * a_dst).sum(-1)  # [n, H]
    alpha = alpha_src[src] + alpha_dst[dst]  # [e, H]
    alpha = jnp.where(alpha > 0, alpha, 0.2 * alpha)  # leaky_relu(0.2)
    alpha = jnp.where(mask[:, None], alpha, -1e9)  # masked edges (removed self loops)
    amax = jax.ops.segment_max(alpha, dst, num_segments=n)
    e = jnp.exp(alpha - amax[dst]) * mask[:, None]
    denom = jax.ops.segment_sum(e, dst, num_segments=n)
    coef = e / jnp.maximum(denom[dst], 1e-16)  # softmax over incoming edges
    msg = xw[src] * coef[:, :, None]
    out = jax.ops.segment_sum(msg, dst, num_segments=n)  # [n, H, C]
    return out.reshape(n, H * C) + b


def reference(x, edge_index, W1, a_src1, a_dst1, b1, W2, a_src2, a_dst2, b2):
    n = x.shape[0]
    src, dst = edge_index[0], edge_index[1]
    # PyG GATConv: remove_self_loops then add_self_loops.
    # Equivalent: mask out original self-loop edges, append one self loop per node.
    loop = jnp.arange(n, dtype=src.dtype)
    src_f = jnp.concatenate([src, loop])
    dst_f = jnp.concatenate([dst, loop])
    mask = jnp.concatenate([src != dst, jnp.ones((n,), dtype=bool)])
    # eval mode: F.dropout is identity
    h = _gat_conv(x, src_f, dst_f, mask, W1, a_src1, a_dst1, b1, H1, C1)
    h = jax.nn.elu(h)
    out = _gat_conv(h, src_f, dst_f, mask, W2, a_src2, a_dst2, b2, 1, NUM_CLASSES)
    return out

if __name__ == "__main__":
    import jax
    _d = setup_inputs()
    print(jax.jit(kernel)(*tuple(_d.values())))

</pallas_src>

<mosaic_0001>
#map = affine_map<(d0, d1) -> (0, 0, 0)>
#map1 = affine_map<(d0, d1) -> (0, 0)>
module attributes {stable_mosaic.version = 14 : i64} {
  func.func @edge_kernel(%arg0: i32, %arg1: i32, %arg2: memref<32x125x80xi32, #tpu.memory_space<hbm>>, %arg3: memref<32x125x80xi32, #tpu.memory_space<hbm>>, %arg4: memref<10112x144xf32, #tpu.memory_space<hbm>>, %arg5: memref<10112x16xf32, #tpu.memory_space<hbm>>, %arg6: memref<10112x144xf32, #tpu.memory_space<hbm>>, %arg7: memref<2x10112x144xf32, #tpu.memory_space<hbm>>, %arg8: memref<2x80xi32, #tpu.memory_space<vmem>>, %arg9: memref<125x80xi32, #tpu.memory_space<vmem>>, %arg10: memref<2x80x16xf32, #tpu.memory_space<vmem>>, %arg11: memref<2x80x144xf32, #tpu.memory_space<vmem>>, %arg12: memref<10112x144xf32, #tpu.memory_space<vmem_shared>>, %arg13: memref<!tpu.dma_semaphore, #tpu.memory_space<semaphore_mem>>, %arg14: memref<!tpu.dma_semaphore, #tpu.memory_space<semaphore_mem>>, %arg15: memref<!tpu.dma_semaphore, #tpu.memory_space<semaphore_mem>>, %arg16: memref<!tpu.dma_semaphore, #tpu.memory_space<semaphore_mem>>, %arg17: memref<!tpu.dma_semaphore, #tpu.memory_space<semaphore_mem>>, %arg18: memref<!tpu.dma_semaphore, #tpu.memory_space<semaphore_mem>>) attributes {dimension_semantics = [#tpu.dimension_semantics<core_parallel>, #tpu.dimension_semantics<subcore_parallel>], iteration_bounds = array<i64: 2, 16>, scalar_prefetch = 0 : i64, scratch_operands = 11 : i64, tpu.core_type = #tpu.core_type<sc_vector_subcore>, window_params = [{transform_indices = #map}, {transform_indices = #map}, {transform_indices = #map1}, {transform_indices = #map1}, {transform_indices = #map1}, {transform_indices = #map}]} {
    %mul3A = arith.constant 2 : i32
    %mul3A_0 = arith.muli %arg1, %mul3A : i32
    %add3A = arith.addi %mul3A_0, %arg0 : i32
    %mul3A_1 = arith.constant 632 : i32
    %mul3A_2 = arith.muli %arg1, %mul3A_1 : i32
    "tpu.region"() ({
      %run_scoped3A = tpu.sem_alloc : memref<!tpu.dma_semaphore, #tpu.memory_space<semaphore_mem>>
      %dma_start3A_238 = arith.constant 0 : i32
      %dma_start3A_239 = tpu.memref_slice %arg12[%mul3A_2, %dma_start3A_238] : memref<10112x144xf32, #tpu.memory_space<vmem_shared>> -> memref<632x144xf32, #tpu.memory_space<vmem_shared>>
      %dma_start3A_240 = arith.constant 0 : i32
      %dma_start3A_241 = tpu.memref_slice %arg6[%mul3A_2, %dma_start3A_240] : memref<10112x144xf32, #tpu.memory_space<hbm>> -> memref<632x144xf32, #tpu.memory_space<hbm>>
      tpu.enqueue_dma source(%dma_start3A_241 : memref<632x144xf32, #tpu.memory_space<hbm>>) target(%dma_start3A_239 : memref<632x144xf32, #tpu.memory_space<vmem_shared>>) target_semaphore(%run_scoped3A : memref<!tpu.dma_semaphore, #tpu.memory_space<semaphore_mem>>)
      %dma_wait3A_242 = arith.constant 0 : i32
      %dma_wait3A_243 = tpu.memref_slice %arg12[%mul3A_2, %dma_wait3A_242] : memref<10112x144xf32, #tpu.memory_space<vmem_shared>> -> memref<632x144xf32, #tpu.memory_space<vmem_shared>>
      %dma_wait3A_244 = arith.constant 0 : i32
      %dma_wait3A_245 = tpu.memref_slice %arg6[%mul3A_2, %dma_wait3A_244] : memref<10112x144xf32, #tpu.memory_space<hbm>> -> memref<632x144xf32, #tpu.memory_space<hbm>>
      tpu.wait_dma2 semaphore(%run_scoped3A : memref<!tpu.dma_semaphore, #tpu.memory_space<semaphore_mem>>) src(%dma_wait3A_245 : memref<632x144xf32, #tpu.memory_space<hbm>>) dst(%dma_wait3A_243 : memref<632x144xf32, #tpu.memory_space<vmem_shared>>)
      tpu.yield
    }) : () -> ()
    "tpu.region"() ({
      %run_scoped3A = tpu.sem_alloc : memref<!tpu.dma_semaphore, #tpu.memory_space<semaphore_mem>>
      %dma_start3A_238 = arith.constant 0 : i32
      %dma_start3A_239 = arith.constant 0 : i32
      %dma_start3A_240 = tpu.memref_slice %arg3[%add3A, %dma_start3A_238, %dma_start3A_239] : memref<32x125x80xi32, #tpu.memory_space<hbm>> -> memref<1x125x80xi32, #tpu.memory_space<hbm>>
      %dma_start3A_241 = tpu.memref_squeeze %dma_start3A_240 : memref<1x125x80xi32, #tpu.memory_space<hbm>> -> memref<125x80xi32, #tpu.memory_space<hbm>>
      %dma_start3A_242 = arith.constant 0 : i32
      %dma_start3A_243 = arith.constant 0 : i32
      %dma_start3A_244 = tpu.memref_slice %arg3[%add3A, %dma_start3A_242, %dma_start3A_243] : memref<32x125x80xi32, #tpu.memory_space<hbm>> -> memref<1x125x80xi32, #tpu.memory_space<hbm>>
      %dma_start3A_245 = tpu.memref_squeeze %dma_start3A_244 : memref<1x125x80xi32, #tpu.memory_space<hbm>> -> memref<125x80xi32, #tpu.memory_space<hbm>>
      tpu.enqueue_dma source(%dma_start3A_245 : memref<125x80xi32, #tpu.memory_space<hbm>>) target(%arg9 : memref<125x80xi32, #tpu.memory_space<vmem>>) target_semaphore(%run_scoped3A : memref<!tpu.dma_semaphore, #tpu.memory_space<semaphore_mem>>)
      %dma_wait3A_246 = arith.constant 0 : i32
      %dma_wait3A_247 = arith.constant 0 : i32
      %dma_wait3A_248 = tpu.memref_slice %arg3[%add3A, %dma_wait3A_246, %dma_wait3A_247] : memref<32x125x80xi32, #tpu.memory_space<hbm>> -> memref<1x125x80xi32, #tpu.memory_space<hbm>>
      %dma_wait3A_249 = tpu.memref_squeeze %dma_wait3A_248 : memref<1x125x80xi32, #tpu.memory_space<hbm>> -> memref<125x80xi32, #tpu.memory_space<hbm>>
      %dma_wait3A_250 = arith.constant 0 : i32
      %dma_wait3A_251 = arith.constant 0 : i32
      %dma_wait3A_252 = tpu.memref_slice %arg3[%add3A, %dma_wait3A_250, %dma_wait3A_251] : memref<32x125x80xi32, #tpu.memory_space<hbm>> -> memref<1x125x80xi32, #tpu.memory_space<hbm>>
      %dma_wait3A_253 = tpu.memref_squeeze %dma_wait3A_252 : memref<1x125x80xi32, #tpu.memory_space<hbm>> -> memref<125x80xi32, #tpu.memory_space<hbm>>
      tpu.wait_dma2 semaphore(%run_scoped3A : memref<!tpu.dma_semaphore, #tpu.memory_space<semaphore_mem>>) src(%dma_wait3A_253 : memref<125x80xi32, #tpu.memory_space<hbm>>) dst(%arg9 : memref<125x80xi32, #tpu.memory_space<vmem>>)
      tpu.yield
    }) : () -> ()
    %barrier3A = arith.constant 0 : index
    tpu.barrier barrier_id(%barrier3A)
    %dma_start3A = arith.constant 0 : i32
    %dma_start3A_3 = arith.constant 0 : i32
    %dma_start3A_4 = arith.constant 0 : i32
    %dma_start3A_5 = tpu.memref_slice %arg8[%dma_start3A_3, %dma_start3A_4] : memref<2x80xi32, #tpu.memory_space<vmem>> -> memref<1x80xi32, #tpu.memory_space<vmem>>
    %dma_start3A_6 = tpu.memref_squeeze %dma_start3A_5 : memref<1x80xi32, #tpu.memory_space<vmem>> -> memref<80xi32, #tpu.memory_space<vmem>>
    %dma_start3A_7 = arith.constant 0 : i32
    %dma_start3A_8 = tpu.memref_slice %arg2[%add3A, %dma_start3A, %dma_start3A_7] : memref<32x125x80xi32, #tpu.memory_space<hbm>> -> memref<1x1x80xi32, #tpu.memory_space<hbm>>
    %dma_start3A_9 = tpu.memref_squeeze %dma_start3A_8 : memref<1x1x80xi32, #tpu.memory_space<hbm>> -> memref<80xi32, #tpu.memory_space<hbm>>
    %dma_start3A_10 = arith.constant 0 : i32
    %dma_start3A_11 = tpu.memref_slice %arg8[%dma_start3A_3, %dma_start3A_10] : memref<2x80xi32, #tpu.memory_space<vmem>> -> memref<1x80xi32, #tpu.memory_space<vmem>>
    %dma_start3A_12 = tpu.memref_squeeze %dma_start3A_11 : memref<1x80xi32, #tpu.memory_space<vmem>> -> memref<80xi32, #tpu.memory_space<vmem>>
    %dma_start3A_13 = arith.constant 0 : i32
    %dma_start3A_14 = tpu.memref_slice %arg2[%add3A, %dma_start3A, %dma_start3A_13] : memref<32x125x80xi32, #tpu.memory_space<hbm>> -> memref<1x1x80xi32, #tpu.memory_space<hbm>>
    %dma_start3A_15 = tpu.memref_squeeze %dma_start3A_14 : memref<1x1x80xi32, #tpu.memory_space<hbm>> -> memref<80xi32, #tpu.memory_space<hbm>>
    tpu.enqueue_dma source(%dma_start3A_15 : memref<80xi32, #tpu.memory_space<hbm>>) target(%dma_start3A_12 : memref<80xi32, #tpu.memory_space<vmem>>) target_semaphore(%arg15 : memref<!tpu.dma_semaphore, #tpu.memory_space<semaphore_mem>>)
    %dma_wait3A = arith.constant 0 : i32
    %dma_wait3A_16 = arith.constant 0 : i32
    %dma_wait3A_17 = arith.constant 0 : i32
    %dma_wait3A_18 = tpu.memref_slice %arg8[%dma_wait3A_16, %dma_wait3A_17] : memref<2x80xi32, #tpu.memory_space<vmem>> -> memref<1x80xi32, #tpu.memory_space<vmem>>
    %dma_wait3A_19 = tpu.memref_squeeze %dma_wait3A_18 : memref<1x80xi32, #tpu.memory_space<vmem>> -> memref<80xi32, #tpu.memory_space<vmem>>
    %dma_wait3A_20 = arith.constant 0 : i32
    %dma_wait3A_21 = tpu.memref_slice %arg2[%add3A, %dma_wait3A, %dma_wait3A_20] : memref<32x125x80xi32, #tpu.memory_space<hbm>> -> memref<1x1x80xi32, #tpu.memory_space<hbm>>
    %dma_wait3A_22 = tpu.memref_squeeze %dma_wait3A_21 : memref<1x1x80xi32, #tpu.memory_space<hbm>> -> memref<80xi32, #tpu.memory_space<hbm>>
    %dma_wait3A_23 = arith.constant 0 : i32
    %dma_wait3A_24 = tpu.memref_slice %arg8[%dma_wait3A_16, %dma_wait3A_23] : memref<2x80xi32, #tpu.memory_space<vmem>> -> memref<1x80xi32, #tpu.memory_space<vmem>>
    %dma_wait3A_25 = tpu.memref_squeeze %dma_wait3A_24 : memref<1x80xi32, #tpu.memory_space<vmem>> -> memref<80xi32, #tpu.memory_space<vmem>>
    %dma_wait3A_26 = arith.constant 0 : i32
    %dma_wait3A_27 = tpu.memref_slice %arg2[%add3A, %dma_wait3A, %dma_wait3A_26] : memref<32x125x80xi32, #tpu.memory_space<hbm>> -> memref<1x1x80xi32, #tpu.memory_space<hbm>>
    %dma_wait3A_28 = tpu.memref_squeeze %dma_wait3A_27 : memref<1x1x80xi32, #tpu.memory_space<hbm>> -> memref<80xi32, #tpu.memory_space<hbm>>
    tpu.wait_dma2 semaphore(%arg15 : memref<!tpu.dma_semaphore, #tpu.memory_space<semaphore_mem>>) src(%dma_wait3A_28 : memref<80xi32, #tpu.memory_space<hbm>>) dst(%dma_wait3A_25 : memref<80xi32, #tpu.memory_space<vmem>>)
    %get3A = arith.constant 0 : i32
    %get3A_29 = arith.index_cast %get3A : i32 to index
    %get3A_30 = arith.constant 0 : index
    %get3A_31 = tpu.vector_load %arg8[%get3A_29, %get3A_30] {strides = array<i32>} : memref<2x80xi32, #tpu.memory_space<vmem>>, vector<16xi32>,
    %get3A_32 = arith.constant 0 : i32
    %get3A_33 = arith.index_cast %get3A_32 : i32 to index
    %get3A_34 = arith.constant 0 : index
    %get3A_35 = tpu.vector_load %arg9[%get3A_33, %get3A_34] {strides = array<i32>} : memref<125x80xi32, #tpu.memory_space<vmem>>, vector<16xi32>,
    %eq3A = arith.cmpi eq, %get3A_31, %get3A_35 : vector<16xi32>
    %jit3A = arith.constant 10000 : i32
    %broadcast_in_dim3A = vector.broadcast %jit3A : i32 to vector<16xi32>
    %select_n3A = arith.select %eq3A, %broadcast_in_dim3A, %get3A_35 : vector<16xi1>, vector<16xi32>
    %swap3A = arith.constant 0 : i32
    %swap3A_36 = arith.index_cast %swap3A : i32 to index
    %swap3A_37 = arith.constant 0 : index
    %swap3A_38 = tpu.vector_load %arg9[%swap3A_36, %swap3A_37] {strides = array<i32>} : memref<125x80xi32, #tpu.memory_space<vmem>>, vector<16xi32>,
    tpu.vector_store %arg9[%swap3A_36, %swap3A_37], %select_n3A {strides = array<i32>} : memref<125x80xi32, #tpu.memory_space<vmem>>, vector<16xi32>,
    %get3A_39 = arith.constant 0 : i32
    %get3A_40 = arith.index_cast %get3A_39 : i32 to index
    %get3A_41 = arith.constant 16 : index
    %get3A_42 = tpu.vector_load %arg8[%get3A_40, %get3A_41] {strides = array<i32>} : memref<2x80xi32, #tpu.memory_space<vmem>>, vector<16xi32>,
    %get3A_43 = arith.constant 0 : i32
    %get3A_44 = arith.index_cast %get3A_43 : i32 to index
    %get3A_45 = arith.constant 16 : index
    %get3A_46 = tpu.vector_load %arg9[%get3A_44, %get3A_45] {strides = array<i32>} : memref<125x80xi32, #tpu.memory_space<vmem>>, vector<16xi32>,
    %eq3A_47 = arith.cmpi eq, %get3A_42, %get3A_46 : vector<16xi32>
    %jit3A_48 = arith.constant 10000 : i32
    %broadcast_in_dim3A_49 = vector.broadcast %jit3A_48 : i32 to vector<16xi32>
    %select_n3A_50 = arith.select %eq3A_47, %broadcast_in_dim3A_49, %get3A_46 : vector<16xi1>, vector<16xi32>
    %swap3A_51 = arith.constant 0 : i32
    %swap3A_52 = arith.index_cast %swap3A_51 : i32 to index
    %swap3A_53 = arith.constant 16 : index
    %swap3A_54 = tpu.vector_load %arg9[%swap3A_52, %swap3A_53] {strides = array<i32>} : memref<125x80xi32, #tpu.memory_space<vmem>>, vector<16xi32>,
    tpu.vector_store %arg9[%swap3A_52, %swap3A_53], %select_n3A_50 {strides = array<i32>} : memref<125x80xi32, #tpu.memory_space<vmem>>, vector<16xi32>,
    %get3A_55 = arith.constant 0 : i32
    %get3A_56 = arith.index_cast %get3A_55 : i32 to index
    %get3A_57 = arith.constant 32 : index
    %get3A_58 = tpu.vector_load %arg8[%get3A_56, %get3A_57] {strides = array<i32>} : memref<2x80xi32, #tpu.memory_space<vmem>>, vector<16xi32>,
    %get3A_59 = arith.constant 0 : i32
    %get3A_60 = arith.index_cast %get3A_59 : i32 to index
    %get3A_61 = arith.constant 32 : index
    %get3A_62 = tpu.vector_load %arg9[%get3A_60, %get3A_61] {strides = array<i32>} : memref<125x80xi32, #tpu.memory_space<vmem>>, vector<16xi32>,
    %eq3A_63 = arith.cmpi eq, %get3A_58, %get3A_62 : vector<16xi32>
    %jit3A_64 = arith.constant 10000 : i32
    %broadcast_in_dim3A_65 = vector.broadcast %jit3A_64 : i32 to vector<16xi32>
    %select_n3A_66 = arith.select %eq3A_63, %broadcast_in_dim3A_65, %get3A_62 : vector<16xi1>, vector<16xi32>
    %swap3A_67 = arith.constant 0 : i32
    %swap3A_68 = arith.index_cast %swap3A_67 : i32 to index
    %swap3A_69 = arith.constant 32 : index
    %swap3A_70 = tpu.vector_load %arg9[%swap3A_68, %swap3A_69] {strides = array<i32>} : memref<125x80xi32, #tpu.memory_space<vmem>>, vector<16xi32>,
    tpu.vector_store %arg9[%swap3A_68, %swap3A_69], %select_n3A_66 {strides = array<i32>} : memref<125x80xi32, #tpu.memory_space<vmem>>, vector<16xi32>,
    %get3A_71 = arith.constant 0 : i32
    %get3A_72 = arith.index_cast %get3A_71 : i32 to index
    %get3A_73 = arith.constant 48 : index
    %get3A_74 = tpu.vector_load %arg8[%get3A_72, %get3A_73] {strides = array<i32>} : memref<2x80xi32, #tpu.memory_space<vmem>>, vector<16xi32>,
    %get3A_75 = arith.constant 0 : i32
    %get3A_76 = arith.index_cast %get3A_75 : i32 to index
    %get3A_77 = arith.constant 48 : index
    %get3A_78 = tpu.vector_load %arg9[%get3A_76, %get3A_77] {strides = array<i32>} : memref<125x80xi32, #tpu.memory_space<vmem>>, vector<16xi32>,
    %eq3A_79 = arith.cmpi eq, %get3A_74, %get3A_78 : vector<16xi32>
    %jit3A_80 = arith.constant 10000 : i32
    %broadcast_in_dim3A_81 = vector.broadcast %jit3A_80 : i32 to vector<16xi32>
    %select_n3A_82 = arith.select %eq3A_79, %broadcast_in_dim3A_81, %get3A_78 : vector<16xi1>, vector<16xi32>
    %swap3A_83 = arith.constant 0 : i32
    %swap3A_84 = arith.index_cast %swap3A_83 : i32 to index
    %swap3A_85 = arith.constant 48 : index
    %swap3A_86 = tpu.vector_load %arg9[%swap3A_84, %swap3A_85] {strides = array<i32>} : memref<125x80xi32, #tpu.memory_space<vmem>>, vector<16xi32>,
    tpu.vector_store %arg9[%swap3A_84, %swap3A_85], %select_n3A_82 {strides = array<i32>} : memref<125x80xi32, #tpu.memory_space<vmem>>, vector<16xi32>,
    %get3A_87 = arith.constant 0 : i32
    %get3A_88 = arith.index_cast %get3A_87 : i32 to index
    %get3A_89 = arith.constant 64 : index
    %get3A_90 = tpu.vector_load %arg8[%get3A_88, %get3A_89] {strides = array<i32>} : memref<2x80xi32, #tpu.memory_space<vmem>>, vector<16xi32>,
    %get3A_91 = arith.constant 0 : i32
    %get3A_92 = arith.index_cast %get3A_91 : i32 to index
    %get3A_93 = arith.constant 64 : index
    %get3A_94 = tpu.vector_load %arg9[%get3A_92, %get3A_93] {strides = array<i32>} : memref<125x80xi32, #tpu.memory_space<vmem>>, vector<16xi32>,
    %eq3A_95 = arith.cmpi eq, %get3A_90, %get3A_94 : vector<16xi32>
    %jit3A_96 = arith.constant 10000 : i32
    %broadcast_in_dim3A_97 = vector.broadcast %jit3A_96 : i32 to vector<16xi32>
    %select_n3A_98 = arith.select %eq3A_95, %broadcast_in_dim3A_97, %get3A_94 : vector<16xi1>, vector<16xi32>
    %swap3A_99 = arith.constant 0 : i32
    %swap3A_100 = arith.index_cast %swap3A_99 : i32 to index
    %swap3A_101 = arith.constant 64 : index
    %swap3A_102 = tpu.vector_load %arg9[%swap3A_100, %swap3A_101] {strides = array<i32>} : memref<125x80xi32, #tpu.memory_space<vmem>>, vector<16xi32>,
    tpu.vector_store %arg9[%swap3A_100, %swap3A_101], %select_n3A_98 {strides = array<i32>} : memref<125x80xi32, #tpu.memory_space<vmem>>, vector<16xi32>,
    %dma_start3A_103 = arith.constant 0 : i32
    %dma_start3A_104 = arith.constant 0 : i32
    %dma_start3A_105 = arith.constant 0 : i32
    %dma_start3A_106 = arith.constant 0 : i32
    %dma_start3A_107 = tpu.memref_slice %arg11[%dma_start3A_104, %dma_start3A_105, %dma_start3A_106] : memref<2x80x144xf32, #tpu.memory_space<vmem>> -> memref<1x80x144xf32, #tpu.memory_space<vmem>>
    %dma_start3A_108 = tpu.memref_squeeze %dma_start3A_107 : memref<1x80x144xf32, #tpu.memory_space<vmem>> -> memref<80x144xf32, #tpu.memory_space<vmem>>
    %dma_start3A_109 = arith.constant 0 : i32
    %dma_start3A_110 = tpu.memref_slice %arg8[%dma_start3A_103, %dma_start3A_109] : memref<2x80xi32, #tpu.memory_space<vmem>> -> memref<1x80xi32, #tpu.memory_space<vmem>>
    %dma_start3A_111 = tpu.memref_squeeze %dma_start3A_110 : memref<1x80xi32, #tpu.memory_space<vmem>> -> memref<80xi32, #tpu.memory_space<vmem>>
    %dma_start3A_112 = arith.constant 0 : i32
    %dma_start3A_113 = arith.constant 0 : i32
    %dma_start3A_114 = tpu.memref_slice %arg4[%dma_start3A_112, %dma_start3A_113] : memref<10112x144xf32, #tpu.memory_space<hbm>> -> memref<10112x144xf32, #tpu.memory_space<hbm>>
    tpu.enqueue_indirect_dma source(%dma_start3A_114 : memref<10112x144xf32, #tpu.memory_space<hbm>>) target(%dma_start3A_108 : memref<80x144xf32, #tpu.memory_space<vmem>>) offsets(%dma_start3A_111 : memref<80xi32, #tpu.memory_space<vmem>>) semaphore(%arg13 : memref<!tpu.dma_semaphore, #tpu.memory_space<semaphore_mem>>)
    %dma_start3A_115 = arith.constant 0 : i32
    %dma_start3A_116 = arith.constant 0 : i32
    %dma_start3A_117 = arith.constant 0 : i32
    %dma_start3A_118 = arith.constant 0 : i32
    %dma_start3A_119 = tpu.memref_slice %arg10[%dma_start3A_116, %dma_start3A_117, %dma_start3A_118] : memref<2x80x16xf32, #tpu.memory_space<vmem>> -> memref<1x80x16xf32, #tpu.memory_space<vmem>>
    %dma_start3A_120 = tpu.memref_squeeze %dma_start3A_119 : memref<1x80x16xf32, #tpu.memory_space<vmem>> -> memref<80x16xf32, #tpu.memory_space<vmem>>
    %dma_start3A_121 = arith.constant 0 : i32
    %dma_start3A_122 = tpu.memref_slice %arg9[%dma_start3A_115, %dma_start3A_121] : memref<125x80xi32, #tpu.memory_space<vmem>> -> memref<1x80xi32, #tpu.memory_space<vmem>>
    %dma_start3A_123 = tpu.memref_squeeze %dma_start3A_122 : memref<1x80xi32, #tpu.memory_space<vmem>> -> memref<80xi32, #tpu.memory_space<vmem>>
    %dma_start3A_124 = arith.constant 0 : i32
    %dma_start3A_125 = arith.constant 0 : i32
    %dma_start3A_126 = tpu.memref_slice %arg5[%dma_start3A_124, %dma_start3A_125] : memref<10112x16xf32, #tpu.memory_space<hbm>> -> memref<10112x16xf32, #tpu.memory_space<hbm>>
    tpu.enqueue_indirect_dma source(%dma_start3A_126 : memref<10112x16xf32, #tpu.memory_space<hbm>>) target(%dma_start3A_120 : memref<80x16xf32, #tpu.memory_space<vmem>>) offsets(%dma_start3A_123 : memref<80xi32, #tpu.memory_space<vmem>>) semaphore(%arg13 : memref<!tpu.dma_semaphore, #tpu.memory_space<semaphore_mem>>)
    %dma_start3A_127 = arith.constant 1 : i32
    %dma_start3A_128 = arith.constant 0 : i32
    %dma_start3A_129 = arith.constant 0 : i32
    %dma_start3A_130 = tpu.memref_slice %arg11[%dma_start3A_127, %dma_start3A_128, %dma_start3A_129] : memref<2x80x144xf32, #tpu.memory_space<vmem>> -> memref<1x80x144xf32, #tpu.memory_space<vmem>>
    %dma_start3A_131 = tpu.memref_squeeze %dma_start3A_130 : memref<1x80x144xf32, #tpu.memory_space<vmem>> -> memref<80x144xf32, #tpu.memory_space<vmem>>
    %dma_start3A_132 = arith.constant 0 : i32
    %dma_start3A_133 = arith.constant 0 : i32
    %dma_start3A_134 = tpu.memref_slice %arg6[%dma_start3A_132, %dma_start3A_133] : memref<10112x144xf32, #tpu.memory_space<hbm>> -> memref<80x144xf32, #tpu.memory_space<hbm>>
    %dma_start3A_135 = arith.constant 0 : i32
    %dma_start3A_136 = arith.constant 0 : i32
    %dma_start3A_137 = tpu.memref_slice %arg11[%dma_start3A_127, %dma_start3A_135, %dma_start3A_136] : memref<2x80x144xf32, #tpu.memory_space<vmem>> -> memref<1x80x144xf32, #tpu.memory_space<vmem>>
    %dma_start3A_138 = tpu.memref_squeeze %dma_start3A_137 : memref<1x80x144xf32, #tpu.memory_space<vmem>> -> memref<80x144xf32, #tpu.memory_space<vmem>>
    %dma_start3A_139 = arith.constant 0 : i32
    %dma_start3A_140 = arith.constant 0 : i32
    %dma_start3A_141 = tpu.memref_slice %arg6[%dma_start3A_139, %dma_start3A_140] : memref<10112x144xf32, #tpu.memory_space<hbm>> -> memref<80x144xf32, #tpu.memory_space<hbm>>
    tpu.enqueue_dma source(%dma_start3A_141 : memref<80x144xf32, #tpu.memory_space<hbm>>) target(%dma_start3A_138 : memref<80x144xf32, #tpu.memory_space<vmem>>) target_semaphore(%arg18 : memref<!tpu.dma_semaphore, #tpu.memory_space<semaphore_mem>>)
    %dma_start3A_142 = arith.constant 1 : i32
    %dma_start3A_143 = arith.constant 1 : i32
    %dma_start3A_144 = arith.constant 0 : i32
    %dma_start3A_145 = tpu.memref_slice %arg8[%dma_start3A_143, %dma_start3A_144] : memref<2x80xi32, #tpu.memory_space<vmem>> -> memref<1x80xi32, #tpu.memory_space<vmem>>
    %dma_start3A_146 = tpu.memref_squeeze %dma_start3A_145 : memref<1x80xi32, #tpu.memory_space<vmem>> -> memref<80xi32, #tpu.memory_space<vmem>>
    %dma_start3A_147 = arith.constant 0 : i32
    %dma_start3A_148 = tpu.memref_slice %arg2[%add3A, %dma_start3A_142, %dma_start3A_147] : memref<32x125x80xi32, #tpu.memory_space<hbm>> -> memref<1x1x80xi32, #tpu.memory_space<hbm>>
    %dma_start3A_149 = tpu.memref_squeeze %dma_start3A_148 : memref<1x1x80xi32, #tpu.memory_space<hbm>> -> memref<80xi32, #tpu.memory_space<hbm>>
    %dma_start3A_150 = arith.constant 0 : i32
    %dma_start3A_151 = tpu.memref_slice %arg8[%dma_start3A_143, %dma_start3A_150] : memref<2x80xi32, #tpu.memory_space<vmem>> -> memref<1x80xi32, #tpu.memory_space<vmem>>
    %dma_start3A_152 = tpu.memref_squeeze %dma_start3A_151 : memref<1x80xi32, #tpu.memory_space<vmem>> -> memref<80xi32, #tpu.memory_space<vmem>>
    %dma_start3A_153 = arith.constant 0 : i32
    %dma_start3A_154 = tpu.memref_slice %arg2[%add3A, %dma_start3A_142, %dma_start3A_153] : memref<32x125x80xi32, #tpu.memory_space<hbm>> -> memref<1x1x80xi32, #tpu.memory_space<hbm>>
    %dma_start3A_155 = tpu.memref_squeeze %dma_start3A_154 : memref<1x1x80xi32, #tpu.memory_space<hbm>> -> memref<80xi32, #tpu.memory_space<hbm>>
    tpu.enqueue_dma source(%dma_start3A_155 : memref<80xi32, #tpu.memory_space<hbm>>) target(%dma_start3A_152 : memref<80xi32, #tpu.memory_space<vmem>>) target_semaphore(%arg16 : memref<!tpu.dma_semaphore, #tpu.memory_space<semaphore_mem>>)
    %scan3A = arith.constant 0 : i32
    %scan3A_156 = arith.constant 0 : i32
    %scan3A_157 = arith.constant 62 : i32
    %scan3A_158 = arith.addi %scan3A_156, %scan3A_157 : i32
    %scan3A_159 = arith.constant 1 : i32
    scf.for %scan3A_238 = %scan3A_156 to %scan3A_158 step %scan3A_159  : i32 {
      %dma_wait3A_239 = arith.constant 0 : i32
      %dma_wait3A_240 = arith.constant 1 : i32
      %dma_wait3A_241 = arith.constant 0 : i32
      %dma_wait3A_242 = tpu.memref_slice %arg8[%dma_wait3A_240, %dma_wait3A_241] : memref<2x80xi32, #tpu.memory_space<vmem>> -> memref<1x80xi32, #tpu.memory_space<vmem>>
      %dma_wait3A_243 = tpu.memref_squeeze %dma_wait3A_242 : memref<1x80xi32, #tpu.memory_space<vmem>> -> memref<80xi32, #tpu.memory_space<vmem>>
      %dma_wait3A_244 = arith.constant 0 : i32
      %dma_wait3A_245 = tpu.memref_slice %arg2[%add3A, %dma_wait3A_239, %dma_wait3A_244] : memref<32x125x80xi32, #tpu.memory_space<hbm>> -> memref<1x1x80xi32, #tpu.memory_space<hbm>>
      %dma_wait3A_246 = tpu.memref_squeeze %dma_wait3A_245 : memref<1x1x80xi32, #tpu.memory_space<hbm>> -> memref<80xi32, #tpu.memory_space<hbm>>
      %dma_wait3A_247 = arith.constant 0 : i32
      %dma_wait3A_248 = tpu.memref_slice %arg8[%dma_wait3A_240, %dma_wait3A_247] : memref<2x80xi32, #tpu.memory_space<vmem>> -> memref<1x80xi32, #tpu.memory_space<vmem>>
      %dma_wait3A_249 = tpu.memref_squeeze %dma_wait3A_248 : memref<1x80xi32, #tpu.memory_space<vmem>> -> memref<80xi32, #tpu.memory_space<vmem>>
      %dma_wait3A_250 = arith.constant 0 : i32
      %dma_wait3A_251 = tpu.memref_slice %arg2[%add3A, %dma_wait3A_239, %dma_wait3A_250] : memref<32x125x80xi32, #tpu.memory_space<hbm>> -> memref<1x1x80xi32, #tpu.memory_space<hbm>>
      %dma_wait3A_252 = tpu.memref_squeeze %dma_wait3A_251 : memref<1x1x80xi32, #tpu.memory_space<hbm>> -> memref<80xi32, #tpu.memory_space<hbm>>
      tpu.wait_dma2 semaphore(%arg16 : memref<!tpu.dma_semaphore, #tpu.memory_space<semaphore_mem>>) src(%dma_wait3A_252 : memref<80xi32, #tpu.memory_space<hbm>>) dst(%dma_wait3A_249 : memref<80xi32, #tpu.memory_space<vmem>>)
      %mul3A_253 = arith.constant 2 : i32
      %mul3A_254 = arith.muli %mul3A_253, %scan3A_238 : i32
      %add3A_255 = arith.constant 1 : i32
      %add3A_256 = arith.addi %mul3A_254, %add3A_255 : i32
      %get3A_257 = arith.constant 1 : i32
      %get3A_258 = arith.index_cast %get3A_257 : i32 to index
      %get3A_259 = arith.constant 0 : index
      %get3A_260 = tpu.vector_load %arg8[%get3A_258, %get3A_259] {strides = array<i32>} : memref<2x80xi32, #tpu.memory_space<vmem>>, vector<16xi32>,
      %get3A_261 = arith.index_cast %add3A_256 : i32 to index
      %get3A_262 = arith.constant 0 : index
      %get3A_263 = tpu.vector_load %arg9[%get3A_261, %get3A_262] {strides = array<i32>} : memref<125x80xi32, #tpu.memory_space<vmem>>, vector<16xi32>,
      %eq3A_264 = arith.cmpi eq, %get3A_260, %get3A_263 : vector<16xi32>
      %jit3A_265 = arith.constant 10000 : i32
      %broadcast_in_dim3A_266 = vector.broadcast %jit3A_265 : i32 to vector<16xi32>
      %select_n3A_267 = arith.select %eq3A_264, %broadcast_in_dim3A_266, %get3A_263 : vector<16xi1>, vector<16xi32>
      %swap3A_268 = arith.index_cast %add3A_256 : i32 to index
      %swap3A_269 = arith.constant 0 : index
      %swap3A_270 = tpu.vector_load %arg9[%swap3A_268, %swap3A_269] {strides = array<i32>} : memref<125x80xi32, #tpu.memory_space<vmem>>, vector<16xi32>,
      tpu.vector_store %arg9[%swap3A_268, %swap3A_269], %select_n3A_267 {strides = array<i32>} : memref<125x80xi32, #tpu.memory_space<vmem>>, vector<16xi32>,
      %get3A_271 = arith.constant 1 : i32
      %get3A_272 = arith.index_cast %get3A_271 : i32 to index
      %get3A_273 = arith.constant 16 : index
      %get3A_274 = tpu.vector_load %arg8[%get3A_272, %get3A_273] {strides = array<i32>} : memref<2x80xi32, #tpu.memory_space<vmem>>, vector<16xi32>,
      %get3A_275 = arith.index_cast %add3A_256 : i32 to index
      %get3A_276 = arith.constant 16 : index
      %get3A_277 = tpu.vector_load %arg9[%get3A_275, %get3A_276] {strides = array<i32>} : memref<125x80xi32, #tpu.memory_space<vmem>>, vector<16xi32>,
      %eq3A_278 = arith.cmpi eq, %get3A_274, %get3A_277 : vector<16xi32>
      %jit3A_279 = arith.constant 10000 : i32
      %broadcast_in_dim3A_280 = vector.broadcast %jit3A_279 : i32 to vector<16xi32>
      %select_n3A_281 = arith.select %eq3A_278, %broadcast_in_dim3A_280, %get3A_277 : vector<16xi1>, vector<16xi32>
      %swap3A_282 = arith.index_cast %add3A_256 : i32 to index
      %swap3A_283 = arith.constant 16 : index
      %swap3A_284 = tpu.vector_load %arg9[%swap3A_282, %swap3A_283] {strides = array<i32>} : memref<125x80xi32, #tpu.memory_space<vmem>>, vector<16xi32>,
      tpu.vector_store %arg9[%swap3A_282, %swap3A_283], %select_n3A_281 {strides = array<i32>} : memref<125x80xi32, #tpu.memory_space<vmem>>, vector<16xi32>,
      %get3A_285 = arith.constant 1 : i32
      %get3A_286 = arith.index_cast %get3A_285 : i32 to index
      %get3A_287 = arith.constant 32 : index
      %get3A_288 = tpu.vector_load %arg8[%get3A_286, %get3A_287] {strides = array<i32>} : memref<2x80xi32, #tpu.memory_space<vmem>>, vector<16xi32>,
      %get3A_289 = arith.index_cast %add3A_256 : i32 to index
      %get3A_290 = arith.constant 32 : index
      %get3A_291 = tpu.vector_load %arg9[%get3A_289, %get3A_290] {strides = array<i32>} : memref<125x80xi32, #tpu.memory_space<vmem>>, vector<16xi32>,
      %eq3A_292 = arith.cmpi eq, %get3A_288, %get3A_291 : vector<16xi32>
      %jit3A_293 = arith.constant 10000 : i32
      %broadcast_in_dim3A_294 = vector.broadcast %jit3A_293 : i32 to vector<16xi32>
      %select_n3A_295 = arith.select %eq3A_292, %broadcast_in_dim3A_294, %get3A_291 : vector<16xi1>, vector<16xi32>
      %swap3A_296 = arith.index_cast %add3A_256 : i32 to index
      %swap3A_297 = arith.constant 32 : index
      %swap3A_298 = tpu.vector_load %arg9[%swap3A_296, %swap3A_297] {strides = array<i32>} : memref<125x80xi32, #tpu.memory_space<vmem>>, vector<16xi32>,
      tpu.vector_store %arg9[%swap3A_296, %swap3A_297], %select_n3A_295 {strides = array<i32>} : memref<125x80xi32, #tpu.memory_space<vmem>>, vector<16xi32>,
      %get3A_299 = arith.constant 1 : i32
      %get3A_300 = arith.index_cast %get3A_299 : i32 to index
      %get3A_301 = arith.constant 48 : index
      %get3A_302 = tpu.vector_load %arg8[%get3A_300, %get3A_301] {strides = array<i32>} : memref<2x80xi32, #tpu.memory_space<vmem>>, vector<16xi32>,
      %get3A_303 = arith.index_cast %add3A_256 : i32 to index
      %get3A_304 = arith.constant 48 : index
      %get3A_305 = tpu.vector_load %arg9[%get3A_303, %get3A_304] {strides = array<i32>} : memref<125x80xi32, #tpu.memory_space<vmem>>, vector<16xi32>,
      %eq3A_306 = arith.cmpi eq, %get3A_302, %get3A_305 : vector<16xi32>
      %jit3A_307 = arith.constant 10000 : i32
      %broadcast_in_dim3A_308 = vector.broadcast %jit3A_307 : i32 to vector<16xi32>
      %select_n3A_309 = arith.select %eq3A_306, %broadcast_in_dim3A_308, %get3A_305 : vector<16xi1>, vector<16xi32>
      %swap3A_310 = arith.index_cast %add3A_256 : i32 to index
      %swap3A_311 = arith.constant 48 : index
      %swap3A_312 = tpu.vector_load %arg9[%swap3A_310, %swap3A_311] {strides = array<i32>} : memref<125x80xi32, #tpu.memory_space<vmem>>, vector<16xi32>,
      tpu.vector_store %arg9[%swap3A_310, %swap3A_311], %select_n3A_309 {strides = array<i32>} : memref<125x80xi32, #tpu.memory_space<vmem>>, vector<16xi32>,
      %get3A_313 = arith.constant 1 : i32
      %get3A_314 = arith.index_cast %get3A_313 : i32 to index
      %get3A_315 = arith.constant 64 : index
      %get3A_316 = tpu.vector_load %arg8[%get3A_314, %get3A_315] {strides = array<i32>} : memref<2x80xi32, #tpu.memory_space<vmem>>, vector<16xi32>,
      %get3A_317 = arith.index_cast %add3A_256 : i32 to index
      %get3A_318 = arith.constant 64 : index
      %get3A_319 = tpu.vector_load %arg9[%get3A_317, %get3A_318] {strides = array<i32>} : memref<125x80xi32, #tpu.memory_space<vmem>>, vector<16xi32>,
      %eq3A_320 = arith.cmpi eq, %get3A_316, %get3A_319 : vector<16xi32>
      %jit3A_321 = arith.constant 10000 : i32
      %broadcast_in_dim3A_322 = vector.broadcast %jit3A_321 : i32 to vector<16xi32>
      %select_n3A_323 = arith.select %eq3A_320, %broadcast_in_dim3A_322, %get3A_319 : vector<16xi1>, vector<16xi32>
      %swap3A_324 = arith.index_cast %add3A_256 : i32 to index
      %swap3A_325 = arith.constant 64 : index
      %swap3A_326 = tpu.vector_load %arg9[%swap3A_324, %swap3A_325] {strides = array<i32>} : memref<125x80xi32, #tpu.memory_space<vmem>>, vector<16xi32>,
      tpu.vector_store %arg9[%swap3A_324, %swap3A_325], %select_n3A_323 {strides = array<i32>} : memref<125x80xi32, #tpu.memory_space<vmem>>, vector<16xi32>,
      %dma_wait3A_327 = arith.constant 1 : i32
      %dma_wait3A_328 = arith.constant 0 : i32
      %dma_wait3A_329 = arith.constant 0 : i32
      %dma_wait3A_330 = arith.constant 0 : i32
      %dma_wait3A_331 = tpu.memref_slice %arg11[%dma_wait3A_327, %dma_wait3A_329, %dma_wait3A_330] : memref<2x80x144xf32, #tpu.memory_space<vmem>> -> memref<1x80x144xf32, #tpu.memory_space<vmem>>
      %dma_wait3A_332 = tpu.memref_squeeze %dma_wait3A_331 : memref<1x80x144xf32, #tpu.memory_space<vmem>> -> memref<80x144xf32, #tpu.memory_space<vmem>>
      %dma_wait3A_333 = arith.constant 0 : i32
      %dma_wait3A_334 = tpu.memref_slice %arg9[%dma_wait3A_328, %dma_wait3A_333] : memref<125x80xi32, #tpu.memory_space<vmem>> -> memref<1x80xi32, #tpu.memory_space<vmem>>
      %dma_wait3A_335 = tpu.memref_squeeze %dma_wait3A_334 : memref<1x80xi32, #tpu.memory_space<vmem>> -> memref<80xi32, #tpu.memory_space<vmem>>
      %dma_wait3A_336 = arith.constant 0 : i32
      %dma_wait3A_337 = arith.constant 0 : i32
      %dma_wait3A_338 = tpu.memref_slice %arg12[%dma_wait3A_336, %dma_wait3A_337] : memref<10112x144xf32, #tpu.memory_space<vmem_shared>> -> memref<10112x144xf32, #tpu.memory_space<vmem_shared>>
      tpu.wait_indirect_dma semaphore(%arg18 : memref<!tpu.dma_semaphore, #tpu.memory_space<semaphore_mem>>) src(%dma_wait3A_332 : memref<80x144xf32, #tpu.memory_space<vmem>>) dst(%dma_wait3A_338 : memref<10112x144xf32, #tpu.memory_space<vmem_shared>>)
      %mul3A_339 = arith.constant 2 : i32
      %mul3A_340 = arith.muli %mul3A_339, %scan3A_238 : i32
      %add3A_341 = arith.constant 1 : i32
      %add3A_342 = arith.addi %mul3A_340, %add3A_341 : i32
      %dma_start3A_343 = arith.constant 1 : i32
      %dma_start3A_344 = arith.constant 1 : i32
      %dma_start3A_345 = arith.constant 0 : i32
      %dma_start3A_346 = arith.constant 0 : i32
      %dma_start3A_347 = tpu.memref_slice %arg11[%dma_start3A_344, %dma_start3A_345, %dma_start3A_346] : memref<2x80x144xf32, #tpu.memory_space<vmem>> -> memref<1x80x144xf32, #tpu.memory_space<vmem>>
      %dma_start3A_348 = tpu.memref_squeeze %dma_start3A_347 : memref<1x80x144xf32, #tpu.memory_space<vmem>> -> memref<80x144xf32, #tpu.memory_space<vmem>>
      %dma_start3A_349 = arith.constant 0 : i32
      %dma_start3A_350 = tpu.memref_slice %arg8[%dma_start3A_343, %dma_start3A_349] : memref<2x80xi32, #tpu.memory_space<vmem>> -> memref<1x80xi32, #tpu.memory_space<vmem>>
      %dma_start3A_351 = tpu.memref_squeeze %dma_start3A_350 : memref<1x80xi32, #tpu.memory_space<vmem>> -> memref<80xi32, #tpu.memory_space<vmem>>
      %dma_start3A_352 = arith.constant 0 : i32
      %dma_start3A_353 = arith.constant 0 : i32
      %dma_start3A_354 = tpu.memref_slice %arg4[%dma_start3A_352, %dma_start3A_353] : memref<10112x144xf32, #tpu.memory_space<hbm>> -> memref<10112x144xf32, #tpu.memory_space<hbm>>
      tpu.enqueue_indirect_dma source(%dma_start3A_354 : memref<10112x144xf32, #tpu.memory_space<hbm>>) target(%dma_start3A_348 : memref<80x144xf32, #tpu.memory_space<vmem>>) offsets(%dma_start3A_351 : memref<80xi32, #tpu.memory_space<vmem>>) semaphore(%arg14 : memref<!tpu.dma_semaphore, #tpu.memory_space<semaphore_mem>>)
      %dma_start3A_355 = arith.constant 1 : i32
      %dma_start3A_356 = arith.constant 0 : i32
      %dma_start3A_357 = arith.constant 0 : i32
      %dma_start3A_358 = tpu.memref_slice %arg10[%dma_start3A_355, %dma_start3A_356, %dma_start3A_357] : memref<2x80x16xf32, #tpu.memory_space<vmem>> -> memref<1x80x16xf32, #tpu.memory_space<vmem>>
      %dma_start3A_359 = tpu.memref_squeeze %dma_start3A_358 : memref<1x80x16xf32, #tpu.memory_space<vmem>> -> memref<80x16xf32, #tpu.memory_space<vmem>>
      %dma_start3A_360 = arith.constant 0 : i32
      %dma_start3A_361 = tpu.memref_slice %arg9[%add3A_342, %dma_start3A_360] : memref<125x80xi32, #tpu.memory_space<vmem>> -> memref<1x80xi32, #tpu.memory_space<vmem>>
      %dma_start3A_362 = tpu.memref_squeeze %dma_start3A_361 : memref<1x80xi32, #tpu.memory_space<vmem>> -> memref<80xi32, #tpu.memory_space<vmem>>
      %dma_start3A_363 = arith.constant 0 : i32
      %dma_start3A_364 = arith.constant 0 : i32
      %dma_start3A_365 = tpu.memref_slice %arg5[%dma_start3A_363, %dma_start3A_364] : memref<10112x16xf32, #tpu.memory_space<hbm>> -> memref<10112x16xf32, #tpu.memory_space<hbm>>
      tpu.enqueue_indirect_dma source(%dma_start3A_365 : memref<10112x16xf32, #tpu.memory_space<hbm>>) target(%dma_start3A_359 : memref<80x16xf32, #tpu.memory_space<vmem>>) offsets(%dma_start3A_362 : memref<80xi32, #tpu.memory_space<vmem>>) semaphore(%arg14 : memref<!tpu.dma_semaphore, #tpu.memory_space<semaphore_mem>>)
      %dma_wait3A_366 = arith.constant 0 : i32
      %dma_wait3A_367 = arith.constant 0 : i32
      %dma_wait3A_368 = arith.constant 0 : i32
      %dma_wait3A_369 = arith.constant 0 : i32
      %dma_wait3A_370 = tpu.memref_slice %arg11[%dma_wait3A_367, %dma_wait3A_368, %dma_wait3A_369] : memref<2x80x144xf32, #tpu.memory_space<vmem>> -> memref<1x80x144xf32, #tpu.memory_space<vmem>>
      %dma_wait3A_371 = tpu.memref_squeeze %dma_wait3A_370 : memref<1x80x144xf32, #tpu.memory_space<vmem>> -> memref<80x144xf32, #tpu.memory_space<vmem>>
      %dma_wait3A_372 = arith.constant 0 : i32
      %dma_wait3A_373 = tpu.memref_slice %arg8[%dma_wait3A_366, %dma_wait3A_372] : memref<2x80xi32, #tpu.memory_space<vmem>> -> memref<1x80xi32, #tpu.memory_space<vmem>>
      %dma_wait3A_374 = tpu.memref_squeeze %dma_wait3A_373 : memref<1x80xi32, #tpu.memory_space<vmem>> -> memref<80xi32, #tpu.memory_space<vmem>>
      %dma_wait3A_375 = arith.constant 0 : i32
      %dma_wait3A_376 = arith.constant 0 : i32
      %dma_wait3A_377 = tpu.memref_slice %arg4[%dma_wait3A_375, %dma_wait3A_376] : memref<10112x144xf32, #tpu.memory_space<hbm>> -> memref<10112x144xf32, #tpu.memory_space<hbm>>
      tpu.wait_indirect_dma semaphore(%arg13 : memref<!tpu.dma_semaphore, #tpu.memory_space<semaphore_mem>>) src(%dma_wait3A_377 : memref<10112x144xf32, #tpu.memory_space<hbm>>) dst(%dma_wait3A_371 : memref<80x144xf32, #tpu.memory_space<vmem>>)
      %dma_wait3A_378 = arith.constant 0 : i32
      %dma_wait3A_379 = arith.constant 0 : i32
      %dma_wait3A_380 = arith.constant 0 : i32
      %dma_wait3A_381 = arith.constant 0 : i32
      %dma_wait3A_382 = tpu.memref_slice %arg10[%dma_wait3A_379, %dma_wait3A_380, %dma_wait3A_381] : memref<2x80x16xf32, #tpu.memory_space<vmem>> -> memref<1x80x16xf32, #tpu.memory_space<vmem>>
      %dma_wait3A_383 = tpu.memref_squeeze %dma_wait3A_382 : memref<1x80x16xf32, #tpu.memory_space<vmem>> -> memref<80x16xf32, #tpu.memory_space<vmem>>
      %dma_wait3A_384 = arith.constant 0 : i32
      %dma_wait3A_385 = tpu.memref_slice %arg9[%dma_wait3A_378, %dma_wait3A_384] : memref<125x80xi32, #tpu.memory_space<vmem>> -> memref<1x80xi32, #tpu.memory_space<vmem>>
      %dma_wait3A_386 = tpu.memref_squeeze %dma_wait3A_385 : memref<1x80xi32, #tpu.memory_space<vmem>> -> memref<80xi32, #tpu.memory_space<vmem>>
      %dma_wait3A_387 = arith.constant 0 : i32
      %dma_wait3A_388 = arith.constant 0 : i32
      %dma_wait3A_389 = tpu.memref_slice %arg5[%dma_wait3A_387, %dma_wait3A_388] : memref<10112x16xf32, #tpu.memory_space<hbm>> -> memref<10112x16xf32, #tpu.memory_space<hbm>>
      tpu.wait_indirect_dma semaphore(%arg13 : memref<!tpu.dma_semaphore, #tpu.memory_space<semaphore_mem>>) src(%dma_wait3A_389 : memref<10112x16xf32, #tpu.memory_space<hbm>>) dst(%dma_wait3A_383 : memref<80x16xf32, #tpu.memory_space<vmem>>)
      %mul3A_390 = arith.constant 2 : i32
      %mul3A_391 = arith.muli %mul3A_390, %scan3A_238 : i32
      %add3A_392 = arith.constant 2 : i32
      %add3A_393 = arith.addi %mul3A_391, %add3A_392 : i32
      %dma_start3A_394 = arith.constant 0 : i32
      %dma_start3A_395 = arith.constant 0 : i32
      %dma_start3A_396 = tpu.memref_slice %arg8[%dma_start3A_394, %dma_start3A_395] : memref<2x80xi32, #tpu.memory_space<vmem>> -> memref<1x80xi32, #tpu.memory_space<vmem>>
      %dma_start3A_397 = tpu.memref_squeeze %dma_start3A_396 : memref<1x80xi32, #tpu.memory_space<vmem>> -> memref<80xi32, #tpu.memory_space<vmem>>
      %dma_start3A_398 = arith.constant 0 : i32
      %dma_start3A_399 = tpu.memref_slice %arg2[%add3A, %add3A_393, %dma_start3A_398] : memref<32x125x80xi32, #tpu.memory_space<hbm>> -> memref<1x1x80xi32, #tpu.memory_space<hbm>>
      %dma_start3A_400 = tpu.memref_squeeze %dma_start3A_399 : memref<1x1x80xi32, #tpu.memory_space<hbm>> -> memref<80xi32, #tpu.memory_space<hbm>>
      %dma_start3A_401 = arith.constant 0 : i32
      %dma_start3A_402 = tpu.memref_slice %arg8[%dma_start3A_394, %dma_start3A_401] : memref<2x80xi32, #tpu.memory_space<vmem>> -> memref<1x80xi32, #tpu.memory_space<vmem>>
      %dma_start3A_403 = tpu.memref_squeeze %dma_start3A_402 : memref<1x80xi32, #tpu.memory_space<vmem>> -> memref<80xi32, #tpu.memory_space<vmem>>
      %dma_start3A_404 = arith.constant 0 : i32
      %dma_start3A_405 = tpu.memref_slice %arg2[%add3A, %add3A_393, %dma_start3A_404] : memref<32x125x80xi32, #tpu.memory_space<hbm>> -> memref<1x1x80xi32, #tpu.memory_space<hbm>>
      %dma_start3A_406 = tpu.memref_squeeze %dma_start3A_405 : memref<1x1x80xi32, #tpu.memory_space<hbm>> -> memref<80xi32, #tpu.memory_space<hbm>>
      tpu.enqueue_dma source(%dma_start3A_406 : memref<80xi32, #tpu.memory_space<hbm>>) target(%dma_start3A_403 : memref<80xi32, #tpu.memory_space<vmem>>) target_semaphore(%arg15 : memref<!tpu.dma_semaphore, #tpu.memory_space<semaphore_mem>>)
      %mul3A_407 = arith.constant 2 : i32
      %mul3A_408 = arith.muli %mul3A_407, %scan3A_238 : i32
      %parallel_loop3A_409 = arith.constant 0 : i32
      %parallel_loop3A_410 = arith.constant 80 : i32
      %parallel_loop3A_411 = arith.constant 1 : i32
      scf.for %parallel_loop3A_610 = %parallel_loop3A_409 to %parallel_loop3A_410 step %parallel_loop3A_411  : i32 {
        %parallel_loop3A_611 = arith.constant 0 : i32
        %parallel_loop3A_612 = arith.index_cast %parallel_loop3A_611 : i32 to index
        %parallel_loop3A_613 = arith.index_cast %parallel_loop3A_610 : i32 to index
        %parallel_loop3A_614 = arith.constant 128 : index
        %parallel_loop3A_615 = tpu.vector_load %arg11[%parallel_loop3A_612, %parallel_loop3A_613, %parallel_loop3A_614] {strides = array<i32>} : memref<2x80x144xf32, #tpu.memory_space<vmem>>, vector<16xf32>,
        %parallel_loop3A_616 = arith.constant 0 : i32
        %parallel_loop3A_617 = arith.index_cast %parallel_loop3A_616 : i32 to index
        %parallel_loop3A_618 = arith.index_cast %parallel_loop3A_610 : i32 to index
        %parallel_loop3A_619 = arith.constant 0 : index
        %parallel_loop3A_620 = tpu.vector_load %arg10[%parallel_loop3A_617, %parallel_loop3A_618, %parallel_loop3A_619] {strides = array<i32>} : memref<2x80x16xf32, #tpu.memory_space<vmem>>, vector<16xf32>,
        %parallel_loop3A_621 = arith.addf %parallel_loop3A_615, %parallel_loop3A_620 : vector<16xf32>
        %parallel_loop3A_622 = arith.constant 0.000000e+00 : f32
        %parallel_loop3A_623 = vector.broadcast %parallel_loop3A_622 : f32 to vector<16xf32>
        %parallel_loop3A_624 = arith.cmpf ogt, %parallel_loop3A_621, %parallel_loop3A_623 : vector<16xf32>
        %parallel_loop3A_625 = arith.constant 2.000000e-01 : f32
        %parallel_loop3A_626 = vector.broadcast %parallel_loop3A_625 : f32 to vector<16xf32>
        %parallel_loop3A_627 = arith.mulf %parallel_loop3A_626, %parallel_loop3A_621 : vector<16xf32>
        %parallel_loop3A_628 = arith.select %parallel_loop3A_624, %parallel_loop3A_621, %parallel_loop3A_627 : vector<16xi1>, vector<16xf32>
        %parallel_loop3A_629 = math.exp %parallel_loop3A_628 : vector<16xf32>
        %parallel_loop3A_630 = arith.constant 0 : i32
        %parallel_loop3A_631 = arith.index_cast %parallel_loop3A_630 : i32 to index
        %parallel_loop3A_632 = arith.index_cast %parallel_loop3A_610 : i32 to index
        %parallel_loop3A_633 = arith.constant 128 : index
        %parallel_loop3A_634 = tpu.vector_load %arg11[%parallel_loop3A_631, %parallel_loop3A_632, %parallel_loop3A_633] {strides = array<i32>} : memref<2x80x144xf32, #tpu.memory_space<vmem>>, vector<16xf32>,
        tpu.vector_store %arg11[%parallel_loop3A_631, %parallel_loop3A_632, %parallel_loop3A_633], %parallel_loop3A_629 {strides = array<i32>} : memref<2x80x144xf32, #tpu.memory_space<vmem>>, vector<16xf32>,
        %parallel_loop3A_635 = arith.constant 0 : i32
        %parallel_loop3A_636 = vector.broadcast %parallel_loop3A_635 : i32 to vector<16x1xi32>
        %parallel_loop3A_637 = vector.shape_cast %parallel_loop3A_636 : vector<16x1xi32> to vector<16xi32>
        %parallel_loop3A_638 = tpu.dynamic_gather %parallel_loop3A_629[%parallel_loop3A_637] in [0] : vector<16xf32>, vector<16xi32> -> vector<16xf32>
        %parallel_loop3A_639 = arith.constant 0 : i32
        %parallel_loop3A_640 = arith.index_cast %parallel_loop3A_639 : i32 to index
        %parallel_loop3A_641 = arith.index_cast %parallel_loop3A_610 : i32 to index
        %parallel_loop3A_642 = arith.constant 0 : index
        %parallel_loop3A_643 = tpu.vector_load %arg11[%parallel_loop3A_640, %parallel_loop3A_641, %parallel_loop3A_642] {strides = array<i32>} : memref<2x80x144xf32, #tpu.memory_space<vmem>>, vector<16xf32>,
        %parallel_loop3A_644 = arith.mulf %parallel_loop3A_643, %parallel_loop3A_638 : vector<16xf32>
        %parallel_loop3A_645 = arith.constant 0 : i32
        %parallel_loop3A_646 = arith.index_cast %parallel_loop3A_645 : i32 to index
        %parallel_loop3A_647 = arith.index_cast %parallel_loop3A_610 : i32 to index
        %parallel_loop3A_648 = arith.constant 0 : index
        %parallel_loop3A_649 = tpu.vector_load %arg11[%parallel_loop3A_646, %parallel_loop3A_647, %parallel_loop3A_648] {strides = array<i32>} : memref<2x80x144xf32, #tpu.memory_space<vmem>>, vector<16xf32>,
        tpu.vector_store %arg11[%parallel_loop3A_646, %parallel_loop3A_647, %parallel_loop3A_648], %parallel_loop3A_644 {strides = array<i32>} : memref<2x80x144xf32, #tpu.memory_space<vmem>>, vector<16xf32>,
        %parallel_loop3A_650 = arith.constant 1 : i32
        %parallel_loop3A_651 = vector.broadcast %parallel_loop3A_650 : i32 to vector<16x1xi32>
        %parallel_loop3A_652 = vector.shape_cast %parallel_loop3A_651 : vector<16x1xi32> to vector<16xi32>
        %parallel_loop3A_653 = tpu.dynamic_gather %parallel_loop3A_629[%parallel_loop3A_652] in [0] : vector<16xf32>, vector<16xi32> -> vector<16xf32>
        %parallel_loop3A_654 = arith.constant 0 : i32
        %parallel_loop3A_655 = arith.index_cast %parallel_loop3A_654 : i32 to index
        %parallel_loop3A_656 = arith.index_cast %parallel_loop3A_610 : i32 to index
        %parallel_loop3A_657 = arith.constant 16 : index
        %parallel_loop3A_658 = tpu.vector_load %arg11[%parallel_loop3A_655, %parallel_loop3A_656, %parallel_loop3A_657] {strides = array<i32>} : memref<2x80x144xf32, #tpu.memory_space<vmem>>, vector<16xf32>,
        %parallel_loop3A_659 = arith.mulf %parallel_loop3A_658, %parallel_loop3A_653 : vector<16xf32>
        %parallel_loop3A_660 = arith.constant 0 : i32
        %parallel_loop3A_661 = arith.index_cast %parallel_loop3A_660 : i32 to index
        %parallel_loop3A_662 = arith.index_cast %parallel_loop3A_610 : i32 to index
        %parallel_loop3A_663 = arith.constant 16 : index
        %parallel_loop3A_664 = tpu.vector_load %arg11[%parallel_loop3A_661, %parallel_loop3A_662, %parallel_loop3A_663] {strides = array<i32>} : memref<2x80x144xf32, #tpu.memory_space<vmem>>, vector<16xf32>,
        tpu.vector_store %arg11[%parallel_loop3A_661, %parallel_loop3A_662, %parallel_loop3A_663], %parallel_loop3A_659 {strides = array<i32>} : memref<2x80x144xf32, #tpu.memory_space<vmem>>, vector<16xf32>,
        %parallel_loop3A_665 = arith.constant 2 : i32
        %parallel_loop3A_666 = vector.broadcast %parallel_loop3A_665 : i32 to vector<16x1xi32>
        %parallel_loop3A_667 = vector.shape_cast %parallel_loop3A_666 : vector<16x1xi32> to vector<16xi32>
        %parallel_loop3A_668 = tpu.dynamic_gather %parallel_loop3A_629[%parallel_loop3A_667] in [0] : vector<16xf32>, vector<16xi32> -> vector<16xf32>
        %parallel_loop3A_669 = arith.constant 0 : i32
        %parallel_loop3A_670 = arith.index_cast %parallel_loop3A_669 : i32 to index
        %parallel_loop3A_671 = arith.index_cast %parallel_loop3A_610 : i32 to index
        %parallel_loop3A_672 = arith.constant 32 : index
        %parallel_loop3A_673 = tpu.vector_load %arg11[%parallel_loop3A_670, %parallel_loop3A_671, %parallel_loop3A_672] {strides = array<i32>} : memref<2x80x144xf32, #tpu.memory_space<vmem>>, vector<16xf32>,
        %parallel_loop3A_674 = arith.mulf %parallel_loop3A_673, %parallel_loop3A_668 : vector<16xf32>
        %parallel_loop3A_675 = arith.constant 0 : i32
        %parallel_loop3A_676 = arith.index_cast %parallel_loop3A_675 : i32 to index
        %parallel_loop3A_677 = arith.index_cast %parallel_loop3A_610 : i32 to index
        %parallel_loop3A_678 = arith.constant 32 : index
        %parallel_loop3A_679 = tpu.vector_load %arg11[%parallel_loop3A_676, %parallel_loop3A_677, %parallel_loop3A_678] {strides = array<i32>} : memref<2x80x144xf32, #tpu.memory_space<vmem>>, vector<16xf32>,
        tpu.vector_store %arg11[%parallel_loop3A_676, %parallel_loop3A_677, %parallel_loop3A_678], %parallel_loop3A_674 {strides = array<i32>} : memref<2x80x144xf32, #tpu.memory_space<vmem>>, vector<16xf32>,
        %parallel_loop3A_680 = arith.constant 3 : i32
        %parallel_loop3A_681 = vector.broadcast %parallel_loop3A_680 : i32 to vector<16x1xi32>
        %parallel_loop3A_682 = vector.shape_cast %parallel_loop3A_681 : vector<16x1xi32> to vector<16xi32>
        %parallel_loop3A_683 = tpu.dynamic_gather %parallel_loop3A_629[%parallel_loop3A_682] in [0] : vector<16xf32>, vector<16xi32> -> vector<16xf32>
        %parallel_loop3A_684 = arith.constant 0 : i32
        %parallel_loop3A_685 = arith.index_cast %parallel_loop3A_684 : i32 to index
        %parallel_loop3A_686 = arith.index_cast %parallel_loop3A_610 : i32 to index
        %parallel_loop3A_687 = arith.constant 48 : index
        %parallel_loop3A_688 = tpu.vector_load %arg11[%parallel_loop3A_685, %parallel_loop3A_686, %parallel_loop3A_687] {strides = array<i32>} : memref<2x80x144xf32, #tpu.memory_space<vmem>>, vector<16xf32>,
        %parallel_loop3A_689 = arith.mulf %parallel_loop3A_688, %parallel_loop3A_683 : vector<16xf32>
        %parallel_loop3A_690 = arith.constant 0 : i32
        %parallel_loop3A_691 = arith.index_cast %parallel_loop3A_690 : i32 to index
        %parallel_loop3A_692 = arith.index_cast %parallel_loop3A_610 : i32 to index
        %parallel_loop3A_693 = arith.constant 48 : index
        %parallel_loop3A_694 = tpu.vector_load %arg11[%parallel_loop3A_691, %parallel_loop3A_692, %parallel_loop3A_693] {strides = array<i32>} : memref<2x80x144xf32, #tpu.memory_space<vmem>>, vector<16xf32>,
        tpu.vector_store %arg11[%parallel_loop3A_691, %parallel_loop3A_692, %parallel_loop3A_693], %parallel_loop3A_689 {strides = array<i32>} : memref<2x80x144xf32, #tpu.memory_space<vmem>>, vector<16xf32>,
        %parallel_loop3A_695 = arith.constant 4 : i32
        %parallel_loop3A_696 = vector.broadcast %parallel_loop3A_695 : i32 to vector<16x1xi32>
        %parallel_loop3A_697 = vector.shape_cast %parallel_loop3A_696 : vector<16x1xi32> to vector<16xi32>
        %parallel_loop3A_698 = tpu.dynamic_gather %parallel_loop3A_629[%parallel_loop3A_697] in [0] : vector<16xf32>, vector<16xi32> -> vector<16xf32>
        %parallel_loop3A_699 = arith.constant 0 : i32
        %parallel_loop3A_700 = arith.index_cast %parallel_loop3A_699 : i32 to index
        %parallel_loop3A_701 = arith.index_cast %parallel_loop3A_610 : i32 to index
        %parallel_loop3A_702 = arith.constant 64 : index
        %parallel_loop3A_703 = tpu.vector_load %arg11[%parallel_loop3A_700, %parallel_loop3A_701, %parallel_loop3A_702] {strides = array<i32>} : memref<2x80x144xf32, #tpu.memory_space<vmem>>, vector<16xf32>,
        %parallel_loop3A_704 = arith.mulf %parallel_loop3A_703, %parallel_loop3A_698 : vector<16xf32>
        %parallel_loop3A_705 = arith.constant 0 : i32
        %parallel_loop3A_706 = arith.index_cast %parallel_loop3A_705 : i32 to index
        %parallel_loop3A_707 = arith.index_cast %parallel_loop3A_610 : i32 to index
        %parallel_loop3A_708 = arith.constant 64 : index
        %parallel_loop3A_709 = tpu.vector_load %arg11[%parallel_loop3A_706, %parallel_loop3A_707, %parallel_loop3A_708] {strides = array<i32>} : memref<2x80x144xf32, #tpu.memory_space<vmem>>, vector<16xf32>,
        tpu.vector_store %arg11[%parallel_loop3A_706, %parallel_loop3A_707, %parallel_loop3A_708], %parallel_loop3A_704 {strides = array<i32>} : memref<2x80x144xf32, #tpu.memory_space<vmem>>, vector<16xf32>,
        %parallel_loop3A_710 = arith.constant 5 : i32
        %parallel_loop3A_711 = vector.broadcast %parallel_loop3A_710 : i32 to vector<16x1xi32>
        %parallel_loop3A_712 = vector.shape_cast %parallel_loop3A_711 : vector<16x1xi32> to vector<16xi32>
        %parallel_loop3A_713 = tpu.dynamic_gather %parallel_loop3A_629[%parallel_loop3A_712] in [0] : vector<16xf32>, vector<16xi32> -> vector<16xf32>
        %parallel_loop3A_714 = arith.constant 0 : i32
        %parallel_loop3A_715 = arith.index_cast %parallel_loop3A_714 : i32 to index
        %parallel_loop3A_716 = arith.index_cast %parallel_loop3A_610 : i32 to index
        %parallel_loop3A_717 = arith.constant 80 : index
        %parallel_loop3A_718 = tpu.vector_load %arg11[%parallel_loop3A_715, %parallel_loop3A_716, %parallel_loop3A_717] {strides = array<i32>} : memref<2x80x144xf32, #tpu.memory_space<vmem>>, vector<16xf32>,
        %parallel_loop3A_719 = arith.mulf %parallel_loop3A_718, %parallel_loop3A_713 : vector<16xf32>
        %parallel_loop3A_720 = arith.constant 0 : i32
        %parallel_loop3A_721 = arith.index_cast %parallel_loop3A_720 : i32 to index
        %parallel_loop3A_722 = arith.index_cast %parallel_loop3A_610 : i32 to index
        %parallel_loop3A_723 = arith.constant 80 : index
        %parallel_loop3A_724 = tpu.vector_load %arg11[%parallel_loop3A_721, %parallel_loop3A_722, %parallel_loop3A_723] {strides = array<i32>} : memref<2x80x144xf32, #tpu.memory_space<vmem>>, vector<16xf32>,
        tpu.vector_store %arg11[%parallel_loop3A_721, %parallel_loop3A_722, %parallel_loop3A_723], %parallel_loop3A_719 {strides = array<i32>} : memref<2x80x144xf32, #tpu.memory_space<vmem>>, vector<16xf32>,
        %parallel_loop3A_725 = arith.constant 6 : i32
        %parallel_loop3A_726 = vector.broadcast %parallel_loop3A_725 : i32 to vector<16x1xi32>
        %parallel_loop3A_727 = vector.shape_cast %parallel_loop3A_726 : vector<16x1xi32> to vector<16xi32>
        %parallel_loop3A_728 = tpu.dynamic_gather %parallel_loop3A_629[%parallel_loop3A_727] in [0] : vector<16xf32>, vector<16xi32> -> vector<16xf32>
        %parallel_loop3A_729 = arith.constant 0 : i32
        %parallel_loop3A_730 = arith.index_cast %parallel_loop3A_729 : i32 to index
        %parallel_loop3A_731 = arith.index_cast %parallel_loop3A_610 : i32 to index
        %parallel_loop3A_732 = arith.constant 96 : index
        %parallel_loop3A_733 = tpu.vector_load %arg11[%parallel_loop3A_730, %parallel_loop3A_731, %parallel_loop3A_732] {strides = array<i32>} : memref<2x80x144xf32, #tpu.memory_space<vmem>>, vector<16xf32>,
        %parallel_loop3A_734 = arith.mulf %parallel_loop3A_733, %parallel_loop3A_728 : vector<16xf32>
        %parallel_loop3A_735 = arith.constant 0 : i32
        %parallel_loop3A_736 = arith.index_cast %parallel_loop3A_735 : i32 to index
        %parallel_loop3A_737 = arith.index_cast %parallel_loop3A_610 : i32 to index
        %parallel_loop3A_738 = arith.constant 96 : index
        %parallel_loop3A_739 = tpu.vector_load %arg11[%parallel_loop3A_736, %parallel_loop3A_737, %parallel_loop3A_738] {strides = array<i32>} : memref<2x80x144xf32, #tpu.memory_space<vmem>>, vector<16xf32>,
        tpu.vector_store %arg11[%parallel_loop3A_736, %parallel_loop3A_737, %parallel_loop3A_738], %parallel_loop3A_734 {strides = array<i32>} : memref<2x80x144xf32, #tpu.memory_space<vmem>>, vector<16xf32>,
        %parallel_loop3A_740 = arith.constant 7 : i32
        %parallel_loop3A_741 = vector.broadcast %parallel_loop3A_740 : i32 to vector<16x1xi32>
        %parallel_loop3A_742 = vector.shape_cast %parallel_loop3A_741 : vector<16x1xi32> to vector<16xi32>
        %parallel_loop3A_743 = tpu.dynamic_gather %parallel_loop3A_629[%parallel_loop3A_742] in [0] : vector<16xf32>, vector<16xi32> -> vector<16xf32>
        %parallel_loop3A_744 = arith.constant 0 : i32
        %parallel_loop3A_745 = arith.index_cast %parallel_loop3A_744 : i32 to index
        %parallel_loop3A_746 = arith.index_cast %parallel_loop3A_610 : i32 to index
        %parallel_loop3A_747 = arith.constant 112 : index
        %parallel_loop3A_748 = tpu.vector_load %arg11[%parallel_loop3A_745, %parallel_loop3A_746, %parallel_loop3A_747] {strides = array<i32>} : memref<2x80x144xf32, #tpu.memory_space<vmem>>, vector<16xf32>,
        %parallel_loop3A_749 = arith.mulf %parallel_loop3A_748, %parallel_loop3A_743 : vector<16xf32>
        %parallel_loop3A_750 = arith.constant 0 : i32
        %parallel_loop3A_751 = arith.index_cast %parallel_loop3A_750 : i32 to index
        %parallel_loop3A_752 = arith.index_cast %parallel_loop3A_610 : i32 to index
        %parallel_loop3A_753 = arith.constant 112 : index
        %parallel_loop3A_754 = tpu.vector_load %arg11[%parallel_loop3A_751, %parallel_loop3A_752, %parallel_loop3A_753] {strides = array<i32>} : memref<2x80x144xf32, #tpu.memory_space<vmem>>, vector<16xf32>,
        tpu.vector_store %arg11[%parallel_loop3A_751, %parallel_loop3A_752, %parallel_loop3A_753], %parallel_loop3A_749 {strides = array<i32>} : memref<2x80x144xf32, #tpu.memory_space<vmem>>, vector<16xf32>,
      } {sc.loop_unroll_factor = 2 : i64, sc.parallel_access}
      %dma_start3A_412 = arith.constant 0 : i32
      %dma_start3A_413 = arith.constant 0 : i32
      %dma_start3A_414 = arith.constant 0 : i32
      %dma_start3A_415 = tpu.memref_slice %arg11[%dma_start3A_412, %dma_start3A_413, %dma_start3A_414] : memref<2x80x144xf32, #tpu.memory_space<vmem>> -> memref<1x80x144xf32, #tpu.memory_space<vmem>>
      %dma_start3A_416 = tpu.memref_squeeze %dma_start3A_415 : memref<1x80x144xf32, #tpu.memory_space<vmem>> -> memref<80x144xf32, #tpu.memory_space<vmem>>
      %dma_start3A_417 = arith.constant 0 : i32
      %dma_start3A_418 = tpu.memref_slice %arg9[%mul3A_408, %dma_start3A_417] : memref<125x80xi32, #tpu.memory_space<vmem>> -> memref<1x80xi32, #tpu.memory_space<vmem>>
      %dma_start3A_419 = tpu.memref_squeeze %dma_start3A_418 : memref<1x80xi32, #tpu.memory_space<vmem>> -> memref<80xi32, #tpu.memory_space<vmem>>
      %dma_start3A_420 = arith.constant 0 : i32
      %dma_start3A_421 = arith.constant 0 : i32
      %dma_start3A_422 = tpu.memref_slice %arg12[%dma_start3A_420, %dma_start3A_421] : memref<10112x144xf32, #tpu.memory_space<vmem_shared>> -> memref<10112x144xf32, #tpu.memory_space<vmem_shared>>
      tpu.enqueue_indirect_dma source(%dma_start3A_416 : memref<80x144xf32, #tpu.memory_space<vmem>>) target(%dma_start3A_422 : memref<10112x144xf32, #tpu.memory_space<vmem_shared>>) offsets(%dma_start3A_419 : memref<80xi32, #tpu.memory_space<vmem>>) semaphore(%arg17 : memref<!tpu.dma_semaphore, #tpu.memory_space<semaphore_mem>>) {add = true}
      %dma_wait3A_423 = arith.constant 0 : i32
      %dma_wait3A_424 = arith.constant 0 : i32
      %dma_wait3A_425 = arith.constant 0 : i32
      %dma_wait3A_426 = tpu.memref_slice %arg8[%dma_wait3A_424, %dma_wait3A_425] : memref<2x80xi32, #tpu.memory_space<vmem>> -> memref<1x80xi32, #tpu.memory_space<vmem>>
      %dma_wait3A_427 = tpu.memref_squeeze %dma_wait3A_426 : memref<1x80xi32, #tpu.memory_space<vmem>> -> memref<80xi32, #tpu.memory_space<vmem>>
      %dma_wait3A_428 = arith.constant 0 : i32
      %dma_wait3A_429 = tpu.memref_slice %arg2[%add3A, %dma_wait3A_423, %dma_wait3A_428] : memref<32x125x80xi32, #tpu.memory_space<hbm>> -> memref<1x1x80xi32, #tpu.memory_space<hbm>>
      %dma_wait3A_430 = tpu.memref_squeeze %dma_wait3A_429 : memref<1x1x80xi32, #tpu.memory_space<hbm>> -> memref<80xi32, #tpu.memory_space<hbm>>
      %dma_wait3A_431 = arith.constant 0 : i32
      %dma_wait3A_432 = tpu.memref_slice %arg8[%dma_wait3A_424, %dma_wait3A_431] : memref<2x80xi32, #tpu.memory_space<vmem>> -> memref<1x80xi32, #tpu.memory_space<vmem>>
      %dma_wait3A_433 = tpu.memref_squeeze %dma_wait3A_432 : memref<1x80xi32, #tpu.memory_space<vmem>> -> memref<80xi32, #tpu.memory_space<vmem>>
      %dma_wait3A_434 = arith.constant 0 : i32
      %dma_wait3A_435 = tpu.memref_slice %arg2[%add3A, %dma_wait3A_423, %dma_wait3A_434] : memref<32x125x80xi32, #tpu.memory_space<hbm>> -> memref<1x1x80xi32, #tpu.memory_space<hbm>>
      %dma_wait3A_436 = tpu.memref_squeeze %dma_wait3A_435 : memref<1x1x80xi32, #tpu.memory_space<hbm>> -> memref<80xi32, #tpu.memory_space<hbm>>
      tpu.wait_dma2 semaphore(%arg15 : memref<!tpu.dma_semaphore, #tpu.memory_space<semaphore_mem>>) src(%dma_wait3A_436 : memref<80xi32, #tpu.memory_space<hbm>>) dst(%dma_wait3A_433 : memref<80xi32, #tpu.memory_space<vmem>>)
      %mul3A_437 = arith.constant 2 : i32
      %mul3A_438 = arith.muli %mul3A_437, %scan3A_238 : i32
      %add3A_439 = arith.constant 2 : i32
      %add3A_440 = arith.addi %mul3A_438, %add3A_439 : i32
      %get3A_441 = arith.constant 0 : i32
      %get3A_442 = arith.index_cast %get3A_441 : i32 to index
      %get3A_443 = arith.constant 0 : index
      %get3A_444 = tpu.vector_load %arg8[%get3A_442, %get3A_443] {strides = array<i32>} : memref<2x80xi32, #tpu.memory_space<vmem>>, vector<16xi32>,
      %get3A_445 = arith.index_cast %add3A_440 : i32 to index
      %get3A_446 = arith.constant 0 : index
      %get3A_447 = tpu.vector_load %arg9[%get3A_445, %get3A_446] {strides = array<i32>} : memref<125x80xi32, #tpu.memory_space<vmem>>, vector<16xi32>,
      %eq3A_448 = arith.cmpi eq, %get3A_444, %get3A_447 : vector<16xi32>
      %jit3A_449 = arith.constant 10000 : i32
      %broadcast_in_dim3A_450 = vector.broadcast %jit3A_449 : i32 to vector<16xi32>
      %select_n3A_451 = arith.select %eq3A_448, %broadcast_in_dim3A_450, %get3A_447 : vector<16xi1>, vector<16xi32>
      %swap3A_452 = arith.index_cast %add3A_440 : i32 to index
      %swap3A_453 = arith.constant 0 : index
      %swap3A_454 = tpu.vector_load %arg9[%swap3A_452, %swap3A_453] {strides = array<i32>} : memref<125x80xi32, #tpu.memory_space<vmem>>, vector<16xi32>,
      tpu.vector_store %arg9[%swap3A_452, %swap3A_453], %select_n3A_451 {strides = array<i32>} : memref<125x80xi32, #tpu.memory_space<vmem>>, vector<16xi32>,
      %get3A_455 = arith.constant 0 : i32
      %get3A_456 = arith.index_cast %get3A_455 : i32 to index
      %get3A_457 = arith.constant 16 : index
      %get3A_458 = tpu.vector_load %arg8[%get3A_456, %get3A_457] {strides = array<i32>} : memref<2x80xi32, #tpu.memory_space<vmem>>, vector<16xi32>,
      %get3A_459 = arith.index_cast %add3A_440 : i32 to index
      %get3A_460 = arith.constant 16 : index
      %get3A_461 = tpu.vector_load %arg9[%get3A_459, %get3A_460] {strides = array<i32>} : memref<125x80xi32, #tpu.memory_space<vmem>>, vector<16xi32>,
      %eq3A_462 = arith.cmpi eq, %get3A_458, %get3A_461 : vector<16xi32>
      %jit3A_463 = arith.constant 10000 : i32
      %broadcast_in_dim3A_464 = vector.broadcast %jit3A_463 : i32 to vector<16xi32>
      %select_n3A_465 = arith.select %eq3A_462, %broadcast_in_dim3A_464, %get3A_461 : vector<16xi1>, vector<16xi32>
      %swap3A_466 = arith.index_cast %add3A_440 : i32 to index
      %swap3A_467 = arith.constant 16 : index
      %swap3A_468 = tpu.vector_load %arg9[%swap3A_466, %swap3A_467] {strides = array<i32>} : memref<125x80xi32, #tpu.memory_space<vmem>>, vector<16xi32>,
      tpu.vector_store %arg9[%swap3A_466, %swap3A_467], %select_n3A_465 {strides = array<i32>} : memref<125x80xi32, #tpu.memory_space<vmem>>, vector<16xi32>,
      %get3A_469 = arith.constant 0 : i32
      %get3A_470 = arith.index_cast %get3A_469 : i32 to index
      %get3A_471 = arith.constant 32 : index
      %get3A_472 = tpu.vector_load %arg8[%get3A_470, %get3A_471] {strides = array<i32>} : memref<2x80xi32, #tpu.memory_space<vmem>>, vector<16xi32>,
      %get3A_473 = arith.index_cast %add3A_440 : i32 to index
      %get3A_474 = arith.constant 32 : index
      %get3A_475 = tpu.vector_load %arg9[%get3A_473, %get3A_474] {strides = array<i32>} : memref<125x80xi32, #tpu.memory_space<vmem>>, vector<16xi32>,
      %eq3A_476 = arith.cmpi eq, %get3A_472, %get3A_475 : vector<16xi32>
      %jit3A_477 = arith.constant 10000 : i32
      %broadcast_in_dim3A_478 = vector.broadcast %jit3A_477 : i32 to vector<16xi32>
      %select_n3A_479 = arith.select %eq3A_476, %broadcast_in_dim3A_478, %get3A_475 : vector<16xi1>, vector<16xi32>
      %swap3A_480 = arith.index_cast %add3A_440 : i32 to index
      %swap3A_481 = arith.constant 32 : index
      %swap3A_482 = tpu.vector_load %arg9[%swap3A_480, %swap3A_481] {strides = array<i32>} : memref<125x80xi32, #tpu.memory_space<vmem>>, vector<16xi32>,
      tpu.vector_store %arg9[%swap3A_480, %swap3A_481], %select_n3A_479 {strides = array<i32>} : memref<125x80xi32, #tpu.memory_space<vmem>>, vector<16xi32>,
      %get3A_483 = arith.constant 0 : i32
      %get3A_484 = arith.index_cast %get3A_483 : i32 to index
      %get3A_485 = arith.constant 48 : index
      %get3A_486 = tpu.vector_load %arg8[%get3A_484, %get3A_485] {strides = array<i32>} : memref<2x80xi32, #tpu.memory_space<vmem>>, vector<16xi32>,
      %get3A_487 = arith.index_cast %add3A_440 : i32 to index
      %get3A_488 = arith.constant 48 : index
      %get3A_489 = tpu.vector_load %arg9[%get3A_487, %get3A_488] {strides = array<i32>} : memref<125x80xi32, #tpu.memory_space<vmem>>, vector<16xi32>,
      %eq3A_490 = arith.cmpi eq, %get3A_486, %get3A_489 : vector<16xi32>
      %jit3A_491 = arith.constant 10000 : i32
      %broadcast_in_dim3A_492 = vector.broadcast %jit3A_491 : i32 to vector<16xi32>
      %select_n3A_493 = arith.select %eq3A_490, %broadcast_in_dim3A_492, %get3A_489 : vector<16xi1>, vector<16xi32>
      %swap3A_494 = arith.index_cast %add3A_440 : i32 to index
      %swap3A_495 = arith.constant 48 : index
      %swap3A_496 = tpu.vector_load %arg9[%swap3A_494, %swap3A_495] {strides = array<i32>} : memref<125x80xi32, #tpu.memory_space<vmem>>, vector<16xi32>,
      tpu.vector_store %arg9[%swap3A_494, %swap3A_495], %select_n3A_493 {strides = array<i32>} : memref<125x80xi32, #tpu.memory_space<vmem>>, vector<16xi32>,
      %get3A_497 = arith.constant 0 : i32
      %get3A_498 = arith.index_cast %get3A_497 : i32 to index
      %get3A_499 = arith.constant 64 : index
      %get3A_500 = tpu.vector_load %arg8[%get3A_498, %get3A_499] {strides = array<i32>} : memref<2x80xi32, #tpu.memory_space<vmem>>, vector<16xi32>,
      %get3A_501 = arith.index_cast %add3A_440 : i32 to index
      %get3A_502 = arith.constant 64 : index
      %get3A_503 = tpu.vector_load %arg9[%get3A_501, %get3A_502] {strides = array<i32>} : memref<125x80xi32, #tpu.memory_space<vmem>>, vector<16xi32>,
      %eq3A_504 = arith.cmpi eq, %get3A_500, %get3A_503 : vector<16xi32>
      %jit3A_505 = arith.constant 10000 : i32
      %broadcast_in_dim3A_506 = vector.broadcast %jit3A_505 : i32 to vector<16xi32>
      %select_n3A_507 = arith.select %eq3A_504, %broadcast_in_dim3A_506, %get3A_503 : vector<16xi1>, vector<16xi32>
      %swap3A_508 = arith.index_cast %add3A_440 : i32 to index
      %swap3A_509 = arith.constant 64 : index
      %swap3A_510 = tpu.vector_load %arg9[%swap3A_508, %swap3A_509] {strides = array<i32>} : memref<125x80xi32, #tpu.memory_space<vmem>>, vector<16xi32>,
      tpu.vector_store %arg9[%swap3A_508, %swap3A_509], %select_n3A_507 {strides = array<i32>} : memref<125x80xi32, #tpu.memory_space<vmem>>, vector<16xi32>,
      %dma_wait3A_511 = arith.constant 0 : i32
      %dma_wait3A_512 = arith.constant 0 : i32
      %dma_wait3A_513 = arith.constant 0 : i32
      %dma_wait3A_514 = arith.constant 0 : i32
      %dma_wait3A_515 = tpu.memref_slice %arg11[%dma_wait3A_511, %dma_wait3A_513, %dma_wait3A_514] : memref<2x80x144xf32, #tpu.memory_space<vmem>> -> memref<1x80x144xf32, #tpu.memory_space<vmem>>
      %dma_wait3A_516 = tpu.memref_squeeze %dma_wait3A_515 : memref<1x80x144xf32, #tpu.memory_space<vmem>> -> memref<80x144xf32, #tpu.memory_space<vmem>>
      %dma_wait3A_517 = arith.constant 0 : i32
      %dma_wait3A_518 = tpu.memref_slice %arg9[%dma_wait3A_512, %dma_wait3A_517] : memref<125x80xi32, #tpu.memory_space<vmem>> -> memref<1x80xi32, #tpu.memory_space<vmem>>
      %dma_wait3A_519 = tpu.memref_squeeze %dma_wait3A_518 : memref<1x80xi32, #tpu.memory_space<vmem>> -> memref<80xi32, #tpu.memory_space<vmem>>
      %dma_wait3A_520 = arith.constant 0 : i32
      %dma_wait3A_521 = arith.constant 0 : i32
      %dma_wait3A_522 = tpu.memref_slice %arg12[%dma_wait3A_520, %dma_wait3A_521] : memref<10112x144xf32, #tpu.memory_space<vmem_shared>> -> memref<10112x144xf32, #tpu.memory_space<vmem_shared>>
      tpu.wait_indirect_dma semaphore(%arg17 : memref<!tpu.dma_semaphore, #tpu.memory_space<semaphore_mem>>) src(%dma_wait3A_516 : memref<80x144xf32, #tpu.memory_space<vmem>>) dst(%dma_wait3A_522 : memref<10112x144xf32, #tpu.memory_space<vmem_shared>>)
      %mul3A_523 = arith.constant 2 : i32
      %mul3A_524 = arith.muli %mul3A_523, %scan3A_238 : i32
      %add3A_525 = arith.constant 2 : i32
      %add3A_526 = arith.addi %mul3A_524, %add3A_525 : i32
      %dma_start3A_527 = arith.constant 0 : i32
      %dma_start3A_528 = arith.constant 0 : i32
      %dma_start3A_529 = arith.constant 0 : i32
      %dma_start3A_530 = arith.constant 0 : i32
      %dma_start3A_531 = tpu.memref_slice %arg11[%dma_start3A_528, %dma_start3A_529, %dma_start3A_530] : memref<2x80x144xf32, #tpu.memory_space<vmem>> -> memref<1x80x144xf32, #tpu.memory_space<vmem>>
      %dma_start3A_532 = tpu.memref_squeeze %dma_start3A_531 : memref<1x80x144xf32, #tpu.memory_space<vmem>> -> memref<80x144xf32, #tpu.memory_space<vmem>>
      %dma_start3A_533 = arith.constant 0 : i32
      %dma_start3A_534 = tpu.memref_slice %arg8[%dma_start3A_527, %dma_start3A_533] : memref<2x80xi32, #tpu.memory_space<vmem>> -> memref<1x80xi32, #tpu.memory_space<vmem>>
      %dma_start3A_535 = tpu.memref_squeeze %dma_start3A_534 : memref<1x80xi32, #tpu.memory_space<vmem>> -> memref<80xi32, #tpu.memory_space<vmem>>
      %dma_start3A_536 = arith.constant 0 : i32
      %dma_start3A_537 = arith.constant 0 : i32
      %dma_start3A_538 = tpu.memref_slice %arg4[%dma_start3A_536, %dma_start3A_537] : memref<10112x144xf32, #tpu.memory_space<hbm>> -> memref<10112x144xf32, #tpu.memory_space<hbm>>
      tpu.enqueue_indirect_dma source(%dma_start3A_538 : memref<10112x144xf32, #tpu.memory_space<hbm>>) target(%dma_start3A_532 : memref<80x144xf32, #tpu.memory_space<vmem>>) offsets(%dma_start3A_535 : memref<80xi32, #tpu.memory_space<vmem>>) semaphore(%arg13 : memref<!tpu.dma_semaphore, #tpu.memory_space<semaphore_mem>>)
      %dma_start3A_539 = arith.constant 0 : i32
      %dma_start3A_540 = arith.constant 0 : i32
      %dma_start3A_541 = arith.constant 0 : i32
      %dma_start3A_542 = tpu.memref_slice %arg10[%dma_start3A_539, %dma_start3A_540, %dma_start3A_541] : memref<2x80x16xf32, #tpu.memory_space<vmem>> -> memref<1x80x16xf32, #tpu.memory_space<vmem>>
      %dma_start3A_543 = tpu.memref_squeeze %dma_start3A_542 : memref<1x80x16xf32, #tpu.memory_space<vmem>> -> memref<80x16xf32, #tpu.memory_space<vmem>>
      %dma_start3A_544 = arith.constant 0 : i32
      %dma_start3A_545 = tpu.memref_slice %arg9[%add3A_526, %dma_start3A_544] : memref<125x80xi32, #tpu.memory_space<vmem>> -> memref<1x80xi32, #tpu.memory_space<vmem>>
      %dma_start3A_546 = tpu.memref_squeeze %dma_start3A_545 : memref<1x80xi32, #tpu.memory_space<vmem>> -> memref<80xi32, #tpu.memory_space<vmem>>
      %dma_start3A_547 = arith.constant 0 : i32
      %dma_start3A_548 = arith.constant 0 : i32
      %dma_start3A_549 = tpu.memref_slice %arg5[%dma_start3A_547, %dma_start3A_548] : memref<10112x16xf32, #tpu.memory_space<hbm>> -> memref<10112x16xf32, #tpu.memory_space<hbm>>
      tpu.enqueue_indirect_dma source(%dma_start3A_549 : memref<10112x16xf32, #tpu.memory_space<hbm>>) target(%dma_start3A_543 : memref<80x16xf32, #tpu.memory_space<vmem>>) offsets(%dma_start3A_546 : memref<80xi32, #tpu.memory_space<vmem>>) semaphore(%arg13 : memref<!tpu.dma_semaphore, #tpu.memory_space<semaphore_mem>>)
      %dma_wait3A_550 = arith.constant 0 : i32
      %dma_wait3A_551 = arith.constant 1 : i32
      %dma_wait3A_552 = arith.constant 0 : i32
      %dma_wait3A_553 = arith.constant 0 : i32
      %dma_wait3A_554 = tpu.memref_slice %arg11[%dma_wait3A_551, %dma_wait3A_552, %dma_wait3A_553] : memref<2x80x144xf32, #tpu.memory_space<vmem>> -> memref<1x80x144xf32, #tpu.memory_space<vmem>>
      %dma_wait3A_555 = tpu.memref_squeeze %dma_wait3A_554 : memref<1x80x144xf32, #tpu.memory_space<vmem>> -> memref<80x144xf32, #tpu.memory_space<vmem>>
      %dma_wait3A_556 = arith.constant 0 : i32
      %dma_wait3A_557 = tpu.memref_slice %arg8[%dma_wait3A_550, %dma_wait3A_556] : memref<2x80xi32, #tpu.memory_space<vmem>> -> memref<1x80xi32, #tpu.memory_space<vmem>>
      %dma_wait3A_558 = tpu.memref_squeeze %dma_wait3A_557 : memref<1x80xi32, #tpu.memory_space<vmem>> -> memref<80xi32, #tpu.memory_space<vmem>>
      %dma_wait3A_559 = arith.constant 0 : i32
      %dma_wait3A_560 = arith.constant 0 : i32
      %dma_wait3A_561 = tpu.memref_slice %arg4[%dma_wait3A_559, %dma_wait3A_560] : memref<10112x144xf32, #tpu.memory_space<hbm>> -> memref<10112x144xf32, #tpu.memory_space<hbm>>
      tpu.wait_indirect_dma semaphore(%arg14 : memref<!tpu.dma_semaphore, #tpu.memory_space<semaphore_mem>>) src(%dma_wait3A_561 : memref<10112x144xf32, #tpu.memory_space<hbm>>) dst(%dma_wait3A_555 : memref<80x144xf32, #tpu.memory_space<vmem>>)
      %dma_wait3A_562 = arith.constant 0 : i32
      %dma_wait3A_563 = arith.constant 1 : i32
      %dma_wait3A_564 = arith.constant 0 : i32
      %dma_wait3A_565 = arith.constant 0 : i32
      %dma_wait3A_566 = tpu.memref_slice %arg10[%dma_wait3A_563, %dma_wait3A_564, %dma_wait3A_565] : memref<2x80x16xf32, #tpu.memory_space<vmem>> -> memref<1x80x16xf32, #tpu.memory_space<vmem>>
      %dma_wait3A_567 = tpu.memref_squeeze %dma_wait3A_566 : memref<1x80x16xf32, #tpu.memory_space<vmem>> -> memref<80x16xf32, #tpu.memory_space<vmem>>
      %dma_wait3A_568 = arith.constant 0 : i32
      %dma_wait3A_569 = tpu.memref_slice %arg9[%dma_wait3A_562, %dma_wait3A_568] : memref<125x80xi32, #tpu.memory_space<vmem>> -> memref<1x80xi32, #tpu.memory_space<vmem>>
      %dma_wait3A_570 = tpu.memref_squeeze %dma_wait3A_569 : memref<1x80xi32, #tpu.memory_space<vmem>> -> memref<80xi32, #tpu.memory_space<vmem>>
      %dma_wait3A_571 = arith.constant 0 : i32
      %dma_wait3A_572 = arith.constant 0 : i32
      %dma_wait3A_573 = tpu.memref_slice %arg5[%dma_wait3A_571, %dma_wait3A_572] : memref<10112x16xf32, #tpu.memory_space<hbm>> -> memref<10112x16xf32, #tpu.memory_space<hbm>>
      tpu.wait_indirect_dma semaphore(%arg14 : memref<!tpu.dma_semaphore, #tpu.memory_space<semaphore_mem>>) src(%dma_wait3A_573 : memref<10112x16xf32, #tpu.memory_space<hbm>>) dst(%dma_wait3A_567 : memref<80x16xf32, #tpu.memory_space<vmem>>)
      %mul3A_574 = arith.constant 2 : i32
      %mul3A_575 = arith.muli %mul3A_574, %scan3A_238 : i32
      %add3A_576 = arith.constant 3 : i32
      %add3A_577 = arith.addi %mul3A_575, %add3A_576 : i32
      %min3A = arith.constant 124 : i32
      %min3A_578 = arith.minsi %add3A_577, %min3A : i32
      %dma_start3A_579 = arith.constant 1 : i32
      %dma_start3A_580 = arith.constant 0 : i32
      %dma_start3A_581 = tpu.memref_slice %arg8[%dma_start3A_579, %dma_start3A_580] : memref<2x80xi32, #tpu.memory_space<vmem>> -> memref<1x80xi32, #tpu.memory_space<vmem>>
      %dma_start3A_582 = tpu.memref_squeeze %dma_start3A_581 : memref<1x80xi32, #tpu.memory_space<vmem>> -> memref<80xi32, #tpu.memory_space<vmem>>
      %dma_start3A_583 = arith.constant 0 : i32
      %dma_start3A_584 = tpu.memref_slice %arg2[%add3A, %min3A_578, %dma_start3A_583] : memref<32x125x80xi32, #tpu.memory_space<hbm>> -> memref<1x1x80xi32, #tpu.memory_space<hbm>>
      %dma_start3A_585 = tpu.memref_squeeze %dma_start3A_584 : memref<1x1x80xi32, #tpu.memory_space<hbm>> -> memref<80xi32, #tpu.memory_space<hbm>>
      %dma_start3A_586 = arith.constant 0 : i32
      %dma_start3A_587 = tpu.memref_slice %arg8[%dma_start3A_579, %dma_start3A_586] : memref<2x80xi32, #tpu.memory_space<vmem>> -> memref<1x80xi32, #tpu.memory_space<vmem>>
      %dma_start3A_588 = tpu.memref_squeeze %dma_start3A_587 : memref<1x80xi32, #tpu.memory_space<vmem>> -> memref<80xi32, #tpu.memory_space<vmem>>
      %dma_start3A_589 = arith.constant 0 : i32
      %dma_start3A_590 = tpu.memref_slice %arg2[%add3A, %min3A_578, %dma_start3A_589] : memref<32x125x80xi32, #tpu.memory_space<hbm>> -> memref<1x1x80xi32, #tpu.memory_space<hbm>>
      %dma_start3A_591 = tpu.memref_squeeze %dma_start3A_590 : memref<1x1x80xi32, #tpu.memory_space<hbm>> -> memref<80xi32, #tpu.memory_space<hbm>>
      tpu.enqueue_dma source(%dma_start3A_591 : memref<80xi32, #tpu.memory_space<hbm>>) target(%dma_start3A_588 : memref<80xi32, #tpu.memory_space<vmem>>) target_semaphore(%arg16 : memref<!tpu.dma_semaphore, #tpu.memory_space<semaphore_mem>>)
      %mul3A_592 = arith.constant 2 : i32
      %mul3A_593 = arith.muli %mul3A_592, %scan3A_238 : i32
      %add3A_594 = arith.constant 1 : i32
      %add3A_595 = arith.addi %mul3A_593, %add3A_594 : i32
      %parallel_loop3A_596 = arith.constant 0 : i32
      %parallel_loop3A_597 = arith.constant 80 : i32
      %parallel_loop3A_598 = arith.constant 1 : i32
      scf.for %parallel_loop3A_610 = %parallel_loop3A_596 to %parallel_loop3A_597 step %parallel_loop3A_598  : i32 {
        %parallel_loop3A_611 = arith.constant 1 : i32
        %parallel_loop3A_612 = arith.index_cast %parallel_loop3A_611 : i32 to index
        %parallel_loop3A_613 = arith.index_cast %parallel_loop3A_610 : i32 to index
        %parallel_loop3A_614 = arith.constant 128 : index
        %parallel_loop3A_615 = tpu.vector_load %arg11[%parallel_loop3A_612, %parallel_loop3A_613, %parallel_loop3A_614] {strides = array<i32>} : memref<2x80x144xf32, #tpu.memory_space<vmem>>, vector<16xf32>,
        %parallel_loop3A_616 = arith.constant 1 : i32
        %parallel_loop3A_617 = arith.index_cast %parallel_loop3A_616 : i32 to index
        %parallel_loop3A_618 = arith.index_cast %parallel_loop3A_610 : i32 to index
        %parallel_loop3A_619 = arith.constant 0 : index
        %parallel_loop3A_620 = tpu.vector_load %arg10[%parallel_loop3A_617, %parallel_loop3A_618, %parallel_loop3A_619] {strides = array<i32>} : memref<2x80x16xf32, #tpu.memory_space<vmem>>, vector<16xf32>,
        %parallel_loop3A_621 = arith.addf %parallel_loop3A_615, %parallel_loop3A_620 : vector<16xf32>
        %parallel_loop3A_622 = arith.constant 0.000000e+00 : f32
        %parallel_loop3A_623 = vector.broadcast %parallel_loop3A_622 : f32 to vector<16xf32>
        %parallel_loop3A_624 = arith.cmpf ogt, %parallel_loop3A_621, %parallel_loop3A_623 : vector<16xf32>
        %parallel_loop3A_625 = arith.constant 2.000000e-01 : f32
        %parallel_loop3A_626 = vector.broadcast %parallel_loop3A_625 : f32 to vector<16xf32>
        %parallel_loop3A_627 = arith.mulf %parallel_loop3A_626, %parallel_loop3A_621 : vector<16xf32>
        %parallel_loop3A_628 = arith.select %parallel_loop3A_624, %parallel_loop3A_621, %parallel_loop3A_627 : vector<16xi1>, vector<16xf32>
        %parallel_loop3A_629 = math.exp %parallel_loop3A_628 : vector<16xf32>
        %parallel_loop3A_630 = arith.constant 1 : i32
        %parallel_loop3A_631 = arith.index_cast %parallel_loop3A_630 : i32 to index
        %parallel_loop3A_632 = arith.index_cast %parallel_loop3A_610 : i32 to index
        %parallel_loop3A_633 = arith.constant 128 : index
        %parallel_loop3A_634 = tpu.vector_load %arg11[%parallel_loop3A_631, %parallel_loop3A_632, %parallel_loop3A_633] {strides = array<i32>} : memref<2x80x144xf32, #tpu.memory_space<vmem>>, vector<16xf32>,
        tpu.vector_store %arg11[%parallel_loop3A_631, %parallel_loop3A_632, %parallel_loop3A_633], %parallel_loop3A_629 {strides = array<i32>} : memref<2x80x144xf32, #tpu.memory_space<vmem>>, vector<16xf32>,
        %parallel_loop3A_635 = arith.constant 0 : i32
        %parallel_loop3A_636 = vector.broadcast %parallel_loop3A_635 : i32 to vector<16x1xi32>
        %parallel_loop3A_637 = vector.shape_cast %parallel_loop3A_636 : vector<16x1xi32> to vector<16xi32>
        %parallel_loop3A_638 = tpu.dynamic_gather %parallel_loop3A_629[%parallel_loop3A_637] in [0] : vector<16xf32>, vector<16xi32> -> vector<16xf32>
        %parallel_loop3A_639 = arith.constant 1 : i32
        %parallel_loop3A_640 = arith.index_cast %parallel_loop3A_639 : i32 to index
        %parallel_loop3A_641 = arith.index_cast %parallel_loop3A_610 : i32 to index
        %parallel_loop3A_642 = arith.constant 0 : index
        %parallel_loop3A_643 = tpu.vector_load %arg11[%parallel_loop3A_640, %parallel_loop3A_641, %parallel_loop3A_642] {strides = array<i32>} : memref<2x80x144xf32, #tpu.memory_space<vmem>>, vector<16xf32>,
        %parallel_loop3A_644 = arith.mulf %parallel_loop3A_643, %parallel_loop3A_638 : vector<16xf32>
        %parallel_loop3A_645 = arith.constant 1 : i32
        %parallel_loop3A_646 = arith.index_cast %parallel_loop3A_645 : i32 to index
        %parallel_loop3A_647 = arith.index_cast %parallel_loop3A_610 : i32 to index
        %parallel_loop3A_648 = arith.constant 0 : index
        %parallel_loop3A_649 = tpu.vector_load %arg11[%parallel_loop3A_646, %parallel_loop3A_647, %parallel_loop3A_648] {strides = array<i32>} : memref<2x80x144xf32, #tpu.memory_space<vmem>>, vector<16xf32>,
        tpu.vector_store %arg11[%parallel_loop3A_646, %parallel_loop3A_647, %parallel_loop3A_648], %parallel_loop3A_644 {strides = array<i32>} : memref<2x80x144xf32, #tpu.memory_space<vmem>>, vector<16xf32>,
        %parallel_loop3A_650 = arith.constant 1 : i32
        %parallel_loop3A_651 = vector.broadcast %parallel_loop3A_650 : i32 to vector<16x1xi32>
        %parallel_loop3A_652 = vector.shape_cast %parallel_loop3A_651 : vector<16x1xi32> to vector<16xi32>
        %parallel_loop3A_653 = tpu.dynamic_gather %parallel_loop3A_629[%parallel_loop3A_652] in [0] : vector<16xf32>, vector<16xi32> -> vector<16xf32>
        %parallel_loop3A_654 = arith.constant 1 : i32
        %parallel_loop3A_655 = arith.index_cast %parallel_loop3A_654 : i32 to index
        %parallel_loop3A_656 = arith.index_cast %parallel_loop3A_610 : i32 to index
        %parallel_loop3A_657 = arith.constant 16 : index
        %parallel_loop3A_658 = tpu.vector_load %arg11[%parallel_loop3A_655, %parallel_loop3A_656, %parallel_loop3A_657] {strides = array<i32>} : memref<2x80x144xf32, #tpu.memory_space<vmem>>, vector<16xf32>,
        %parallel_loop3A_659 = arith.mulf %parallel_loop3A_658, %parallel_loop3A_653 : vector<16xf32>
        %parallel_loop3A_660 = arith.constant 1 : i32
        %parallel_loop3A_661 = arith.index_cast %parallel_loop3A_660 : i32 to index
        %parallel_loop3A_662 = arith.index_cast %parallel_loop3A_610 : i32 to index
        %parallel_loop3A_663 = arith.constant 16 : index
        %parallel_loop3A_664 = tpu.vector_load %arg11[%parallel_loop3A_661, %parallel_loop3A_662, %parallel_loop3A_663] {strides = array<i32>} : memref<2x80x144xf32, #tpu.memory_space<vmem>>, vector<16xf32>,
        tpu.vector_store %arg11[%parallel_loop3A_661, %parallel_loop3A_662, %parallel_loop3A_663], %parallel_loop3A_659 {strides = array<i32>} : memref<2x80x144xf32, #tpu.memory_space<vmem>>, vector<16xf32>,
        %parallel_loop3A_665 = arith.constant 2 : i32
        %parallel_loop3A_666 = vector.broadcast %parallel_loop3A_665 : i32 to vector<16x1xi32>
        %parallel_loop3A_667 = vector.shape_cast %parallel_loop3A_666 : vector<16x1xi32> to vector<16xi32>
        %parallel_loop3A_668 = tpu.dynamic_gather %parallel_loop3A_629[%parallel_loop3A_667] in [0] : vector<16xf32>, vector<16xi32> -> vector<16xf32>
        %parallel_loop3A_669 = arith.constant 1 : i32
        %parallel_loop3A_670 = arith.index_cast %parallel_loop3A_669 : i32 to index
        %parallel_loop3A_671 = arith.index_cast %parallel_loop3A_610 : i32 to index
        %parallel_loop3A_672 = arith.constant 32 : index
        %parallel_loop3A_673 = tpu.vector_load %arg11[%parallel_loop3A_670, %parallel_loop3A_671, %parallel_loop3A_672] {strides = array<i32>} : memref<2x80x144xf32, #tpu.memory_space<vmem>>, vector<16xf32>,
        %parallel_loop3A_674 = arith.mulf %parallel_loop3A_673, %parallel_loop3A_668 : vector<16xf32>
        %parallel_loop3A_675 = arith.constant 1 : i32
        %parallel_loop3A_676 = arith.index_cast %parallel_loop3A_675 : i32 to index
        %parallel_loop3A_677 = arith.index_cast %parallel_loop3A_610 : i32 to index
        %parallel_loop3A_678 = arith.constant 32 : index
        %parallel_loop3A_679 = tpu.vector_load %arg11[%parallel_loop3A_676, %parallel_loop3A_677, %parallel_loop3A_678] {strides = array<i32>} : memref<2x80x144xf32, #tpu.memory_space<vmem>>, vector<16xf32>,
        tpu.vector_store %arg11[%parallel_loop3A_676, %parallel_loop3A_677, %parallel_loop3A_678], %parallel_loop3A_674 {strides = array<i32>} : memref<2x80x144xf32, #tpu.memory_space<vmem>>, vector<16xf32>,
        %parallel_loop3A_680 = arith.constant 3 : i32
        %parallel_loop3A_681 = vector.broadcast %parallel_loop3A_680 : i32 to vector<16x1xi32>
        %parallel_loop3A_682 = vector.shape_cast %parallel_loop3A_681 : vector<16x1xi32> to vector<16xi32>
        %parallel_loop3A_683 = tpu.dynamic_gather %parallel_loop3A_629[%parallel_loop3A_682] in [0] : vector<16xf32>, vector<16xi32> -> vector<16xf32>
        %parallel_loop3A_684 = arith.constant 1 : i32
        %parallel_loop3A_685 = arith.index_cast %parallel_loop3A_684 : i32 to index
        %parallel_loop3A_686 = arith.index_cast %parallel_loop3A_610 : i32 to index
        %parallel_loop3A_687 = arith.constant 48 : index
        %parallel_loop3A_688 = tpu.vector_load %arg11[%parallel_loop3A_685, %parallel_loop3A_686, %parallel_loop3A_687] {strides = array<i32>} : memref<2x80x144xf32, #tpu.memory_space<vmem>>, vector<16xf32>,
        %parallel_loop3A_689 = arith.mulf %parallel_loop3A_688, %parallel_loop3A_683 : vector<16xf32>
        %parallel_loop3A_690 = arith.constant 1 : i32
        %parallel_loop3A_691 = arith.index_cast %parallel_loop3A_690 : i32 to index
        %parallel_loop3A_692 = arith.index_cast %parallel_loop3A_610 : i32 to index
        %parallel_loop3A_693 = arith.constant 48 : index
        %parallel_loop3A_694 = tpu.vector_load %arg11[%parallel_loop3A_691, %parallel_loop3A_692, %parallel_loop3A_693] {strides = array<i32>} : memref<2x80x144xf32, #tpu.memory_space<vmem>>, vector<16xf32>,
        tpu.vector_store %arg11[%parallel_loop3A_691, %parallel_loop3A_692, %parallel_loop3A_693], %parallel_loop3A_689 {strides = array<i32>} : memref<2x80x144xf32, #tpu.memory_space<vmem>>, vector<16xf32>,
        %parallel_loop3A_695 = arith.constant 4 : i32
        %parallel_loop3A_696 = vector.broadcast %parallel_loop3A_695 : i32 to vector<16x1xi32>
        %parallel_loop3A_697 = vector.shape_cast %parallel_loop3A_696 : vector<16x1xi32> to vector<16xi32>
        %parallel_loop3A_698 = tpu.dynamic_gather %parallel_loop3A_629[%parallel_loop3A_697] in [0] : vector<16xf32>, vector<16xi32> -> vector<16xf32>
        %parallel_loop3A_699 = arith.constant 1 : i32
        %parallel_loop3A_700 = arith.index_cast %parallel_loop3A_699 : i32 to index
        %parallel_loop3A_701 = arith.index_cast %parallel_loop3A_610 : i32 to index
        %parallel_loop3A_702 = arith.constant 64 : index
        %parallel_loop3A_703 = tpu.vector_load %arg11[%parallel_loop3A_700, %parallel_loop3A_701, %parallel_loop3A_702] {strides = array<i32>} : memref<2x80x144xf32, #tpu.memory_space<vmem>>, vector<16xf32>,
        %parallel_loop3A_704 = arith.mulf %parallel_loop3A_703, %parallel_loop3A_698 : vector<16xf32>
        %parallel_loop3A_705 = arith.constant 1 : i32
        %parallel_loop3A_706 = arith.index_cast %parallel_loop3A_705 : i32 to index
        %parallel_loop3A_707 = arith.index_cast %parallel_loop3A_610 : i32 to index
        %parallel_loop3A_708 = arith.constant 64 : index
        %parallel_loop3A_709 = tpu.vector_load %arg11[%parallel_loop3A_706, %parallel_loop3A_707, %parallel_loop3A_708] {strides = array<i32>} : memref<2x80x144xf32, #tpu.memory_space<vmem>>, vector<16xf32>,
        tpu.vector_store %arg11[%parallel_loop3A_706, %parallel_loop3A_707, %parallel_loop3A_708], %parallel_loop3A_704 {strides = array<i32>} : memref<2x80x144xf32, #tpu.memory_space<vmem>>, vector<16xf32>,
        %parallel_loop3A_710 = arith.constant 5 : i32
        %parallel_loop3A_711 = vector.broadcast %parallel_loop3A_710 : i32 to vector<16x1xi32>
        %parallel_loop3A_712 = vector.shape_cast %parallel_loop3A_711 : vector<16x1xi32> to vector<16xi32>
        %parallel_loop3A_713 = tpu.dynamic_gather %parallel_loop3A_629[%parallel_loop3A_712] in [0] : vector<16xf32>, vector<16xi32> -> vector<16xf32>
        %parallel_loop3A_714 = arith.constant 1 : i32
        %parallel_loop3A_715 = arith.index_cast %parallel_loop3A_714 : i32 to index
        %parallel_loop3A_716 = arith.index_cast %parallel_loop3A_610 : i32 to index
        %parallel_loop3A_717 = arith.constant 80 : index
        %parallel_loop3A_718 = tpu.vector_load %arg11[%parallel_loop3A_715, %parallel_loop3A_716, %parallel_loop3A_717] {strides = array<i32>} : memref<2x80x144xf32, #tpu.memory_space<vmem>>, vector<16xf32>,
        %parallel_loop3A_719 = arith.mulf %parallel_loop3A_718, %parallel_loop3A_713 : vector<16xf32>
        %parallel_loop3A_720 = arith.constant 1 : i32
        %parallel_loop3A_721 = arith.index_cast %parallel_loop3A_720 : i32 to index
        %parallel_loop3A_722 = arith.index_cast %parallel_loop3A_610 : i32 to index
        %parallel_loop3A_723 = arith.constant 80 : index
        %parallel_loop3A_724 = tpu.vector_load %arg11[%parallel_loop3A_721, %parallel_loop3A_722, %parallel_loop3A_723] {strides = array<i32>} : memref<2x80x144xf32, #tpu.memory_space<vmem>>, vector<16xf32>,
        tpu.vector_store %arg11[%parallel_loop3A_721, %parallel_loop3A_722, %parallel_loop3A_723], %parallel_loop3A_719 {strides = array<i32>} : memref<2x80x144xf32, #tpu.memory_space<vmem>>, vector<16xf32>,
        %parallel_loop3A_725 = arith.constant 6 : i32
        %parallel_loop3A_726 = vector.broadcast %parallel_loop3A_725 : i32 to vector<16x1xi32>
        %parallel_loop3A_727 = vector.shape_cast %parallel_loop3A_726 : vector<16x1xi32> to vector<16xi32>
        %parallel_loop3A_728 = tpu.dynamic_gather %parallel_loop3A_629[%parallel_loop3A_727] in [0] : vector<16xf32>, vector<16xi32> -> vector<16xf32>
        %parallel_loop3A_729 = arith.constant 1 : i32
        %parallel_loop3A_730 = arith.index_cast %parallel_loop3A_729 : i32 to index
        %parallel_loop3A_731 = arith.index_cast %parallel_loop3A_610 : i32 to index
        %parallel_loop3A_732 = arith.constant 96 : index
        %parallel_loop3A_733 = tpu.vector_load %arg11[%parallel_loop3A_730, %parallel_loop3A_731, %parallel_loop3A_732] {strides = array<i32>} : memref<2x80x144xf32, #tpu.memory_space<vmem>>, vector<16xf32>,
        %parallel_loop3A_734 = arith.mulf %parallel_loop3A_733, %parallel_loop3A_728 : vector<16xf32>
        %parallel_loop3A_735 = arith.constant 1 : i32
        %parallel_loop3A_736 = arith.index_cast %parallel_loop3A_735 : i32 to index
        %parallel_loop3A_737 = arith.index_cast %parallel_loop3A_610 : i32 to index
        %parallel_loop3A_738 = arith.constant 96 : index
        %parallel_loop3A_739 = tpu.vector_load %arg11[%parallel_loop3A_736, %parallel_loop3A_737, %parallel_loop3A_738] {strides = array<i32>} : memref<2x80x144xf32, #tpu.memory_space<vmem>>, vector<16xf32>,
        tpu.vector_store %arg11[%parallel_loop3A_736, %parallel_loop3A_737, %parallel_loop3A_738], %parallel_loop3A_734 {strides = array<i32>} : memref<2x80x144xf32, #tpu.memory_space<vmem>>, vector<16xf32>,
        %parallel_loop3A_740 = arith.constant 7 : i32
        %parallel_loop3A_741 = vector.broadcast %parallel_loop3A_740 : i32 to vector<16x1xi32>
        %parallel_loop3A_742 = vector.shape_cast %parallel_loop3A_741 : vector<16x1xi32> to vector<16xi32>
        %parallel_loop3A_743 = tpu.dynamic_gather %parallel_loop3A_629[%parallel_loop3A_742] in [0] : vector<16xf32>, vector<16xi32> -> vector<16xf32>
        %parallel_loop3A_744 = arith.constant 1 : i32
        %parallel_loop3A_745 = arith.index_cast %parallel_loop3A_744 : i32 to index
        %parallel_loop3A_746 = arith.index_cast %parallel_loop3A_610 : i32 to index
        %parallel_loop3A_747 = arith.constant 112 : index
        %parallel_loop3A_748 = tpu.vector_load %arg11[%parallel_loop3A_745, %parallel_loop3A_746, %parallel_loop3A_747] {strides = array<i32>} : memref<2x80x144xf32, #tpu.memory_space<vmem>>, vector<16xf32>,
        %parallel_loop3A_749 = arith.mulf %parallel_loop3A_748, %parallel_loop3A_743 : vector<16xf32>
        %parallel_loop3A_750 = arith.constant 1 : i32
        %parallel_loop3A_751 = arith.index_cast %parallel_loop3A_750 : i32 to index
        %parallel_loop3A_752 = arith.index_cast %parallel_loop3A_610 : i32 to index
        %parallel_loop3A_753 = arith.constant 112 : index
        %parallel_loop3A_754 = tpu.vector_load %arg11[%parallel_loop3A_751, %parallel_loop3A_752, %parallel_loop3A_753] {strides = array<i32>} : memref<2x80x144xf32, #tpu.memory_space<vmem>>, vector<16xf32>,
        tpu.vector_store %arg11[%parallel_loop3A_751, %parallel_loop3A_752, %parallel_loop3A_753], %parallel_loop3A_749 {strides = array<i32>} : memref<2x80x144xf32, #tpu.memory_space<vmem>>, vector<16xf32>,
      } {sc.loop_unroll_factor = 2 : i64, sc.parallel_access}
      %dma_start3A_599 = arith.constant 1 : i32
      %dma_start3A_600 = arith.constant 0 : i32
      %dma_start3A_601 = arith.constant 0 : i32
      %dma_start3A_602 = tpu.memref_slice %arg11[%dma_start3A_599, %dma_start3A_600, %dma_start3A_601] : memref<2x80x144xf32, #tpu.memory_space<vmem>> -> memref<1x80x144xf32, #tpu.memory_space<vmem>>
      %dma_start3A_603 = tpu.memref_squeeze %dma_start3A_602 : memref<1x80x144xf32, #tpu.memory_space<vmem>> -> memref<80x144xf32, #tpu.memory_space<vmem>>
      %dma_start3A_604 = arith.constant 0 : i32
      %dma_start3A_605 = tpu.memref_slice %arg9[%add3A_595, %dma_start3A_604] : memref<125x80xi32, #tpu.memory_space<vmem>> -> memref<1x80xi32, #tpu.memory_space<vmem>>
      %dma_start3A_606 = tpu.memref_squeeze %dma_start3A_605 : memref<1x80xi32, #tpu.memory_space<vmem>> -> memref<80xi32, #tpu.memory_space<vmem>>
      %dma_start3A_607 = arith.constant 0 : i32
      %dma_start3A_608 = arith.constant 0 : i32
      %dma_start3A_609 = tpu.memref_slice %arg12[%dma_start3A_607, %dma_start3A_608] : memref<10112x144xf32, #tpu.memory_space<vmem_shared>> -> memref<10112x144xf32, #tpu.memory_space<vmem_shared>>
      tpu.enqueue_indirect_dma source(%dma_start3A_603 : memref<80x144xf32, #tpu.memory_space<vmem>>) target(%dma_start3A_609 : memref<10112x144xf32, #tpu.memory_space<vmem_shared>>) offsets(%dma_start3A_606 : memref<80xi32, #tpu.memory_space<vmem>>) semaphore(%arg18 : memref<!tpu.dma_semaphore, #tpu.memory_space<semaphore_mem>>) {add = true}
    }
    %scan3A_160 = arith.constant 62 : i32
    %dma_wait3A_161 = arith.constant 0 : i32
    %dma_wait3A_162 = arith.constant 0 : i32
    %dma_wait3A_163 = arith.constant 0 : i32
    %dma_wait3A_164 = arith.constant 0 : i32
    %dma_wait3A_165 = tpu.memref_slice %arg11[%dma_wait3A_162, %dma_wait3A_163, %dma_wait3A_164] : memref<2x80x144xf32, #tpu.memory_space<vmem>> -> memref<1x80x144xf32, #tpu.memory_space<vmem>>
    %dma_wait3A_166 = tpu.memref_squeeze %dma_wait3A_165 : memref<1x80x144xf32, #tpu.memory_space<vmem>> -> memref<80x144xf32, #tpu.memory_space<vmem>>
    %dma_wait3A_167 = arith.constant 0 : i32
    %dma_wait3A_168 = tpu.memref_slice %arg8[%dma_wait3A_161, %dma_wait3A_167] : memref<2x80xi32, #tpu.memory_space<vmem>> -> memref<1x80xi32, #tpu.memory_space<vmem>>
    %dma_wait3A_169 = tpu.memref_squeeze %dma_wait3A_168 : memref<1x80xi32, #tpu.memory_space<vmem>> -> memref<80xi32, #tpu.memory_space<vmem>>
    %dma_wait3A_170 = arith.constant 0 : i32
    %dma_wait3A_171 = arith.constant 0 : i32
    %dma_wait3A_172 = tpu.memref_slice %arg4[%dma_wait3A_170, %dma_wait3A_171] : memref<10112x144xf32, #tpu.memory_space<hbm>> -> memref<10112x144xf32, #tpu.memory_space<hbm>>
    tpu.wait_indirect_dma semaphore(%arg13 : memref<!tpu.dma_semaphore, #tpu.memory_space<semaphore_mem>>) src(%dma_wait3A_172 : memref<10112x144xf32, #tpu.memory_space<hbm>>) dst(%dma_wait3A_166 : memref<80x144xf32, #tpu.memory_space<vmem>>)
    %dma_wait3A_173 = arith.constant 0 : i32
    %dma_wait3A_174 = arith.constant 0 : i32
    %dma_wait3A_175 = arith.constant 0 : i32
    %dma_wait3A_176 = arith.constant 0 : i32
    %dma_wait3A_177 = tpu.memref_slice %arg10[%dma_wait3A_174, %dma_wait3A_175, %dma_wait3A_176] : memref<2x80x16xf32, #tpu.memory_space<vmem>> -> memref<1x80x16xf32, #tpu.memory_space<vmem>>
    %dma_wait3A_178 = tpu.memref_squeeze %dma_wait3A_177 : memref<1x80x16xf32, #tpu.memory_space<vmem>> -> memref<80x16xf32, #tpu.memory_space<vmem>>
    %dma_wait3A_179 = arith.constant 0 : i32
    %dma_wait3A_180 = tpu.memref_slice %arg9[%dma_wait3A_173, %dma_wait3A_179] : memref<125x80xi32, #tpu.memory_space<vmem>> -> memref<1x80xi32, #tpu.memory_space<vmem>>
    %dma_wait3A_181 = tpu.memref_squeeze %dma_wait3A_180 : memref<1x80xi32, #tpu.memory_space<vmem>> -> memref<80xi32, #tpu.memory_space<vmem>>
    %dma_wait3A_182 = arith.constant 0 : i32
    %dma_wait3A_183 = arith.constant 0 : i32
    %dma_wait3A_184 = tpu.memref_slice %arg5[%dma_wait3A_182, %dma_wait3A_183] : memref<10112x16xf32, #tpu.memory_space<hbm>> -> memref<10112x16xf32, #tpu.memory_space<hbm>>
    tpu.wait_indirect_dma semaphore(%arg13 : memref<!tpu.dma_semaphore, #tpu.memory_space<semaphore_mem>>) src(%dma_wait3A_184 : memref<10112x16xf32, #tpu.memory_space<hbm>>) dst(%dma_wait3A_178 : memref<80x16xf32, #tpu.memory_space<vmem>>)
    %parallel_loop3A = arith.constant 0 : i32
    %parallel_loop3A_185 = arith.constant 80 : i32
    %parallel_loop3A_186 = arith.constant 1 : i32
    scf.for %parallel_loop3A_238 = %parallel_loop3A to %parallel_loop3A_185 step %parallel_loop3A_186  : i32 {
      %parallel_loop3A_239 = arith.constant 0 : i32
      %parallel_loop3A_240 = arith.index_cast %parallel_loop3A_239 : i32 to index
      %parallel_loop3A_241 = arith.index_cast %parallel_loop3A_238 : i32 to index
      %parallel_loop3A_242 = arith.constant 128 : index
      %parallel_loop3A_243 = tpu.vector_load %arg11[%parallel_loop3A_240, %parallel_loop3A_241, %parallel_loop3A_242] {strides = array<i32>} : memref<2x80x144xf32, #tpu.memory_space<vmem>>, vector<16xf32>,
      %parallel_loop3A_244 = arith.constant 0 : i32
      %parallel_loop3A_245 = arith.index_cast %parallel_loop3A_244 : i32 to index
      %parallel_loop3A_246 = arith.index_cast %parallel_loop3A_238 : i32 to index
      %parallel_loop3A_247 = arith.constant 0 : index
      %parallel_loop3A_248 = tpu.vector_load %arg10[%parallel_loop3A_245, %parallel_loop3A_246, %parallel_loop3A_247] {strides = array<i32>} : memref<2x80x16xf32, #tpu.memory_space<vmem>>, vector<16xf32>,
      %parallel_loop3A_249 = arith.addf %parallel_loop3A_243, %parallel_loop3A_248 : vector<16xf32>
      %parallel_loop3A_250 = arith.constant 0.000000e+00 : f32
      %parallel_loop3A_251 = vector.broadcast %parallel_loop3A_250 : f32 to vector<16xf32>
      %parallel_loop3A_252 = arith.cmpf ogt, %parallel_loop3A_249, %parallel_loop3A_251 : vector<16xf32>
      %parallel_loop3A_253 = arith.constant 2.000000e-01 : f32
      %parallel_loop3A_254 = vector.broadcast %parallel_loop3A_253 : f32 to vector<16xf32>
      %parallel_loop3A_255 = arith.mulf %parallel_loop3A_254, %parallel_loop3A_249 : vector<16xf32>
      %parallel_loop3A_256 = arith.select %parallel_loop3A_252, %parallel_loop3A_249, %parallel_loop3A_255 : vector<16xi1>, vector<16xf32>
      %parallel_loop3A_257 = math.exp %parallel_loop3A_256 : vector<16xf32>
      %parallel_loop3A_258 = arith.constant 0 : i32
      %parallel_loop3A_259 = arith.index_cast %parallel_loop3A_258 : i32 to index
      %parallel_loop3A_260 = arith.index_cast %parallel_loop3A_238 : i32 to index
      %parallel_loop3A_261 = arith.constant 128 : index
      %parallel_loop3A_262 = tpu.vector_load %arg11[%parallel_loop3A_259, %parallel_loop3A_260, %parallel_loop3A_261] {strides = array<i32>} : memref<2x80x144xf32, #tpu.memory_space<vmem>>, vector<16xf32>,
      tpu.vector_store %arg11[%parallel_loop3A_259, %parallel_loop3A_260, %parallel_loop3A_261], %parallel_loop3A_257 {strides = array<i32>} : memref<2x80x144xf32, #tpu.memory_space<vmem>>, vector<16xf32>,
      %parallel_loop3A_263 = arith.constant 0 : i32
      %parallel_loop3A_264 = vector.broadcast %parallel_loop3A_263 : i32 to vector<16x1xi32>
      %parallel_loop3A_265 = vector.shape_cast %parallel_loop3A_264 : vector<16x1xi32> to vector<16xi32>
      %parallel_loop3A_266 = tpu.dynamic_gather %parallel_loop3A_257[%parallel_loop3A_265] in [0] : vector<16xf32>, vector<16xi32> -> vector<16xf32>
      %parallel_loop3A_267 = arith.constant 0 : i32
      %parallel_loop3A_268 = arith.index_cast %parallel_loop3A_267 : i32 to index
      %parallel_loop3A_269 = arith.index_cast %parallel_loop3A_238 : i32 to index
      %parallel_loop3A_270 = arith.constant 0 : index
      %parallel_loop3A_271 = tpu.vector_load %arg11[%parallel_loop3A_268, %parallel_loop3A_269, %parallel_loop3A_270] {strides = array<i32>} : memref<2x80x144xf32, #tpu.memory_space<vmem>>, vector<16xf32>,
      %parallel_loop3A_272 = arith.mulf %parallel_loop3A_271, %parallel_loop3A_266 : vector<16xf32>
      %parallel_loop3A_273 = arith.constant 0 : i32
      %parallel_loop3A_274 = arith.index_cast %parallel_loop3A_273 : i32 to index
      %parallel_loop3A_275 = arith.index_cast %parallel_loop3A_238 : i32 to index
      %parallel_loop3A_276 = arith.constant 0 : index
      %parallel_loop3A_277 = tpu.vector_load %arg11[%parallel_loop3A_274, %parallel_loop3A_275, %parallel_loop3A_276] {strides = array<i32>} : memref<2x80x144xf32, #tpu.memory_space<vmem>>, vector<16xf32>,
      tpu.vector_store %arg11[%parallel_loop3A_274, %parallel_loop3A_275, %parallel_loop3A_276], %parallel_loop3A_272 {strides = array<i32>} : memref<2x80x144xf32, #tpu.memory_space<vmem>>, vector<16xf32>,
      %parallel_loop3A_278 = arith.constant 1 : i32
      %parallel_loop3A_279 = vector.broadcast %parallel_loop3A_278 : i32 to vector<16x1xi32>
      %parallel_loop3A_280 = vector.shape_cast %parallel_loop3A_279 : vector<16x1xi32> to vector<16xi32>
      %parallel_loop3A_281 = tpu.dynamic_gather %parallel_loop3A_257[%parallel_loop3A_280] in [0] : vector<16xf32>, vector<16xi32> -> vector<16xf32>
      %parallel_loop3A_282 = arith.constant 0 : i32
      %parallel_loop3A_283 = arith.index_cast %parallel_loop3A_282 : i32 to index
      %parallel_loop3A_284 = arith.index_cast %parallel_loop3A_238 : i32 to index
      %parallel_loop3A_285 = arith.constant 16 : index
      %parallel_loop3A_286 = tpu.vector_load %arg11[%parallel_loop3A_283, %parallel_loop3A_284, %parallel_loop3A_285] {strides = array<i32>} : memref<2x80x144xf32, #tpu.memory_space<vmem>>, vector<16xf32>,
      %parallel_loop3A_287 = arith.mulf %parallel_loop3A_286, %parallel_loop3A_281 : vector<16xf32>
      %parallel_loop3A_288 = arith.constant 0 : i32
      %parallel_loop3A_289 = arith.index_cast %parallel_loop3A_288 : i32 to index
      %parallel_loop3A_290 = arith.index_cast %parallel_loop3A_238 : i32 to index
      %parallel_loop3A_291 = arith.constant 16 : index
      %parallel_loop3A_292 = tpu.vector_load %arg11[%parallel_loop3A_289, %parallel_loop3A_290, %parallel_loop3A_291] {strides = array<i32>} : memref<2x80x144xf32, #tpu.memory_space<vmem>>, vector<16xf32>,
      tpu.vector_store %arg11[%parallel_loop3A_289, %parallel_loop3A_290, %parallel_loop3A_291], %parallel_loop3A_287 {strides = array<i32>} : memref<2x80x144xf32, #tpu.memory_space<vmem>>, vector<16xf32>,
      %parallel_loop3A_293 = arith.constant 2 : i32
      %parallel_loop3A_294 = vector.broadcast %parallel_loop3A_293 : i32 to vector<16x1xi32>
      %parallel_loop3A_295 = vector.shape_cast %parallel_loop3A_294 : vector<16x1xi32> to vector<16xi32>
      %parallel_loop3A_296 = tpu.dynamic_gather %parallel_loop3A_257[%parallel_loop3A_295] in [0] : vector<16xf32>, vector<16xi32> -> vector<16xf32>
      %parallel_loop3A_297 = arith.constant 0 : i32
      %parallel_loop3A_298 = arith.index_cast %parallel_loop3A_297 : i32 to index
      %parallel_loop3A_299 = arith.index_cast %parallel_loop3A_238 : i32 to index
      %parallel_loop3A_300 = arith.constant 32 : index
      %parallel_loop3A_301 = tpu.vector_load %arg11[%parallel_loop3A_298, %parallel_loop3A_299, %parallel_loop3A_300] {strides = array<i32>} : memref<2x80x144xf32, #tpu.memory_space<vmem>>, vector<16xf32>,
      %parallel_loop3A_302 = arith.mulf %parallel_loop3A_301, %parallel_loop3A_296 : vector<16xf32>
      %parallel_loop3A_303 = arith.constant 0 : i32
      %parallel_loop3A_304 = arith.index_cast %parallel_loop3A_303 : i32 to index
      %parallel_loop3A_305 = arith.index_cast %parallel_loop3A_238 : i32 to index
      %parallel_loop3A_306 = arith.constant 32 : index
      %parallel_loop3A_307 = tpu.vector_load %arg11[%parallel_loop3A_304, %parallel_loop3A_305, %parallel_loop3A_306] {strides = array<i32>} : memref<2x80x144xf32, #tpu.memory_space<vmem>>, vector<16xf32>,
      tpu.vector_store %arg11[%parallel_loop3A_304, %parallel_loop3A_305, %parallel_loop3A_306], %parallel_loop3A_302 {strides = array<i32>} : memref<2x80x144xf32, #tpu.memory_space<vmem>>, vector<16xf32>,
      %parallel_loop3A_308 = arith.constant 3 : i32
      %parallel_loop3A_309 = vector.broadcast %parallel_loop3A_308 : i32 to vector<16x1xi32>
      %parallel_loop3A_310 = vector.shape_cast %parallel_loop3A_309 : vector<16x1xi32> to vector<16xi32>
      %parallel_loop3A_311 = tpu.dynamic_gather %parallel_loop3A_257[%parallel_loop3A_310] in [0] : vector<16xf32>, vector<16xi32> -> vector<16xf32>
      %parallel_loop3A_312 = arith.constant 0 : i32
      %parallel_loop3A_313 = arith.index_cast %parallel_loop3A_312 : i32 to index
      %parallel_loop3A_314 = arith.index_cast %parallel_loop3A_238 : i32 to index
      %parallel_loop3A_315 = arith.constant 48 : index
      %parallel_loop3A_316 = tpu.vector_load %arg11[%parallel_loop3A_313, %parallel_loop3A_314, %parallel_loop3A_315] {strides = array<i32>} : memref<2x80x144xf32, #tpu.memory_space<vmem>>, vector<16xf32>,
      %parallel_loop3A_317 = arith.mulf %parallel_loop3A_316, %parallel_loop3A_311 : vector<16xf32>
      %parallel_loop3A_318 = arith.constant 0 : i32
      %parallel_loop3A_319 = arith.index_cast %parallel_loop3A_318 : i32 to index
      %parallel_loop3A_320 = arith.index_cast %parallel_loop3A_238 : i32 to index
      %parallel_loop3A_321 = arith.constant 48 : index
      %parallel_loop3A_322 = tpu.vector_load %arg11[%parallel_loop3A_319, %parallel_loop3A_320, %parallel_loop3A_321] {strides = array<i32>} : memref<2x80x144xf32, #tpu.memory_space<vmem>>, vector<16xf32>,
      tpu.vector_store %arg11[%parallel_loop3A_319, %parallel_loop3A_320, %parallel_loop3A_321], %parallel_loop3A_317 {strides = array<i32>} : memref<2x80x144xf32, #tpu.memory_space<vmem>>, vector<16xf32>,
      %parallel_loop3A_323 = arith.constant 4 : i32
      %parallel_loop3A_324 = vector.broadcast %parallel_loop3A_323 : i32 to vector<16x1xi32>
      %parallel_loop3A_325 = vector.shape_cast %parallel_loop3A_324 : vector<16x1xi32> to vector<16xi32>
      %parallel_loop3A_326 = tpu.dynamic_gather %parallel_loop3A_257[%parallel_loop3A_325] in [0] : vector<16xf32>, vector<16xi32> -> vector<16xf32>
      %parallel_loop3A_327 = arith.constant 0 : i32
      %parallel_loop3A_328 = arith.index_cast %parallel_loop3A_327 : i32 to index
      %parallel_loop3A_329 = arith.index_cast %parallel_loop3A_238 : i32 to index
      %parallel_loop3A_330 = arith.constant 64 : index
      %parallel_loop3A_331 = tpu.vector_load %arg11[%parallel_loop3A_328, %parallel_loop3A_329, %parallel_loop3A_330] {strides = array<i32>} : memref<2x80x144xf32, #tpu.memory_space<vmem>>, vector<16xf32>,
      %parallel_loop3A_332 = arith.mulf %parallel_loop3A_331, %parallel_loop3A_326 : vector<16xf32>
      %parallel_loop3A_333 = arith.constant 0 : i32
      %parallel_loop3A_334 = arith.index_cast %parallel_loop3A_333 : i32 to index
      %parallel_loop3A_335 = arith.index_cast %parallel_loop3A_238 : i32 to index
      %parallel_loop3A_336 = arith.constant 64 : index
      %parallel_loop3A_337 = tpu.vector_load %arg11[%parallel_loop3A_334, %parallel_loop3A_335, %parallel_loop3A_336] {strides = array<i32>} : memref<2x80x144xf32, #tpu.memory_space<vmem>>, vector<16xf32>,
      tpu.vector_store %arg11[%parallel_loop3A_334, %parallel_loop3A_335, %parallel_loop3A_336], %parallel_loop3A_332 {strides = array<i32>} : memref<2x80x144xf32, #tpu.memory_space<vmem>>, vector<16xf32>,
      %parallel_loop3A_338 = arith.constant 5 : i32
      %parallel_loop3A_339 = vector.broadcast %parallel_loop3A_338 : i32 to vector<16x1xi32>
      %parallel_loop3A_340 = vector.shape_cast %parallel_loop3A_339 : vector<16x1xi32> to vector<16xi32>
      %parallel_loop3A_341 = tpu.dynamic_gather %parallel_loop3A_257[%parallel_loop3A_340] in [0] : vector<16xf32>, vector<16xi32> -> vector<16xf32>
      %parallel_loop3A_342 = arith.constant 0 : i32
      %parallel_loop3A_343 = arith.index_cast %parallel_loop3A_342 : i32 to index
      %parallel_loop3A_344 = arith.index_cast %parallel_loop3A_238 : i32 to index
      %parallel_loop3A_345 = arith.constant 80 : index
      %parallel_loop3A_346 = tpu.vector_load %arg11[%parallel_loop3A_343, %parallel_loop3A_344, %parallel_loop3A_345] {strides = array<i32>} : memref<2x80x144xf32, #tpu.memory_space<vmem>>, vector<16xf32>,
      %parallel_loop3A_347 = arith.mulf %parallel_loop3A_346, %parallel_loop3A_341 : vector<16xf32>
      %parallel_loop3A_348 = arith.constant 0 : i32
      %parallel_loop3A_349 = arith.index_cast %parallel_loop3A_348 : i32 to index
      %parallel_loop3A_350 = arith.index_cast %parallel_loop3A_238 : i32 to index
      %parallel_loop3A_351 = arith.constant 80 : index
      %parallel_loop3A_352 = tpu.vector_load %arg11[%parallel_loop3A_349, %parallel_loop3A_350, %parallel_loop3A_351] {strides = array<i32>} : memref<2x80x144xf32, #tpu.memory_space<vmem>>, vector<16xf32>,
      tpu.vector_store %arg11[%parallel_loop3A_349, %parallel_loop3A_350, %parallel_loop3A_351], %parallel_loop3A_347 {strides = array<i32>} : memref<2x80x144xf32, #tpu.memory_space<vmem>>, vector<16xf32>,
      %parallel_loop3A_353 = arith.constant 6 : i32
      %parallel_loop3A_354 = vector.broadcast %parallel_loop3A_353 : i32 to vector<16x1xi32>
      %parallel_loop3A_355 = vector.shape_cast %parallel_loop3A_354 : vector<16x1xi32> to vector<16xi32>
      %parallel_loop3A_356 = tpu.dynamic_gather %parallel_loop3A_257[%parallel_loop3A_355] in [0] : vector<16xf32>, vector<16xi32> -> vector<16xf32>
      %parallel_loop3A_357 = arith.constant 0 : i32
      %parallel_loop3A_358 = arith.index_cast %parallel_loop3A_357 : i32 to index
      %parallel_loop3A_359 = arith.index_cast %parallel_loop3A_238 : i32 to index
      %parallel_loop3A_360 = arith.constant 96 : index
      %parallel_loop3A_361 = tpu.vector_load %arg11[%parallel_loop3A_358, %parallel_loop3A_359, %parallel_loop3A_360] {strides = array<i32>} : memref<2x80x144xf32, #tpu.memory_space<vmem>>, vector<16xf32>,
      %parallel_loop3A_362 = arith.mulf %parallel_loop3A_361, %parallel_loop3A_356 : vector<16xf32>
      %parallel_loop3A_363 = arith.constant 0 : i32
      %parallel_loop3A_364 = arith.index_cast %parallel_loop3A_363 : i32 to index
      %parallel_loop3A_365 = arith.index_cast %parallel_loop3A_238 : i32 to index
      %parallel_loop3A_366 = arith.constant 96 : index
      %parallel_loop3A_367 = tpu.vector_load %arg11[%parallel_loop3A_364, %parallel_loop3A_365, %parallel_loop3A_366] {strides = array<i32>} : memref<2x80x144xf32, #tpu.memory_space<vmem>>, vector<16xf32>,
      tpu.vector_store %arg11[%parallel_loop3A_364, %parallel_loop3A_365, %parallel_loop3A_366], %parallel_loop3A_362 {strides = array<i32>} : memref<2x80x144xf32, #tpu.memory_space<vmem>>, vector<16xf32>,
      %parallel_loop3A_368 = arith.constant 7 : i32
      %parallel_loop3A_369 = vector.broadcast %parallel_loop3A_368 : i32 to vector<16x1xi32>
      %parallel_loop3A_370 = vector.shape_cast %parallel_loop3A_369 : vector<16x1xi32> to vector<16xi32>
      %parallel_loop3A_371 = tpu.dynamic_gather %parallel_loop3A_257[%parallel_loop3A_370] in [0] : vector<16xf32>, vector<16xi32> -> vector<16xf32>
      %parallel_loop3A_372 = arith.constant 0 : i32
      %parallel_loop3A_373 = arith.index_cast %parallel_loop3A_372 : i32 to index
      %parallel_loop3A_374 = arith.index_cast %parallel_loop3A_238 : i32 to index
      %parallel_loop3A_375 = arith.constant 112 : index
      %parallel_loop3A_376 = tpu.vector_load %arg11[%parallel_loop3A_373, %parallel_loop3A_374, %parallel_loop3A_375] {strides = array<i32>} : memref<2x80x144xf32, #tpu.memory_space<vmem>>, vector<16xf32>,
      %parallel_loop3A_377 = arith.mulf %parallel_loop3A_376, %parallel_loop3A_371 : vector<16xf32>
      %parallel_loop3A_378 = arith.constant 0 : i32
      %parallel_loop3A_379 = arith.index_cast %parallel_loop3A_378 : i32 to index
      %parallel_loop3A_380 = arith.index_cast %parallel_loop3A_238 : i32 to index
      %parallel_loop3A_381 = arith.constant 112 : index
      %parallel_loop3A_382 = tpu.vector_load %arg11[%parallel_loop3A_379, %parallel_loop3A_380, %parallel_loop3A_381] {strides = array<i32>} : memref<2x80x144xf32, #tpu.memory_space<vmem>>, vector<16xf32>,
      tpu.vector_store %arg11[%parallel_loop3A_379, %parallel_loop3A_380, %parallel_loop3A_381], %parallel_loop3A_377 {strides = array<i32>} : memref<2x80x144xf32, #tpu.memory_space<vmem>>, vector<16xf32>,
    } {sc.loop_unroll_factor = 2 : i64, sc.parallel_access}
    %dma_start3A_187 = arith.constant 0 : i32
    %dma_start3A_188 = arith.constant 124 : i32
    %dma_start3A_189 = arith.constant 0 : i32
    %dma_start3A_190 = arith.constant 0 : i32
    %dma_start3A_191 = tpu.memref_slice %arg11[%dma_start3A_187, %dma_start3A_189, %dma_start3A_190] : memref<2x80x144xf32, #tpu.memory_space<vmem>> -> memref<1x80x144xf32, #tpu.memory_space<vmem>>
    %dma_start3A_192 = tpu.memref_squeeze %dma_start3A_191 : memref<1x80x144xf32, #tpu.memory_space<vmem>> -> memref<80x144xf32, #tpu.memory_space<vmem>>
    %dma_start3A_193 = arith.constant 0 : i32
    %dma_start3A_194 = tpu.memref_slice %arg9[%dma_start3A_188, %dma_start3A_193] : memref<125x80xi32, #tpu.memory_space<vmem>> -> memref<1x80xi32, #tpu.memory_space<vmem>>
    %dma_start3A_195 = tpu.memref_squeeze %dma_start3A_194 : memref<1x80xi32, #tpu.memory_space<vmem>> -> memref<80xi32, #tpu.memory_space<vmem>>
    %dma_start3A_196 = arith.constant 0 : i32
    %dma_start3A_197 = arith.constant 0 : i32
    %dma_start3A_198 = tpu.memref_slice %arg12[%dma_start3A_196, %dma_start3A_197] : memref<10112x144xf32, #tpu.memory_space<vmem_shared>> -> memref<10112x144xf32, #tpu.memory_space<vmem_shared>>
    tpu.enqueue_indirect_dma source(%dma_start3A_192 : memref<80x144xf32, #tpu.memory_space<vmem>>) target(%dma_start3A_198 : memref<10112x144xf32, #tpu.memory_space<vmem_shared>>) offsets(%dma_start3A_195 : memref<80xi32, #tpu.memory_space<vmem>>) semaphore(%arg17 : memref<!tpu.dma_semaphore, #tpu.memory_space<semaphore_mem>>) {add = true}
    %dma_wait3A_199 = arith.constant 0 : i32
    %dma_wait3A_200 = arith.constant 1 : i32
    %dma_wait3A_201 = arith.constant 0 : i32
    %dma_wait3A_202 = tpu.memref_slice %arg8[%dma_wait3A_200, %dma_wait3A_201] : memref<2x80xi32, #tpu.memory_space<vmem>> -> memref<1x80xi32, #tpu.memory_space<vmem>>
    %dma_wait3A_203 = tpu.memref_squeeze %dma_wait3A_202 : memref<1x80xi32, #tpu.memory_space<vmem>> -> memref<80xi32, #tpu.memory_space<vmem>>
    %dma_wait3A_204 = arith.constant 0 : i32
    %dma_wait3A_205 = tpu.memref_slice %arg2[%add3A, %dma_wait3A_199, %dma_wait3A_204] : memref<32x125x80xi32, #tpu.memory_space<hbm>> -> memref<1x1x80xi32, #tpu.memory_space<hbm>>
    %dma_wait3A_206 = tpu.memref_squeeze %dma_wait3A_205 : memref<1x1x80xi32, #tpu.memory_space<hbm>> -> memref<80xi32, #tpu.memory_space<hbm>>
    %dma_wait3A_207 = arith.constant 0 : i32
    %dma_wait3A_208 = tpu.memref_slice %arg8[%dma_wait3A_200, %dma_wait3A_207] : memref<2x80xi32, #tpu.memory_space<vmem>> -> memref<1x80xi32, #tpu.memory_space<vmem>>
    %dma_wait3A_209 = tpu.memref_squeeze %dma_wait3A_208 : memref<1x80xi32, #tpu.memory_space<vmem>> -> memref<80xi32, #tpu.memory_space<vmem>>
    %dma_wait3A_210 = arith.constant 0 : i32
    %dma_wait3A_211 = tpu.memref_slice %arg2[%add3A, %dma_wait3A_199, %dma_wait3A_210] : memref<32x125x80xi32, #tpu.memory_space<hbm>> -> memref<1x1x80xi32, #tpu.memory_space<hbm>>
    %dma_wait3A_212 = tpu.memref_squeeze %dma_wait3A_211 : memref<1x1x80xi32, #tpu.memory_space<hbm>> -> memref<80xi32, #tpu.memory_space<hbm>>
    tpu.wait_dma2 semaphore(%arg16 : memref<!tpu.dma_semaphore, #tpu.memory_space<semaphore_mem>>) src(%dma_wait3A_212 : memref<80xi32, #tpu.memory_space<hbm>>) dst(%dma_wait3A_209 : memref<80xi32, #tpu.memory_space<vmem>>)
    %dma_wait3A_213 = arith.constant 0 : i32
    %dma_wait3A_214 = arith.constant 0 : i32
    %dma_wait3A_215 = arith.constant 0 : i32
    %dma_wait3A_216 = arith.constant 0 : i32
    %dma_wait3A_217 = tpu.memref_slice %arg11[%dma_wait3A_213, %dma_wait3A_215, %dma_wait3A_216] : memref<2x80x144xf32, #tpu.memory_space<vmem>> -> memref<1x80x144xf32, #tpu.memory_space<vmem>>
    %dma_wait3A_218 = tpu.memref_squeeze %dma_wait3A_217 : memref<1x80x144xf32, #tpu.memory_space<vmem>> -> memref<80x144xf32, #tpu.memory_space<vmem>>
    %dma_wait3A_219 = arith.constant 0 : i32
    %dma_wait3A_220 = tpu.memref_slice %arg9[%dma_wait3A_214, %dma_wait3A_219] : memref<125x80xi32, #tpu.memory_space<vmem>> -> memref<1x80xi32, #tpu.memory_space<vmem>>
    %dma_wait3A_221 = tpu.memref_squeeze %dma_wait3A_220 : memref<1x80xi32, #tpu.memory_space<vmem>> -> memref<80xi32, #tpu.memory_space<vmem>>
    %dma_wait3A_222 = arith.constant 0 : i32
    %dma_wait3A_223 = arith.constant 0 : i32
    %dma_wait3A_224 = tpu.memref_slice %arg12[%dma_wait3A_222, %dma_wait3A_223] : memref<10112x144xf32, #tpu.memory_space<vmem_shared>> -> memref<10112x144xf32, #tpu.memory_space<vmem_shared>>
    tpu.wait_indirect_dma semaphore(%arg17 : memref<!tpu.dma_semaphore, #tpu.memory_space<semaphore_mem>>) src(%dma_wait3A_218 : memref<80x144xf32, #tpu.memory_space<vmem>>) dst(%dma_wait3A_224 : memref<10112x144xf32, #tpu.memory_space<vmem_shared>>)
    %dma_wait3A_225 = arith.constant 1 : i32
    %dma_wait3A_226 = arith.constant 0 : i32
    %dma_wait3A_227 = arith.constant 0 : i32
    %dma_wait3A_228 = arith.constant 0 : i32
    %dma_wait3A_229 = tpu.memref_slice %arg11[%dma_wait3A_225, %dma_wait3A_227, %dma_wait3A_228] : memref<2x80x144xf32, #tpu.memory_space<vmem>> -> memref<1x80x144xf32, #tpu.memory_space<vmem>>
    %dma_wait3A_230 = tpu.memref_squeeze %dma_wait3A_229 : memref<1x80x144xf32, #tpu.memory_space<vmem>> -> memref<80x144xf32, #tpu.memory_space<vmem>>
    %dma_wait3A_231 = arith.constant 0 : i32
    %dma_wait3A_232 = tpu.memref_slice %arg9[%dma_wait3A_226, %dma_wait3A_231] : memref<125x80xi32, #tpu.memory_space<vmem>> -> memref<1x80xi32, #tpu.memory_space<vmem>>
    %dma_wait3A_233 = tpu.memref_squeeze %dma_wait3A_232 : memref<1x80xi32, #tpu.memory_space<vmem>> -> memref<80xi32, #tpu.memory_space<vmem>>
    %dma_wait3A_234 = arith.constant 0 : i32
    %dma_wait3A_235 = arith.constant 0 : i32
    %dma_wait3A_236 = tpu.memref_slice %arg12[%dma_wait3A_234, %dma_wait3A_235] : memref<10112x144xf32, #tpu.memory_space<vmem_shared>> -> memref<10112x144xf32, #tpu.memory_space<vmem_shared>>
    tpu.wait_indirect_dma semaphore(%arg18 : memref<!tpu.dma_semaphore, #tpu.memory_space<semaphore_mem>>) src(%dma_wait3A_230 : memref<80x144xf32, #tpu.memory_space<vmem>>) dst(%dma_wait3A_236 : memref<10112x144xf32, #tpu.memory_space<vmem_shared>>)
    %barrier3A_237 = arith.constant 0 : index
    tpu.barrier barrier_id(%barrier3A_237)
    "tpu.region"() ({
      %run_scoped3A = tpu.sem_alloc : memref<!tpu.dma_semaphore, #tpu.memory_space<semaphore_mem>>
      %dma_start3A_238 = arith.constant 0 : i32
      %dma_start3A_239 = tpu.memref_slice %arg7[%arg0, %mul3A_2, %dma_start3A_238] : memref<2x10112x144xf32, #tpu.memory_space<hbm>> -> memref<1x632x144xf32, #tpu.memory_space<hbm>>
      %dma_start3A_240 = tpu.memref_squeeze %dma_start3A_239 : memref<1x632x144xf32, #tpu.memory_space<hbm>> -> memref<632x144xf32, #tpu.memory_space<hbm>>
      %dma_start3A_241 = arith.constant 0 : i32
      %dma_start3A_242 = tpu.memref_slice %arg12[%mul3A_2, %dma_start3A_241] : memref<10112x144xf32, #tpu.memory_space<vmem_shared>> -> memref<632x144xf32, #tpu.memory_space<vmem_shared>>
      tpu.enqueue_dma source(%dma_start3A_242 : memref<632x144xf32, #tpu.memory_space<vmem_shared>>) target(%dma_start3A_240 : memref<632x144xf32, #tpu.memory_space<hbm>>) target_semaphore(%run_scoped3A : memref<!tpu.dma_semaphore, #tpu.memory_space<semaphore_mem>>)
      %dma_wait3A_243 = arith.constant 0 : i32
      %dma_wait3A_244 = tpu.memref_slice %arg7[%arg0, %mul3A_2, %dma_wait3A_243] : memref<2x10112x144xf32, #tpu.memory_space<hbm>> -> memref<1x632x144xf32, #tpu.memory_space<hbm>>
      %dma_wait3A_245 = tpu.memref_squeeze %dma_wait3A_244 : memref<1x632x144xf32, #tpu.memory_space<hbm>> -> memref<632x144xf32, #tpu.memory_space<hbm>>
      %dma_wait3A_246 = arith.constant 0 : i32
      %dma_wait3A_247 = tpu.memref_slice %arg12[%mul3A_2, %dma_wait3A_246] : memref<10112x144xf32, #tpu.memory_space<vmem_shared>> -> memref<632x144xf32, #tpu.memory_space<vmem_shared>>
      tpu.wait_dma2 semaphore(%run_scoped3A : memref<!tpu.dma_semaphore, #tpu.memory_space<semaphore_mem>>) src(%dma_wait3A_247 : memref<632x144xf32, #tpu.memory_space<vmem_shared>>) dst(%dma_wait3A_245 : memref<632x144xf32, #tpu.memory_space<hbm>>)
      tpu.yield
    }) : () -> ()
    return
  }
}

#map = affine_map<(d0, d1) -> (0, 0, 0)>
#map1 = affine_map<(d0, d1) -> (0, 0)>
module attributes {stable_mosaic.version = 14 : i64} {
  func.func @edge_kernel(%arg0: i32, %arg1: i32, %arg2: memref<32x125x80xi32, #tpu.memory_space<hbm>>, %arg3: memref<32x125x80xi32, #tpu.memory_space<hbm>>, %arg4: memref<10112x80xf32, #tpu.memory_space<hbm>>, %arg5: memref<10112x16xf32, #tpu.memory_space<hbm>>, %arg6: memref<10112x80xf32, #tpu.memory_space<hbm>>, %arg7: memref<2x10112x80xf32, #tpu.memory_space<hbm>>, %arg8: memref<2x80xi32, #tpu.memory_space<vmem>>, %arg9: memref<125x80xi32, #tpu.memory_space<vmem>>, %arg10: memref<2x80x16xf32, #tpu.memory_space<vmem>>, %arg11: memref<2x80x80xf32, #tpu.memory_space<vmem>>, %arg12: memref<10112x80xf32, #tpu.memory_space<vmem_shared>>, %arg13: memref<!tpu.dma_semaphore, #tpu.memory_space<semaphore_mem>>, %arg14: memref<!tpu.dma_semaphore, #tpu.memory_space<semaphore_mem>>, %arg15: memref<!tpu.dma_semaphore, #tpu.memory_space<semaphore_mem>>, %arg16: memref<!tpu.dma_semaphore, #tpu.memory_space<semaphore_mem>>, %arg17: memref<!tpu.dma_semaphore, #tpu.memory_space<semaphore_mem>>, %arg18: memref<!tpu.dma_semaphore, #tpu.memory_space<semaphore_mem>>) attributes {dimension_semantics = [#tpu.dimension_semantics<core_parallel>, #tpu.dimension_semantics<subcore_parallel>], iteration_bounds = array<i64: 2, 16>, scalar_prefetch = 0 : i64, scratch_operands = 11 : i64, tpu.core_type = #tpu.core_type<sc_vector_subcore>, window_params = [{transform_indices = #map}, {transform_indices = #map}, {transform_indices = #map1}, {transform_indices = #map1}, {transform_indices = #map1}, {transform_indices = #map}]} {
    %mul3A = arith.constant 2 : i32
    %mul3A_0 = arith.muli %arg1, %mul3A : i32
    %add3A = arith.addi %mul3A_0, %arg0 : i32
    %mul3A_1 = arith.constant 632 : i32
    %mul3A_2 = arith.muli %arg1, %mul3A_1 : i32
    "tpu.region"() ({
      %run_scoped3A = tpu.sem_alloc : memref<!tpu.dma_semaphore, #tpu.memory_space<semaphore_mem>>
      %dma_start3A_238 = arith.constant 0 : i32
      %dma_start3A_239 = tpu.memref_slice %arg12[%mul3A_2, %dma_start3A_238] : memref<10112x80xf32, #tpu.memory_space<vmem_shared>> -> memref<632x80xf32, #tpu.memory_space<vmem_shared>>
      %dma_start3A_240 = arith.constant 0 : i32
      %dma_start3A_241 = tpu.memref_slice %arg6[%mul3A_2, %dma_start3A_240] : memref<10112x80xf32, #tpu.memory_space<hbm>> -> memref<632x80xf32, #tpu.memory_space<hbm>>
      tpu.enqueue_dma source(%dma_start3A_241 : memref<632x80xf32, #tpu.memory_space<hbm>>) target(%dma_start3A_239 : memref<632x80xf32, #tpu.memory_space<vmem_shared>>) target_semaphore(%run_scoped3A : memref<!tpu.dma_semaphore, #tpu.memory_space<semaphore_mem>>)
      %dma_wait3A_242 = arith.constant 0 : i32
      %dma_wait3A_243 = tpu.memref_slice %arg12[%mul3A_2, %dma_wait3A_242] : memref<10112x80xf32, #tpu.memory_space<vmem_shared>> -> memref<632x80xf32, #tpu.memory_space<vmem_shared>>
      %dma_wait3A_244 = arith.constant 0 : i32
      %dma_wait3A_245 = tpu.memref_slice %arg6[%mul3A_2, %dma_wait3A_244] : memref<10112x80xf32, #tpu.memory_space<hbm>> -> memref<632x80xf32, #tpu.memory_space<hbm>>
      tpu.wait_dma2 semaphore(%run_scoped3A : memref<!tpu.dma_semaphore, #tpu.memory_space<semaphore_mem>>) src(%dma_wait3A_245 : memref<632x80xf32, #tpu.memory_space<hbm>>) dst(%dma_wait3A_243 : memref<632x80xf32, #tpu.memory_space<vmem_shared>>)
      tpu.yield
    }) : () -> ()
    "tpu.region"() ({
      %run_scoped3A = tpu.sem_alloc : memref<!tpu.dma_semaphore, #tpu.memory_space<semaphore_mem>>
      %dma_start3A_238 = arith.constant 0 : i32
      %dma_start3A_239 = arith.constant 0 : i32
      %dma_start3A_240 = tpu.memref_slice %arg3[%add3A, %dma_start3A_238, %dma_start3A_239] : memref<32x125x80xi32, #tpu.memory_space<hbm>> -> memref<1x125x80xi32, #tpu.memory_space<hbm>>
      %dma_start3A_241 = tpu.memref_squeeze %dma_start3A_240 : memref<1x125x80xi32, #tpu.memory_space<hbm>> -> memref<125x80xi32, #tpu.memory_space<hbm>>
      %dma_start3A_242 = arith.constant 0 : i32
      %dma_start3A_243 = arith.constant 0 : i32
      %dma_start3A_244 = tpu.memref_slice %arg3[%add3A, %dma_start3A_242, %dma_start3A_243] : memref<32x125x80xi32, #tpu.memory_space<hbm>> -> memref<1x125x80xi32, #tpu.memory_space<hbm>>
      %dma_start3A_245 = tpu.memref_squeeze %dma_start3A_244 : memref<1x125x80xi32, #tpu.memory_space<hbm>> -> memref<125x80xi32, #tpu.memory_space<hbm>>
      tpu.enqueue_dma source(%dma_start3A_245 : memref<125x80xi32, #tpu.memory_space<hbm>>) target(%arg9 : memref<125x80xi32, #tpu.memory_space<vmem>>) target_semaphore(%run_scoped3A : memref<!tpu.dma_semaphore, #tpu.memory_space<semaphore_mem>>)
      %dma_wait3A_246 = arith.constant 0 : i32
      %dma_wait3A_247 = arith.constant 0 : i32
      %dma_wait3A_248 = tpu.memref_slice %arg3[%add3A, %dma_wait3A_246, %dma_wait3A_247] : memref<32x125x80xi32, #tpu.memory_space<hbm>> -> memref<1x125x80xi32, #tpu.memory_space<hbm>>
      %dma_wait3A_249 = tpu.memref_squeeze %dma_wait3A_248 : memref<1x125x80xi32, #tpu.memory_space<hbm>> -> memref<125x80xi32, #tpu.memory_space<hbm>>
      %dma_wait3A_250 = arith.constant 0 : i32
      %dma_wait3A_251 = arith.constant 0 : i32
      %dma_wait3A_252 = tpu.memref_slice %arg3[%add3A, %dma_wait3A_250, %dma_wait3A_251] : memref<32x125x80xi32, #tpu.memory_space<hbm>> -> memref<1x125x80xi32, #tpu.memory_space<hbm>>
      %dma_wait3A_253 = tpu.memref_squeeze %dma_wait3A_252 : memref<1x125x80xi32, #tpu.memory_space<hbm>> -> memref<125x80xi32, #tpu.memory_space<hbm>>
      tpu.wait_dma2 semaphore(%run_scoped3A : memref<!tpu.dma_semaphore, #tpu.memory_space<semaphore_mem>>) src(%dma_wait3A_253 : memref<125x80xi32, #tpu.memory_space<hbm>>) dst(%arg9 : memref<125x80xi32, #tpu.memory_space<vmem>>)
      tpu.yield
    }) : () -> ()
    %barrier3A = arith.constant 0 : index
    tpu.barrier barrier_id(%barrier3A)
    %dma_start3A = arith.constant 0 : i32
    %dma_start3A_3 = arith.constant 0 : i32
    %dma_start3A_4 = arith.constant 0 : i32
    %dma_start3A_5 = tpu.memref_slice %arg8[%dma_start3A_3, %dma_start3A_4] : memref<2x80xi32, #tpu.memory_space<vmem>> -> memref<1x80xi32, #tpu.memory_space<vmem>>
    %dma_start3A_6 = tpu.memref_squeeze %dma_start3A_5 : memref<1x80xi32, #tpu.memory_space<vmem>> -> memref<80xi32, #tpu.memory_space<vmem>>
    %dma_start3A_7 = arith.constant 0 : i32
    %dma_start3A_8 = tpu.memref_slice %arg2[%add3A, %dma_start3A, %dma_start3A_7] : memref<32x125x80xi32, #tpu.memory_space<hbm>> -> memref<1x1x80xi32, #tpu.memory_space<hbm>>
    %dma_start3A_9 = tpu.memref_squeeze %dma_start3A_8 : memref<1x1x80xi32, #tpu.memory_space<hbm>> -> memref<80xi32, #tpu.memory_space<hbm>>
    %dma_start3A_10 = arith.constant 0 : i32
    %dma_start3A_11 = tpu.memref_slice %arg8[%dma_start3A_3, %dma_start3A_10] : memref<2x80xi32, #tpu.memory_space<vmem>> -> memref<1x80xi32, #tpu.memory_space<vmem>>
    %dma_start3A_12 = tpu.memref_squeeze %dma_start3A_11 : memref<1x80xi32, #tpu.memory_space<vmem>> -> memref<80xi32, #tpu.memory_space<vmem>>
    %dma_start3A_13 = arith.constant 0 : i32
    %dma_start3A_14 = tpu.memref_slice %arg2[%add3A, %dma_start3A, %dma_start3A_13] : memref<32x125x80xi32, #tpu.memory_space<hbm>> -> memref<1x1x80xi32, #tpu.memory_space<hbm>>
    %dma_start3A_15 = tpu.memref_squeeze %dma_start3A_14 : memref<1x1x80xi32, #tpu.memory_space<hbm>> -> memref<80xi32, #tpu.memory_space<hbm>>
    tpu.enqueue_dma source(%dma_start3A_15 : memref<80xi32, #tpu.memory_space<hbm>>) target(%dma_start3A_12 : memref<80xi32, #tpu.memory_space<vmem>>) target_semaphore(%arg15 : memref<!tpu.dma_semaphore, #tpu.memory_space<semaphore_mem>>)
    %dma_wait3A = arith.constant 0 : i32
    %dma_wait3A_16 = arith.constant 0 : i32
    %dma_wait3A_17 = arith.constant 0 : i32
    %dma_wait3A_18 = tpu.memref_slice %arg8[%dma_wait3A_16, %dma_wait3A_17] : memref<2x80xi32, #tpu.memory_space<vmem>> -> memref<1x80xi32, #tpu.memory_space<vmem>>
    %dma_wait3A_19 = tpu.memref_squeeze %dma_wait3A_18 : memref<1x80xi32, #tpu.memory_space<vmem>> -> memref<80xi32, #tpu.memory_space<vmem>>
    %dma_wait3A_20 = arith.constant 0 : i32
    %dma_wait3A_21 = tpu.memref_slice %arg2[%add3A, %dma_wait3A, %dma_wait3A_20] : memref<32x125x80xi32, #tpu.memory_space<hbm>> -> memref<1x1x80xi32, #tpu.memory_space<hbm>>
    %dma_wait3A_22 = tpu.memref_squeeze %dma_wait3A_21 : memref<1x1x80xi32, #tpu.memory_space<hbm>> -> memref<80xi32, #tpu.memory_space<hbm>>
    %dma_wait3A_23 = arith.constant 0 : i32
    %dma_wait3A_24 = tpu.memref_slice %arg8[%dma_wait3A_16, %dma_wait3A_23] : memref<2x80xi32, #tpu.memory_space<vmem>> -> memref<1x80xi32, #tpu.memory_space<vmem>>
    %dma_wait3A_25 = tpu.memref_squeeze %dma_wait3A_24 : memref<1x80xi32, #tpu.memory_space<vmem>> -> memref<80xi32, #tpu.memory_space<vmem>>
    %dma_wait3A_26 = arith.constant 0 : i32
    %dma_wait3A_27 = tpu.memref_slice %arg2[%add3A, %dma_wait3A, %dma_wait3A_26] : memref<32x125x80xi32, #tpu.memory_space<hbm>> -> memref<1x1x80xi32, #tpu.memory_space<hbm>>
    %dma_wait3A_28 = tpu.memref_squeeze %dma_wait3A_27 : memref<1x1x80xi32, #tpu.memory_space<hbm>> -> memref<80xi32, #tpu.memory_space<hbm>>
    tpu.wait_dma2 semaphore(%arg15 : memref<!tpu.dma_semaphore, #tpu.memory_space<semaphore_mem>>) src(%dma_wait3A_28 : memref<80xi32, #tpu.memory_space<hbm>>) dst(%dma_wait3A_25 : memref<80xi32, #tpu.memory_space<vmem>>)
    %get3A = arith.constant 0 : i32
    %get3A_29 = arith.index_cast %get3A : i32 to index
    %get3A_30 = arith.constant 0 : index
    %get3A_31 = tpu.vector_load %arg8[%get3A_29, %get3A_30] {strides = array<i32>} : memref<2x80xi32, #tpu.memory_space<vmem>>, vector<16xi32>,
    %get3A_32 = arith.constant 0 : i32
    %get3A_33 = arith.index_cast %get3A_32 : i32 to index
    %get3A_34 = arith.constant 0 : index
    %get3A_35 = tpu.vector_load %arg9[%get3A_33, %get3A_34] {strides = array<i32>} : memref<125x80xi32, #tpu.memory_space<vmem>>, vector<16xi32>,
    %eq3A = arith.cmpi eq, %get3A_31, %get3A_35 : vector<16xi32>
    %jit3A = arith.constant 10000 : i32
    %broadcast_in_dim3A = vector.broadcast %jit3A : i32 to vector<16xi32>
    %select_n3A = arith.select %eq3A, %broadcast_in_dim3A, %get3A_35 : vector<16xi1>, vector<16xi32>
    %swap3A = arith.constant 0 : i32
    %swap3A_36 = arith.index_cast %swap3A : i32 to index
    %swap3A_37 = arith.constant 0 : index
    %swap3A_38 = tpu.vector_load %arg9[%swap3A_36, %swap3A_37] {strides = array<i32>} : memref<125x80xi32, #tpu.memory_space<vmem>>, vector<16xi32>,
    tpu.vector_store %arg9[%swap3A_36, %swap3A_37], %select_n3A {strides = array<i32>} : memref<125x80xi32, #tpu.memory_space<vmem>>, vector<16xi32>,
    %get3A_39 = arith.constant 0 : i32
    %get3A_40 = arith.index_cast %get3A_39 : i32 to index
    %get3A_41 = arith.constant 16 : index
    %get3A_42 = tpu.vector_load %arg8[%get3A_40, %get3A_41] {strides = array<i32>} : memref<2x80xi32, #tpu.memory_space<vmem>>, vector<16xi32>,
    %get3A_43 = arith.constant 0 : i32
    %get3A_44 = arith.index_cast %get3A_43 : i32 to index
    %get3A_45 = arith.constant 16 : index
    %get3A_46 = tpu.vector_load %arg9[%get3A_44, %get3A_45] {strides = array<i32>} : memref<125x80xi32, #tpu.memory_space<vmem>>, vector<16xi32>,
    %eq3A_47 = arith.cmpi eq, %get3A_42, %get3A_46 : vector<16xi32>
    %jit3A_48 = arith.constant 10000 : i32
    %broadcast_in_dim3A_49 = vector.broadcast %jit3A_48 : i32 to vector<16xi32>
    %select_n3A_50 = arith.select %eq3A_47, %broadcast_in_dim3A_49, %get3A_46 : vector<16xi1>, vector<16xi32>
    %swap3A_51 = arith.constant 0 : i32
    %swap3A_52 = arith.index_cast %swap3A_51 : i32 to index
    %swap3A_53 = arith.constant 16 : index
    %swap3A_54 = tpu.vector_load %arg9[%swap3A_52, %swap3A_53] {strides = array<i32>} : memref<125x80xi32, #tpu.memory_space<vmem>>, vector<16xi32>,
    tpu.vector_store %arg9[%swap3A_52, %swap3A_53], %select_n3A_50 {strides = array<i32>} : memref<125x80xi32, #tpu.memory_space<vmem>>, vector<16xi32>,
    %get3A_55 = arith.constant 0 : i32
    %get3A_56 = arith.index_cast %get3A_55 : i32 to index
    %get3A_57 = arith.constant 32 : index
    %get3A_58 = tpu.vector_load %arg8[%get3A_56, %get3A_57] {strides = array<i32>} : memref<2x80xi32, #tpu.memory_space<vmem>>, vector<16xi32>,
    %get3A_59 = arith.constant 0 : i32
    %get3A_60 = arith.index_cast %get3A_59 : i32 to index
    %get3A_61 = arith.constant 32 : index
    %get3A_62 = tpu.vector_load %arg9[%get3A_60, %get3A_61] {strides = array<i32>} : memref<125x80xi32, #tpu.memory_space<vmem>>, vector<16xi32>,
    %eq3A_63 = arith.cmpi eq, %get3A_58, %get3A_62 : vector<16xi32>
    %jit3A_64 = arith.constant 10000 : i32
    %broadcast_in_dim3A_65 = vector.broadcast %jit3A_64 : i32 to vector<16xi32>
    %select_n3A_66 = arith.select %eq3A_63, %broadcast_in_dim3A_65, %get3A_62 : vector<16xi1>, vector<16xi32>
    %swap3A_67 = arith.constant 0 : i32
    %swap3A_68 = arith.index_cast %swap3A_67 : i32 to index
    %swap3A_69 = arith.constant 32 : index
    %swap3A_70 = tpu.vector_load %arg9[%swap3A_68, %swap3A_69] {strides = array<i32>} : memref<125x80xi32, #tpu.memory_space<vmem>>, vector<16xi32>,
    tpu.vector_store %arg9[%swap3A_68, %swap3A_69], %select_n3A_66 {strides = array<i32>} : memref<125x80xi32, #tpu.memory_space<vmem>>, vector<16xi32>,
    %get3A_71 = arith.constant 0 : i32
    %get3A_72 = arith.index_cast %get3A_71 : i32 to index
    %get3A_73 = arith.constant 48 : index
    %get3A_74 = tpu.vector_load %arg8[%get3A_72, %get3A_73] {strides = array<i32>} : memref<2x80xi32, #tpu.memory_space<vmem>>, vector<16xi32>,
    %get3A_75 = arith.constant 0 : i32
    %get3A_76 = arith.index_cast %get3A_75 : i32 to index
    %get3A_77 = arith.constant 48 : index
    %get3A_78 = tpu.vector_load %arg9[%get3A_76, %get3A_77] {strides = array<i32>} : memref<125x80xi32, #tpu.memory_space<vmem>>, vector<16xi32>,
    %eq3A_79 = arith.cmpi eq, %get3A_74, %get3A_78 : vector<16xi32>
    %jit3A_80 = arith.constant 10000 : i32
    %broadcast_in_dim3A_81 = vector.broadcast %jit3A_80 : i32 to vector<16xi32>
    %select_n3A_82 = arith.select %eq3A_79, %broadcast_in_dim3A_81, %get3A_78 : vector<16xi1>, vector<16xi32>
    %swap3A_83 = arith.constant 0 : i32
    %swap3A_84 = arith.index_cast %swap3A_83 : i32 to index
    %swap3A_85 = arith.constant 48 : index
    %swap3A_86 = tpu.vector_load %arg9[%swap3A_84, %swap3A_85] {strides = array<i32>} : memref<125x80xi32, #tpu.memory_space<vmem>>, vector<16xi32>,
    tpu.vector_store %arg9[%swap3A_84, %swap3A_85], %select_n3A_82 {strides = array<i32>} : memref<125x80xi32, #tpu.memory_space<vmem>>, vector<16xi32>,
    %get3A_87 = arith.constant 0 : i32
    %get3A_88 = arith.index_cast %get3A_87 : i32 to index
    %get3A_89 = arith.constant 64 : index
    %get3A_90 = tpu.vector_load %arg8[%get3A_88, %get3A_89] {strides = array<i32>} : memref<2x80xi32, #tpu.memory_space<vmem>>, vector<16xi32>,
    %get3A_91 = arith.constant 0 : i32
    %get3A_92 = arith.index_cast %get3A_91 : i32 to index
    %get3A_93 = arith.constant 64 : index
    %get3A_94 = tpu.vector_load %arg9[%get3A_92, %get3A_93] {strides = array<i32>} : memref<125x80xi32, #tpu.memory_space<vmem>>, vector<16xi32>,
    %eq3A_95 = arith.cmpi eq, %get3A_90, %get3A_94 : vector<16xi32>
    %jit3A_96 = arith.constant 10000 : i32
    %broadcast_in_dim3A_97 = vector.broadcast %jit3A_96 : i32 to vector<16xi32>
    %select_n3A_98 = arith.select %eq3A_95, %broadcast_in_dim3A_97, %get3A_94 : vector<16xi1>, vector<16xi32>
    %swap3A_99 = arith.constant 0 : i32
    %swap3A_100 = arith.index_cast %swap3A_99 : i32 to index
    %swap3A_101 = arith.constant 64 : index
    %swap3A_102 = tpu.vector_load %arg9[%swap3A_100, %swap3A_101] {strides = array<i32>} : memref<125x80xi32, #tpu.memory_space<vmem>>, vector<16xi32>,
    tpu.vector_store %arg9[%swap3A_100, %swap3A_101], %select_n3A_98 {strides = array<i32>} : memref<125x80xi32, #tpu.memory_space<vmem>>, vector<16xi32>,
    %dma_start3A_103 = arith.constant 0 : i32
    %dma_start3A_104 = arith.constant 0 : i32
    %dma_start3A_105 = arith.constant 0 : i32
    %dma_start3A_106 = arith.constant 0 : i32
    %dma_start3A_107 = tpu.memref_slice %arg11[%dma_start3A_104, %dma_start3A_105, %dma_start3A_106] : memref<2x80x80xf32, #tpu.memory_space<vmem>> -> memref<1x80x80xf32, #tpu.memory_space<vmem>>
    %dma_start3A_108 = tpu.memref_squeeze %dma_start3A_107 : memref<1x80x80xf32, #tpu.memory_space<vmem>> -> memref<80x80xf32, #tpu.memory_space<vmem>>
    %dma_start3A_109 = arith.constant 0 : i32
    %dma_start3A_110 = tpu.memref_slice %arg8[%dma_start3A_103, %dma_start3A_109] : memref<2x80xi32, #tpu.memory_space<vmem>> -> memref<1x80xi32, #tpu.memory_space<vmem>>
    %dma_start3A_111 = tpu.memref_squeeze %dma_start3A_110 : memref<1x80xi32, #tpu.memory_space<vmem>> -> memref<80xi32, #tpu.memory_space<vmem>>
    %dma_start3A_112 = arith.constant 0 : i32
    %dma_start3A_113 = arith.constant 0 : i32
    %dma_start3A_114 = tpu.memref_slice %arg4[%dma_start3A_112, %dma_start3A_113] : memref<10112x80xf32, #tpu.memory_space<hbm>> -> memref<10112x80xf32, #tpu.memory_space<hbm>>
    tpu.enqueue_indirect_dma source(%dma_start3A_114 : memref<10112x80xf32, #tpu.memory_space<hbm>>) target(%dma_start3A_108 : memref<80x80xf32, #tpu.memory_space<vmem>>) offsets(%dma_start3A_111 : memref<80xi32, #tpu.memory_space<vmem>>) semaphore(%arg13 : memref<!tpu.dma_semaphore, #tpu.memory_space<semaphore_mem>>)
    %dma_start3A_115 = arith.constant 0 : i32
    %dma_start3A_116 = arith.constant 0 : i32
    %dma_start3A_117 = arith.constant 0 : i32
    %dma_start3A_118 = arith.constant 0 : i32
    %dma_start3A_119 = tpu.memref_slice %arg10[%dma_start3A_116, %dma_start3A_117, %dma_start3A_118] : memref<2x80x16xf32, #tpu.memory_space<vmem>> -> memref<1x80x16xf32, #tpu.memory_space<vmem>>
    %dma_start3A_120 = tpu.memref_squeeze %dma_start3A_119 : memref<1x80x16xf32, #tpu.memory_space<vmem>> -> memref<80x16xf32, #tpu.memory_space<vmem>>
    %dma_start3A_121 = arith.constant 0 : i32
    %dma_start3A_122 = tpu.memref_slice %arg9[%dma_start3A_115, %dma_start3A_121] : memref<125x80xi32, #tpu.memory_space<vmem>> -> memref<1x80xi32, #tpu.memory_space<vmem>>
    %dma_start3A_123 = tpu.memref_squeeze %dma_start3A_122 : memref<1x80xi32, #tpu.memory_space<vmem>> -> memref<80xi32, #tpu.memory_space<vmem>>
    %dma_start3A_124 = arith.constant 0 : i32
    %dma_start3A_125 = arith.constant 0 : i32
    %dma_start3A_126 = tpu.memref_slice %arg5[%dma_start3A_124, %dma_start3A_125] : memref<10112x16xf32, #tpu.memory_space<hbm>> -> memref<10112x16xf32, #tpu.memory_space<hbm>>
    tpu.enqueue_indirect_dma source(%dma_start3A_126 : memref<10112x16xf32, #tpu.memory_space<hbm>>) target(%dma_start3A_120 : memref<80x16xf32, #tpu.memory_space<vmem>>) offsets(%dma_start3A_123 : memref<80xi32, #tpu.memory_space<vmem>>) semaphore(%arg13 : memref<!tpu.dma_semaphore, #tpu.memory_space<semaphore_mem>>)
    %dma_start3A_127 = arith.constant 1 : i32
    %dma_start3A_128 = arith.constant 0 : i32
    %dma_start3A_129 = arith.constant 0 : i32
    %dma_start3A_130 = tpu.memref_slice %arg11[%dma_start3A_127, %dma_start3A_128, %dma_start3A_129] : memref<2x80x80xf32, #tpu.memory_space<vmem>> -> memref<1x80x80xf32, #tpu.memory_space<vmem>>
    %dma_start3A_131 = tpu.memref_squeeze %dma_start3A_130 : memref<1x80x80xf32, #tpu.memory_space<vmem>> -> memref<80x80xf32, #tpu.memory_space<vmem>>
    %dma_start3A_132 = arith.constant 0 : i32
    %dma_start3A_133 = arith.constant 0 : i32
    %dma_start3A_134 = tpu.memref_slice %arg6[%dma_start3A_132, %dma_start3A_133] : memref<10112x80xf32, #tpu.memory_space<hbm>> -> memref<80x80xf32, #tpu.memory_space<hbm>>
    %dma_start3A_135 = arith.constant 0 : i32
    %dma_start3A_136 = arith.constant 0 : i32
    %dma_start3A_137 = tpu.memref_slice %arg11[%dma_start3A_127, %dma_start3A_135, %dma_start3A_136] : memref<2x80x80xf32, #tpu.memory_space<vmem>> -> memref<1x80x80xf32, #tpu.memory_space<vmem>>
    %dma_start3A_138 = tpu.memref_squeeze %dma_start3A_137 : memref<1x80x80xf32, #tpu.memory_space<vmem>> -> memref<80x80xf32, #tpu.memory_space<vmem>>
    %dma_start3A_139 = arith.constant 0 : i32
    %dma_start3A_140 = arith.constant 0 : i32
    %dma_start3A_141 = tpu.memref_slice %arg6[%dma_start3A_139, %dma_start3A_140] : memref<10112x80xf32, #tpu.memory_space<hbm>> -> memref<80x80xf32, #tpu.memory_space<hbm>>
    tpu.enqueue_dma source(%dma_start3A_141 : memref<80x80xf32, #tpu.memory_space<hbm>>) target(%dma_start3A_138 : memref<80x80xf32, #tpu.memory_space<vmem>>) target_semaphore(%arg18 : memref<!tpu.dma_semaphore, #tpu.memory_space<semaphore_mem>>)
    %dma_start3A_142 = arith.constant 1 : i32
    %dma_start3A_143 = arith.constant 1 : i32
    %dma_start3A_144 = arith.constant 0 : i32
    %dma_start3A_145 = tpu.memref_slice %arg8[%dma_start3A_143, %dma_start3A_144] : memref<2x80xi32, #tpu.memory_space<vmem>> -> memref<1x80xi32, #tpu.memory_space<vmem>>
    %dma_start3A_146 = tpu.memref_squeeze %dma_start3A_145 : memref<1x80xi32, #tpu.memory_space<vmem>> -> memref<80xi32, #tpu.memory_space<vmem>>
    %dma_start3A_147 = arith.constant 0 : i32
    %dma_start3A_148 = tpu.memref_slice %arg2[%add3A, %dma_start3A_142, %dma_start3A_147] : memref<32x125x80xi32, #tpu.memory_space<hbm>> -> memref<1x1x80xi32, #tpu.memory_space<hbm>>
    %dma_start3A_149 = tpu.memref_squeeze %dma_start3A_148 : memref<1x1x80xi32, #tpu.memory_space<hbm>> -> memref<80xi32, #tpu.memory_space<hbm>>
    %dma_start3A_150 = arith.constant 0 : i32
    %dma_start3A_151 = tpu.memref_slice %arg8[%dma_start3A_143, %dma_start3A_150] : memref<2x80xi32, #tpu.memory_space<vmem>> -> memref<1x80xi32, #tpu.memory_space<vmem>>
    %dma_start3A_152 = tpu.memref_squeeze %dma_start3A_151 : memref<1x80xi32, #tpu.memory_space<vmem>> -> memref<80xi32, #tpu.memory_space<vmem>>
    %dma_start3A_153 = arith.constant 0 : i32
    %dma_start3A_154 = tpu.memref_slice %arg2[%add3A, %dma_start3A_142, %dma_start3A_153] : memref<32x125x80xi32, #tpu.memory_space<hbm>> -> memref<1x1x80xi32, #tpu.memory_space<hbm>>
    %dma_start3A_155 = tpu.memref_squeeze %dma_start3A_154 : memref<1x1x80xi32, #tpu.memory_space<hbm>> -> memref<80xi32, #tpu.memory_space<hbm>>
    tpu.enqueue_dma source(%dma_start3A_155 : memref<80xi32, #tpu.memory_space<hbm>>) target(%dma_start3A_152 : memref<80xi32, #tpu.memory_space<vmem>>) target_semaphore(%arg16 : memref<!tpu.dma_semaphore, #tpu.memory_space<semaphore_mem>>)
    %scan3A = arith.constant 0 : i32
    %scan3A_156 = arith.constant 0 : i32
    %scan3A_157 = arith.constant 62 : i32
    %scan3A_158 = arith.addi %scan3A_156, %scan3A_157 : i32
    %scan3A_159 = arith.constant 1 : i32
    scf.for %scan3A_238 = %scan3A_156 to %scan3A_158 step %scan3A_159  : i32 {
      %dma_wait3A_239 = arith.constant 0 : i32
      %dma_wait3A_240 = arith.constant 1 : i32
      %dma_wait3A_241 = arith.constant 0 : i32
      %dma_wait3A_242 = tpu.memref_slice %arg8[%dma_wait3A_240, %dma_wait3A_241] : memref<2x80xi32, #tpu.memory_space<vmem>> -> memref<1x80xi32, #tpu.memory_space<vmem>>
      %dma_wait3A_243 = tpu.memref_squeeze %dma_wait3A_242 : memref<1x80xi32, #tpu.memory_space<vmem>> -> memref<80xi32, #tpu.memory_space<vmem>>
      %dma_wait3A_244 = arith.constant 0 : i32
      %dma_wait3A_245 = tpu.memref_slice %arg2[%add3A, %dma_wait3A_239, %dma_wait3A_244] : memref<32x125x80xi32, #tpu.memory_space<hbm>> -> memref<1x1x80xi32, #tpu.memory_space<hbm>>
      %dma_wait3A_246 = tpu.memref_squeeze %dma_wait3A_245 : memref<1x1x80xi32, #tpu.memory_space<hbm>> -> memref<80xi32, #tpu.memory_space<hbm>>
      %dma_wait3A_247 = arith.constant 0 : i32
      %dma_wait3A_248 = tpu.memref_slice %arg8[%dma_wait3A_240, %dma_wait3A_247] : memref<2x80xi32, #tpu.memory_space<vmem>> -> memref<1x80xi32, #tpu.memory_space<vmem>>
      %dma_wait3A_249 = tpu.memref_squeeze %dma_wait3A_248 : memref<1x80xi32, #tpu.memory_space<vmem>> -> memref<80xi32, #tpu.memory_space<vmem>>
      %dma_wait3A_250 = arith.constant 0 : i32
      %dma_wait3A_251 = tpu.memref_slice %arg2[%add3A, %dma_wait3A_239, %dma_wait3A_250] : memref<32x125x80xi32, #tpu.memory_space<hbm>> -> memref<1x1x80xi32, #tpu.memory_space<hbm>>
      %dma_wait3A_252 = tpu.memref_squeeze %dma_wait3A_251 : memref<1x1x80xi32, #tpu.memory_space<hbm>> -> memref<80xi32, #tpu.memory_space<hbm>>
      tpu.wait_dma2 semaphore(%arg16 : memref<!tpu.dma_semaphore, #tpu.memory_space<semaphore_mem>>) src(%dma_wait3A_252 : memref<80xi32, #tpu.memory_space<hbm>>) dst(%dma_wait3A_249 : memref<80xi32, #tpu.memory_space<vmem>>)
      %mul3A_253 = arith.constant 2 : i32
      %mul3A_254 = arith.muli %mul3A_253, %scan3A_238 : i32
      %add3A_255 = arith.constant 1 : i32
      %add3A_256 = arith.addi %mul3A_254, %add3A_255 : i32
      %get3A_257 = arith.constant 1 : i32
      %get3A_258 = arith.index_cast %get3A_257 : i32 to index
      %get3A_259 = arith.constant 0 : index
      %get3A_260 = tpu.vector_load %arg8[%get3A_258, %get3A_259] {strides = array<i32>} : memref<2x80xi32, #tpu.memory_space<vmem>>, vector<16xi32>,
      %get3A_261 = arith.index_cast %add3A_256 : i32 to index
      %get3A_262 = arith.constant 0 : index
      %get3A_263 = tpu.vector_load %arg9[%get3A_261, %get3A_262] {strides = array<i32>} : memref<125x80xi32, #tpu.memory_space<vmem>>, vector<16xi32>,
      %eq3A_264 = arith.cmpi eq, %get3A_260, %get3A_263 : vector<16xi32>
      %jit3A_265 = arith.constant 10000 : i32
      %broadcast_in_dim3A_266 = vector.broadcast %jit3A_265 : i32 to vector<16xi32>
      %select_n3A_267 = arith.select %eq3A_264, %broadcast_in_dim3A_266, %get3A_263 : vector<16xi1>, vector<16xi32>
      %swap3A_268 = arith.index_cast %add3A_256 : i32 to index
      %swap3A_269 = arith.constant 0 : index
      %swap3A_270 = tpu.vector_load %arg9[%swap3A_268, %swap3A_269] {strides = array<i32>} : memref<125x80xi32, #tpu.memory_space<vmem>>, vector<16xi32>,
      tpu.vector_store %arg9[%swap3A_268, %swap3A_269], %select_n3A_267 {strides = array<i32>} : memref<125x80xi32, #tpu.memory_space<vmem>>, vector<16xi32>,
      %get3A_271 = arith.constant 1 : i32
      %get3A_272 = arith.index_cast %get3A_271 : i32 to index
      %get3A_273 = arith.constant 16 : index
      %get3A_274 = tpu.vector_load %arg8[%get3A_272, %get3A_273] {strides = array<i32>} : memref<2x80xi32, #tpu.memory_space<vmem>>, vector<16xi32>,
      %get3A_275 = arith.index_cast %add3A_256 : i32 to index
      %get3A_276 = arith.constant 16 : index
      %get3A_277 = tpu.vector_load %arg9[%get3A_275, %get3A_276] {strides = array<i32>} : memref<125x80xi32, #tpu.memory_space<vmem>>, vector<16xi32>,
      %eq3A_278 = arith.cmpi eq, %get3A_274, %get3A_277 : vector<16xi32>
      %jit3A_279 = arith.constant 10000 : i32
      %broadcast_in_dim3A_280 = vector.broadcast %jit3A_279 : i32 to vector<16xi32>
      %select_n3A_281 = arith.select %eq3A_278, %broadcast_in_dim3A_280, %get3A_277 : vector<16xi1>, vector<16xi32>
      %swap3A_282 = arith.index_cast %add3A_256 : i32 to index
      %swap3A_283 = arith.constant 16 : index
      %swap3A_284 = tpu.vector_load %arg9[%swap3A_282, %swap3A_283] {strides = array<i32>} : memref<125x80xi32, #tpu.memory_space<vmem>>, vector<16xi32>,
      tpu.vector_store %arg9[%swap3A_282, %swap3A_283], %select_n3A_281 {strides = array<i32>} : memref<125x80xi32, #tpu.memory_space<vmem>>, vector<16xi32>,
      %get3A_285 = arith.constant 1 : i32
      %get3A_286 = arith.index_cast %get3A_285 : i32 to index
      %get3A_287 = arith.constant 32 : index
      %get3A_288 = tpu.vector_load %arg8[%get3A_286, %get3A_287] {strides = array<i32>} : memref<2x80xi32, #tpu.memory_space<vmem>>, vector<16xi32>,
      %get3A_289 = arith.index_cast %add3A_256 : i32 to index
      %get3A_290 = arith.constant 32 : index
      %get3A_291 = tpu.vector_load %arg9[%get3A_289, %get3A_290] {strides = array<i32>} : memref<125x80xi32, #tpu.memory_space<vmem>>, vector<16xi32>,
      %eq3A_292 = arith.cmpi eq, %get3A_288, %get3A_291 : vector<16xi32>
      %jit3A_293 = arith.constant 10000 : i32
      %broadcast_in_dim3A_294 = vector.broadcast %jit3A_293 : i32 to vector<16xi32>
      %select_n3A_295 = arith.select %eq3A_292, %broadcast_in_dim3A_294, %get3A_291 : vector<16xi1>, vector<16xi32>
      %swap3A_296 = arith.index_cast %add3A_256 : i32 to index
      %swap3A_297 = arith.constant 32 : index
      %swap3A_298 = tpu.vector_load %arg9[%swap3A_296, %swap3A_297] {strides = array<i32>} : memref<125x80xi32, #tpu.memory_space<vmem>>, vector<16xi32>,
      tpu.vector_store %arg9[%swap3A_296, %swap3A_297], %select_n3A_295 {strides = array<i32>} : memref<125x80xi32, #tpu.memory_space<vmem>>, vector<16xi32>,
      %get3A_299 = arith.constant 1 : i32
      %get3A_300 = arith.index_cast %get3A_299 : i32 to index
      %get3A_301 = arith.constant 48 : index
      %get3A_302 = tpu.vector_load %arg8[%get3A_300, %get3A_301] {strides = array<i32>} : memref<2x80xi32, #tpu.memory_space<vmem>>, vector<16xi32>,
      %get3A_303 = arith.index_cast %add3A_256 : i32 to index
      %get3A_304 = arith.constant 48 : index
      %get3A_305 = tpu.vector_load %arg9[%get3A_303, %get3A_304] {strides = array<i32>} : memref<125x80xi32, #tpu.memory_space<vmem>>, vector<16xi32>,
      %eq3A_306 = arith.cmpi eq, %get3A_302, %get3A_305 : vector<16xi32>
      %jit3A_307 = arith.constant 10000 : i32
      %broadcast_in_dim3A_308 = vector.broadcast %jit3A_307 : i32 to vector<16xi32>
      %select_n3A_309 = arith.select %eq3A_306, %broadcast_in_dim3A_308, %get3A_305 : vector<16xi1>, vector<16xi32>
      %swap3A_310 = arith.index_cast %add3A_256 : i32 to index
      %swap3A_311 = arith.constant 48 : index
      %swap3A_312 = tpu.vector_load %arg9[%swap3A_310, %swap3A_311] {strides = array<i32>} : memref<125x80xi32, #tpu.memory_space<vmem>>, vector<16xi32>,
      tpu.vector_store %arg9[%swap3A_310, %swap3A_311], %select_n3A_309 {strides = array<i32>} : memref<125x80xi32, #tpu.memory_space<vmem>>, vector<16xi32>,
      %get3A_313 = arith.constant 1 : i32
      %get3A_314 = arith.index_cast %get3A_313 : i32 to index
      %get3A_315 = arith.constant 64 : index
      %get3A_316 = tpu.vector_load %arg8[%get3A_314, %get3A_315] {strides = array<i32>} : memref<2x80xi32, #tpu.memory_space<vmem>>, vector<16xi32>,
      %get3A_317 = arith.index_cast %add3A_256 : i32 to index
      %get3A_318 = arith.constant 64 : index
      %get3A_319 = tpu.vector_load %arg9[%get3A_317, %get3A_318] {strides = array<i32>} : memref<125x80xi32, #tpu.memory_space<vmem>>, vector<16xi32>,
      %eq3A_320 = arith.cmpi eq, %get3A_316, %get3A_319 : vector<16xi32>
      %jit3A_321 = arith.constant 10000 : i32
      %broadcast_in_dim3A_322 = vector.broadcast %jit3A_321 : i32 to vector<16xi32>
      %select_n3A_323 = arith.select %eq3A_320, %broadcast_in_dim3A_322, %get3A_319 : vector<16xi1>, vector<16xi32>
      %swap3A_324 = arith.index_cast %add3A_256 : i32 to index
      %swap3A_325 = arith.constant 64 : index
      %swap3A_326 = tpu.vector_load %arg9[%swap3A_324, %swap3A_325] {strides = array<i32>} : memref<125x80xi32, #tpu.memory_space<vmem>>, vector<16xi32>,
      tpu.vector_store %arg9[%swap3A_324, %swap3A_325], %select_n3A_323 {strides = array<i32>} : memref<125x80xi32, #tpu.memory_space<vmem>>, vector<16xi32>,
      %dma_wait3A_327 = arith.constant 1 : i32
      %dma_wait3A_328 = arith.constant 0 : i32
      %dma_wait3A_329 = arith.constant 0 : i32
      %dma_wait3A_330 = arith.constant 0 : i32
      %dma_wait3A_331 = tpu.memref_slice %arg11[%dma_wait3A_327, %dma_wait3A_329, %dma_wait3A_330] : memref<2x80x80xf32, #tpu.memory_space<vmem>> -> memref<1x80x80xf32, #tpu.memory_space<vmem>>
      %dma_wait3A_332 = tpu.memref_squeeze %dma_wait3A_331 : memref<1x80x80xf32, #tpu.memory_space<vmem>> -> memref<80x80xf32, #tpu.memory_space<vmem>>
      %dma_wait3A_333 = arith.constant 0 : i32
      %dma_wait3A_334 = tpu.memref_slice %arg9[%dma_wait3A_328, %dma_wait3A_333] : memref<125x80xi32, #tpu.memory_space<vmem>> -> memref<1x80xi32, #tpu.memory_space<vmem>>
      %dma_wait3A_335 = tpu.memref_squeeze %dma_wait3A_334 : memref<1x80xi32, #tpu.memory_space<vmem>> -> memref<80xi32, #tpu.memory_space<vmem>>
      %dma_wait3A_336 = arith.constant 0 : i32
      %dma_wait3A_337 = arith.constant 0 : i32
      %dma_wait3A_338 = tpu.memref_slice %arg12[%dma_wait3A_336, %dma_wait3A_337] : memref<10112x80xf32, #tpu.memory_space<vmem_shared>> -> memref<10112x80xf32, #tpu.memory_space<vmem_shared>>
      tpu.wait_indirect_dma semaphore(%arg18 : memref<!tpu.dma_semaphore, #tpu.memory_space<semaphore_mem>>) src(%dma_wait3A_332 : memref<80x80xf32, #tpu.memory_space<vmem>>) dst(%dma_wait3A_338 : memref<10112x80xf32, #tpu.memory_space<vmem_shared>>)
      %mul3A_339 = arith.constant 2 : i32
      %mul3A_340 = arith.muli %mul3A_339, %scan3A_238 : i32
      %add3A_341 = arith.constant 1 : i32
      %add3A_342 = arith.addi %mul3A_340, %add3A_341 : i32
      %dma_start3A_343 = arith.constant 1 : i32
      %dma_start3A_344 = arith.constant 1 : i32
      %dma_start3A_345 = arith.constant 0 : i32
      %dma_start3A_346 = arith.constant 0 : i32
      %dma_start3A_347 = tpu.memref_slice %arg11[%dma_start3A_344, %dma_start3A_345, %dma_start3A_346] : memref<2x80x80xf32, #tpu.memory_space<vmem>> -> memref<1x80x80xf32, #tpu.memory_space<vmem>>
      %dma_start3A_348 = tpu.memref_squeeze %dma_start3A_347 : memref<1x80x80xf32, #tpu.memory_space<vmem>> -> memref<80x80xf32, #tpu.memory_space<vmem>>
      %dma_start3A_349 = arith.constant 0 : i32
      %dma_start3A_350 = tpu.memref_slice %arg8[%dma_start3A_343, %dma_start3A_349] : memref<2x80xi32, #tpu.memory_space<vmem>> -> memref<1x80xi32, #tpu.memory_space<vmem>>
      %dma_start3A_351 = tpu.memref_squeeze %dma_start3A_350 : memref<1x80xi32, #tpu.memory_space<vmem>> -> memref<80xi32, #tpu.memory_space<vmem>>
      %dma_start3A_352 = arith.constant 0 : i32
      %dma_start3A_353 = arith.constant 0 : i32
      %dma_start3A_354 = tpu.memref_slice %arg4[%dma_start3A_352, %dma_start3A_353] : memref<10112x80xf32, #tpu.memory_space<hbm>> -> memref<10112x80xf32, #tpu.memory_space<hbm>>
      tpu.enqueue_indirect_dma source(%dma_start3A_354 : memref<10112x80xf32, #tpu.memory_space<hbm>>) target(%dma_start3A_348 : memref<80x80xf32, #tpu.memory_space<vmem>>) offsets(%dma_start3A_351 : memref<80xi32, #tpu.memory_space<vmem>>) semaphore(%arg14 : memref<!tpu.dma_semaphore, #tpu.memory_space<semaphore_mem>>)
      %dma_start3A_355 = arith.constant 1 : i32
      %dma_start3A_356 = arith.constant 0 : i32
      %dma_start3A_357 = arith.constant 0 : i32
      %dma_start3A_358 = tpu.memref_slice %arg10[%dma_start3A_355, %dma_start3A_356, %dma_start3A_357] : memref<2x80x16xf32, #tpu.memory_space<vmem>> -> memref<1x80x16xf32, #tpu.memory_space<vmem>>
      %dma_start3A_359 = tpu.memref_squeeze %dma_start3A_358 : memref<1x80x16xf32, #tpu.memory_space<vmem>> -> memref<80x16xf32, #tpu.memory_space<vmem>>
      %dma_start3A_360 = arith.constant 0 : i32
      %dma_start3A_361 = tpu.memref_slice %arg9[%add3A_342, %dma_start3A_360] : memref<125x80xi32, #tpu.memory_space<vmem>> -> memref<1x80xi32, #tpu.memory_space<vmem>>
      %dma_start3A_362 = tpu.memref_squeeze %dma_start3A_361 : memref<1x80xi32, #tpu.memory_space<vmem>> -> memref<80xi32, #tpu.memory_space<vmem>>
      %dma_start3A_363 = arith.constant 0 : i32
      %dma_start3A_364 = arith.constant 0 : i32
      %dma_start3A_365 = tpu.memref_slice %arg5[%dma_start3A_363, %dma_start3A_364] : memref<10112x16xf32, #tpu.memory_space<hbm>> -> memref<10112x16xf32, #tpu.memory_space<hbm>>
      tpu.enqueue_indirect_dma source(%dma_start3A_365 : memref<10112x16xf32, #tpu.memory_space<hbm>>) target(%dma_start3A_359 : memref<80x16xf32, #tpu.memory_space<vmem>>) offsets(%dma_start3A_362 : memref<80xi32, #tpu.memory_space<vmem>>) semaphore(%arg14 : memref<!tpu.dma_semaphore, #tpu.memory_space<semaphore_mem>>)
      %dma_wait3A_366 = arith.constant 0 : i32
      %dma_wait3A_367 = arith.constant 0 : i32
      %dma_wait3A_368 = arith.constant 0 : i32
      %dma_wait3A_369 = arith.constant 0 : i32
      %dma_wait3A_370 = tpu.memref_slice %arg11[%dma_wait3A_367, %dma_wait3A_368, %dma_wait3A_369] : memref<2x80x80xf32, #tpu.memory_space<vmem>> -> memref<1x80x80xf32, #tpu.memory_space<vmem>>
      %dma_wait3A_371 = tpu.memref_squeeze %dma_wait3A_370 : memref<1x80x80xf32, #tpu.memory_space<vmem>> -> memref<80x80xf32, #tpu.memory_space<vmem>>
      %dma_wait3A_372 = arith.constant 0 : i32
      %dma_wait3A_373 = tpu.memref_slice %arg8[%dma_wait3A_366, %dma_wait3A_372] : memref<2x80xi32, #tpu.memory_space<vmem>> -> memref<1x80xi32, #tpu.memory_space<vmem>>
      %dma_wait3A_374 = tpu.memref_squeeze %dma_wait3A_373 : memref<1x80xi32, #tpu.memory_space<vmem>> -> memref<80xi32, #tpu.memory_space<vmem>>
      %dma_wait3A_375 = arith.constant 0 : i32
      %dma_wait3A_376 = arith.constant 0 : i32
      %dma_wait3A_377 = tpu.memref_slice %arg4[%dma_wait3A_375, %dma_wait3A_376] : memref<10112x80xf32, #tpu.memory_space<hbm>> -> memref<10112x80xf32, #tpu.memory_space<hbm>>
      tpu.wait_indirect_dma semaphore(%arg13 : memref<!tpu.dma_semaphore, #tpu.memory_space<semaphore_mem>>) src(%dma_wait3A_377 : memref<10112x80xf32, #tpu.memory_space<hbm>>) dst(%dma_wait3A_371 : memref<80x80xf32, #tpu.memory_space<vmem>>)
      %dma_wait3A_378 = arith.constant 0 : i32
      %dma_wait3A_379 = arith.constant 0 : i32
      %dma_wait3A_380 = arith.constant 0 : i32
      %dma_wait3A_381 = arith.constant 0 : i32
      %dma_wait3A_382 = tpu.memref_slice %arg10[%dma_wait3A_379, %dma_wait3A_380, %dma_wait3A_381] : memref<2x80x16xf32, #tpu.memory_space<vmem>> -> memref<1x80x16xf32, #tpu.memory_space<vmem>>
      %dma_wait3A_383 = tpu.memref_squeeze %dma_wait3A_382 : memref<1x80x16xf32, #tpu.memory_space<vmem>> -> memref<80x16xf32, #tpu.memory_space<vmem>>
      %dma_wait3A_384 = arith.constant 0 : i32
      %dma_wait3A_385 = tpu.memref_slice %arg9[%dma_wait3A_378, %dma_wait3A_384] : memref<125x80xi32, #tpu.memory_space<vmem>> -> memref<1x80xi32, #tpu.memory_space<vmem>>
      %dma_wait3A_386 = tpu.memref_squeeze %dma_wait3A_385 : memref<1x80xi32, #tpu.memory_space<vmem>> -> memref<80xi32, #tpu.memory_space<vmem>>
      %dma_wait3A_387 = arith.constant 0 : i32
      %dma_wait3A_388 = arith.constant 0 : i32
      %dma_wait3A_389 = tpu.memref_slice %arg5[%dma_wait3A_387, %dma_wait3A_388] : memref<10112x16xf32, #tpu.memory_space<hbm>> -> memref<10112x16xf32, #tpu.memory_space<hbm>>
      tpu.wait_indirect_dma semaphore(%arg13 : memref<!tpu.dma_semaphore, #tpu.memory_space<semaphore_mem>>) src(%dma_wait3A_389 : memref<10112x16xf32, #tpu.memory_space<hbm>>) dst(%dma_wait3A_383 : memref<80x16xf32, #tpu.memory_space<vmem>>)
      %mul3A_390 = arith.constant 2 : i32
      %mul3A_391 = arith.muli %mul3A_390, %scan3A_238 : i32
      %add3A_392 = arith.constant 2 : i32
      %add3A_393 = arith.addi %mul3A_391, %add3A_392 : i32
      %dma_start3A_394 = arith.constant 0 : i32
      %dma_start3A_395 = arith.constant 0 : i32
      %dma_start3A_396 = tpu.memref_slice %arg8[%dma_start3A_394, %dma_start3A_395] : memref<2x80xi32, #tpu.memory_space<vmem>> -> memref<1x80xi32, #tpu.memory_space<vmem>>
      %dma_start3A_397 = tpu.memref_squeeze %dma_start3A_396 : memref<1x80xi32, #tpu.memory_space<vmem>> -> memref<80xi32, #tpu.memory_space<vmem>>
      %dma_start3A_398 = arith.constant 0 : i32
      %dma_start3A_399 = tpu.memref_slice %arg2[%add3A, %add3A_393, %dma_start3A_398] : memref<32x125x80xi32, #tpu.memory_space<hbm>> -> memref<1x1x80xi32, #tpu.memory_space<hbm>>
      %dma_start3A_400 = tpu.memref_squeeze %dma_start3A_399 : memref<1x1x80xi32, #tpu.memory_space<hbm>> -> memref<80xi32, #tpu.memory_space<hbm>>
      %dma_start3A_401 = arith.constant 0 : i32
      %dma_start3A_402 = tpu.memref_slice %arg8[%dma_start3A_394, %dma_start3A_401] : memref<2x80xi32, #tpu.memory_space<vmem>> -> memref<1x80xi32, #tpu.memory_space<vmem>>
      %dma_start3A_403 = tpu.memref_squeeze %dma_start3A_402 : memref<1x80xi32, #tpu.memory_space<vmem>> -> memref<80xi32, #tpu.memory_space<vmem>>
      %dma_start3A_404 = arith.constant 0 : i32
      %dma_start3A_405 = tpu.memref_slice %arg2[%add3A, %add3A_393, %dma_start3A_404] : memref<32x125x80xi32, #tpu.memory_space<hbm>> -> memref<1x1x80xi32, #tpu.memory_space<hbm>>
      %dma_start3A_406 = tpu.memref_squeeze %dma_start3A_405 : memref<1x1x80xi32, #tpu.memory_space<hbm>> -> memref<80xi32, #tpu.memory_space<hbm>>
      tpu.enqueue_dma source(%dma_start3A_406 : memref<80xi32, #tpu.memory_space<hbm>>) target(%dma_start3A_403 : memref<80xi32, #tpu.memory_space<vmem>>) target_semaphore(%arg15 : memref<!tpu.dma_semaphore, #tpu.memory_space<semaphore_mem>>)
      %mul3A_407 = arith.constant 2 : i32
      %mul3A_408 = arith.muli %mul3A_407, %scan3A_238 : i32
      %parallel_loop3A_409 = arith.constant 0 : i32
      %parallel_loop3A_410 = arith.constant 80 : i32
      %parallel_loop3A_411 = arith.constant 1 : i32
      scf.for %parallel_loop3A_610 = %parallel_loop3A_409 to %parallel_loop3A_410 step %parallel_loop3A_411  : i32 {
        %parallel_loop3A_611 = arith.constant 0 : i32
        %parallel_loop3A_612 = arith.index_cast %parallel_loop3A_611 : i32 to index
        %parallel_loop3A_613 = arith.index_cast %parallel_loop3A_610 : i32 to index
        %parallel_loop3A_614 = arith.constant 64 : index
        %parallel_loop3A_615 = tpu.vector_load %arg11[%parallel_loop3A_612, %parallel_loop3A_613, %parallel_loop3A_614] {strides = array<i32>} : memref<2x80x80xf32, #tpu.memory_space<vmem>>, vector<16xf32>,
        %parallel_loop3A_616 = arith.constant 0 : i32
        %parallel_loop3A_617 = arith.index_cast %parallel_loop3A_616 : i32 to index
        %parallel_loop3A_618 = arith.index_cast %parallel_loop3A_610 : i32 to index
        %parallel_loop3A_619 = arith.constant 0 : index
        %parallel_loop3A_620 = tpu.vector_load %arg10[%parallel_loop3A_617, %parallel_loop3A_618, %parallel_loop3A_619] {strides = array<i32>} : memref<2x80x16xf32, #tpu.memory_space<vmem>>, vector<16xf32>,
        %parallel_loop3A_621 = arith.addf %parallel_loop3A_615, %parallel_loop3A_620 : vector<16xf32>
        %parallel_loop3A_622 = arith.constant 0.000000e+00 : f32
        %parallel_loop3A_623 = vector.broadcast %parallel_loop3A_622 : f32 to vector<16xf32>
        %parallel_loop3A_624 = arith.cmpf ogt, %parallel_loop3A_621, %parallel_loop3A_623 : vector<16xf32>
        %parallel_loop3A_625 = arith.constant 2.000000e-01 : f32
        %parallel_loop3A_626 = vector.broadcast %parallel_loop3A_625 : f32 to vector<16xf32>
        %parallel_loop3A_627 = arith.mulf %parallel_loop3A_626, %parallel_loop3A_621 : vector<16xf32>
        %parallel_loop3A_628 = arith.select %parallel_loop3A_624, %parallel_loop3A_621, %parallel_loop3A_627 : vector<16xi1>, vector<16xf32>
        %parallel_loop3A_629 = math.exp %parallel_loop3A_628 : vector<16xf32>
        %parallel_loop3A_630 = arith.constant 0 : i32
        %parallel_loop3A_631 = arith.index_cast %parallel_loop3A_630 : i32 to index
        %parallel_loop3A_632 = arith.index_cast %parallel_loop3A_610 : i32 to index
        %parallel_loop3A_633 = arith.constant 64 : index
        %parallel_loop3A_634 = tpu.vector_load %arg11[%parallel_loop3A_631, %parallel_loop3A_632, %parallel_loop3A_633] {strides = array<i32>} : memref<2x80x80xf32, #tpu.memory_space<vmem>>, vector<16xf32>,
        tpu.vector_store %arg11[%parallel_loop3A_631, %parallel_loop3A_632, %parallel_loop3A_633], %parallel_loop3A_629 {strides = array<i32>} : memref<2x80x80xf32, #tpu.memory_space<vmem>>, vector<16xf32>,
        %parallel_loop3A_635 = arith.constant 0 : i32
        %parallel_loop3A_636 = vector.broadcast %parallel_loop3A_635 : i32 to vector<16x1xi32>
        %parallel_loop3A_637 = vector.shape_cast %parallel_loop3A_636 : vector<16x1xi32> to vector<16xi32>
        %parallel_loop3A_638 = tpu.dynamic_gather %parallel_loop3A_629[%parallel_loop3A_637] in [0] : vector<16xf32>, vector<16xi32> -> vector<16xf32>
        %parallel_loop3A_639 = arith.constant 0 : i32
        %parallel_loop3A_640 = arith.index_cast %parallel_loop3A_639 : i32 to index
        %parallel_loop3A_641 = arith.index_cast %parallel_loop3A_610 : i32 to index
        %parallel_loop3A_642 = arith.constant 0 : index
        %parallel_loop3A_643 = tpu.vector_load %arg11[%parallel_loop3A_640, %parallel_loop3A_641, %parallel_loop3A_642] {strides = array<i32>} : memref<2x80x80xf32, #tpu.memory_space<vmem>>, vector<16xf32>,
        %parallel_loop3A_644 = arith.mulf %parallel_loop3A_643, %parallel_loop3A_638 : vector<16xf32>
        %parallel_loop3A_645 = arith.constant 0 : i32
        %parallel_loop3A_646 = arith.index_cast %parallel_loop3A_645 : i32 to index
        %parallel_loop3A_647 = arith.index_cast %parallel_loop3A_610 : i32 to index
        %parallel_loop3A_648 = arith.constant 0 : index
        %parallel_loop3A_649 = tpu.vector_load %arg11[%parallel_loop3A_646, %parallel_loop3A_647, %parallel_loop3A_648] {strides = array<i32>} : memref<2x80x80xf32, #tpu.memory_space<vmem>>, vector<16xf32>,
        tpu.vector_store %arg11[%parallel_loop3A_646, %parallel_loop3A_647, %parallel_loop3A_648], %parallel_loop3A_644 {strides = array<i32>} : memref<2x80x80xf32, #tpu.memory_space<vmem>>, vector<16xf32>,
        %parallel_loop3A_650 = arith.constant 0 : i32
        %parallel_loop3A_651 = vector.broadcast %parallel_loop3A_650 : i32 to vector<16x1xi32>
        %parallel_loop3A_652 = vector.shape_cast %parallel_loop3A_651 : vector<16x1xi32> to vector<16xi32>
        %parallel_loop3A_653 = tpu.dynamic_gather %parallel_loop3A_629[%parallel_loop3A_652] in [0] : vector<16xf32>, vector<16xi32> -> vector<16xf32>
        %parallel_loop3A_654 = arith.constant 0 : i32
        %parallel_loop3A_655 = arith.index_cast %parallel_loop3A_654 : i32 to index
        %parallel_loop3A_656 = arith.index_cast %parallel_loop3A_610 : i32 to index
        %parallel_loop3A_657 = arith.constant 16 : index
        %parallel_loop3A_658 = tpu.vector_load %arg11[%parallel_loop3A_655, %parallel_loop3A_656, %parallel_loop3A_657] {strides = array<i32>} : memref<2x80x80xf32, #tpu.memory_space<vmem>>, vector<16xf32>,
        %parallel_loop3A_659 = arith.mulf %parallel_loop3A_658, %parallel_loop3A_653 : vector<16xf32>
        %parallel_loop3A_660 = arith.constant 0 : i32
        %parallel_loop3A_661 = arith.index_cast %parallel_loop3A_660 : i32 to index
        %parallel_loop3A_662 = arith.index_cast %parallel_loop3A_610 : i32 to index
        %parallel_loop3A_663 = arith.constant 16 : index
        %parallel_loop3A_664 = tpu.vector_load %arg11[%parallel_loop3A_661, %parallel_loop3A_662, %parallel_loop3A_663] {strides = array<i32>} : memref<2x80x80xf32, #tpu.memory_space<vmem>>, vector<16xf32>,
        tpu.vector_store %arg11[%parallel_loop3A_661, %parallel_loop3A_662, %parallel_loop3A_663], %parallel_loop3A_659 {strides = array<i32>} : memref<2x80x80xf32, #tpu.memory_space<vmem>>, vector<16xf32>,
        %parallel_loop3A_665 = arith.constant 0 : i32
        %parallel_loop3A_666 = vector.broadcast %parallel_loop3A_665 : i32 to vector<16x1xi32>
        %parallel_loop3A_667 = vector.shape_cast %parallel_loop3A_666 : vector<16x1xi32> to vector<16xi32>
        %parallel_loop3A_668 = tpu.dynamic_gather %parallel_loop3A_629[%parallel_loop3A_667] in [0] : vector<16xf32>, vector<16xi32> -> vector<16xf32>
        %parallel_loop3A_669 = arith.constant 0 : i32
        %parallel_loop3A_670 = arith.index_cast %parallel_loop3A_669 : i32 to index
        %parallel_loop3A_671 = arith.index_cast %parallel_loop3A_610 : i32 to index
        %parallel_loop3A_672 = arith.constant 32 : index
        %parallel_loop3A_673 = tpu.vector_load %arg11[%parallel_loop3A_670, %parallel_loop3A_671, %parallel_loop3A_672] {strides = array<i32>} : memref<2x80x80xf32, #tpu.memory_space<vmem>>, vector<16xf32>,
        %parallel_loop3A_674 = arith.mulf %parallel_loop3A_673, %parallel_loop3A_668 : vector<16xf32>
        %parallel_loop3A_675 = arith.constant 0 : i32
        %parallel_loop3A_676 = arith.index_cast %parallel_loop3A_675 : i32 to index
        %parallel_loop3A_677 = arith.index_cast %parallel_loop3A_610 : i32 to index
        %parallel_loop3A_678 = arith.constant 32 : index
        %parallel_loop3A_679 = tpu.vector_load %arg11[%parallel_loop3A_676, %parallel_loop3A_677, %parallel_loop3A_678] {strides = array<i32>} : memref<2x80x80xf32, #tpu.memory_space<vmem>>, vector<16xf32>,
        tpu.vector_store %arg11[%parallel_loop3A_676, %parallel_loop3A_677, %parallel_loop3A_678], %parallel_loop3A_674 {strides = array<i32>} : memref<2x80x80xf32, #tpu.memory_space<vmem>>, vector<16xf32>,
        %parallel_loop3A_680 = arith.constant 0 : i32
        %parallel_loop3A_681 = vector.broadcast %parallel_loop3A_680 : i32 to vector<16x1xi32>
        %parallel_loop3A_682 = vector.shape_cast %parallel_loop3A_681 : vector<16x1xi32> to vector<16xi32>
        %parallel_loop3A_683 = tpu.dynamic_gather %parallel_loop3A_629[%parallel_loop3A_682] in [0] : vector<16xf32>, vector<16xi32> -> vector<16xf32>
        %parallel_loop3A_684 = arith.constant 0 : i32
        %parallel_loop3A_685 = arith.index_cast %parallel_loop3A_684 : i32 to index
        %parallel_loop3A_686 = arith.index_cast %parallel_loop3A_610 : i32 to index
        %parallel_loop3A_687 = arith.constant 48 : index
        %parallel_loop3A_688 = tpu.vector_load %arg11[%parallel_loop3A_685, %parallel_loop3A_686, %parallel_loop3A_687] {strides = array<i32>} : memref<2x80x80xf32, #tpu.memory_space<vmem>>, vector<16xf32>,
        %parallel_loop3A_689 = arith.mulf %parallel_loop3A_688, %parallel_loop3A_683 : vector<16xf32>
        %parallel_loop3A_690 = arith.constant 0 : i32
        %parallel_loop3A_691 = arith.index_cast %parallel_loop3A_690 : i32 to index
        %parallel_loop3A_692 = arith.index_cast %parallel_loop3A_610 : i32 to index
        %parallel_loop3A_693 = arith.constant 48 : index
        %parallel_loop3A_694 = tpu.vector_load %arg11[%parallel_loop3A_691, %parallel_loop3A_692, %parallel_loop3A_693] {strides = array<i32>} : memref<2x80x80xf32, #tpu.memory_space<vmem>>, vector<16xf32>,
        tpu.vector_store %arg11[%parallel_loop3A_691, %parallel_loop3A_692, %parallel_loop3A_693], %parallel_loop3A_689 {strides = array<i32>} : memref<2x80x80xf32, #tpu.memory_space<vmem>>, vector<16xf32>,
      } {sc.loop_unroll_factor = 2 : i64, sc.parallel_access}
      %dma_start3A_412 = arith.constant 0 : i32
      %dma_start3A_413 = arith.constant 0 : i32
      %dma_start3A_414 = arith.constant 0 : i32
      %dma_start3A_415 = tpu.memref_slice %arg11[%dma_start3A_412, %dma_start3A_413, %dma_start3A_414] : memref<2x80x80xf32, #tpu.memory_space<vmem>> -> memref<1x80x80xf32, #tpu.memory_space<vmem>>
      %dma_start3A_416 = tpu.memref_squeeze %dma_start3A_415 : memref<1x80x80xf32, #tpu.memory_space<vmem>> -> memref<80x80xf32, #tpu.memory_space<vmem>>
      %dma_start3A_417 = arith.constant 0 : i32
      %dma_start3A_418 = tpu.memref_slice %arg9[%mul3A_408, %dma_start3A_417] : memref<125x80xi32, #tpu.memory_space<vmem>> -> memref<1x80xi32, #tpu.memory_space<vmem>>
      %dma_start3A_419 = tpu.memref_squeeze %dma_start3A_418 : memref<1x80xi32, #tpu.memory_space<vmem>> -> memref<80xi32, #tpu.memory_space<vmem>>
      %dma_start3A_420 = arith.constant 0 : i32
      %dma_start3A_421 = arith.constant 0 : i32
      %dma_start3A_422 = tpu.memref_slice %arg12[%dma_start3A_420, %dma_start3A_421] : memref<10112x80xf32, #tpu.memory_space<vmem_shared>> -> memref<10112x80xf32, #tpu.memory_space<vmem_shared>>
      tpu.enqueue_indirect_dma source(%dma_start3A_416 : memref<80x80xf32, #tpu.memory_space<vmem>>) target(%dma_start3A_422 : memref<10112x80xf32, #tpu.memory_space<vmem_shared>>) offsets(%dma_start3A_419 : memref<80xi32, #tpu.memory_space<vmem>>) semaphore(%arg17 : memref<!tpu.dma_semaphore, #tpu.memory_space<semaphore_mem>>) {add = true}
      %dma_wait3A_423 = arith.constant 0 : i32
      %dma_wait3A_424 = arith.constant 0 : i32
      %dma_wait3A_425 = arith.constant 0 : i32
      %dma_wait3A_426 = tpu.memref_slice %arg8[%dma_wait3A_424, %dma_wait3A_425] : memref<2x80xi32, #tpu.memory_space<vmem>> -> memref<1x80xi32, #tpu.memory_space<vmem>>
      %dma_wait3A_427 = tpu.memref_squeeze %dma_wait3A_426 : memref<1x80xi32, #tpu.memory_space<vmem>> -> memref<80xi32, #tpu.memory_space<vmem>>
      %dma_wait3A_428 = arith.constant 0 : i32
      %dma_wait3A_429 = tpu.memref_slice %arg2[%add3A, %dma_wait3A_423, %dma_wait3A_428] : memref<32x125x80xi32, #tpu.memory_space<hbm>> -> memref<1x1x80xi32, #tpu.memory_space<hbm>>
      %dma_wait3A_430 = tpu.memref_squeeze %dma_wait3A_429 : memref<1x1x80xi32, #tpu.memory_space<hbm>> -> memref<80xi32, #tpu.memory_space<hbm>>
      %dma_wait3A_431 = arith.constant 0 : i32
      %dma_wait3A_432 = tpu.memref_slice %arg8[%dma_wait3A_424, %dma_wait3A_431] : memref<2x80xi32, #tpu.memory_space<vmem>> -> memref<1x80xi32, #tpu.memory_space<vmem>>
      %dma_wait3A_433 = tpu.memref_squeeze %dma_wait3A_432 : memref<1x80xi32, #tpu.memory_space<vmem>> -> memref<80xi32, #tpu.memory_space<vmem>>
      %dma_wait3A_434 = arith.constant 0 : i32
      %dma_wait3A_435 = tpu.memref_slice %arg2[%add3A, %dma_wait3A_423, %dma_wait3A_434] : memref<32x125x80xi32, #tpu.memory_space<hbm>> -> memref<1x1x80xi32, #tpu.memory_space<hbm>>
      %dma_wait3A_436 = tpu.memref_squeeze %dma_wait3A_435 : memref<1x1x80xi32, #tpu.memory_space<hbm>> -> memref<80xi32, #tpu.memory_space<hbm>>
      tpu.wait_dma2 semaphore(%arg15 : memref<!tpu.dma_semaphore, #tpu.memory_space<semaphore_mem>>) src(%dma_wait3A_436 : memref<80xi32, #tpu.memory_space<hbm>>) dst(%dma_wait3A_433 : memref<80xi32, #tpu.memory_space<vmem>>)
      %mul3A_437 = arith.constant 2 : i32
      %mul3A_438 = arith.muli %mul3A_437, %scan3A_238 : i32
      %add3A_439 = arith.constant 2 : i32
      %add3A_440 = arith.addi %mul3A_438, %add3A_439 : i32
      %get3A_441 = arith.constant 0 : i32
      %get3A_442 = arith.index_cast %get3A_441 : i32 to index
      %get3A_443 = arith.constant 0 : index
      %get3A_444 = tpu.vector_load %arg8[%get3A_442, %get3A_443] {strides = array<i32>} : memref<2x80xi32, #tpu.memory_space<vmem>>, vector<16xi32>,
      %get3A_445 = arith.index_cast %add3A_440 : i32 to index
      %get3A_446 = arith.constant 0 : index
      %get3A_447 = tpu.vector_load %arg9[%get3A_445, %get3A_446] {strides = array<i32>} : memref<125x80xi32, #tpu.memory_space<vmem>>, vector<16xi32>,
      %eq3A_448 = arith.cmpi eq, %get3A_444, %get3A_447 : vector<16xi32>
      %jit3A_449 = arith.constant 10000 : i32
      %broadcast_in_dim3A_450 = vector.broadcast %jit3A_449 : i32 to vector<16xi32>
      %select_n3A_451 = arith.select %eq3A_448, %broadcast_in_dim3A_450, %get3A_447 : vector<16xi1>, vector<16xi32>
      %swap3A_452 = arith.index_cast %add3A_440 : i32 to index
      %swap3A_453 = arith.constant 0 : index
      %swap3A_454 = tpu.vector_load %arg9[%swap3A_452, %swap3A_453] {strides = array<i32>} : memref<125x80xi32, #tpu.memory_space<vmem>>, vector<16xi32>,
      tpu.vector_store %arg9[%swap3A_452, %swap3A_453], %select_n3A_451 {strides = array<i32>} : memref<125x80xi32, #tpu.memory_space<vmem>>, vector<16xi32>,
      %get3A_455 = arith.constant 0 : i32
      %get3A_456 = arith.index_cast %get3A_455 : i32 to index
      %get3A_457 = arith.constant 16 : index
      %get3A_458 = tpu.vector_load %arg8[%get3A_456, %get3A_457] {strides = array<i32>} : memref<2x80xi32, #tpu.memory_space<vmem>>, vector<16xi32>,
      %get3A_459 = arith.index_cast %add3A_440 : i32 to index
      %get3A_460 = arith.constant 16 : index
      %get3A_461 = tpu.vector_load %arg9[%get3A_459, %get3A_460] {strides = array<i32>} : memref<125x80xi32, #tpu.memory_space<vmem>>, vector<16xi32>,
      %eq3A_462 = arith.cmpi eq, %get3A_458, %get3A_461 : vector<16xi32>
      %jit3A_463 = arith.constant 10000 : i32
      %broadcast_in_dim3A_464 = vector.broadcast %jit3A_463 : i32 to vector<16xi32>
      %select_n3A_465 = arith.select %eq3A_462, %broadcast_in_dim3A_464, %get3A_461 : vector<16xi1>, vector<16xi32>
      %swap3A_466 = arith.index_cast %add3A_440 : i32 to index
      %swap3A_467 = arith.constant 16 : index
      %swap3A_468 = tpu.vector_load %arg9[%swap3A_466, %swap3A_467] {strides = array<i32>} : memref<125x80xi32, #tpu.memory_space<vmem>>, vector<16xi32>,
      tpu.vector_store %arg9[%swap3A_466, %swap3A_467], %select_n3A_465 {strides = array<i32>} : memref<125x80xi32, #tpu.memory_space<vmem>>, vector<16xi32>,
      %get3A_469 = arith.constant 0 : i32
      %get3A_470 = arith.index_cast %get3A_469 : i32 to index
      %get3A_471 = arith.constant 32 : index
      %get3A_472 = tpu.vector_load %arg8[%get3A_470, %get3A_471] {strides = array<i32>} : memref<2x80xi32, #tpu.memory_space<vmem>>, vector<16xi32>,
      %get3A_473 = arith.index_cast %add3A_440 : i32 to index
      %get3A_474 = arith.constant 32 : index
      %get3A_475 = tpu.vector_load %arg9[%get3A_473, %get3A_474] {strides = array<i32>} : memref<125x80xi32, #tpu.memory_space<vmem>>, vector<16xi32>,
      %eq3A_476 = arith.cmpi eq, %get3A_472, %get3A_475 : vector<16xi32>
      %jit3A_477 = arith.constant 10000 : i32
      %broadcast_in_dim3A_478 = vector.broadcast %jit3A_477 : i32 to vector<16xi32>
      %select_n3A_479 = arith.select %eq3A_476, %broadcast_in_dim3A_478, %get3A_475 : vector<16xi1>, vector<16xi32>
      %swap3A_480 = arith.index_cast %add3A_440 : i32 to index
      %swap3A_481 = arith.constant 32 : index
      %swap3A_482 = tpu.vector_load %arg9[%swap3A_480, %swap3A_481] {strides = array<i32>} : memref<125x80xi32, #tpu.memory_space<vmem>>, vector<16xi32>,
      tpu.vector_store %arg9[%swap3A_480, %swap3A_481], %select_n3A_479 {strides = array<i32>} : memref<125x80xi32, #tpu.memory_space<vmem>>, vector<16xi32>,
      %get3A_483 = arith.constant 0 : i32
      %get3A_484 = arith.index_cast %get3A_483 : i32 to index
      %get3A_485 = arith.constant 48 : index
      %get3A_486 = tpu.vector_load %arg8[%get3A_484, %get3A_485] {strides = array<i32>} : memref<2x80xi32, #tpu.memory_space<vmem>>, vector<16xi32>,
      %get3A_487 = arith.index_cast %add3A_440 : i32 to index
      %get3A_488 = arith.constant 48 : index
      %get3A_489 = tpu.vector_load %arg9[%get3A_487, %get3A_488] {strides = array<i32>} : memref<125x80xi32, #tpu.memory_space<vmem>>, vector<16xi32>,
      %eq3A_490 = arith.cmpi eq, %get3A_486, %get3A_489 : vector<16xi32>
      %jit3A_491 = arith.constant 10000 : i32
      %broadcast_in_dim3A_492 = vector.broadcast %jit3A_491 : i32 to vector<16xi32>
      %select_n3A_493 = arith.select %eq3A_490, %broadcast_in_dim3A_492, %get3A_489 : vector<16xi1>, vector<16xi32>
      %swap3A_494 = arith.index_cast %add3A_440 : i32 to index
      %swap3A_495 = arith.constant 48 : index
      %swap3A_496 = tpu.vector_load %arg9[%swap3A_494, %swap3A_495] {strides = array<i32>} : memref<125x80xi32, #tpu.memory_space<vmem>>, vector<16xi32>,
      tpu.vector_store %arg9[%swap3A_494, %swap3A_495], %select_n3A_493 {strides = array<i32>} : memref<125x80xi32, #tpu.memory_space<vmem>>, vector<16xi32>,
      %get3A_497 = arith.constant 0 : i32
      %get3A_498 = arith.index_cast %get3A_497 : i32 to index
      %get3A_499 = arith.constant 64 : index
      %get3A_500 = tpu.vector_load %arg8[%get3A_498, %get3A_499] {strides = array<i32>} : memref<2x80xi32, #tpu.memory_space<vmem>>, vector<16xi32>,
      %get3A_501 = arith.index_cast %add3A_440 : i32 to index
      %get3A_502 = arith.constant 64 : index
      %get3A_503 = tpu.vector_load %arg9[%get3A_501, %get3A_502] {strides = array<i32>} : memref<125x80xi32, #tpu.memory_space<vmem>>, vector<16xi32>,
      %eq3A_504 = arith.cmpi eq, %get3A_500, %get3A_503 : vector<16xi32>
      %jit3A_505 = arith.constant 10000 : i32
      %broadcast_in_dim3A_506 = vector.broadcast %jit3A_505 : i32 to vector<16xi32>
      %select_n3A_507 = arith.select %eq3A_504, %broadcast_in_dim3A_506, %get3A_503 : vector<16xi1>, vector<16xi32>
      %swap3A_508 = arith.index_cast %add3A_440 : i32 to index
      %swap3A_509 = arith.constant 64 : index
      %swap3A_510 = tpu.vector_load %arg9[%swap3A_508, %swap3A_509] {strides = array<i32>} : memref<125x80xi32, #tpu.memory_space<vmem>>, vector<16xi32>,
      tpu.vector_store %arg9[%swap3A_508, %swap3A_509], %select_n3A_507 {strides = array<i32>} : memref<125x80xi32, #tpu.memory_space<vmem>>, vector<16xi32>,
      %dma_wait3A_511 = arith.constant 0 : i32
      %dma_wait3A_512 = arith.constant 0 : i32
      %dma_wait3A_513 = arith.constant 0 : i32
      %dma_wait3A_514 = arith.constant 0 : i32
      %dma_wait3A_515 = tpu.memref_slice %arg11[%dma_wait3A_511, %dma_wait3A_513, %dma_wait3A_514] : memref<2x80x80xf32, #tpu.memory_space<vmem>> -> memref<1x80x80xf32, #tpu.memory_space<vmem>>
      %dma_wait3A_516 = tpu.memref_squeeze %dma_wait3A_515 : memref<1x80x80xf32, #tpu.memory_space<vmem>> -> memref<80x80xf32, #tpu.memory_space<vmem>>
      %dma_wait3A_517 = arith.constant 0 : i32
      %dma_wait3A_518 = tpu.memref_slice %arg9[%dma_wait3A_512, %dma_wait3A_517] : memref<125x80xi32, #tpu.memory_space<vmem>> -> memref<1x80xi32, #tpu.memory_space<vmem>>
      %dma_wait3A_519 = tpu.memref_squeeze %dma_wait3A_518 : memref<1x80xi32, #tpu.memory_space<vmem>> -> memref<80xi32, #tpu.memory_space<vmem>>
      %dma_wait3A_520 = arith.constant 0 : i32
      %dma_wait3A_521 = arith.constant 0 : i32
      %dma_wait3A_522 = tpu.memref_slice %arg12[%dma_wait3A_520, %dma_wait3A_521] : memref<10112x80xf32, #tpu.memory_space<vmem_shared>> -> memref<10112x80xf32, #tpu.memory_space<vmem_shared>>
      tpu.wait_indirect_dma semaphore(%arg17 : memref<!tpu.dma_semaphore, #tpu.memory_space<semaphore_mem>>) src(%dma_wait3A_516 : memref<80x80xf32, #tpu.memory_space<vmem>>) dst(%dma_wait3A_522 : memref<10112x80xf32, #tpu.memory_space<vmem_shared>>)
      %mul3A_523 = arith.constant 2 : i32
      %mul3A_524 = arith.muli %mul3A_523, %scan3A_238 : i32
      %add3A_525 = arith.constant 2 : i32
      %add3A_526 = arith.addi %mul3A_524, %add3A_525 : i32
      %dma_start3A_527 = arith.constant 0 : i32
      %dma_start3A_528 = arith.constant 0 : i32
      %dma_start3A_529 = arith.constant 0 : i32
      %dma_start3A_530 = arith.constant 0 : i32
      %dma_start3A_531 = tpu.memref_slice %arg11[%dma_start3A_528, %dma_start3A_529, %dma_start3A_530] : memref<2x80x80xf32, #tpu.memory_space<vmem>> -> memref<1x80x80xf32, #tpu.memory_space<vmem>>
      %dma_start3A_532 = tpu.memref_squeeze %dma_start3A_531 : memref<1x80x80xf32, #tpu.memory_space<vmem>> -> memref<80x80xf32, #tpu.memory_space<vmem>>
      %dma_start3A_533 = arith.constant 0 : i32
      %dma_start3A_534 = tpu.memref_slice %arg8[%dma_start3A_527, %dma_start3A_533] : memref<2x80xi32, #tpu.memory_space<vmem>> -> memref<1x80xi32, #tpu.memory_space<vmem>>
      %dma_start3A_535 = tpu.memref_squeeze %dma_start3A_534 : memref<1x80xi32, #tpu.memory_space<vmem>> -> memref<80xi32, #tpu.memory_space<vmem>>
      %dma_start3A_536 = arith.constant 0 : i32
      %dma_start3A_537 = arith.constant 0 : i32
      %dma_start3A_538 = tpu.memref_slice %arg4[%dma_start3A_536, %dma_start3A_537] : memref<10112x80xf32, #tpu.memory_space<hbm>> -> memref<10112x80xf32, #tpu.memory_space<hbm>>
      tpu.enqueue_indirect_dma source(%dma_start3A_538 : memref<10112x80xf32, #tpu.memory_space<hbm>>) target(%dma_start3A_532 : memref<80x80xf32, #tpu.memory_space<vmem>>) offsets(%dma_start3A_535 : memref<80xi32, #tpu.memory_space<vmem>>) semaphore(%arg13 : memref<!tpu.dma_semaphore, #tpu.memory_space<semaphore_mem>>)
      %dma_start3A_539 = arith.constant 0 : i32
      %dma_start3A_540 = arith.constant 0 : i32
      %dma_start3A_541 = arith.constant 0 : i32
      %dma_start3A_542 = tpu.memref_slice %arg10[%dma_start3A_539, %dma_start3A_540, %dma_start3A_541] : memref<2x80x16xf32, #tpu.memory_space<vmem>> -> memref<1x80x16xf32, #tpu.memory_space<vmem>>
      %dma_start3A_543 = tpu.memref_squeeze %dma_start3A_542 : memref<1x80x16xf32, #tpu.memory_space<vmem>> -> memref<80x16xf32, #tpu.memory_space<vmem>>
      %dma_start3A_544 = arith.constant 0 : i32
      %dma_start3A_545 = tpu.memref_slice %arg9[%add3A_526, %dma_start3A_544] : memref<125x80xi32, #tpu.memory_space<vmem>> -> memref<1x80xi32, #tpu.memory_space<vmem>>
      %dma_start3A_546 = tpu.memref_squeeze %dma_start3A_545 : memref<1x80xi32, #tpu.memory_space<vmem>> -> memref<80xi32, #tpu.memory_space<vmem>>
      %dma_start3A_547 = arith.constant 0 : i32
      %dma_start3A_548 = arith.constant 0 : i32
      %dma_start3A_549 = tpu.memref_slice %arg5[%dma_start3A_547, %dma_start3A_548] : memref<10112x16xf32, #tpu.memory_space<hbm>> -> memref<10112x16xf32, #tpu.memory_space<hbm>>
      tpu.enqueue_indirect_dma source(%dma_start3A_549 : memref<10112x16xf32, #tpu.memory_space<hbm>>) target(%dma_start3A_543 : memref<80x16xf32, #tpu.memory_space<vmem>>) offsets(%dma_start3A_546 : memref<80xi32, #tpu.memory_space<vmem>>) semaphore(%arg13 : memref<!tpu.dma_semaphore, #tpu.memory_space<semaphore_mem>>)
      %dma_wait3A_550 = arith.constant 0 : i32
      %dma_wait3A_551 = arith.constant 1 : i32
      %dma_wait3A_552 = arith.constant 0 : i32
      %dma_wait3A_553 = arith.constant 0 : i32
      %dma_wait3A_554 = tpu.memref_slice %arg11[%dma_wait3A_551, %dma_wait3A_552, %dma_wait3A_553] : memref<2x80x80xf32, #tpu.memory_space<vmem>> -> memref<1x80x80xf32, #tpu.memory_space<vmem>>
      %dma_wait3A_555 = tpu.memref_squeeze %dma_wait3A_554 : memref<1x80x80xf32, #tpu.memory_space<vmem>> -> memref<80x80xf32, #tpu.memory_space<vmem>>
      %dma_wait3A_556 = arith.constant 0 : i32
      %dma_wait3A_557 = tpu.memref_slice %arg8[%dma_wait3A_550, %dma_wait3A_556] : memref<2x80xi32, #tpu.memory_space<vmem>> -> memref<1x80xi32, #tpu.memory_space<vmem>>
      %dma_wait3A_558 = tpu.memref_squeeze %dma_wait3A_557 : memref<1x80xi32, #tpu.memory_space<vmem>> -> memref<80xi32, #tpu.memory_space<vmem>>
      %dma_wait3A_559 = arith.constant 0 : i32
      %dma_wait3A_560 = arith.constant 0 : i32
      %dma_wait3A_561 = tpu.memref_slice %arg4[%dma_wait3A_559, %dma_wait3A_560] : memref<10112x80xf32, #tpu.memory_space<hbm>> -> memref<10112x80xf32, #tpu.memory_space<hbm>>
      tpu.wait_indirect_dma semaphore(%arg14 : memref<!tpu.dma_semaphore, #tpu.memory_space<semaphore_mem>>) src(%dma_wait3A_561 : memref<10112x80xf32, #tpu.memory_space<hbm>>) dst(%dma_wait3A_555 : memref<80x80xf32, #tpu.memory_space<vmem>>)
      %dma_wait3A_562 = arith.constant 0 : i32
      %dma_wait3A_563 = arith.constant 1 : i32
      %dma_wait3A_564 = arith.constant 0 : i32
      %dma_wait3A_565 = arith.constant 0 : i32
      %dma_wait3A_566 = tpu.memref_slice %arg10[%dma_wait3A_563, %dma_wait3A_564, %dma_wait3A_565] : memref<2x80x16xf32, #tpu.memory_space<vmem>> -> memref<1x80x16xf32, #tpu.memory_space<vmem>>
      %dma_wait3A_567 = tpu.memref_squeeze %dma_wait3A_566 : memref<1x80x16xf32, #tpu.memory_space<vmem>> -> memref<80x16xf32, #tpu.memory_space<vmem>>
      %dma_wait3A_568 = arith.constant 0 : i32
      %dma_wait3A_569 = tpu.memref_slice %arg9[%dma_wait3A_562, %dma_wait3A_568] : memref<125x80xi32, #tpu.memory_space<vmem>> -> memref<1x80xi32, #tpu.memory_space<vmem>>
      %dma_wait3A_570 = tpu.memref_squeeze %dma_wait3A_569 : memref<1x80xi32, #tpu.memory_space<vmem>> -> memref<80xi32, #tpu.memory_space<vmem>>
      %dma_wait3A_571 = arith.constant 0 : i32
      %dma_wait3A_572 = arith.constant 0 : i32
      %dma_wait3A_573 = tpu.memref_slice %arg5[%dma_wait3A_571, %dma_wait3A_572] : memref<10112x16xf32, #tpu.memory_space<hbm>> -> memref<10112x16xf32, #tpu.memory_space<hbm>>
      tpu.wait_indirect_dma semaphore(%arg14 : memref<!tpu.dma_semaphore, #tpu.memory_space<semaphore_mem>>) src(%dma_wait3A_573 : memref<10112x16xf32, #tpu.memory_space<hbm>>) dst(%dma_wait3A_567 : memref<80x16xf32, #tpu.memory_space<vmem>>)
      %mul3A_574 = arith.constant 2 : i32
      %mul3A_575 = arith.muli %mul3A_574, %scan3A_238 : i32
      %add3A_576 = arith.constant 3 : i32
      %add3A_577 = arith.addi %mul3A_575, %add3A_576 : i32
      %min3A = arith.constant 124 : i32
      %min3A_578 = arith.minsi %add3A_577, %min3A : i32
      %dma_start3A_579 = arith.constant 1 : i32
      %dma_start3A_580 = arith.constant 0 : i32
      %dma_start3A_581 = tpu.memref_slice %arg8[%dma_start3A_579, %dma_start3A_580] : memref<2x80xi32, #tpu.memory_space<vmem>> -> memref<1x80xi32, #tpu.memory_space<vmem>>
      %dma_start3A_582 = tpu.memref_squeeze %dma_start3A_581 : memref<1x80xi32, #tpu.memory_space<vmem>> -> memref<80xi32, #tpu.memory_space<vmem>>
      %dma_start3A_583 = arith.constant 0 : i32
      %dma_start3A_584 = tpu.memref_slice %arg2[%add3A, %min3A_578, %dma_start3A_583] : memref<32x125x80xi32, #tpu.memory_space<hbm>> -> memref<1x1x80xi32, #tpu.memory_space<hbm>>
      %dma_start3A_585 = tpu.memref_squeeze %dma_start3A_584 : memref<1x1x80xi32, #tpu.memory_space<hbm>> -> memref<80xi32, #tpu.memory_space<hbm>>
      %dma_start3A_586 = arith.constant 0 : i32
      %dma_start3A_587 = tpu.memref_slice %arg8[%dma_start3A_579, %dma_start3A_586] : memref<2x80xi32, #tpu.memory_space<vmem>> -> memref<1x80xi32, #tpu.memory_space<vmem>>
      %dma_start3A_588 = tpu.memref_squeeze %dma_start3A_587 : memref<1x80xi32, #tpu.memory_space<vmem>> -> memref<80xi32, #tpu.memory_space<vmem>>
      %dma_start3A_589 = arith.constant 0 : i32
      %dma_start3A_590 = tpu.memref_slice %arg2[%add3A, %min3A_578, %dma_start3A_589] : memref<32x125x80xi32, #tpu.memory_space<hbm>> -> memref<1x1x80xi32, #tpu.memory_space<hbm>>
      %dma_start3A_591 = tpu.memref_squeeze %dma_start3A_590 : memref<1x1x80xi32, #tpu.memory_space<hbm>> -> memref<80xi32, #tpu.memory_space<hbm>>
      tpu.enqueue_dma source(%dma_start3A_591 : memref<80xi32, #tpu.memory_space<hbm>>) target(%dma_start3A_588 : memref<80xi32, #tpu.memory_space<vmem>>) target_semaphore(%arg16 : memref<!tpu.dma_semaphore, #tpu.memory_space<semaphore_mem>>)
      %mul3A_592 = arith.constant 2 : i32
      %mul3A_593 = arith.muli %mul3A_592, %scan3A_238 : i32
      %add3A_594 = arith.constant 1 : i32
      %add3A_595 = arith.addi %mul3A_593, %add3A_594 : i32
      %parallel_loop3A_596 = arith.constant 0 : i32
      %parallel_loop3A_597 = arith.constant 80 : i32
      %parallel_loop3A_598 = arith.constant 1 : i32
      scf.for %parallel_loop3A_610 = %parallel_loop3A_596 to %parallel_loop3A_597 step %parallel_loop3A_598  : i32 {
        %parallel_loop3A_611 = arith.constant 1 : i32
        %parallel_loop3A_612 = arith.index_cast %parallel_loop3A_611 : i32 to index
        %parallel_loop3A_613 = arith.index_cast %parallel_loop3A_610 : i32 to index
        %parallel_loop3A_614 = arith.constant 64 : index
        %parallel_loop3A_615 = tpu.vector_load %arg11[%parallel_loop3A_612, %parallel_loop3A_613, %parallel_loop3A_614] {strides = array<i32>} : memref<2x80x80xf32, #tpu.memory_space<vmem>>, vector<16xf32>,
        %parallel_loop3A_616 = arith.constant 1 : i32
        %parallel_loop3A_617 = arith.index_cast %parallel_loop3A_616 : i32 to index
        %parallel_loop3A_618 = arith.index_cast %parallel_loop3A_610 : i32 to index
        %parallel_loop3A_619 = arith.constant 0 : index
        %parallel_loop3A_620 = tpu.vector_load %arg10[%parallel_loop3A_617, %parallel_loop3A_618, %parallel_loop3A_619] {strides = array<i32>} : memref<2x80x16xf32, #tpu.memory_space<vmem>>, vector<16xf32>,
        %parallel_loop3A_621 = arith.addf %parallel_loop3A_615, %parallel_loop3A_620 : vector<16xf32>
        %parallel_loop3A_622 = arith.constant 0.000000e+00 : f32
        %parallel_loop3A_623 = vector.broadcast %parallel_loop3A_622 : f32 to vector<16xf32>
        %parallel_loop3A_624 = arith.cmpf ogt, %parallel_loop3A_621, %parallel_loop3A_623 : vector<16xf32>
        %parallel_loop3A_625 = arith.constant 2.000000e-01 : f32
        %parallel_loop3A_626 = vector.broadcast %parallel_loop3A_625 : f32 to vector<16xf32>
        %parallel_loop3A_627 = arith.mulf %parallel_loop3A_626, %parallel_loop3A_621 : vector<16xf32>
        %parallel_loop3A_628 = arith.select %parallel_loop3A_624, %parallel_loop3A_621, %parallel_loop3A_627 : vector<16xi1>, vector<16xf32>
        %parallel_loop3A_629 = math.exp %parallel_loop3A_628 : vector<16xf32>
        %parallel_loop3A_630 = arith.constant 1 : i32
        %parallel_loop3A_631 = arith.index_cast %parallel_loop3A_630 : i32 to index
        %parallel_loop3A_632 = arith.index_cast %parallel_loop3A_610 : i32 to index
        %parallel_loop3A_633 = arith.constant 64 : index
        %parallel_loop3A_634 = tpu.vector_load %arg11[%parallel_loop3A_631, %parallel_loop3A_632, %parallel_loop3A_633] {strides = array<i32>} : memref<2x80x80xf32, #tpu.memory_space<vmem>>, vector<16xf32>,
        tpu.vector_store %arg11[%parallel_loop3A_631, %parallel_loop3A_632, %parallel_loop3A_633], %parallel_loop3A_629 {strides = array<i32>} : memref<2x80x80xf32, #tpu.memory_space<vmem>>, vector<16xf32>,
        %parallel_loop3A_635 = arith.constant 0 : i32
        %parallel_loop3A_636 = vector.broadcast %parallel_loop3A_635 : i32 to vector<16x1xi32>
        %parallel_loop3A_637 = vector.shape_cast %parallel_loop3A_636 : vector<16x1xi32> to vector<16xi32>
        %parallel_loop3A_638 = tpu.dynamic_gather %parallel_loop3A_629[%parallel_loop3A_637] in [0] : vector<16xf32>, vector<16xi32> -> vector<16xf32>
        %parallel_loop3A_639 = arith.constant 1 : i32
        %parallel_loop3A_640 = arith.index_cast %parallel_loop3A_639 : i32 to index
        %parallel_loop3A_641 = arith.index_cast %parallel_loop3A_610 : i32 to index
        %parallel_loop3A_642 = arith.constant 0 : index
        %parallel_loop3A_643 = tpu.vector_load %arg11[%parallel_loop3A_640, %parallel_loop3A_641, %parallel_loop3A_642] {strides = array<i32>} : memref<2x80x80xf32, #tpu.memory_space<vmem>>, vector<16xf32>,
        %parallel_loop3A_644 = arith.mulf %parallel_loop3A_643, %parallel_loop3A_638 : vector<16xf32>
        %parallel_loop3A_645 = arith.constant 1 : i32
        %parallel_loop3A_646 = arith.index_cast %parallel_loop3A_645 : i32 to index
        %parallel_loop3A_647 = arith.index_cast %parallel_loop3A_610 : i32 to index
        %parallel_loop3A_648 = arith.constant 0 : index
        %parallel_loop3A_649 = tpu.vector_load %arg11[%parallel_loop3A_646, %parallel_loop3A_647, %parallel_loop3A_648] {strides = array<i32>} : memref<2x80x80xf32, #tpu.memory_space<vmem>>, vector<16xf32>,
        tpu.vector_store %arg11[%parallel_loop3A_646, %parallel_loop3A_647, %parallel_loop3A_648], %parallel_loop3A_644 {strides = array<i32>} : memref<2x80x80xf32, #tpu.memory_space<vmem>>, vector<16xf32>,
        %parallel_loop3A_650 = arith.constant 0 : i32
        %parallel_loop3A_651 = vector.broadcast %parallel_loop3A_650 : i32 to vector<16x1xi32>
        %parallel_loop3A_652 = vector.shape_cast %parallel_loop3A_651 : vector<16x1xi32> to vector<16xi32>
        %parallel_loop3A_653 = tpu.dynamic_gather %parallel_loop3A_629[%parallel_loop3A_652] in [0] : vector<16xf32>, vector<16xi32> -> vector<16xf32>
        %parallel_loop3A_654 = arith.constant 1 : i32
        %parallel_loop3A_655 = arith.index_cast %parallel_loop3A_654 : i32 to index
        %parallel_loop3A_656 = arith.index_cast %parallel_loop3A_610 : i32 to index
        %parallel_loop3A_657 = arith.constant 16 : index
        %parallel_loop3A_658 = tpu.vector_load %arg11[%parallel_loop3A_655, %parallel_loop3A_656, %parallel_loop3A_657] {strides = array<i32>} : memref<2x80x80xf32, #tpu.memory_space<vmem>>, vector<16xf32>,
        %parallel_loop3A_659 = arith.mulf %parallel_loop3A_658, %parallel_loop3A_653 : vector<16xf32>
        %parallel_loop3A_660 = arith.constant 1 : i32
        %parallel_loop3A_661 = arith.index_cast %parallel_loop3A_660 : i32 to index
        %parallel_loop3A_662 = arith.index_cast %parallel_loop3A_610 : i32 to index
        %parallel_loop3A_663 = arith.constant 16 : index
        %parallel_loop3A_664 = tpu.vector_load %arg11[%parallel_loop3A_661, %parallel_loop3A_662, %parallel_loop3A_663] {strides = array<i32>} : memref<2x80x80xf32, #tpu.memory_space<vmem>>, vector<16xf32>,
        tpu.vector_store %arg11[%parallel_loop3A_661, %parallel_loop3A_662, %parallel_loop3A_663], %parallel_loop3A_659 {strides = array<i32>} : memref<2x80x80xf32, #tpu.memory_space<vmem>>, vector<16xf32>,
        %parallel_loop3A_665 = arith.constant 0 : i32
        %parallel_loop3A_666 = vector.broadcast %parallel_loop3A_665 : i32 to vector<16x1xi32>
        %parallel_loop3A_667 = vector.shape_cast %parallel_loop3A_666 : vector<16x1xi32> to vector<16xi32>
        %parallel_loop3A_668 = tpu.dynamic_gather %parallel_loop3A_629[%parallel_loop3A_667] in [0] : vector<16xf32>, vector<16xi32> -> vector<16xf32>
        %parallel_loop3A_669 = arith.constant 1 : i32
        %parallel_loop3A_670 = arith.index_cast %parallel_loop3A_669 : i32 to index
        %parallel_loop3A_671 = arith.index_cast %parallel_loop3A_610 : i32 to index
        %parallel_loop3A_672 = arith.constant 32 : index
        %parallel_loop3A_673 = tpu.vector_load %arg11[%parallel_loop3A_670, %parallel_loop3A_671, %parallel_loop3A_672] {strides = array<i32>} : memref<2x80x80xf32, #tpu.memory_space<vmem>>, vector<16xf32>,
        %parallel_loop3A_674 = arith.mulf %parallel_loop3A_673, %parallel_loop3A_668 : vector<16xf32>
        %parallel_loop3A_675 = arith.constant 1 : i32
        %parallel_loop3A_676 = arith.index_cast %parallel_loop3A_675 : i32 to index
        %parallel_loop3A_677 = arith.index_cast %parallel_loop3A_610 : i32 to index
        %parallel_loop3A_678 = arith.constant 32 : index
        %parallel_loop3A_679 = tpu.vector_load %arg11[%parallel_loop3A_676, %parallel_loop3A_677, %parallel_loop3A_678] {strides = array<i32>} : memref<2x80x80xf32, #tpu.memory_space<vmem>>, vector<16xf32>,
        tpu.vector_store %arg11[%parallel_loop3A_676, %parallel_loop3A_677, %parallel_loop3A_678], %parallel_loop3A_674 {strides = array<i32>} : memref<2x80x80xf32, #tpu.memory_space<vmem>>, vector<16xf32>,
        %parallel_loop3A_680 = arith.constant 0 : i32
        %parallel_loop3A_681 = vector.broadcast %parallel_loop3A_680 : i32 to vector<16x1xi32>
        %parallel_loop3A_682 = vector.shape_cast %parallel_loop3A_681 : vector<16x1xi32> to vector<16xi32>
        %parallel_loop3A_683 = tpu.dynamic_gather %parallel_loop3A_629[%parallel_loop3A_682] in [0] : vector<16xf32>, vector<16xi32> -> vector<16xf32>
        %parallel_loop3A_684 = arith.constant 1 : i32
        %parallel_loop3A_685 = arith.index_cast %parallel_loop3A_684 : i32 to index
        %parallel_loop3A_686 = arith.index_cast %parallel_loop3A_610 : i32 to index
        %parallel_loop3A_687 = arith.constant 48 : index
        %parallel_loop3A_688 = tpu.vector_load %arg11[%parallel_loop3A_685, %parallel_loop3A_686, %parallel_loop3A_687] {strides = array<i32>} : memref<2x80x80xf32, #tpu.memory_space<vmem>>, vector<16xf32>,
        %parallel_loop3A_689 = arith.mulf %parallel_loop3A_688, %parallel_loop3A_683 : vector<16xf32>
        %parallel_loop3A_690 = arith.constant 1 : i32
        %parallel_loop3A_691 = arith.index_cast %parallel_loop3A_690 : i32 to index
        %parallel_loop3A_692 = arith.index_cast %parallel_loop3A_610 : i32 to index
        %parallel_loop3A_693 = arith.constant 48 : index
        %parallel_loop3A_694 = tpu.vector_load %arg11[%parallel_loop3A_691, %parallel_loop3A_692, %parallel_loop3A_693] {strides = array<i32>} : memref<2x80x80xf32, #tpu.memory_space<vmem>>, vector<16xf32>,
        tpu.vector_store %arg11[%parallel_loop3A_691, %parallel_loop3A_692, %parallel_loop3A_693], %parallel_loop3A_689 {strides = array<i32>} : memref<2x80x80xf32, #tpu.memory_space<vmem>>, vector<16xf32>,
      } {sc.loop_unroll_factor = 2 : i64, sc.parallel_access}
      %dma_start3A_599 = arith.constant 1 : i32
      %dma_start3A_600 = arith.constant 0 : i32
      %dma_start3A_601 = arith.constant 0 : i32
      %dma_start3A_602 = tpu.memref_slice %arg11[%dma_start3A_599, %dma_start3A_600, %dma_start3A_601] : memref<2x80x80xf32, #tpu.memory_space<vmem>> -> memref<1x80x80xf32, #tpu.memory_space<vmem>>
      %dma_start3A_603 = tpu.memref_squeeze %dma_start3A_602 : memref<1x80x80xf32, #tpu.memory_space<vmem>> -> memref<80x80xf32, #tpu.memory_space<vmem>>
      %dma_start3A_604 = arith.constant 0 : i32
      %dma_start3A_605 = tpu.memref_slice %arg9[%add3A_595, %dma_start3A_604] : memref<125x80xi32, #tpu.memory_space<vmem>> -> memref<1x80xi32, #tpu.memory_space<vmem>>
      %dma_start3A_606 = tpu.memref_squeeze %dma_start3A_605 : memref<1x80xi32, #tpu.memory_space<vmem>> -> memref<80xi32, #tpu.memory_space<vmem>>
      %dma_start3A_607 = arith.constant 0 : i32
      %dma_start3A_608 = arith.constant 0 : i32
      %dma_start3A_609 = tpu.memref_slice %arg12[%dma_start3A_607, %dma_start3A_608] : memref<10112x80xf32, #tpu.memory_space<vmem_shared>> -> memref<10112x80xf32, #tpu.memory_space<vmem_shared>>
      tpu.enqueue_indirect_dma source(%dma_start3A_603 : memref<80x80xf32, #tpu.memory_space<vmem>>) target(%dma_start3A_609 : memref<10112x80xf32, #tpu.memory_space<vmem_shared>>) offsets(%dma_start3A_606 : memref<80xi32, #tpu.memory_space<vmem>>) semaphore(%arg18 : memref<!tpu.dma_semaphore, #tpu.memory_space<semaphore_mem>>) {add = true}
    }
    %scan3A_160 = arith.constant 62 : i32
    %dma_wait3A_161 = arith.constant 0 : i32
    %dma_wait3A_162 = arith.constant 0 : i32
    %dma_wait3A_163 = arith.constant 0 : i32
    %dma_wait3A_164 = arith.constant 0 : i32
    %dma_wait3A_165 = tpu.memref_slice %arg11[%dma_wait3A_162, %dma_wait3A_163, %dma_wait3A_164] : memref<2x80x80xf32, #tpu.memory_space<vmem>> -> memref<1x80x80xf32, #tpu.memory_space<vmem>>
    %dma_wait3A_166 = tpu.memref_squeeze %dma_wait3A_165 : memref<1x80x80xf32, #tpu.memory_space<vmem>> -> memref<80x80xf32, #tpu.memory_space<vmem>>
    %dma_wait3A_167 = arith.constant 0 : i32
    %dma_wait3A_168 = tpu.memref_slice %arg8[%dma_wait3A_161, %dma_wait3A_167] : memref<2x80xi32, #tpu.memory_space<vmem>> -> memref<1x80xi32, #tpu.memory_space<vmem>>
    %dma_wait3A_169 = tpu.memref_squeeze %dma_wait3A_168 : memref<1x80xi32, #tpu.memory_space<vmem>> -> memref<80xi32, #tpu.memory_space<vmem>>
    %dma_wait3A_170 = arith.constant 0 : i32
    %dma_wait3A_171 = arith.constant 0 : i32
    %dma_wait3A_172 = tpu.memref_slice %arg4[%dma_wait3A_170, %dma_wait3A_171] : memref<10112x80xf32, #tpu.memory_space<hbm>> -> memref<10112x80xf32, #tpu.memory_space<hbm>>
    tpu.wait_indirect_dma semaphore(%arg13 : memref<!tpu.dma_semaphore, #tpu.memory_space<semaphore_mem>>) src(%dma_wait3A_172 : memref<10112x80xf32, #tpu.memory_space<hbm>>) dst(%dma_wait3A_166 : memref<80x80xf32, #tpu.memory_space<vmem>>)
    %dma_wait3A_173 = arith.constant 0 : i32
    %dma_wait3A_174 = arith.constant 0 : i32
    %dma_wait3A_175 = arith.constant 0 : i32
    %dma_wait3A_176 = arith.constant 0 : i32
    %dma_wait3A_177 = tpu.memref_slice %arg10[%dma_wait3A_174, %dma_wait3A_175, %dma_wait3A_176] : memref<2x80x16xf32, #tpu.memory_space<vmem>> -> memref<1x80x16xf32, #tpu.memory_space<vmem>>
    %dma_wait3A_178 = tpu.memref_squeeze %dma_wait3A_177 : memref<1x80x16xf32, #tpu.memory_space<vmem>> -> memref<80x16xf32, #tpu.memory_space<vmem>>
    %dma_wait3A_179 = arith.constant 0 : i32
    %dma_wait3A_180 = tpu.memref_slice %arg9[%dma_wait3A_173, %dma_wait3A_179] : memref<125x80xi32, #tpu.memory_space<vmem>> -> memref<1x80xi32, #tpu.memory_space<vmem>>
    %dma_wait3A_181 = tpu.memref_squeeze %dma_wait3A_180 : memref<1x80xi32, #tpu.memory_space<vmem>> -> memref<80xi32, #tpu.memory_space<vmem>>
    %dma_wait3A_182 = arith.constant 0 : i32
    %dma_wait3A_183 = arith.constant 0 : i32
    %dma_wait3A_184 = tpu.memref_slice %arg5[%dma_wait3A_182, %dma_wait3A_183] : memref<10112x16xf32, #tpu.memory_space<hbm>> -> memref<10112x16xf32, #tpu.memory_space<hbm>>
    tpu.wait_indirect_dma semaphore(%arg13 : memref<!tpu.dma_semaphore, #tpu.memory_space<semaphore_mem>>) src(%dma_wait3A_184 : memref<10112x16xf32, #tpu.memory_space<hbm>>) dst(%dma_wait3A_178 : memref<80x16xf32, #tpu.memory_space<vmem>>)
    %parallel_loop3A = arith.constant 0 : i32
    %parallel_loop3A_185 = arith.constant 80 : i32
    %parallel_loop3A_186 = arith.constant 1 : i32
    scf.for %parallel_loop3A_238 = %parallel_loop3A to %parallel_loop3A_185 step %parallel_loop3A_186  : i32 {
      %parallel_loop3A_239 = arith.constant 0 : i32
      %parallel_loop3A_240 = arith.index_cast %parallel_loop3A_239 : i32 to index
      %parallel_loop3A_241 = arith.index_cast %parallel_loop3A_238 : i32 to index
      %parallel_loop3A_242 = arith.constant 64 : index
      %parallel_loop3A_243 = tpu.vector_load %arg11[%parallel_loop3A_240, %parallel_loop3A_241, %parallel_loop3A_242] {strides = array<i32>} : memref<2x80x80xf32, #tpu.memory_space<vmem>>, vector<16xf32>,
      %parallel_loop3A_244 = arith.constant 0 : i32
      %parallel_loop3A_245 = arith.index_cast %parallel_loop3A_244 : i32 to index
      %parallel_loop3A_246 = arith.index_cast %parallel_loop3A_238 : i32 to index
      %parallel_loop3A_247 = arith.constant 0 : index
      %parallel_loop3A_248 = tpu.vector_load %arg10[%parallel_loop3A_245, %parallel_loop3A_246, %parallel_loop3A_247] {strides = array<i32>} : memref<2x80x16xf32, #tpu.memory_space<vmem>>, vector<16xf32>,
      %parallel_loop3A_249 = arith.addf %parallel_loop3A_243, %parallel_loop3A_248 : vector<16xf32>
      %parallel_loop3A_250 = arith.constant 0.000000e+00 : f32
      %parallel_loop3A_251 = vector.broadcast %parallel_loop3A_250 : f32 to vector<16xf32>
      %parallel_loop3A_252 = arith.cmpf ogt, %parallel_loop3A_249, %parallel_loop3A_251 : vector<16xf32>
      %parallel_loop3A_253 = arith.constant 2.000000e-01 : f32
      %parallel_loop3A_254 = vector.broadcast %parallel_loop3A_253 : f32 to vector<16xf32>
      %parallel_loop3A_255 = arith.mulf %parallel_loop3A_254, %parallel_loop3A_249 : vector<16xf32>
      %parallel_loop3A_256 = arith.select %parallel_loop3A_252, %parallel_loop3A_249, %parallel_loop3A_255 : vector<16xi1>, vector<16xf32>
      %parallel_loop3A_257 = math.exp %parallel_loop3A_256 : vector<16xf32>
      %parallel_loop3A_258 = arith.constant 0 : i32
      %parallel_loop3A_259 = arith.index_cast %parallel_loop3A_258 : i32 to index
      %parallel_loop3A_260 = arith.index_cast %parallel_loop3A_238 : i32 to index
      %parallel_loop3A_261 = arith.constant 64 : index
      %parallel_loop3A_262 = tpu.vector_load %arg11[%parallel_loop3A_259, %parallel_loop3A_260, %parallel_loop3A_261] {strides = array<i32>} : memref<2x80x80xf32, #tpu.memory_space<vmem>>, vector<16xf32>,
      tpu.vector_store %arg11[%parallel_loop3A_259, %parallel_loop3A_260, %parallel_loop3A_261], %parallel_loop3A_257 {strides = array<i32>} : memref<2x80x80xf32, #tpu.memory_space<vmem>>, vector<16xf32>,
      %parallel_loop3A_263 = arith.constant 0 : i32
      %parallel_loop3A_264 = vector.broadcast %parallel_loop3A_263 : i32 to vector<16x1xi32>
      %parallel_loop3A_265 = vector.shape_cast %parallel_loop3A_264 : vector<16x1xi32> to vector<16xi32>
      %parallel_loop3A_266 = tpu.dynamic_gather %parallel_loop3A_257[%parallel_loop3A_265] in [0] : vector<16xf32>, vector<16xi32> -> vector<16xf32>
      %parallel_loop3A_267 = arith.constant 0 : i32
      %parallel_loop3A_268 = arith.index_cast %parallel_loop3A_267 : i32 to index
      %parallel_loop3A_269 = arith.index_cast %parallel_loop3A_238 : i32 to index
      %parallel_loop3A_270 = arith.constant 0 : index
      %parallel_loop3A_271 = tpu.vector_load %arg11[%parallel_loop3A_268, %parallel_loop3A_269, %parallel_loop3A_270] {strides = array<i32>} : memref<2x80x80xf32, #tpu.memory_space<vmem>>, vector<16xf32>,
      %parallel_loop3A_272 = arith.mulf %parallel_loop3A_271, %parallel_loop3A_266 : vector<16xf32>
      %parallel_loop3A_273 = arith.constant 0 : i32
      %parallel_loop3A_274 = arith.index_cast %parallel_loop3A_273 : i32 to index
      %parallel_loop3A_275 = arith.index_cast %parallel_loop3A_238 : i32 to index
      %parallel_loop3A_276 = arith.constant 0 : index
      %parallel_loop3A_277 = tpu.vector_load %arg11[%parallel_loop3A_274, %parallel_loop3A_275, %parallel_loop3A_276] {strides = array<i32>} : memref<2x80x80xf32, #tpu.memory_space<vmem>>, vector<16xf32>,
      tpu.vector_store %arg11[%parallel_loop3A_274, %parallel_loop3A_275, %parallel_loop3A_276], %parallel_loop3A_272 {strides = array<i32>} : memref<2x80x80xf32, #tpu.memory_space<vmem>>, vector<16xf32>,
      %parallel_loop3A_278 = arith.constant 0 : i32
      %parallel_loop3A_279 = vector.broadcast %parallel_loop3A_278 : i32 to vector<16x1xi32>
      %parallel_loop3A_280 = vector.shape_cast %parallel_loop3A_279 : vector<16x1xi32> to vector<16xi32>
      %parallel_loop3A_281 = tpu.dynamic_gather %parallel_loop3A_257[%parallel_loop3A_280] in [0] : vector<16xf32>, vector<16xi32> -> vector<16xf32>
      %parallel_loop3A_282 = arith.constant 0 : i32
      %parallel_loop3A_283 = arith.index_cast %parallel_loop3A_282 : i32 to index
      %parallel_loop3A_284 = arith.index_cast %parallel_loop3A_238 : i32 to index
      %parallel_loop3A_285 = arith.constant 16 : index
      %parallel_loop3A_286 = tpu.vector_load %arg11[%parallel_loop3A_283, %parallel_loop3A_284, %parallel_loop3A_285] {strides = array<i32>} : memref<2x80x80xf32, #tpu.memory_space<vmem>>, vector<16xf32>,
      %parallel_loop3A_287 = arith.mulf %parallel_loop3A_286, %parallel_loop3A_281 : vector<16xf32>
      %parallel_loop3A_288 = arith.constant 0 : i32
      %parallel_loop3A_289 = arith.index_cast %parallel_loop3A_288 : i32 to index
      %parallel_loop3A_290 = arith.index_cast %parallel_loop3A_238 : i32 to index
      %parallel_loop3A_291 = arith.constant 16 : index
      %parallel_loop3A_292 = tpu.vector_load %arg11[%parallel_loop3A_289, %parallel_loop3A_290, %parallel_loop3A_291] {strides = array<i32>} : memref<2x80x80xf32, #tpu.memory_space<vmem>>, vector<16xf32>,
      tpu.vector_store %arg11[%parallel_loop3A_289, %parallel_loop3A_290, %parallel_loop3A_291], %parallel_loop3A_287 {strides = array<i32>} : memref<2x80x80xf32, #tpu.memory_space<vmem>>, vector<16xf32>,
      %parallel_loop3A_293 = arith.constant 0 : i32
      %parallel_loop3A_294 = vector.broadcast %parallel_loop3A_293 : i32 to vector<16x1xi32>
      %parallel_loop3A_295 = vector.shape_cast %parallel_loop3A_294 : vector<16x1xi32> to vector<16xi32>
      %parallel_loop3A_296 = tpu.dynamic_gather %parallel_loop3A_257[%parallel_loop3A_295] in [0] : vector<16xf32>, vector<16xi32> -> vector<16xf32>
      %parallel_loop3A_297 = arith.constant 0 : i32
      %parallel_loop3A_298 = arith.index_cast %parallel_loop3A_297 : i32 to index
      %parallel_loop3A_299 = arith.index_cast %parallel_loop3A_238 : i32 to index
      %parallel_loop3A_300 = arith.constant 32 : index
      %parallel_loop3A_301 = tpu.vector_load %arg11[%parallel_loop3A_298, %parallel_loop3A_299, %parallel_loop3A_300] {strides = array<i32>} : memref<2x80x80xf32, #tpu.memory_space<vmem>>, vector<16xf32>,
      %parallel_loop3A_302 = arith.mulf %parallel_loop3A_301, %parallel_loop3A_296 : vector<16xf32>
      %parallel_loop3A_303 = arith.constant 0 : i32
      %parallel_loop3A_304 = arith.index_cast %parallel_loop3A_303 : i32 to index
      %parallel_loop3A_305 = arith.index_cast %parallel_loop3A_238 : i32 to index
      %parallel_loop3A_306 = arith.constant 32 : index
      %parallel_loop3A_307 = tpu.vector_load %arg11[%parallel_loop3A_304, %parallel_loop3A_305, %parallel_loop3A_306] {strides = array<i32>} : memref<2x80x80xf32, #tpu.memory_space<vmem>>, vector<16xf32>,
      tpu.vector_store %arg11[%parallel_loop3A_304, %parallel_loop3A_305, %parallel_loop3A_306], %parallel_loop3A_302 {strides = array<i32>} : memref<2x80x80xf32, #tpu.memory_space<vmem>>, vector<16xf32>,
      %parallel_loop3A_308 = arith.constant 0 : i32
      %parallel_loop3A_309 = vector.broadcast %parallel_loop3A_308 : i32 to vector<16x1xi32>
      %parallel_loop3A_310 = vector.shape_cast %parallel_loop3A_309 : vector<16x1xi32> to vector<16xi32>
      %parallel_loop3A_311 = tpu.dynamic_gather %parallel_loop3A_257[%parallel_loop3A_310] in [0] : vector<16xf32>, vector<16xi32> -> vector<16xf32>
      %parallel_loop3A_312 = arith.constant 0 : i32
      %parallel_loop3A_313 = arith.index_cast %parallel_loop3A_312 : i32 to index
      %parallel_loop3A_314 = arith.index_cast %parallel_loop3A_238 : i32 to index
      %parallel_loop3A_315 = arith.constant 48 : index
      %parallel_loop3A_316 = tpu.vector_load %arg11[%parallel_loop3A_313, %parallel_loop3A_314, %parallel_loop3A_315] {strides = array<i32>} : memref<2x80x80xf32, #tpu.memory_space<vmem>>, vector<16xf32>,
      %parallel_loop3A_317 = arith.mulf %parallel_loop3A_316, %parallel_loop3A_311 : vector<16xf32>
      %parallel_loop3A_318 = arith.constant 0 : i32
      %parallel_loop3A_319 = arith.index_cast %parallel_loop3A_318 : i32 to index
      %parallel_loop3A_320 = arith.index_cast %parallel_loop3A_238 : i32 to index
      %parallel_loop3A_321 = arith.constant 48 : index
      %parallel_loop3A_322 = tpu.vector_load %arg11[%parallel_loop3A_319, %parallel_loop3A_320, %parallel_loop3A_321] {strides = array<i32>} : memref<2x80x80xf32, #tpu.memory_space<vmem>>, vector<16xf32>,
      tpu.vector_store %arg11[%parallel_loop3A_319, %parallel_loop3A_320, %parallel_loop3A_321], %parallel_loop3A_317 {strides = array<i32>} : memref<2x80x80xf32, #tpu.memory_space<vmem>>, vector<16xf32>,
    } {sc.loop_unroll_factor = 2 : i64, sc.parallel_access}
    %dma_start3A_187 = arith.constant 0 : i32
    %dma_start3A_188 = arith.constant 124 : i32
    %dma_start3A_189 = arith.constant 0 : i32
    %dma_start3A_190 = arith.constant 0 : i32
    %dma_start3A_191 = tpu.memref_slice %arg11[%dma_start3A_187, %dma_start3A_189, %dma_start3A_190] : memref<2x80x80xf32, #tpu.memory_space<vmem>> -> memref<1x80x80xf32, #tpu.memory_space<vmem>>
    %dma_start3A_192 = tpu.memref_squeeze %dma_start3A_191 : memref<1x80x80xf32, #tpu.memory_space<vmem>> -> memref<80x80xf32, #tpu.memory_space<vmem>>
    %dma_start3A_193 = arith.constant 0 : i32
    %dma_start3A_194 = tpu.memref_slice %arg9[%dma_start3A_188, %dma_start3A_193] : memref<125x80xi32, #tpu.memory_space<vmem>> -> memref<1x80xi32, #tpu.memory_space<vmem>>
    %dma_start3A_195 = tpu.memref_squeeze %dma_start3A_194 : memref<1x80xi32, #tpu.memory_space<vmem>> -> memref<80xi32, #tpu.memory_space<vmem>>
    %dma_start3A_196 = arith.constant 0 : i32
    %dma_start3A_197 = arith.constant 0 : i32
    %dma_start3A_198 = tpu.memref_slice %arg12[%dma_start3A_196, %dma_start3A_197] : memref<10112x80xf32, #tpu.memory_space<vmem_shared>> -> memref<10112x80xf32, #tpu.memory_space<vmem_shared>>
    tpu.enqueue_indirect_dma source(%dma_start3A_192 : memref<80x80xf32, #tpu.memory_space<vmem>>) target(%dma_start3A_198 : memref<10112x80xf32, #tpu.memory_space<vmem_shared>>) offsets(%dma_start3A_195 : memref<80xi32, #tpu.memory_space<vmem>>) semaphore(%arg17 : memref<!tpu.dma_semaphore, #tpu.memory_space<semaphore_mem>>) {add = true}
    %dma_wait3A_199 = arith.constant 0 : i32
    %dma_wait3A_200 = arith.constant 1 : i32
    %dma_wait3A_201 = arith.constant 0 : i32
    %dma_wait3A_202 = tpu.memref_slice %arg8[%dma_wait3A_200, %dma_wait3A_201] : memref<2x80xi32, #tpu.memory_space<vmem>> -> memref<1x80xi32, #tpu.memory_space<vmem>>
    %dma_wait3A_203 = tpu.memref_squeeze %dma_wait3A_202 : memref<1x80xi32, #tpu.memory_space<vmem>> -> memref<80xi32, #tpu.memory_space<vmem>>
    %dma_wait3A_204 = arith.constant 0 : i32
    %dma_wait3A_205 = tpu.memref_slice %arg2[%add3A, %dma_wait3A_199, %dma_wait3A_204] : memref<32x125x80xi32, #tpu.memory_space<hbm>> -> memref<1x1x80xi32, #tpu.memory_space<hbm>>
    %dma_wait3A_206 = tpu.memref_squeeze %dma_wait3A_205 : memref<1x1x80xi32, #tpu.memory_space<hbm>> -> memref<80xi32, #tpu.memory_space<hbm>>
    %dma_wait3A_207 = arith.constant 0 : i32
    %dma_wait3A_208 = tpu.memref_slice %arg8[%dma_wait3A_200, %dma_wait3A_207] : memref<2x80xi32, #tpu.memory_space<vmem>> -> memref<1x80xi32, #tpu.memory_space<vmem>>
    %dma_wait3A_209 = tpu.memref_squeeze %dma_wait3A_208 : memref<1x80xi32, #tpu.memory_space<vmem>> -> memref<80xi32, #tpu.memory_space<vmem>>
    %dma_wait3A_210 = arith.constant 0 : i32
    %dma_wait3A_211 = tpu.memref_slice %arg2[%add3A, %dma_wait3A_199, %dma_wait3A_210] : memref<32x125x80xi32, #tpu.memory_space<hbm>> -> memref<1x1x80xi32, #tpu.memory_space<hbm>>
    %dma_wait3A_212 = tpu.memref_squeeze %dma_wait3A_211 : memref<1x1x80xi32, #tpu.memory_space<hbm>> -> memref<80xi32, #tpu.memory_space<hbm>>
    tpu.wait_dma2 semaphore(%arg16 : memref<!tpu.dma_semaphore, #tpu.memory_space<semaphore_mem>>) src(%dma_wait3A_212 : memref<80xi32, #tpu.memory_space<hbm>>) dst(%dma_wait3A_209 : memref<80xi32, #tpu.memory_space<vmem>>)
    %dma_wait3A_213 = arith.constant 0 : i32
    %dma_wait3A_214 = arith.constant 0 : i32
    %dma_wait3A_215 = arith.constant 0 : i32
    %dma_wait3A_216 = arith.constant 0 : i32
    %dma_wait3A_217 = tpu.memref_slice %arg11[%dma_wait3A_213, %dma_wait3A_215, %dma_wait3A_216] : memref<2x80x80xf32, #tpu.memory_space<vmem>> -> memref<1x80x80xf32, #tpu.memory_space<vmem>>
    %dma_wait3A_218 = tpu.memref_squeeze %dma_wait3A_217 : memref<1x80x80xf32, #tpu.memory_space<vmem>> -> memref<80x80xf32, #tpu.memory_space<vmem>>
    %dma_wait3A_219 = arith.constant 0 : i32
    %dma_wait3A_220 = tpu.memref_slice %arg9[%dma_wait3A_214, %dma_wait3A_219] : memref<125x80xi32, #tpu.memory_space<vmem>> -> memref<1x80xi32, #tpu.memory_space<vmem>>
    %dma_wait3A_221 = tpu.memref_squeeze %dma_wait3A_220 : memref<1x80xi32, #tpu.memory_space<vmem>> -> memref<80xi32, #tpu.memory_space<vmem>>
    %dma_wait3A_222 = arith.constant 0 : i32
    %dma_wait3A_223 = arith.constant 0 : i32
    %dma_wait3A_224 = tpu.memref_slice %arg12[%dma_wait3A_222, %dma_wait3A_223] : memref<10112x80xf32, #tpu.memory_space<vmem_shared>> -> memref<10112x80xf32, #tpu.memory_space<vmem_shared>>
    tpu.wait_indirect_dma semaphore(%arg17 : memref<!tpu.dma_semaphore, #tpu.memory_space<semaphore_mem>>) src(%dma_wait3A_218 : memref<80x80xf32, #tpu.memory_space<vmem>>) dst(%dma_wait3A_224 : memref<10112x80xf32, #tpu.memory_space<vmem_shared>>)
    %dma_wait3A_225 = arith.constant 1 : i32
    %dma_wait3A_226 = arith.constant 0 : i32
    %dma_wait3A_227 = arith.constant 0 : i32
    %dma_wait3A_228 = arith.constant 0 : i32
    %dma_wait3A_229 = tpu.memref_slice %arg11[%dma_wait3A_225, %dma_wait3A_227, %dma_wait3A_228] : memref<2x80x80xf32, #tpu.memory_space<vmem>> -> memref<1x80x80xf32, #tpu.memory_space<vmem>>
    %dma_wait3A_230 = tpu.memref_squeeze %dma_wait3A_229 : memref<1x80x80xf32, #tpu.memory_space<vmem>> -> memref<80x80xf32, #tpu.memory_space<vmem>>
    %dma_wait3A_231 = arith.constant 0 : i32
    %dma_wait3A_232 = tpu.memref_slice %arg9[%dma_wait3A_226, %dma_wait3A_231] : memref<125x80xi32, #tpu.memory_space<vmem>> -> memref<1x80xi32, #tpu.memory_space<vmem>>
    %dma_wait3A_233 = tpu.memref_squeeze %dma_wait3A_232 : memref<1x80xi32, #tpu.memory_space<vmem>> -> memref<80xi32, #tpu.memory_space<vmem>>
    %dma_wait3A_234 = arith.constant 0 : i32
    %dma_wait3A_235 = arith.constant 0 : i32
    %dma_wait3A_236 = tpu.memref_slice %arg12[%dma_wait3A_234, %dma_wait3A_235] : memref<10112x80xf32, #tpu.memory_space<vmem_shared>> -> memref<10112x80xf32, #tpu.memory_space<vmem_shared>>
    tpu.wait_indirect_dma semaphore(%arg18 : memref<!tpu.dma_semaphore, #tpu.memory_space<semaphore_mem>>) src(%dma_wait3A_230 : memref<80x80xf32, #tpu.memory_space<vmem>>) dst(%dma_wait3A_236 : memref<10112x80xf32, #tpu.memory_space<vmem_shared>>)
    %barrier3A_237 = arith.constant 0 : index
    tpu.barrier barrier_id(%barrier3A_237)
    "tpu.region"() ({
      %run_scoped3A = tpu.sem_alloc : memref<!tpu.dma_semaphore, #tpu.memory_space<semaphore_mem>>
      %dma_start3A_238 = arith.constant 0 : i32
      %dma_start3A_239 = tpu.memref_slice %arg7[%arg0, %mul3A_2, %dma_start3A_238] : memref<2x10112x80xf32, #tpu.memory_space<hbm>> -> memref<1x632x80xf32, #tpu.memory_space<hbm>>
      %dma_start3A_240 = tpu.memref_squeeze %dma_start3A_239 : memref<1x632x80xf32, #tpu.memory_space<hbm>> -> memref<632x80xf32, #tpu.memory_space<hbm>>
      %dma_start3A_241 = arith.constant 0 : i32
      %dma_start3A_242 = tpu.memref_slice %arg12[%mul3A_2, %dma_start3A_241] : memref<10112x80xf32, #tpu.memory_space<vmem_shared>> -> memref<632x80xf32, #tpu.memory_space<vmem_shared>>
      tpu.enqueue_dma source(%dma_start3A_242 : memref<632x80xf32, #tpu.memory_space<vmem_shared>>) target(%dma_start3A_240 : memref<632x80xf32, #tpu.memory_space<hbm>>) target_semaphore(%run_scoped3A : memref<!tpu.dma_semaphore, #tpu.memory_space<semaphore_mem>>)
      %dma_wait3A_243 = arith.constant 0 : i32
      %dma_wait3A_244 = tpu.memref_slice %arg7[%arg0, %mul3A_2, %dma_wait3A_243] : memref<2x10112x80xf32, #tpu.memory_space<hbm>> -> memref<1x632x80xf32, #tpu.memory_space<hbm>>
      %dma_wait3A_245 = tpu.memref_squeeze %dma_wait3A_244 : memref<1x632x80xf32, #tpu.memory_space<hbm>> -> memref<632x80xf32, #tpu.memory_space<hbm>>
      %dma_wait3A_246 = arith.constant 0 : i32
      %dma_wait3A_247 = tpu.memref_slice %arg12[%mul3A_2, %dma_wait3A_246] : memref<10112x80xf32, #tpu.memory_space<vmem_shared>> -> memref<632x80xf32, #tpu.memory_space<vmem_shared>>
      tpu.wait_dma2 semaphore(%run_scoped3A : memref<!tpu.dma_semaphore, #tpu.memory_space<semaphore_mem>>) src(%dma_wait3A_247 : memref<632x80xf32, #tpu.memory_space<vmem_shared>>) dst(%dma_wait3A_245 : memref<632x80xf32, #tpu.memory_space<hbm>>)
      tpu.yield
    }) : () -> ()
    return
  }
}

module attributes {stable_mosaic.version = 14 : i64} {
  func.func @_tc1_body(%arg0: i32, %arg1: memref<1264x128xf32, #tpu.memory_space<vmem>>, %arg2: memref<128x128xf32, #tpu.memory_space<vmem>>, %arg3: memref<128x16xf32, #tpu.memory_space<vmem>>, %arg4: memref<128x16xf32, #tpu.memory_space<vmem>>, %arg5: memref<1264x144xf32, #tpu.memory_space<vmem>>, %arg6: memref<1264x16xf32, #tpu.memory_space<vmem>>) attributes {dimension_semantics = [#tpu.dimension_semantics<arbitrary>], iteration_bounds = array<i64: 8>, scalar_prefetch = 0 : i64, scratch_operands = 0 : i64, tpu.core_type = #tpu.core_type<tc>, window_params = [{transform_indices = @transform_0, window_bounds = array<i64: 1264, 128>}, {pipeline_mode = #tpu.pipeline_mode<synchronous>, transform_indices = @transform_1, window_bounds = array<i64: 128, 128>}, {pipeline_mode = #tpu.pipeline_mode<synchronous>, transform_indices = @transform_2, window_bounds = array<i64: 128, 16>}, {pipeline_mode = #tpu.pipeline_mode<synchronous>, transform_indices = @transform_3, window_bounds = array<i64: 128, 16>}, {transform_indices = @transform_4, window_bounds = array<i64: 1264, 144>}, {transform_indices = @transform_5, window_bounds = array<i64: 1264, 16>}]} {
    %get3A = arith.constant 0 : index
    %get3A_0 = arith.constant 0 : index
    %get3A_1 = vector.load %arg1[%get3A, %get3A_0] : memref<1264x128xf32, #tpu.memory_space<vmem>>, vector<1264x128xf32>
    %get3A_2 = arith.constant 0 : index
    %get3A_3 = arith.constant 0 : index
    %get3A_4 = vector.load %arg2[%get3A_2, %get3A_3] : memref<128x128xf32, #tpu.memory_space<vmem>>, vector<128x128xf32>
    %dot_general3A = arith.constant dense<0.000000e+00> : vector<1264x128xf32>
    %dot_general3A_5 = tpu.matmul %get3A_1, %get3A_4, %dot_general3A {dimension_numbers = #tpu.dot_dimension_numbers<[1], [0], [0], [1], [0, 0, 1, 1], [], []>, transpose_lhs_hint = false} : vector<1264x128xf32>, vector<128x128xf32>, vector<1264x128xf32> -> vector<1264x128xf32>
    %swap3A = arith.constant 0 : index
    %swap3A_6 = arith.constant 0 : index
    %swap3A_7 = vector.load %arg5[%swap3A, %swap3A_6] : memref<1264x144xf32, #tpu.memory_space<vmem>>, vector<1264x128xf32>
    tpu.vector_store %arg5[%swap3A, %swap3A_6], %dot_general3A_5 {strides = array<i32>} : memref<1264x144xf32, #tpu.memory_space<vmem>>, vector<1264x128xf32>,
    %get3A_8 = arith.constant 0 : index
    %get3A_9 = arith.constant 0 : index
    %get3A_10 = vector.load %arg3[%get3A_8, %get3A_9] : memref<128x16xf32, #tpu.memory_space<vmem>>, vector<128x16xf32>
    %dot_general3A_11 = arith.constant dense<0.000000e+00> : vector<1264x16xf32>
    %dot_general3A_12 = tpu.matmul %dot_general3A_5, %get3A_10, %dot_general3A_11 {dimension_numbers = #tpu.dot_dimension_numbers<[1], [0], [0], [1], [0, 0, 1, 1], [], []>, transpose_lhs_hint = false} : vector<1264x128xf32>, vector<128x16xf32>, vector<1264x16xf32> -> vector<1264x16xf32>
    %swap3A_13 = arith.constant 0 : index
    %swap3A_14 = arith.constant 128 : index
    %swap3A_15 = vector.load %arg5[%swap3A_13, %swap3A_14] : memref<1264x144xf32, #tpu.memory_space<vmem>>, vector<1264x16xf32>
    tpu.vector_store %arg5[%swap3A_13, %swap3A_14], %dot_general3A_12 {strides = array<i32>} : memref<1264x144xf32, #tpu.memory_space<vmem>>, vector<1264x16xf32>,
    %get3A_16 = arith.constant 0 : index
    %get3A_17 = arith.constant 0 : index
    %get3A_18 = vector.load %arg4[%get3A_16, %get3A_17] : memref<128x16xf32, #tpu.memory_space<vmem>>, vector<128x16xf32>
    %dot_general3A_19 = arith.constant dense<0.000000e+00> : vector<1264x16xf32>
    %dot_general3A_20 = tpu.matmul %dot_general3A_5, %get3A_18, %dot_general3A_19 {dimension_numbers = #tpu.dot_dimension_numbers<[1], [0], [0], [1], [0, 0, 1, 1], [], []>, transpose_lhs_hint = false} : vector<1264x128xf32>, vector<128x16xf32>, vector<1264x16xf32> -> vector<1264x16xf32>
    %swap3A_21 = arith.constant 0 : index
    %swap3A_22 = arith.constant 0 : index
    %swap3A_23 = vector.load %arg6[%swap3A_21, %swap3A_22] : memref<1264x16xf32, #tpu.memory_space<vmem>>, vector<1264x16xf32>
    tpu.vector_store %arg6[%swap3A_21, %swap3A_22], %dot_general3A_20 {strides = array<i32>} : memref<1264x16xf32, #tpu.memory_space<vmem>>, vector<1264x16xf32>,
    return
  }
  func.func @transform_0(%arg0: i32) -> (i32, i32) {
    %c0_i32 = arith.constant 0 : i32
    %c0_i32_0 = arith.constant 0 : i32
    return %arg0, %c0_i32 : i32, i32
  }
  func.func @transform_1(%arg0: i32) -> (i32, i32) {
    %c0_i32 = arith.constant 0 : i32
    %c0_i32_0 = arith.constant 0 : i32
    %c0_i32_1 = arith.constant 0 : i32
    return %c0_i32, %c0_i32_0 : i32, i32
  }
  func.func @transform_2(%arg0: i32) -> (i32, i32) {
    %c0_i32 = arith.constant 0 : i32
    %c0_i32_0 = arith.constant 0 : i32
    %c0_i32_1 = arith.constant 0 : i32
    return %c0_i32, %c0_i32_0 : i32, i32
  }
  func.func @transform_3(%arg0: i32) -> (i32, i32) {
    %c0_i32 = arith.constant 0 : i32
    %c0_i32_0 = arith.constant 0 : i32
    %c0_i32_1 = arith.constant 0 : i32
    return %c0_i32, %c0_i32_0 : i32, i32
  }
  func.func @transform_4(%arg0: i32) -> (i32, i32) {
    %c0_i32 = arith.constant 0 : i32
    %c0_i32_0 = arith.constant 0 : i32
    return %arg0, %c0_i32 : i32, i32
  }
  func.func @transform_5(%arg0: i32) -> (i32, i32) {
    %c0_i32 = arith.constant 0 : i32
    %c0_i32_0 = arith.constant 0 : i32
    return %arg0, %c0_i32 : i32, i32
  }
}

module attributes {stable_mosaic.version = 14 : i64} {
  func.func @_tc_mid_body(%arg0: i32, %arg1: memref<2x1264x144xf32, #tpu.memory_space<vmem>>, %arg2: memref<1264x144xf32, #tpu.memory_space<vmem>>, %arg3: memref<1264x16xf32, #tpu.memory_space<vmem>>, %arg4: memref<1x128xf32, #tpu.memory_space<vmem>>, %arg5: memref<16x128xf32, #tpu.memory_space<vmem>>, %arg6: memref<128x64xf32, #tpu.memory_space<vmem>>, %arg7: memref<64x16xf32, #tpu.memory_space<vmem>>, %arg8: memref<64x16xf32, #tpu.memory_space<vmem>>, %arg9: memref<1264x80xf32, #tpu.memory_space<vmem>>, %arg10: memref<1264x16xf32, #tpu.memory_space<vmem>>) attributes {dimension_semantics = [#tpu.dimension_semantics<arbitrary>], iteration_bounds = array<i64: 8>, scalar_prefetch = 0 : i64, scratch_operands = 0 : i64, tpu.core_type = #tpu.core_type<tc>, window_params = [{transform_indices = @transform_0, window_bounds = array<i64: 2, 1264, 144>}, {transform_indices = @transform_1, window_bounds = array<i64: 1264, 144>}, {transform_indices = @transform_2, window_bounds = array<i64: 1264, 16>}, {pipeline_mode = #tpu.pipeline_mode<synchronous>, transform_indices = @transform_3, window_bounds = array<i64: 1, 128>}, {pipeline_mode = #tpu.pipeline_mode<synchronous>, transform_indices = @transform_4, window_bounds = array<i64: 16, 128>}, {pipeline_mode = #tpu.pipeline_mode<synchronous>, transform_indices = @transform_5, window_bounds = array<i64: 128, 64>}, {pipeline_mode = #tpu.pipeline_mode<synchronous>, transform_indices = @transform_6, window_bounds = array<i64: 64, 16>}, {pipeline_mode = #tpu.pipeline_mode<synchronous>, transform_indices = @transform_7, window_bounds = array<i64: 64, 16>}, {transform_indices = @transform_8, window_bounds = array<i64: 1264, 80>}, {transform_indices = @transform_9, window_bounds = array<i64: 1264, 16>}]} {
    %get3A = arith.constant 0 : index
    %get3A_0 = arith.constant 128 : index
    %get3A_1 = vector.load %arg2[%get3A, %get3A_0] : memref<1264x144xf32, #tpu.memory_space<vmem>>, vector<1264x16xf32>
    %get3A_2 = arith.constant 0 : index
    %get3A_3 = arith.constant 0 : index
    %get3A_4 = vector.load %arg3[%get3A_2, %get3A_3] : memref<1264x16xf32, #tpu.memory_space<vmem>>, vector<1264x16xf32>
    %add3A = arith.addf %get3A_1, %get3A_4 : vector<1264x16xf32>
    %gt3A = arith.constant 0.000000e+00 : f32
    %gt3A_5 = vector.broadcast %gt3A : f32 to vector<1264x16xf32>
    %gt3A_6 = arith.cmpf ogt, %add3A, %gt3A_5 : vector<1264x16xf32>
    %mul3A = arith.constant 2.000000e-01 : f32
    %mul3A_7 = vector.broadcast %mul3A : f32 to vector<1264x16xf32>
    %mul3A_8 = arith.mulf %mul3A_7, %add3A : vector<1264x16xf32>
    %select_n3A = arith.select %gt3A_6, %add3A, %mul3A_8 : vector<1264x16xi1>, vector<1264x16xf32>
    %exp3A = math.exp %select_n3A : vector<1264x16xf32>
    %get3A_9 = arith.constant 0 : index
    %get3A_10 = arith.constant 0 : index
    %get3A_11 = arith.constant 128 : index
    %get3A_12 = vector.load %arg1[%get3A_9, %get3A_10, %get3A_11] : memref<2x1264x144xf32, #tpu.memory_space<vmem>>, vector<1x1264x16xf32>
    %get3A_13 = vector.shape_cast %get3A_12 : vector<1x1264x16xf32> to vector<1264x16xf32>
    %get3A_14 = arith.constant 1 : index
    %get3A_15 = arith.constant 0 : index
    %get3A_16 = arith.constant 128 : index
    %get3A_17 = vector.load %arg1[%get3A_14, %get3A_15, %get3A_16] : memref<2x1264x144xf32, #tpu.memory_space<vmem>>, vector<1x1264x16xf32>
    %get3A_18 = vector.shape_cast %get3A_17 : vector<1x1264x16xf32> to vector<1264x16xf32>
    %add3A_19 = arith.addf %get3A_13, %get3A_18 : vector<1264x16xf32>
    %add3A_20 = arith.addf %add3A_19, %exp3A : vector<1264x16xf32>
    %get3A_21 = arith.constant 0 : index
    %get3A_22 = arith.constant 0 : index
    %get3A_23 = vector.load %arg5[%get3A_21, %get3A_22] : memref<16x128xf32, #tpu.memory_space<vmem>>, vector<16x128xf32>
    %dot_general3A = arith.constant dense<0.000000e+00> : vector<1264x128xf32>
    %dot_general3A_24 = tpu.matmul %exp3A, %get3A_23, %dot_general3A {dimension_numbers = #tpu.dot_dimension_numbers<[1], [0], [0], [1], [0, 0, 1, 1], [], []>, transpose_lhs_hint = false} : vector<1264x16xf32>, vector<16x128xf32>, vector<1264x128xf32> -> vector<1264x128xf32>
    %get3A_25 = arith.constant 0 : index
    %get3A_26 = arith.constant 0 : index
    %get3A_27 = arith.constant 0 : index
    %get3A_28 = vector.load %arg1[%get3A_25, %get3A_26, %get3A_27] : memref<2x1264x144xf32, #tpu.memory_space<vmem>>, vector<1x1264x128xf32>
    %get3A_29 = vector.shape_cast %get3A_28 : vector<1x1264x128xf32> to vector<1264x128xf32>
    %get3A_30 = arith.constant 1 : index
    %get3A_31 = arith.constant 0 : index
    %get3A_32 = arith.constant 0 : index
    %get3A_33 = vector.load %arg1[%get3A_30, %get3A_31, %get3A_32] : memref<2x1264x144xf32, #tpu.memory_space<vmem>>, vector<1x1264x128xf32>
    %get3A_34 = vector.shape_cast %get3A_33 : vector<1x1264x128xf32> to vector<1264x128xf32>
    %add3A_35 = arith.addf %get3A_29, %get3A_34 : vector<1264x128xf32>
    %get3A_36 = arith.constant 0 : index
    %get3A_37 = arith.constant 0 : index
    %get3A_38 = vector.load %arg2[%get3A_36, %get3A_37] : memref<1264x144xf32, #tpu.memory_space<vmem>>, vector<1264x128xf32>
    %mul3A_39 = arith.mulf %get3A_38, %dot_general3A_24 : vector<1264x128xf32>
    %add3A_40 = arith.addf %add3A_35, %mul3A_39 : vector<1264x128xf32>
    %get3A_41 = arith.constant 0 : index
    %get3A_42 = arith.constant 0 : index
    %get3A_43 = vector.load %arg5[%get3A_41, %get3A_42] : memref<16x128xf32, #tpu.memory_space<vmem>>, vector<16x128xf32>
    %dot_general3A_44 = arith.constant dense<0.000000e+00> : vector<1264x128xf32>
    %dot_general3A_45 = tpu.matmul %add3A_20, %get3A_43, %dot_general3A_44 {dimension_numbers = #tpu.dot_dimension_numbers<[1], [0], [0], [1], [0, 0, 1, 1], [], []>, transpose_lhs_hint = false} : vector<1264x16xf32>, vector<16x128xf32>, vector<1264x128xf32> -> vector<1264x128xf32>
    %div3A = arith.divf %add3A_40, %dot_general3A_45 : vector<1264x128xf32>
    %get3A_46 = arith.constant 0 : index
    %get3A_47 = arith.constant 0 : index
    %get3A_48 = vector.load %arg4[%get3A_46, %get3A_47] : memref<1x128xf32, #tpu.memory_space<vmem>>, vector<1x128xf32>
    %add3A_49 = vector.broadcast %get3A_48 : vector<1x128xf32> to vector<1264x128xf32>
    %add3A_50 = arith.addf %div3A, %add3A_49 : vector<1264x128xf32>
    %gt3A_51 = arith.constant 0.000000e+00 : f32
    %gt3A_52 = vector.broadcast %gt3A_51 : f32 to vector<1264x128xf32>
    %gt3A_53 = arith.cmpf ogt, %add3A_50, %gt3A_52 : vector<1264x128xf32>
    %exp3A_54 = math.exp %add3A_50 : vector<1264x128xf32>
    %sub3A = arith.constant 1.000000e+00 : f32
    %sub3A_55 = vector.broadcast %sub3A : f32 to vector<1264x128xf32>
    %sub3A_56 = arith.subf %exp3A_54, %sub3A_55 : vector<1264x128xf32>
    %select_n3A_57 = arith.select %gt3A_53, %add3A_50, %sub3A_56 : vector<1264x128xi1>, vector<1264x128xf32>
    %get3A_58 = arith.constant 0 : index
    %get3A_59 = arith.constant 0 : index
    %get3A_60 = vector.load %arg6[%get3A_58, %get3A_59] : memref<128x64xf32, #tpu.memory_space<vmem>>, vector<128x64xf32>
    %dot_general3A_61 = arith.constant dense<0.000000e+00> : vector<1264x64xf32>
    %dot_general3A_62 = tpu.matmul %select_n3A_57, %get3A_60, %dot_general3A_61 {dimension_numbers = #tpu.dot_dimension_numbers<[1], [0], [0], [1], [0, 0, 1, 1], [], []>, transpose_lhs_hint = false} : vector<1264x128xf32>, vector<128x64xf32>, vector<1264x64xf32> -> vector<1264x64xf32>
    %swap3A = arith.constant 0 : index
    %swap3A_63 = arith.constant 0 : index
    %swap3A_64 = vector.load %arg9[%swap3A, %swap3A_63] : memref<1264x80xf32, #tpu.memory_space<vmem>>, vector<1264x64xf32>
    tpu.vector_store %arg9[%swap3A, %swap3A_63], %dot_general3A_62 {strides = array<i32>} : memref<1264x80xf32, #tpu.memory_space<vmem>>, vector<1264x64xf32>,
    %get3A_65 = arith.constant 0 : index
    %get3A_66 = arith.constant 0 : index
    %get3A_67 = vector.load %arg7[%get3A_65, %get3A_66] : memref<64x16xf32, #tpu.memory_space<vmem>>, vector<64x16xf32>
    %dot_general3A_68 = arith.constant dense<0.000000e+00> : vector<1264x16xf32>
    %dot_general3A_69 = tpu.matmul %dot_general3A_62, %get3A_67, %dot_general3A_68 {dimension_numbers = #tpu.dot_dimension_numbers<[1], [0], [0], [1], [0, 0, 1, 1], [], []>, transpose_lhs_hint = false} : vector<1264x64xf32>, vector<64x16xf32>, vector<1264x16xf32> -> vector<1264x16xf32>
    %swap3A_70 = arith.constant 0 : index
    %swap3A_71 = arith.constant 64 : index
    %swap3A_72 = vector.load %arg9[%swap3A_70, %swap3A_71] : memref<1264x80xf32, #tpu.memory_space<vmem>>, vector<1264x16xf32>
    tpu.vector_store %arg9[%swap3A_70, %swap3A_71], %dot_general3A_69 {strides = array<i32>} : memref<1264x80xf32, #tpu.memory_space<vmem>>, vector<1264x16xf32>,
    %get3A_73 = arith.constant 0 : index
    %get3A_74 = arith.constant 0 : index
    %get3A_75 = vector.load %arg8[%get3A_73, %get3A_74] : memref<64x16xf32, #tpu.memory_space<vmem>>, vector<64x16xf32>
    %dot_general3A_76 = arith.constant dense<0.000000e+00> : vector<1264x16xf32>
    %dot_general3A_77 = tpu.matmul %dot_general3A_62, %get3A_75, %dot_general3A_76 {dimension_numbers = #tpu.dot_dimension_numbers<[1], [0], [0], [1], [0, 0, 1, 1], [], []>, transpose_lhs_hint = false} : vector<1264x64xf32>, vector<64x16xf32>, vector<1264x16xf32> -> vector<1264x16xf32>
    %swap3A_78 = arith.constant 0 : index
    %swap3A_79 = arith.constant 0 : index
    %swap3A_80 = vector.load %arg10[%swap3A_78, %swap3A_79] : memref<1264x16xf32, #tpu.memory_space<vmem>>, vector<1264x16xf32>
    tpu.vector_store %arg10[%swap3A_78, %swap3A_79], %dot_general3A_77 {strides = array<i32>} : memref<1264x16xf32, #tpu.memory_space<vmem>>, vector<1264x16xf32>,
    return
  }
  func.func @transform_0(%arg0: i32) -> (i32, i32, i32) {
    %c0_i32 = arith.constant 0 : i32
    %c0_i32_0 = arith.constant 0 : i32
    %c0_i32_1 = arith.constant 0 : i32
    return %c0_i32, %arg0, %c0_i32_0 : i32, i32, i32
  }
  func.func @transform_1(%arg0: i32) -> (i32, i32) {
    %c0_i32 = arith.constant 0 : i32
    %c0_i32_0 = arith.constant 0 : i32
    return %arg0, %c0_i32 : i32, i32
  }
  func.func @transform_2(%arg0: i32) -> (i32, i32) {
    %c0_i32 = arith.constant 0 : i32
    %c0_i32_0 = arith.constant 0 : i32
    return %arg0, %c0_i32 : i32, i32
  }
  func.func @transform_3(%arg0: i32) -> (i32, i32) {
    %c0_i32 = arith.constant 0 : i32
    %c0_i32_0 = arith.constant 0 : i32
    %c0_i32_1 = arith.constant 0 : i32
    return %c0_i32, %c0_i32_0 : i32, i32
  }
  func.func @transform_4(%arg0: i32) -> (i32, i32) {
    %c0_i32 = arith.constant 0 : i32
    %c0_i32_0 = arith.constant 0 : i32
    %c0_i32_1 = arith.constant 0 : i32
    return %c0_i32, %c0_i32_0 : i32, i32
  }
  func.func @transform_5(%arg0: i32) -> (i32, i32) {
    %c0_i32 = arith.constant 0 : i32
    %c0_i32_0 = arith.constant 0 : i32
    %c0_i32_1 = arith.constant 0 : i32
    return %c0_i32, %c0_i32_0 : i32, i32
  }
  func.func @transform_6(%arg0: i32) -> (i32, i32) {
    %c0_i32 = arith.constant 0 : i32
    %c0_i32_0 = arith.constant 0 : i32
    %c0_i32_1 = arith.constant 0 : i32
    return %c0_i32, %c0_i32_0 : i32, i32
  }
  func.func @transform_7(%arg0: i32) -> (i32, i32) {
    %c0_i32 = arith.constant 0 : i32
    %c0_i32_0 = arith.constant 0 : i32
    %c0_i32_1 = arith.constant 0 : i32
    return %c0_i32, %c0_i32_0 : i32, i32
  }
  func.func @transform_8(%arg0: i32) -> (i32, i32) {
    %c0_i32 = arith.constant 0 : i32
    %c0_i32_0 = arith.constant 0 : i32
    return %arg0, %c0_i32 : i32, i32
  }
  func.func @transform_9(%arg0: i32) -> (i32, i32) {
    %c0_i32 = arith.constant 0 : i32
    %c0_i32_0 = arith.constant 0 : i32
    return %arg0, %c0_i32 : i32, i32
  }
}

module attributes {stable_mosaic.version = 14 : i64} {
  func.func @_tc_final_body(%arg0: i32, %arg1: memref<2x1264x80xf32, #tpu.memory_space<vmem>>, %arg2: memref<1264x80xf32, #tpu.memory_space<vmem>>, %arg3: memref<1264x16xf32, #tpu.memory_space<vmem>>, %arg4: memref<1x64xf32, #tpu.memory_space<vmem>>, %arg5: memref<16x64xf32, #tpu.memory_space<vmem>>, %arg6: memref<1264x64xf32, #tpu.memory_space<vmem>>) attributes {dimension_semantics = [#tpu.dimension_semantics<arbitrary>], iteration_bounds = array<i64: 8>, scalar_prefetch = 0 : i64, scratch_operands = 0 : i64, tpu.core_type = #tpu.core_type<tc>, window_params = [{transform_indices = @transform_0, window_bounds = array<i64: 2, 1264, 80>}, {transform_indices = @transform_1, window_bounds = array<i64: 1264, 80>}, {transform_indices = @transform_2, window_bounds = array<i64: 1264, 16>}, {pipeline_mode = #tpu.pipeline_mode<synchronous>, transform_indices = @transform_3, window_bounds = array<i64: 1, 64>}, {pipeline_mode = #tpu.pipeline_mode<synchronous>, transform_indices = @transform_4, window_bounds = array<i64: 16, 64>}, {transform_indices = @transform_5, window_bounds = array<i64: 1264, 64>}]} {
    %get3A = arith.constant 0 : index
    %get3A_0 = arith.constant 64 : index
    %get3A_1 = vector.load %arg2[%get3A, %get3A_0] : memref<1264x80xf32, #tpu.memory_space<vmem>>, vector<1264x16xf32>
    %get3A_2 = arith.constant 0 : index
    %get3A_3 = arith.constant 0 : index
    %get3A_4 = vector.load %arg3[%get3A_2, %get3A_3] : memref<1264x16xf32, #tpu.memory_space<vmem>>, vector<1264x16xf32>
    %add3A = arith.addf %get3A_1, %get3A_4 : vector<1264x16xf32>
    %gt3A = arith.constant 0.000000e+00 : f32
    %gt3A_5 = vector.broadcast %gt3A : f32 to vector<1264x16xf32>
    %gt3A_6 = arith.cmpf ogt, %add3A, %gt3A_5 : vector<1264x16xf32>
    %mul3A = arith.constant 2.000000e-01 : f32
    %mul3A_7 = vector.broadcast %mul3A : f32 to vector<1264x16xf32>
    %mul3A_8 = arith.mulf %mul3A_7, %add3A : vector<1264x16xf32>
    %select_n3A = arith.select %gt3A_6, %add3A, %mul3A_8 : vector<1264x16xi1>, vector<1264x16xf32>
    %exp3A = math.exp %select_n3A : vector<1264x16xf32>
    %get3A_9 = arith.constant 0 : index
    %get3A_10 = arith.constant 0 : index
    %get3A_11 = arith.constant 64 : index
    %get3A_12 = vector.load %arg1[%get3A_9, %get3A_10, %get3A_11] : memref<2x1264x80xf32, #tpu.memory_space<vmem>>, vector<1x1264x16xf32>
    %get3A_13 = vector.shape_cast %get3A_12 : vector<1x1264x16xf32> to vector<1264x16xf32>
    %get3A_14 = arith.constant 1 : index
    %get3A_15 = arith.constant 0 : index
    %get3A_16 = arith.constant 64 : index
    %get3A_17 = vector.load %arg1[%get3A_14, %get3A_15, %get3A_16] : memref<2x1264x80xf32, #tpu.memory_space<vmem>>, vector<1x1264x16xf32>
    %get3A_18 = vector.shape_cast %get3A_17 : vector<1x1264x16xf32> to vector<1264x16xf32>
    %add3A_19 = arith.addf %get3A_13, %get3A_18 : vector<1264x16xf32>
    %add3A_20 = arith.addf %add3A_19, %exp3A : vector<1264x16xf32>
    %get3A_21 = arith.constant 0 : index
    %get3A_22 = arith.constant 0 : index
    %get3A_23 = vector.load %arg5[%get3A_21, %get3A_22] : memref<16x64xf32, #tpu.memory_space<vmem>>, vector<16x64xf32>
    %dot_general3A = arith.constant dense<0.000000e+00> : vector<1264x64xf32>
    %dot_general3A_24 = tpu.matmul %add3A_20, %get3A_23, %dot_general3A {dimension_numbers = #tpu.dot_dimension_numbers<[1], [0], [0], [1], [0, 0, 1, 1], [], []>, transpose_lhs_hint = false} : vector<1264x16xf32>, vector<16x64xf32>, vector<1264x64xf32> -> vector<1264x64xf32>
    %get3A_25 = arith.constant 0 : index
    %get3A_26 = arith.constant 0 : index
    %get3A_27 = vector.load %arg5[%get3A_25, %get3A_26] : memref<16x64xf32, #tpu.memory_space<vmem>>, vector<16x64xf32>
    %dot_general3A_28 = arith.constant dense<0.000000e+00> : vector<1264x64xf32>
    %dot_general3A_29 = tpu.matmul %exp3A, %get3A_27, %dot_general3A_28 {dimension_numbers = #tpu.dot_dimension_numbers<[1], [0], [0], [1], [0, 0, 1, 1], [], []>, transpose_lhs_hint = false} : vector<1264x16xf32>, vector<16x64xf32>, vector<1264x64xf32> -> vector<1264x64xf32>
    %get3A_30 = arith.constant 0 : index
    %get3A_31 = arith.constant 0 : index
    %get3A_32 = arith.constant 0 : index
    %get3A_33 = vector.load %arg1[%get3A_30, %get3A_31, %get3A_32] : memref<2x1264x80xf32, #tpu.memory_space<vmem>>, vector<1x1264x64xf32>
    %get3A_34 = vector.shape_cast %get3A_33 : vector<1x1264x64xf32> to vector<1264x64xf32>
    %get3A_35 = arith.constant 1 : index
    %get3A_36 = arith.constant 0 : index
    %get3A_37 = arith.constant 0 : index
    %get3A_38 = vector.load %arg1[%get3A_35, %get3A_36, %get3A_37] : memref<2x1264x80xf32, #tpu.memory_space<vmem>>, vector<1x1264x64xf32>
    %get3A_39 = vector.shape_cast %get3A_38 : vector<1x1264x64xf32> to vector<1264x64xf32>
    %add3A_40 = arith.addf %get3A_34, %get3A_39 : vector<1264x64xf32>
    %get3A_41 = arith.constant 0 : index
    %get3A_42 = arith.constant 0 : index
    %get3A_43 = vector.load %arg2[%get3A_41, %get3A_42] : memref<1264x80xf32, #tpu.memory_space<vmem>>, vector<1264x64xf32>
    %mul3A_44 = arith.mulf %get3A_43, %dot_general3A_29 : vector<1264x64xf32>
    %add3A_45 = arith.addf %add3A_40, %mul3A_44 : vector<1264x64xf32>
    %div3A = arith.divf %add3A_45, %dot_general3A_24 : vector<1264x64xf32>
    %get3A_46 = arith.constant 0 : index
    %get3A_47 = arith.constant 0 : index
    %get3A_48 = vector.load %arg4[%get3A_46, %get3A_47] : memref<1x64xf32, #tpu.memory_space<vmem>>, vector<1x64xf32>
    %add3A_49 = vector.broadcast %get3A_48 : vector<1x64xf32> to vector<1264x64xf32>
    %add3A_50 = arith.addf %div3A, %add3A_49 : vector<1264x64xf32>
    %swap3A = arith.constant 0 : index
    %swap3A_51 = arith.constant 0 : index
    %swap3A_52 = vector.load %arg6[%swap3A, %swap3A_51] : memref<1264x64xf32, #tpu.memory_space<vmem>>, vector<1264x64xf32>
    tpu.vector_store %arg6[%swap3A, %swap3A_51], %add3A_50 {strides = array<i32>} : memref<1264x64xf32, #tpu.memory_space<vmem>>, vector<1264x64xf32>,
    return
  }
  func.func @transform_0(%arg0: i32) -> (i32, i32, i32) {
    %c0_i32 = arith.constant 0 : i32
    %c0_i32_0 = arith.constant 0 : i32
    %c0_i32_1 = arith.constant 0 : i32
    return %c0_i32, %arg0, %c0_i32_0 : i32, i32, i32
  }
  func.func @transform_1(%arg0: i32) -> (i32, i32) {
    %c0_i32 = arith.constant 0 : i32
    %c0_i32_0 = arith.constant 0 : i32
    return %arg0, %c0_i32 : i32, i32
  }
  func.func @transform_2(%arg0: i32) -> (i32, i32) {
    %c0_i32 = arith.constant 0 : i32
    %c0_i32_0 = arith.constant 0 : i32
    return %arg0, %c0_i32 : i32, i32
  }
  func.func @transform_3(%arg0: i32) -> (i32, i32) {
    %c0_i32 = arith.constant 0 : i32
    %c0_i32_0 = arith.constant 0 : i32
    %c0_i32_1 = arith.constant 0 : i32
    return %c0_i32, %c0_i32_0 : i32, i32
  }
  func.func @transform_4(%arg0: i32) -> (i32, i32) {
    %c0_i32 = arith.constant 0 : i32
    %c0_i32_0 = arith.constant 0 : i32
    %c0_i32_1 = arith.constant 0 : i32
    return %c0_i32, %c0_i32_0 : i32, i32
  }
  func.func @transform_5(%arg0: i32) -> (i32, i32) {
    %c0_i32 = arith.constant 0 : i32
    %c0_i32_0 = arith.constant 0 : i32
    return %arg0, %c0_i32 : i32, i32
  }
}

</mosaic_0001>

<sc_bundles>
// kernel: kernel.10.cloned.1.call-start
scs
__scs_entry_jumppad:
0x0: {  	(pc) =	sbr.rel $0x88, $3  }
0x1: {  	(tag) =	ssettag $0x0;
	lr =	simm.s32 $0x1  }
0x2: {  	[smem:$0x3F97] =	sst lr;
	_ =	strace $0xD0000000  }
0x3: {  	_ = 	snop  }
0x4: {  	_ = 	snop  }
0x5: {  	_ = 	snop  }
0x6: {  	_ = 	snop  }
0x7: {  	_ = 	snop  }
__scs_overlays_trampoline_lowered:
0x8: {  	[smem:$0x3FA6] =	sst s0  }
0x9: {  	[smem:$0x3FA7] =	sst s1  }
0xa: {  	[smem:$0x3FA8] =	sst s2  }
0xb: {  	[smem:$0x3FA9] =	sst s3  }
0xc: {  	[smem:$0x3FAA] =	sst s4  }
0xd: {  	[smem:$0x3FAB] =	sst s5  }
0xe: {  	[smem:$0x3FAC] =	sst s6  }
0xf: {  	[smem:$0x3FAD] =	sst s7  }
0x10: {  	[smem:$0x3FAE] =	sst s8  }
0x11: {  	[smem:$0x3FAF] =	sst s9;
	s0 =	simm.s32 @!p0 $0x0  }
0x12: {  	s1 =	sld [smem:$0x3F95];
	s0 =	simm.s32 @p0 $0x1  }
0x13: {  	[smem:$0x3FB0] =	sst s0;
	s0 =	simm.s32 @!p1 $0x0  }
0x14: {  	s2 =	sld [smem:$0x3F94];
	s0 =	simm.s32 @p1 $0x1  }
0x15: {  	[smem:$0x3FB1] =	sst s0;
	s0 =	simm.s32 @!p2 $0x0  }
0x16: {  	s3 =	sld [smem:$0x3FDB];
	s0 =	simm.s32 @p2 $0x1  }
0x17: {  	s4 =	simm.s32 $0x1BF5;
	[smem:$0x3FB3] =	sst s0  }
0x18: {  	s0 =	sld [smem:$0x3F96];
	_ =	swait.ge [sflag:s4], $0x0  }
0x19: {  	s7 =	sld [smem:$0x3F97]  }
0x1a: {  	s8 =	sadd.s32 $0xFFFFE003, lr  }
0x1b: {  	s9 =	sadd.s32 $0xFFFFFEF7, lr;
	s5 =	simm.s32 $0xFFFFFFFF;
	p2 =	slt.u32 s8, $0xFFFFF086  }
0x1c: {  	p1 =	slt.u32 s9, $0xF7A;
	s5 =	simm.s32 @!p2 $0x0  }
0x1d: {  	s5 =	simm.s32 @p1 $0x1;
	p0 =	seq.s32 s7, s2  }
0x1e: {  	s7 =	smul.u32 @!p0 $0xF7A, s2;
	p2 =	seq.s32 @!p0 s5, $0x0  }
0x1f: {  	s9 =	smul.u32 $0xF7A, s1;
	s8 =	simm.s32 @!p0 $0x1BF5;
	p2 =	por !p2, p0  }
0x20: {  	[sflag:s8] =	ssyncset.s32 @!p0 $0xFFFFF086;
	s6 =	sadd.s32 @!p0 s3, s7;
	s7 =	simm.s32 @!p0 $0x108  }
0x21: {  	s3 =	sadd.s32 s3, s9;
	s6 =	sadd.s32 @!p0 $0x88, s6;
	s7 =	simm.s32 @p2 $0x1082  }
0x22: {  	[simem:s7], [sflag:s8] =	dma.local @!p0 [hbm:s6], $0xF7A  }
0x23: {  	s9 =	sor.u32 $0xD0000000, s2;
	s6 =	simm.s32 $0x108;
	_ =	swait.ge @!p0 [sflag:s8], $0x0  }
0x24: {  	s3 =	sadd.s32 $0x88, s3;
	s6 =	simm.s32 @!p1 $0x1082;
	[sflag:s4] =	ssyncset.s32 $0xFFFFF086  }
0x25: {  	[simem:s6], [sflag:s4] =	dma.local [hbm:s3], $0xF7A  }
0x26: {  	[smem:$0x3F97] =	sst s1;
	(tag) =	ssettag s2;
	_ =	strace s9  }
0x27: {  	s1 =	sld [smem:$0x3FA7]  }
0x28: {  	s2 =	sld [smem:$0x3FA8]  }
0x29: {  	s4 =	sld [smem:$0x3FAA]  }
0x2a: {  	p0 =	seq.s32 s5, $0x0;
	s5 =	sld [smem:$0x3FAB]  }
0x2b: {  	s6 =	sld [smem:$0x3FAC]  }
0x2c: {  	s7 =	sld [smem:$0x3FAD]  }
0x2d: {  	s3 =	simm.s32 $0x108;
	s8 =	sld [smem:$0x3FAE]  }
0x2e: {  	s3 =	simm.s32 @!p0 $0x1082;
	s9 =	sld [smem:$0x3FAF]  }
0x2f: {  	lr =	sadd.s32 s0, s3;
	s0 =	sld [smem:$0x3FA6]  }
0x30: {  	s3 =	sld [smem:$0x3FA9]  }
0x31: {  	[smem:$0x3FB2] =	sst s10  }
0x32: {  	s10 =	sld [smem:$0x3FB0];
	_ =	sdelay $0x3  }
0x33: {  	p0 =	seq.s32 s10, $0x1;
	s10 =	sld [smem:$0x3FB2];
	_ =	sdelay $0x3  }
0x34: {  	[smem:$0x3FB2] =	sst s10  }
0x35: {  	s10 =	sld [smem:$0x3FB1];
	_ =	sdelay $0x3  }
0x36: {  	p1 =	seq.s32 s10, $0x1;
	s10 =	sld [smem:$0x3FB2];
	_ =	sdelay $0x3  }
0x37: {  	[smem:$0x3FB2] =	sst s10  }
0x38: {  	s10 =	sld [smem:$0x3FB3]  }
0x39: {  	_ = 	snop;
	(pc) =	sbr.ind lr, $3  }
0x3a: {  	_ = 	snop  }
0x3b: {  	_ = 	snop  }
0x3c: {  	p2 =	seq.s32 s10, $0x1;
	s10 =	sld [smem:$0x3FB2]  }
0x3d: {  	_ =	shalt  }
0x3e: {  	_ =	shalt  }
0x3f: {  	_ =	shalt  }
0x40: {  	_ =	shalt  }
0x41: {  	_ =	shalt  }
0x42: {  	_ =	shalt  }
0x43: {  	_ =	shalt  }
0x44: {  	_ =	shalt  }
0x45: {  	_ =	shalt  }
0x46: {  	_ =	shalt  }
0x47: {  	_ =	shalt  }
0x48: {  	_ =	shalt  }
0x49: {  	_ =	shalt  }
0x4a: {  	_ =	shalt  }
0x4b: {  	_ =	shalt  }
0x4c: {  	_ =	shalt  }
0x4d: {  	_ =	shalt  }
0x4e: {  	_ =	shalt  }
0x4f: {  	_ =	shalt  }
0x50: {  	_ =	shalt  }
0x51: {  	_ =	shalt  }
0x52: {  	_ =	shalt  }
0x53: {  	_ =	shalt  }
0x54: {  	_ =	shalt  }
0x55: {  	_ =	shalt  }
0x56: {  	_ =	shalt  }
0x57: {  	_ =	shalt  }
0x58: {  	_ =	shalt  }
0x59: {  	_ =	shalt  }
0x5a: {  	_ =	shalt  }
0x5b: {  	_ =	shalt  }
0x5c: {  	_ =	shalt  }
0x5d: {  	_ =	shalt  }
0x5e: {  	_ =	shalt  }
0x5f: {  	_ =	shalt  }
0x60: {  	_ =	shalt  }
0x61: {  	_ =	shalt  }
0x62: {  	_ =	shalt  }
0x63: {  	_ =	shalt  }
0x64: {  	_ =	shalt  }
0x65: {  	_ =	shalt  }
0x66: {  	_ =	shalt  }
0x67: {  	_ =	shalt  }
0x68: {  	_ =	shalt  }
0x69: {  	_ =	shalt  }
0x6a: {  	_ =	shalt  }
0x6b: {  	_ =	shalt  }
0x6c: {  	_ =	shalt  }
0x6d: {  	_ =	shalt  }
0x6e: {  	_ =	shalt  }
0x6f: {  	_ =	shalt  }
0x70: {  	_ =	shalt  }
0x71: {  	_ =	shalt  }
0x72: {  	_ =	shalt  }
0x73: {  	_ =	shalt  }
0x74: {  	_ =	shalt  }
0x75: {  	_ =	shalt  }
0x76: {  	_ =	shalt  }
0x77: {  	_ =	shalt  }
0x78: {  	_ =	shalt  }
0x79: {  	_ =	shalt  }
0x7a: {  	_ =	shalt  }
0x7b: {  	_ =	shalt  }
0x7c: {  	_ =	shalt  }
0x7d: {  	_ =	shalt  }
0x7e: {  	_ =	shalt  }
0x7f: {  	_ =	shalt  }
0x80: {  	_ =	shalt  }
0x81: {  	_ =	shalt  }
0x82: {  	_ =	shalt  }
0x83: {  	_ =	shalt  }
0x84: {  	_ =	shalt  }
0x85: {  	_ =	shalt  }
0x86: {  	_ =	shalt  }
0x87: {  	_ =	shalt  }
.Lfunc_end0:
.L_simem_size_0:
called_computation.1_lowered:
.L_overlay_start_0:
0x88: {  	s2 =	sld [smem:$0x3FD9]  }
0x89: {  	s3 =	sld [smem:$0x3FFE];
	_ =	sdelay $0x1  }
0x8a: {  	s1 =	srdreg.scid  }
0x8b: {  	s0 =	sand.u32 $0x1, s1  }
0x8c: {  	s17 =	sshll.u32 s0, $0xA;
	s2 =	sadd.s32 s3, s2  }
0x8d: {  	s2 =	sadd.s32 s2, s17  }
0x8e: {  	[smem:$0x3FBE] =	sst s2  }
0x8f: {  	_ = 	snop  }
0x90: {  	s2 =	sld [smem:$0x3FD0];
	(tm) =	ssettm $0x1  }
0x91: {  	s18 =	sld [smem:$0x3FFB];
	_ =	sdelay $0x3  }
0x92: {  	_ =	strace s18  }
0x93: {  	s3 =	sld [smem:$0x3FFC];
	_ =	sdelay $0x3  }
0x94: {  	_ =	strace s3  }
0x95: {  	s3 =	sld [smem:$0x3FFD];
	_ =	sdelay $0x3  }
0x96: {  	_ =	strace s3  }
0x97: {  	_ =	strace $0x8FFFFFFF  }
0x98: {  	s19 =	sld [smem:$0x3FDB];
	_ =	sdelay $0x1  }
0x99: {  	s4 =	simm.s32 $_scs_section_size  }
0x9a: {  	s5 =	simm.s32 $_size__tile_overlayer_lowered;
	s6 =	simm.s32 $_tile_overlayer_lowered  }
0x9b: {  	s22 =	simm.s32 $0x1BFF;
	s21 =	sshll.u32 s6, $0x1;
	s3 =	sadd.s32 s4, s19  }
0x9c: {  	s7 =	simm.s32 $0x0;
	s20 =	sshll.u32 s5, $0x1;
	s5 =	sadd.s32 s21, s3  }
0x9d: {  	[timem:s7], [sflag:s22] =	dma.local [hbm:s5], s20  }
0x9e: {  	_ =	swait.ge [sflag:s22], s20  }
0x9f: {  	s4 =	ssub.s32 $0x0, s20;
	[sflag:s22] =	ssyncset.done $0x0  }
0xa0: {  	[sflag:s22] =	ssyncadd.s32 s4;
	_ =	sdelay $0x1  }
0xa1: {  	s23 =	simm.s32 $0x1B8B  }
0xa2: {  	_ =	swait.ge [sflag:s23], $0x1  }
0xa3: {  	[sflag:s23] =	ssyncset.done $0x0  }
0xa4: {  	s25 =	simm.s32 $0x1B8E;
	s24 =	sld [smem:$0x3FFE];
	[sflag:s23] =	ssyncadd.s32 $0xFFFFFFFF  }
0xa5: {  	s26 =	simm.s32 $execute0_lowered;
	[smem:$0x3FD2] =	sst s25  }
0xa6: {  	s5 =	sshll.u32 s26, $0x1;
	_ =	strace $0x80000049;
	[dreg:$0x1] =	wrdreg $0xFFFFFFFF  }
0xa7: {  	s28 =	simm.s32 $_size_execute0_lowered;
	s3 =	sadd.s32 s3, s5;
	[dreg:$0x0] =	wrdreg $0x0  }
0xa8: {  	s5 =	sshll.u32 s28, $0x1;
	[dreg:$0x2] =	wrdreg s3  }
0xa9: {  	[dreg:$0x3] =	wrdreg s5  }
0xaa: {  	[dreg:$0x4] =	wrdreg $0xC0  }
0xab: {  	_ =	task [dreg:s7], $0x5FFFF  }
0xac: {  	[dreg:$0x1] =	wrdreg $0xFFFFFFFF  }
0xad: {  	[dreg:$0x0] =	wrdreg $0x60  }
0xae: {  	[dreg:$0x2] =	wrdreg s24  }
0xaf: {  	[dreg:$0x3] =	wrdreg s2  }
0xb0: {  	[dreg:$0x4] =	wrdreg $0x63B00  }
0xb1: {  	[dreg:$0x5] =	wrdreg $0x9  }
0xb2: {  	_ =	task.clear_ibuf [dreg:s7], $0x6FFFF;
	_ =	strace $0x90000049  }
0xb3: {  	s29 =	simm.s32 $0x9;
	_ =	strace $0x8000004B  }
0xb4: {  	_ =	swait.ge [sflag:s29], $0x1  }
0xb5: {  	[sflag:s29] =	ssyncadd.s32 $0xFFFFFFFF  }
0xb6: {  	_ =	strace $0x9000004B  }
0xb7: {  	_ =	sfence  }
0xb8: {  	s30 =	sld [smem:$0x0];
	_ =	sdelay $0x2  }
0xb9: {  	s31 =	sshll.u32 s1, $0xD;
	s1 =	sshrl.u32 s1, $0x2  }
0xba: {  	s3 =	sand.u32 $0x4000, s31;
	s1 =	sadd.s32 s1, s30  }
0xbb: {  	s0 =	sor.u32 s3, s0;
	s1 =	sshll.u32 s1, $0x11  }
0xbc: {  	s0 =	sor.u32 s1, s0  }
0xbd: {  	s0 =	sadd.s32 $0x8F2B, s0  }
0xbe: {  	[sflag:s0] =	ssyncadd.remote.s32 $0x1  }
0xbf: {  	_ =	sfence.sel $0xFFFF  }
0xc0: {  	[dreg:$0x0] =	wrdreg $0xFFFFFFFF;
	(pc) =	sbr.abs _section_cstart, $3  }
0xc1: {  	[dreg:$0x1] =	wrdreg $0xFFFFFFFF  }
0xc2: {  	_ =	task.clear_ibuf [dreg:s7], $0x2FFFF;
	_ =	strace $0x9FFFFFFF  }
0xc3: {  	(tm) =	ssettm $0x7FFFFFFF  }
tec
execute0_lowered:
.L_overlay_start_1:
0x0: {  	(tag) =	ssettag $0x1  }
0x1: {  	s0 =	rddreg [dreg:$0x0]  }
0x2: {  	s2 =	rddreg [dreg:$0x1]  }
0x3: {  	s1 =	rddreg [dreg:$0x2]  }
0x4: {  	s3 =	simm.s32 $0x0;
	s4 =	srdreg.scid;
	s13 =	stileid.u32  }
0x5: {  	s18 =	simm.s32 $0x7;
	s28 =	simm.s32 $0x2CB0;
	s29 =	simm.s32 $0x1  }
0x6: {  	s30 =	simm.s32 $0x5;
	s31 =	simm.s32 $0x2;
	[smem:$0x7FF] =	sst s3  }
0x7: {  	s7 =	sand.u32 $0x1, s4;
	s9 =	smul.u32 $0xC580, s13;
	s4 =	sadd.s32 $0x81000, s0  }
0x8: {  	s5 =	sadd.s32 $0x800, s0;
	s6 =	sadd.s32 $0x19400, s0;
	s14 =	sadd.s32 $0x1E400, s0  }
0x9: {  	s10 =	sshll.u32 s13, $0x1;
	s22 =	sshll.u32 s13, $0x6;
	_ =	strace $0x8000004A  }
0xa: {  	s8 =	smul.u32 $0xC5800, s7;
	s11 =	ssub.s32 $0x2, s7;
	s7 =	sor.u32 s7, s10  }
0xb: {  	[dreg:$0x4] =	wrdreg s14;
	s10 =	sor.u32 $0x1C07, s22;
	s22 =	simm.s32 $0x31B0  }
0xc: {  	s12 =	sshrl.u32 s11, $0x1;
	s21 =	sadd.s32 s9, s1;
	s8 =	sadd.s32 s9, s8  }
0xd: {  	s20 =	ssub.s32 s11, s12;
	s9 =	sshrl.u32 s9, $0x3;
	s17 =	sshrl.u32 s21, $0x3  }
0xe: {  	s21 =	simm.s32 $0x50;
	s19 =	sshrl.u32 s8, $0x3;
	s9 =	sadd.s32 s14, s9  }
0xf: {  	s8 =	smul.u32 $0x2710, s7;
	s26 =	smax.u32 s20, $0x1;
	[dreg:$0x5] =	wrdreg s9  }
0x10: {  	s20 =	simm.s32 $0x3;
	s0 =	sadd.s32 s19, s0;
	[dreg:$0xa] =	wrdreg s26  }
0x11: {  	s26 =	simm.s32 $0x6;
	s23 =	sshrl.u32 s8, $0x3;
	s0 =	sadd.s32 $0x37000, s0  }
0x12: {  	s14 =	sadd.s32 $0xF0, s8;
	s2 =	sadd.s32 s2, s23;
	[dreg:$0x9] =	wrdreg s0  }
0x13: {  	s24 =	sadd.s32 s4, s23;
	s23 =	simm.s32 $0x27B0;
	[dreg:$0x7] =	wrdreg s2  }
0x14: {  	[dreg:$0x6] =	wrdreg s24;
	s25 =	sadd.s32 $0xA, s24;
	s24 =	simm.s32 $0x4AB0  }
0x15: {  	v0 =	vimm.s32 $0x0;
	s2 =	simm.s32 $0x0;
	[dreg:$0x8] =	wrdreg s25;
	s25 =	simm.s32 $0x4  }
.LBB2_1:
0x16: {  	s0 =	rddreg [dreg:$0x5]  }
0x17: {  	[spmem:s17], [sflag:s10] =	dma.local [hbm:s0], $0x18B0  }
0x18: {  	_ =	swait.ge [sflag:s18], $0x18B0  }
0x19: {  	[sflag:s18] =	ssyncset.done $0x0  }
0x1a: {  	s7 =	simm.s32 $0xA0;
	s13 =	rddreg [dreg:$0x7];
	[sflag:s18] =	ssyncadd.s32 $0xFFFFE750  }
0x1b: {  	[tilespmem:s7], [sflag:$0x7] =	stream.linear.gather [hbm4b:s13+s3], $0x2710, $0x38;
	[tilespmem:$0x12930] =	vst v63  }
0x1c: {  	_ =	swait.ge [sflag:s18], $0x2710  }
0x1d: {  	[sflag:s18] =	ssyncset.done $0x0  }
0x1e: {  	[sflag:s18] =	ssyncadd.s32 $0xFFFFD8F0  }
0x1f: {  	[bflag:$0x0] =	sbarrier.arrive $0xFFFF  }
0x20: {  	s15 =	rddreg [dreg:$0x6]  }
0x21: {  	[tilespmem:s3], [sflag:$0x3] =	stream.linear.gather [hbm4b:s15+s3], $0x50, $0x38;
	[tilespmem:$0x12930] =	vst v63  }
0x22: {  	_ =	swait.ge [sflag:s20], $0x50  }
0x23: {  	[sflag:s20] =	ssyncset.done $0x0  }
0x24: {  	[sflag:s20] =	ssyncadd.s32 $0xFFFFFFB0  }
0x25: {  	v1 =	vld [tilespmem:$0x0]  }
0x26: {  	v2 =	vld [tilespmem:$0xA0]  }
0x27: {  	v3 =	vld [tilespmem:$0x10]  }
0x28: {  	v4 =	vld [tilespmem:$0xB0]  }
0x29: {  	v5 =	vld [tilespmem:$0x20]  }
0x2a: {  	v6 =	vld [tilespmem:$0xC0]  }
0x2b: {  	v7 =	vld [tilespmem:$0x30]  }
0x2c: {  	v8 =	vld [tilespmem:$0xD0]  }
0x2d: {  	v9 =	vld [tilespmem:$0x40]  }
0x2e: {  	v10 =	vld [tilespmem:$0xE0]  }
0x2f: {  	vm0 =	veq.s32 v1, v2  }
0x30: {  	vm12 =	veq.s32 v3, v4;
	v1 =	vsel vm0, $0x2710, v2  }
0x31: {  	vm13 =	veq.s32 v5, v6;
	[tilespmem:$0xA0] =	vst v1;
	v1 =	vsel vm12, $0x2710, v4  }
0x32: {  	vm14 =	veq.s32 v7, v8;
	[tilespmem:$0xB0] =	vst v1;
	v1 =	vsel vm13, $0x2710, v6  }
0x33: {  	vm15 =	veq.s32 v9, v10;
	[tilespmem:$0xC0] =	vst v1;
	v1 =	vsel vm14, $0x2710, v8  }
0x34: {  	[tilespmem:$0xD0] =	vst v1;
	v1 =	vsel vm15, $0x2710, v10  }
0x35: {  	[tilespmem:$0xE0] =	vst v1  }
0x36: {  	[tilespmem:s22], [sflag:$0x1] =	stream.indirect.gather [hbm4b:s5+s21], $0x50, s3, s21, $0xb8;
	[tilespmem:$0x12930] =	vst v63  }
0x37: {  	_ = 	snop  }
0x38: {  	[tilespmem:s23], [sflag:$0x1] =	stream.indirect.gather [hbm4b:s6+s21], $0x10, s7, s21, $0xb8;
	[tilespmem:$0x12930] =	vst v63  }
0x39: {  	s16 =	rddreg [dreg:$0x4]  }
0x3a: {  	[tilespmem:s24], [sflag:$0x6] =	stream.linear.gather [hbm4b:s16+s3], $0x1900, $0x38;
	[tilespmem:$0x12930] =	vst v63  }
0x3b: {  	s0 =	simm.s32 $0x0;
	s19 =	rddreg [dreg:$0x8]  }
0x3c: {  	[tilespmem:s21], [sflag:$0x4] =	stream.linear.gather [hbm4b:s19+s3], $0x50, $0x38;
	[tilespmem:$0x12930] =	vst v63  }
.LBB2_2:
0x3d: {  	_ =	swait.ge [sflag:s25], $0x50  }
0x3e: {  	[sflag:s25] =	ssyncset.done $0x0  }
0x3f: {  	s9 =	smul.u32 $0xA0, s0;
	[sflag:s25] =	ssyncadd.s32 $0xFFFFFFB0  }
0x40: {  	v1 =	vld [tilespmem:$0x50]  }
0x41: {  	v2 =	vld [tilespmem:s9+$0xF0];
	_ =	sdelay $0x4  }
0x42: {  	vm0 =	veq.s32 v1, v2  }
0x43: {  	v1 =	vsel vm0, $0x2710, v2  }
0x44: {  	v2 =	vld [tilespmem:s9+$0x100];
	[tilespmem:s9+$0xF0] =	vst v1  }
0x45: {  	v1 =	vld [tilespmem:$0x60];
	_ =	sdelay $0x4  }
0x46: {  	vm0 =	veq.s32 v1, v2  }
0x47: {  	v1 =	vsel vm0, $0x2710, v2  }
0x48: {  	v2 =	vld [tilespmem:s9+$0x110];
	[tilespmem:s9+$0x100] =	vst v1  }
0x49: {  	v1 =	vld [tilespmem:$0x70];
	_ =	sdelay $0x4  }
0x4a: {  	vm0 =	veq.s32 v1, v2  }
0x4b: {  	v1 =	vsel vm0, $0x2710, v2  }
0x4c: {  	v2 =	vld [tilespmem:s9+$0x120];
	[tilespmem:s9+$0x110] =	vst v1  }
0x4d: {  	v1 =	vld [tilespmem:$0x80];
	_ =	sdelay $0x4  }
0x4e: {  	vm0 =	veq.s32 v1, v2  }
0x4f: {  	v1 =	vsel vm0, $0x2710, v2  }
0x50: {  	v2 =	vld [tilespmem:s9+$0x130];
	[tilespmem:s9+$0x120] =	vst v1  }
0x51: {  	v1 =	vld [tilespmem:$0x90];
	_ =	sdelay $0x4  }
0x52: {  	vm0 =	veq.s32 v1, v2  }
0x53: {  	v1 =	vsel vm0, $0x2710, v2  }
0x54: {  	[tilespmem:s9+$0x130] =	vst v1  }
0x55: {  	_ =	swait.ge [sflag:s26], $0x1900  }
0x56: {  	[sflag:s26] =	ssyncset.done $0x0  }
0x57: {  	[sflag:s26] =	ssyncadd.s32 $0xFFFFE700  }
0x58: {  	[tilespmem:s24], [sflag:$0x2] =	stream.indirect.gather [hbm4b:s5+s21], $0x50, s21, s21, $0xb8;
	[tilespmem:$0x12930] =	vst v63  }
0x59: {  	s19 =	sadd.s32 $0xF0, s9  }
0x5a: {  	[tilespmem:s28], [sflag:$0x2] =	stream.indirect.gather [hbm4b:s6+s21], $0x10, s19, s21, $0xb8;
	[tilespmem:$0x12930] =	vst v63  }
0x5b: {  	_ =	swait.ge [sflag:s29], $0x1900  }
0x5c: {  	[sflag:s29] =	ssyncset.done $0x0  }
0x5d: {  	s12 =	sadd.s32 $0xA0, s9;
	[sflag:s29] =	ssyncadd.s32 $0xFFFFE700  }
0x5e: {  	s7 =	sadd.s32 s8, s12;
	_ =	swait.ge [sflag:s29], $0x500  }
0x5f: {  	s7 =	sshrl.u32 s7, $0x3;
	[sflag:s29] =	ssyncset.done $0x0  }
0x60: {  	s15 =	simm.s32 $0x3200;
	s7 =	sadd.s32 s4, s7;
	[sflag:s29] =	ssyncadd.s32 $0xFFFFFB00  }
0x61: {  	[tilespmem:s3], [sflag:$0x3] =	stream.linear.gather [hbm4b:s7+s3], $0x50, $0x38;
	[tilespmem:$0x12930] =	vst v63  }
0x62: {  	s16 =	simm.s32 $0x27C0;
	v1 =	vld [tilespmem:s15+$0x40]  }
0x63: {  	v2 =	vld [tilespmem:s16+$0x0];
	_ =	sdelay $0x1  }
0x64: {  	v3 =	vld [tilespmem:s16+$0xFFFFFFF0]  }
0x65: {  	v4 =	vld [tilespmem:s15+$0xFFFFFFF0]  }
0x66: {  	v5 =	vld [tilespmem:s15+$0xFFFFFFB0]  }
0x67: {  	s13 =	simm.s32 $0x32A0;
	v6 =	vld [tilespmem:s15+$0xFFFFFFC0];
	v1 =	vadd.f32 v2, v1  }
0x68: {  	v12 =	vld [tilespmem:s13+$0x40];
	s16 =	simm.s32 $0x27E0  }
0x69: {  	v13 =	vld [tilespmem:s16+$0x0];
	v2 =	vmul.f32 $2.000000030e-01, v1  }
0x6a: {  	v9 =	vld [tilespmem:s15+$0xFFFFFFD0];
	v4 =	vadd.f32 v3, v4;
	vm0 =	vgt.f32 v1, $0.0e+00  }
0x6b: {  	v7 =	vld [tilespmem:s15+$0xFFFFFFE0];
	v1 =	vsel vm0, v1, v2  }
0x6c: {  	v11 =	vld [tilespmem:s15+$0x0];
	v16 =	vmul.f32 $2.000000030e-01, v4;
	v1 =	vmul.f32 $1.442695020e+00, v1  }
0x6d: {  	v8 =	vld [tilespmem:s15+$0x10];
	vm0 =	vgt.f32 v4, $0.0e+00  }
0x6e: {  	v15 =	vld [tilespmem:s13+$0xFFFFFFF0];
	v12 =	vadd.f32 v13, v12;
	v13 =	vsel vm0, v4, v16;
	(erf) = vpow2.f32 v1  }
0x6f: {  	v14 =	vld [tilespmem:s16+$0xFFFFFFF0];
	v18 =	vmul.f32 $1.442695020e+00, v13  }
0x70: {  	v10 =	vld [tilespmem:s15+$0x20]  }
0x71: {  	v3 =	vld [tilespmem:s13+$0xFFFFFFD0];
	(erf) = vpow2.f32 v18  }
0x72: {  	v2 =	vld [tilespmem:s13+$0xFFFFFFC0]  }
0x73: {  	v4 =	vld [tilespmem:s13+$0xFFFFFFE0]  }
0x74: {  	v17 =	vadd.f32 v14, v15;
	v14 =	vmul.f32 $2.000000030e-01, v12;
	v16 =	vld [tilespmem:s15+$0x30]  }
0x75: {  	vm0 =	vgt.f32 v12, $0.0e+00;
	v13 =	vld [tilespmem:s13+$0x0]  }
0x76: {  	v12 =	vsel vm0, v12, v14;
	v14 =	vld [tilespmem:s13+$0x10]  }
0x77: {  	v19 =	vmul.f32 $2.000000030e-01, v17;
	v1 =	vld [tilespmem:s13+$0xFFFFFFB0];
	v18 =	vpop (erf)  }
0x78: {  	s11 =	simm.s32 $0x3340;
	s7 =	simm.s32 $0x2;
	vm0 =	vgt.f32 v17, $0.0e+00;
	v20 =	vmul.f32 $1.442695020e+00, v12;
	v12 =	vld [tilespmem:s13+$0x20];
	v15 =	vperm.xlane v18, v0  }
.LBB2_3:
0x79: {  	v21 =	vld [tilespmem:s11+$0x40];
	v17 =	vsel vm0, v17, v19;
	s16 =	sadd.s32 $0x20, s16;
	[tilespmem:s15+$0x40] =	vst v18  }
0x7a: {  	s7 =	sadd.s32 $0x2, s7;
	v18 =	vld [tilespmem:s16+$0x0];
	(erf) = vpow2.f32 v20;
	v16 =	vmul.f32 v16, v15;
	v19 =	vpop (erf)  }
0x7b: {  	p0 =	slt.u32 s7, $0x4E;
	v17 =	vmul.f32 $1.442695020e+00, v17;
	v20 =	vld [tilespmem:s16+$0xFFFFFFF0];
	[tilespmem:s15+$0xFFFFFFF0] =	vst v19;
	v19 =	vperm.xlane v19, v0  }
0x7c: {  	v23 =	vmul.f32 v11, v15;
	v24 =	vmul.f32 v8, v15;
	v11 =	vmovc v13;
	v22 =	vld [tilespmem:s11+$0xFFFFFFF0];
	[tilespmem:s15+$0x30] =	vst v16;
	v8 =	vmov v14  }
0x7d: {  	(erf) = vpow2.f32 v17;
	v13 =	vmul.f32 v5, v19;
	v5 =	vmov v1;
	v1 =	vld [tilespmem:s11+$0xFFFFFFB0]  }
0x7e: {  	v14 =	vmul.f32 v6, v19;
	v25 =	vmul.f32 v9, v19;
	v6 =	vmovc v2;
	v9 =	vmov v3;
	[tilespmem:s15+$0x0] =	vst v23;
	v2 =	vld [tilespmem:s11+$0xFFFFFFC0]  }
0x7f: {  	v19 =	vmul.f32 v7, v19;
	v3 =	vld [tilespmem:s11+$0xFFFFFFD0];
	v18 =	vadd.f32 v18, v21;
	[tilespmem:s15+$0xFFFFFFB0] =	vst v13;
	v21 =	vmul.f32 v10, v15  }
.Ltmp0:
0x80: {  	v7 =	vmov v4;
	v10 =	vmov v12;
	[tilespmem:s15+$0xFFFFFFC0] =	vst v14;
	v4 =	vld [tilespmem:s11+$0xFFFFFFE0];
	(pc) =	sbr.rel @p0 .LBB2_3-.Ltmp0, $4  }
0x81: {  	v17 =	vadd.f32 v20, v22;
	v12 =	vmul.f32 $2.000000030e-01, v18;
	v16 =	vld [tilespmem:s13+$0x30];
	[tilespmem:s15+$0xFFFFFFD0] =	vst v25  }
0x82: {  	vm1 =	vgt.f32 v18, $0.0e+00;
	v13 =	vld [tilespmem:s11+$0x0];
	[tilespmem:s15+$0xFFFFFFE0] =	vst v19  }
0x83: {  	vm0 =	vgt.f32 v17, $0.0e+00;
	v19 =	vmul.f32 $2.000000030e-01, v17;
	v12 =	vsel vm1, v18, v12;
	v14 =	vld [tilespmem:s11+$0x10];
	v18 =	vpop (erf);
	[tilespmem:s15+$0x10] =	vst v24  }
0x84: {  	v20 =	vmul.f32 $1.442695020e+00, v12;
	v12 =	vld [tilespmem:s11+$0x20];
	v15 =	vperm.xlane v18, v0;
	[tilespmem:s15+$0x20] =	vst v21;
	s15 =	smov.u32 s13;
	s13 =	smov.u32 s11;
	s11 =	sadd.s32 $0xA0, s11  }
0x85: {  	v17 =	vsel vm0, v17, v19  }
0x86: {  	(erf) = vpow2.f32 v20;
	v17 =	vmul.f32 $1.442695020e+00, v17;
	v19 =	vpop (erf)  }
0x87: {  	[tilespmem:s15+$0x40] =	vst v18;
	v18 =	vperm.xlane v19, v0  }
0x88: {  	v16 =	vmul.f32 v16, v15;
	(erf) = vpow2.f32 v17  }
0x89: {  	[tilespmem:s15+$0xFFFFFFF0] =	vst v19;
	v5 =	vmul.f32 v5, v18  }
0x8a: {  	v11 =	vmul.f32 v11, v15;
	[tilespmem:s15+$0x30] =	vst v16  }
0x8b: {  	v6 =	vmul.f32 v6, v18;
	[tilespmem:s15+$0xFFFFFFB0] =	vst v5;
	v5 =	vmul.f32 v7, v18  }
0x8c: {  	[tilespmem:s15+$0x0] =	vst v11;
	v9 =	vmul.f32 v9, v18  }
0x8d: {  	[tilespmem:s15+$0xFFFFFFC0] =	vst v6;
	v6 =	vld [tilespmem:s13+$0x30];
	v7 =	vmul.f32 v8, v15;
	v8 =	vmul.f32 v10, v15  }
0x8e: {  	[tilespmem:s15+$0xFFFFFFD0] =	vst v9  }
0x8f: {  	[tilespmem:s15+$0xFFFFFFE0] =	vst v5;
	v5 =	vpop (erf)  }
0x90: {  	[tilespmem:s15+$0x10] =	vst v7;
	v7 =	vperm.xlane v5, v0  }
0x91: {  	[tilespmem:s15+$0x20] =	vst v8;
	v8 =	vpop (erf)  }
0x92: {  	[tilespmem:s13+$0x40] =	vst v5;
	v5 =	vmul.f32 v6, v7;
	v6 =	vperm.xlane v8, v0  }
0x93: {  	[tilespmem:s13+$0xFFFFFFF0] =	vst v8;
	v8 =	vmul.f32 v13, v7  }
0x94: {  	[tilespmem:s13+$0x30] =	vst v5;
	v1 =	vmul.f32 v1, v6  }
0x95: {  	v2 =	vmul.f32 v2, v6;
	[tilespmem:s13+$0x0] =	vst v8  }
0x96: {  	v3 =	vmul.f32 v3, v6;
	[tilespmem:s13+$0xFFFFFFB0] =	vst v1  }
0x97: {  	v1 =	vmul.f32 v4, v6;
	[tilespmem:s13+$0xFFFFFFC0] =	vst v2  }
0x98: {  	s7 =	smul.u32 $0x280, s0;
	v2 =	vmul.f32 v14, v7;
	[tilespmem:s13+$0xFFFFFFD0] =	vst v3  }
0x99: {  	v3 =	vmul.f32 v12, v7;
	[tilespmem:s13+$0xFFFFFFE0] =	vst v1  }
0x9a: {  	s7 =	sshra.s32 s7, $0x2;
	[tilespmem:s13+$0x10] =	vst v2  }
0x9b: {  	s7 =	sadd.s32 $0xA0, s7;
	[tilespmem:s13+$0x20] =	vst v3  }
0x9c: {  	[spmem:s1] =	stream.indirect.scatter.add.f32 [tilespmem:s22], [sflag:$0x5], $0x50, s7, s21, $0xb8;
	[tilespmem:$0x12930] =	vst v63  }
0x9d: {  	_ =	swait.ge [sflag:s20], $0x50  }
0x9e: {  	[sflag:s20] =	ssyncset.done $0x0  }
0x9f: {  	[sflag:s20] =	ssyncadd.s32 $0xFFFFFFB0  }
0xa0: {  	v1 =	vld [tilespmem:$0x0]  }
0xa1: {  	v2 =	vld [tilespmem:s12+$0xA0];
	_ =	sdelay $0x4  }
0xa2: {  	vm0 =	veq.s32 v1, v2  }
0xa3: {  	v1 =	vsel vm0, $0x2710, v2  }
0xa4: {  	[tilespmem:s12+$0xA0] =	vst v1  }
0xa5: {  	v1 =	vld [tilespmem:$0x10]  }
0xa6: {  	v2 =	vld [tilespmem:s9+$0x150];
	_ =	sdelay $0x4  }
0xa7: {  	vm0 =	veq.s32 v1, v2  }
0xa8: {  	v1 =	vsel vm0, $0x2710, v2  }
0xa9: {  	v2 =	vld [tilespmem:s9+$0x160];
	[tilespmem:s9+$0x150] =	vst v1  }
0xaa: {  	v1 =	vld [tilespmem:$0x20];
	_ =	sdelay $0x4  }
0xab: {  	vm0 =	veq.s32 v1, v2  }
0xac: {  	v1 =	vsel vm0, $0x2710, v2  }
0xad: {  	v2 =	vld [tilespmem:s9+$0x170];
	[tilespmem:s9+$0x160] =	vst v1  }
0xae: {  	v1 =	vld [tilespmem:$0x30];
	_ =	sdelay $0x4  }
0xaf: {  	vm0 =	veq.s32 v1, v2  }
0xb0: {  	v1 =	vsel vm0, $0x2710, v2  }
0xb1: {  	v2 =	vld [tilespmem:s9+$0x180];
	[tilespmem:s9+$0x170] =	vst v1  }
0xb2: {  	v1 =	vld [tilespmem:$0x40];
	_ =	sdelay $0x4  }
0xb3: {  	vm0 =	veq.s32 v1, v2  }
0xb4: {  	v1 =	vsel vm0, $0x2710, v2  }
0xb5: {  	[tilespmem:s9+$0x180] =	vst v1  }
0xb6: {  	_ =	swait.ge [sflag:s30], $0x1900  }
0xb7: {  	[sflag:s30] =	ssyncset.done $0x0  }
0xb8: {  	[sflag:s30] =	ssyncadd.s32 $0xFFFFE700  }
0xb9: {  	[tilespmem:s22], [sflag:$0x1] =	stream.indirect.gather [hbm4b:s5+s21], $0x50, s3, s21, $0xb8;
	[tilespmem:$0x12930] =	vst v63  }
0xba: {  	s15 =	sadd.s32 $0xA0, s12;
	s13 =	sshll.u32 s0, $0x1  }
0xbb: {  	[tilespmem:s23], [sflag:$0x1] =	stream.indirect.gather [hbm4b:s6+s21], $0x10, s15, s21, $0xb8;
	[tilespmem:$0x12930] =	vst v63  }
0xbc: {  	s7 =	smin.u32 s13, $0x79;
	_ =	swait.ge [sflag:s31], $0x1900  }
0xbd: {  	s7 =	smul.u32 $0x50, s7;
	[sflag:s31] =	ssyncset.done $0x0  }
0xbe: {  	[sflag:s31] =	ssyncadd.s32 $0xFFFFE700  }
0xbf: {  	s7 =	sadd.s32 s7, s14;
	_ =	swait.ge [sflag:s31], $0x500  }
0xc0: {  	s7 =	sshrl.u32 s7, $0x3;
	[sflag:s31] =	ssyncset.done $0x0  }
0xc1: {  	s7 =	sadd.s32 s4, s7;
	s12 =	simm.s32 $0x4B40;
	[sflag:s31] =	ssyncadd.s32 $0xFFFFFB00  }
0xc2: {  	[tilespmem:s21], [sflag:$0x4] =	stream.linear.gather [hbm4b:s7+s3], $0x50, $0x38;
	[tilespmem:$0x12930] =	vst v63  }
0xc3: {  	s16 =	simm.s32 $0x2CC0;
	v1 =	vld [tilespmem:s12+$0x0]  }
0xc4: {  	v2 =	vld [tilespmem:s16+$0x0];
	_ =	sdelay $0x1  }
0xc5: {  	v3 =	vld [tilespmem:s16+$0xFFFFFFF0]  }
0xc6: {  	v4 =	vld [tilespmem:s12+$0xFFFFFFB0]  }
0xc7: {  	v5 =	vld [tilespmem:s12+$0xFFFFFF70]  }
0xc8: {  	s9 =	simm.s32 $0x4BE0;
	v6 =	vld [tilespmem:s12+$0xFFFFFF80];
	v1 =	vadd.f32 v2, v1  }
0xc9: {  	s13 =	simm.s32 $0x2CE0;
	v12 =	vld [tilespmem:s9+$0x0]  }
0xca: {  	v13 =	vld [tilespmem:s13+$0x0];
	v2 =	vmul.f32 $2.000000030e-01, v1  }
0xcb: {  	v9 =	vld [tilespmem:s12+$0xFFFFFF90];
	v4 =	vadd.f32 v3, v4;
	vm0 =	vgt.f32 v1, $0.0e+00  }
0xcc: {  	v7 =	vld [tilespmem:s12+$0xFFFFFFA0];
	v1 =	vsel vm0, v1, v2  }
0xcd: {  	v11 =	vld [tilespmem:s12+$0xFFFFFFC0];
	v16 =	vmul.f32 $2.000000030e-01, v4;
	v1 =	vmul.f32 $1.442695020e+00, v1  }
0xce: {  	v8 =	vld [tilespmem:s12+$0xFFFFFFD0];
	vm0 =	vgt.f32 v4, $0.0e+00  }
0xcf: {  	v14 =	vld [tilespmem:s13+$0xFFFFFFF0];
	v12 =	vadd.f32 v13, v12;
	v13 =	vsel vm0, v4, v16;
	(erf) = vpow2.f32 v1  }
0xd0: {  	v15 =	vld [tilespmem:s9+$0xFFFFFFB0];
	v18 =	vmul.f32 $1.442695020e+00, v13  }
0xd1: {  	v10 =	vld [tilespmem:s12+$0xFFFFFFE0]  }
0xd2: {  	v3 =	vld [tilespmem:s9+$0xFFFFFF90];
	(erf) = vpow2.f32 v18  }
0xd3: {  	v2 =	vld [tilespmem:s9+$0xFFFFFF80]  }
0xd4: {  	v4 =	vld [tilespmem:s9+$0xFFFFFFA0]  }
0xd5: {  	v17 =	vadd.f32 v14, v15;
	v14 =	vmul.f32 $2.000000030e-01, v12;
	v16 =	vld [tilespmem:s12+$0xFFFFFFF0]  }
0xd6: {  	vm0 =	vgt.f32 v12, $0.0e+00;
	v13 =	vld [tilespmem:s9+$0xFFFFFFC0]  }
0xd7: {  	v12 =	vsel vm0, v12, v14;
	v14 =	vld [tilespmem:s9+$0xFFFFFFD0]  }
0xd8: {  	v19 =	vmul.f32 $2.000000030e-01, v17;
	v1 =	vld [tilespmem:s9+$0xFFFFFF70];
	v18 =	vpop (erf)  }
0xd9: {  	s11 =	simm.s32 $0x4C80;
	s7 =	simm.s32 $0x2;
	vm0 =	vgt.f32 v17, $0.0e+00;
	v20 =	vmul.f32 $1.442695020e+00, v12;
	v12 =	vld [tilespmem:s9+$0xFFFFFFE0];
	v15 =	vperm.xlane v18, v0  }
.LBB2_5:
0xda: {  	v21 =	vld [tilespmem:s11+$0x0];
	v17 =	vsel vm0, v17, v19;
	s13 =	sadd.s32 $0x20, s13;
	[tilespmem:s12+$0x0] =	vst v18  }
0xdb: {  	s7 =	sadd.s32 $0x2, s7;
	v18 =	vld [tilespmem:s13+$0x0];
	(erf) = vpow2.f32 v20;
	v16 =	vmul.f32 v16, v15;
	v19 =	vpop (erf)  }
0xdc: {  	p0 =	slt.u32 s7, $0x4E;
	v17 =	vmul.f32 $1.442695020e+00, v17;
	v20 =	vld [tilespmem:s13+$0xFFFFFFF0];
	[tilespmem:s12+$0xFFFFFFB0] =	vst v19;
	v19 =	vperm.xlane v19, v0  }
0xdd: {  	v23 =	vmul.f32 v11, v15;
	v24 =	vmul.f32 v8, v15;
	v11 =	vmovc v13;
	v22 =	vld [tilespmem:s11+$0xFFFFFFB0];
	[tilespmem:s12+$0xFFFFFFF0] =	vst v16;
	v8 =	vmov v14  }
0xde: {  	(erf) = vpow2.f32 v17;
	v13 =	vmul.f32 v5, v19;
	v5 =	vmov v1;
	v1 =	vld [tilespmem:s11+$0xFFFFFF70]  }
0xdf: {  	v14 =	vmul.f32 v6, v19;
	v25 =	vmul.f32 v9, v19;
	v6 =	vmovc v2;
	v9 =	vmov v3;
	[tilespmem:s12+$0xFFFFFFC0] =	vst v23;
	v2 =	vld [tilespmem:s11+$0xFFFFFF80]  }
0xe0: {  	v19 =	vmul.f32 v7, v19;
	v3 =	vld [tilespmem:s11+$0xFFFFFF90];
	v18 =	vadd.f32 v18, v21;
	[tilespmem:s12+$0xFFFFFF70] =	vst v13;
	v21 =	vmul.f32 v10, v15  }
.Ltmp1:
0xe1: {  	v7 =	vmov v4;
	v10 =	vmov v12;
	[tilespmem:s12+$0xFFFFFF80] =	vst v14;
	v4 =	vld [tilespmem:s11+$0xFFFFFFA0];
	(pc) =	sbr.rel @p0 .LBB2_5-.Ltmp1, $4  }
0xe2: {  	v17 =	vadd.f32 v20, v22;
	v12 =	vmul.f32 $2.000000030e-01, v18;
	v16 =	vld [tilespmem:s9+$0xFFFFFFF0];
	[tilespmem:s12+$0xFFFFFF90] =	vst v25  }
0xe3: {  	vm1 =	vgt.f32 v18, $0.0e+00;
	v13 =	vld [tilespmem:s11+$0xFFFFFFC0];
	[tilespmem:s12+$0xFFFFFFA0] =	vst v19  }
0xe4: {  	vm0 =	vgt.f32 v17, $0.0e+00;
	v19 =	vmul.f32 $2.000000030e-01, v17;
	v12 =	vsel vm1, v18, v12;
	v14 =	vld [tilespmem:s11+$0xFFFFFFD0];
	v18 =	vpop (erf);
	[tilespmem:s12+$0xFFFFFFD0] =	vst v24  }
0xe5: {  	v20 =	vmul.f32 $1.442695020e+00, v12;
	v12 =	vld [tilespmem:s11+$0xFFFFFFE0];
	v15 =	vperm.xlane v18, v0;
	[tilespmem:s12+$0xFFFFFFE0] =	vst v21;
	s12 =	smov.u32 s9;
	s9 =	smov.u32 s11;
	s11 =	sadd.s32 $0xA0, s11  }
0xe6: {  	v17 =	vsel vm0, v17, v19  }
0xe7: {  	(erf) = vpow2.f32 v20;
	v17 =	vmul.f32 $1.442695020e+00, v17;
	_ =	sdelay $0x1  }
0xe8: {  	[tilespmem:s12+$0x0] =	vst v18;
	v16 =	vmul.f32 v16, v15;
	v52 =	vpop (erf);
	(erf) = vpow2.f32 v17  }
0xe9: {  	v11 =	vmul.f32 v11, v15;
	[tilespmem:s12+$0xFFFFFFB0] =	vst v52  }
0xea: {  	v56 =	vmul.f32 v8, v15;
	v53 =	vperm.xlane v52, v0;
	[tilespmem:s12+$0xFFFFFFF0] =	vst v16  }
0xeb: {  	v57 =	vmul.f32 v10, v15;
	[tilespmem:s12+$0xFFFFFFC0] =	vst v11  }
0xec: {  	[tilespmem:s12+$0xFFFFFFD0] =	vst v56;
	v5 =	vmul.f32 v5, v53  }
0xed: {  	v55 =	vld [tilespmem:s9+$0xFFFFFFF0];
	[tilespmem:s12+$0xFFFFFFE0] =	vst v57;
	v6 =	vmul.f32 v6, v53  }
0xee: {  	v9 =	vmul.f32 v9, v53;
	[tilespmem:s12+$0xFFFFFF70] =	vst v5  }
0xef: {  	v54 =	vmul.f32 v7, v53;
	[tilespmem:s12+$0xFFFFFF80] =	vst v6;
	v58 =	vpop (erf)  }
0xf0: {  	[tilespmem:s12+$0xFFFFFF90] =	vst v9;
	v59 =	vperm.xlane v58, v0  }
0xf1: {  	[tilespmem:s12+$0xFFFFFFA0] =	vst v54;
	v60 =	vpop (erf)  }
0xf2: {  	[tilespmem:s9+$0x0] =	vst v58;
	v61 =	vmul.f32 v55, v59;
	v62 =	vperm.xlane v60, v0  }
0xf3: {  	[tilespmem:s9+$0xFFFFFFB0] =	vst v60;
	v63 =	vmul.f32 v13, v59  }
0xf4: {  	[tilespmem:s9+$0xFFFFFFF0] =	vst v61;
	v1 =	vmul.f32 v1, v62  }
0xf5: {  	v2 =	vmul.f32 v2, v62;
	[tilespmem:s9+$0xFFFFFFC0] =	vst v63  }
0xf6: {  	s0 =	sadd.s32 $0x1, s0;
	v3 =	vmul.f32 v3, v62;
	[tilespmem:s9+$0xFFFFFF70] =	vst v1  }
0xf7: {  	p0 =	sne.s32 s0, $0x3E;
	v1 =	vmul.f32 v4, v62;
	[tilespmem:s9+$0xFFFFFF80] =	vst v2  }
.Ltmp2:
0xf8: {  	v2 =	vmul.f32 v14, v59;
	[tilespmem:s9+$0xFFFFFF90] =	vst v3;
	(pc) =	sbr.rel @p0 .LBB2_2-.Ltmp2, $4  }
0xf9: {  	v3 =	vmul.f32 v12, v59;
	[tilespmem:s9+$0xFFFFFFA0] =	vst v1  }
0xfa: {  	[tilespmem:s9+$0xFFFFFFD0] =	vst v2  }
0xfb: {  	[tilespmem:s9+$0xFFFFFFE0] =	vst v3  }
0xfc: {  	[spmem:s1] =	stream.indirect.scatter.add.f32 [tilespmem:s24], [sflag:$0x6], $0x50, s19, s21, $0xb8;
	[tilespmem:$0x12930] =	vst v63  }
0xfd: {  	_ =	swait.ge [sflag:s29], $0x1900  }
0xfe: {  	[sflag:s29] =	ssyncset.done $0x0  }
0xff: {  	[sflag:s29] =	ssyncadd.s32 $0xFFFFE700  }
0x100: {  	_ =	swait.ge [sflag:s29], $0x500  }
0x101: {  	[sflag:s29] =	ssyncset.done $0x0  }
0x102: {  	s9 =	simm.s32 $0x3200;
	[sflag:s29] =	ssyncadd.s32 $0xFFFFFB00  }
0x103: {  	s0 =	simm.s32 $0x27C0;
	v1 =	vld [tilespmem:s9+$0x40]  }
0x104: {  	v2 =	vld [tilespmem:s0+$0x0];
	_ =	sdelay $0x1  }
0x105: {  	v3 =	vld [tilespmem:s0+$0xFFFFFFF0]  }
0x106: {  	v4 =	vld [tilespmem:s9+$0xFFFFFFF0]  }
0x107: {  	v5 =	vld [tilespmem:s9+$0xFFFFFFB0]  }
0x108: {  	s12 =	simm.s32 $0x27E0;
	v6 =	vld [tilespmem:s9+$0xFFFFFFC0];
	v1 =	vadd.f32 v2, v1  }
0x109: {  	s0 =	simm.s32 $0x32A0;
	v13 =	vld [tilespmem:s12+$0x0]  }
0x10a: {  	v12 =	vld [tilespmem:s0+$0x40];
	v2 =	vmul.f32 $2.000000030e-01, v1  }
0x10b: {  	v9 =	vld [tilespmem:s9+$0xFFFFFFD0];
	v4 =	vadd.f32 v3, v4;
	vm0 =	vgt.f32 v1, $0.0e+00  }
0x10c: {  	v7 =	vld [tilespmem:s9+$0xFFFFFFE0];
	v1 =	vsel vm0, v1, v2  }
0x10d: {  	v11 =	vld [tilespmem:s9+$0x0];
	v16 =	vmul.f32 $2.000000030e-01, v4;
	v1 =	vmul.f32 $1.442695020e+00, v1  }
0x10e: {  	v8 =	vld [tilespmem:s9+$0x10];
	vm0 =	vgt.f32 v4, $0.0e+00  }
0x10f: {  	v14 =	vld [tilespmem:s12+$0xFFFFFFF0];
	v12 =	vadd.f32 v13, v12;
	v13 =	vsel vm0, v4, v16;
	(erf) = vpow2.f32 v1  }
0x110: {  	v15 =	vld [tilespmem:s0+$0xFFFFFFF0];
	v18 =	vmul.f32 $1.442695020e+00, v13  }
0x111: {  	v10 =	vld [tilespmem:s9+$0x20]  }
0x112: {  	v3 =	vld [tilespmem:s0+$0xFFFFFFD0];
	(erf) = vpow2.f32 v18  }
0x113: {  	v2 =	vld [tilespmem:s0+$0xFFFFFFC0]  }
0x114: {  	v4 =	vld [tilespmem:s0+$0xFFFFFFE0]  }
0x115: {  	v17 =	vadd.f32 v14, v15;
	v14 =	vmul.f32 $2.000000030e-01, v12;
	v16 =	vld [tilespmem:s9+$0x30]  }
0x116: {  	vm0 =	vgt.f32 v12, $0.0e+00;
	v13 =	vld [tilespmem:s0+$0x0]  }
0x117: {  	v12 =	vsel vm0, v12, v14;
	v14 =	vld [tilespmem:s0+$0x10]  }
0x118: {  	v19 =	vmul.f32 $2.000000030e-01, v17;
	v1 =	vld [tilespmem:s0+$0xFFFFFFB0];
	v18 =	vpop (erf)  }
0x119: {  	s7 =	simm.s32 $0x2;
	s11 =	simm.s32 $0x3340;
	vm0 =	vgt.f32 v17, $0.0e+00;
	v20 =	vmul.f32 $1.442695020e+00, v12;
	v12 =	vld [tilespmem:s0+$0x20];
	v15 =	vperm.xlane v18, v0  }
.LBB2_8:
0x11a: {  	v21 =	vld [tilespmem:s11+$0x40];
	v17 =	vsel vm0, v17, v19;
	s12 =	sadd.s32 $0x20, s12;
	[tilespmem:s9+$0x40] =	vst v18  }
0x11b: {  	s7 =	sadd.s32 $0x2, s7;
	v18 =	vld [tilespmem:s12+$0x0];
	(erf) = vpow2.f32 v20;
	v16 =	vmul.f32 v16, v15;
	v19 =	vpop (erf)  }
0x11c: {  	p0 =	slt.u32 s7, $0x4E;
	v17 =	vmul.f32 $1.442695020e+00, v17;
	v20 =	vld [tilespmem:s12+$0xFFFFFFF0];
	[tilespmem:s9+$0xFFFFFFF0] =	vst v19;
	v19 =	vperm.xlane v19, v0  }
0x11d: {  	v23 =	vmul.f32 v11, v15;
	v24 =	vmul.f32 v8, v15;
	v11 =	vmovc v13;
	v22 =	vld [tilespmem:s11+$0xFFFFFFF0];
	[tilespmem:s9+$0x30] =	vst v16;
	v8 =	vmov v14  }
0x11e: {  	(erf) = vpow2.f32 v17;
	v13 =	vmul.f32 v5, v19;
	v5 =	vmov v1;
	v1 =	vld [tilespmem:s11+$0xFFFFFFB0]  }
0x11f: {  	v14 =	vmul.f32 v6, v19;
	v25 =	vmul.f32 v9, v19;
	v6 =	vmovc v2;
	v9 =	vmov v3;
	[tilespmem:s9+$0x0] =	vst v23;
	v2 =	vld [tilespmem:s11+$0xFFFFFFC0]  }
0x120: {  	v19 =	vmul.f32 v7, v19;
	v3 =	vld [tilespmem:s11+$0xFFFFFFD0];
	v18 =	vadd.f32 v18, v21;
	[tilespmem:s9+$0xFFFFFFB0] =	vst v13;
	v21 =	vmul.f32 v10, v15  }
.Ltmp3:
0x121: {  	v7 =	vmov v4;
	v10 =	vmov v12;
	[tilespmem:s9+$0xFFFFFFC0] =	vst v14;
	v4 =	vld [tilespmem:s11+$0xFFFFFFE0];
	(pc) =	sbr.rel @p0 .LBB2_8-.Ltmp3, $4  }
0x122: {  	v17 =	vadd.f32 v20, v22;
	v12 =	vmul.f32 $2.000000030e-01, v18;
	v16 =	vld [tilespmem:s0+$0x30];
	[tilespmem:s9+$0xFFFFFFD0] =	vst v25  }
0x123: {  	vm1 =	vgt.f32 v18, $0.0e+00;
	v13 =	vld [tilespmem:s11+$0x0];
	[tilespmem:s9+$0xFFFFFFE0] =	vst v19  }
0x124: {  	vm0 =	vgt.f32 v17, $0.0e+00;
	v19 =	vmul.f32 $2.000000030e-01, v17;
	v12 =	vsel vm1, v18, v12;
	v14 =	vld [tilespmem:s11+$0x10];
	v18 =	vpop (erf);
	[tilespmem:s9+$0x10] =	vst v24  }
0x125: {  	v20 =	vmul.f32 $1.442695020e+00, v12;
	v12 =	vld [tilespmem:s11+$0x20];
	v15 =	vperm.xlane v18, v0;
	[tilespmem:s9+$0x20] =	vst v21;
	s9 =	smov.u32 s0;
	s0 =	smov.u32 s11;
	s11 =	sadd.s32 $0xA0, s11  }
0x126: {  	v17 =	vsel vm0, v17, v19  }
0x127: {  	(erf) = vpow2.f32 v20;
	v17 =	vmul.f32 $1.442695020e+00, v17;
	_ =	sdelay $0x1  }
0x128: {  	[tilespmem:s9+$0x40] =	vst v18;
	v16 =	vmul.f32 v16, v15;
	v52 =	vpop (erf);
	(erf) = vpow2.f32 v17  }
0x129: {  	v11 =	vmul.f32 v11, v15;
	[tilespmem:s9+$0xFFFFFFF0] =	vst v52  }
0x12a: {  	v56 =	vmul.f32 v8, v15;
	v53 =	vperm.xlane v52, v0;
	[tilespmem:s9+$0x30] =	vst v16  }
0x12b: {  	v57 =	vmul.f32 v10, v15;
	[tilespmem:s9+$0x0] =	vst v11  }
0x12c: {  	[tilespmem:s9+$0x10] =	vst v56;
	v5 =	vmul.f32 v5, v53  }
0x12d: {  	v55 =	vld [tilespmem:s0+$0x30];
	[tilespmem:s9+$0x20] =	vst v57;
	v6 =	vmul.f32 v6, v53  }
0x12e: {  	v9 =	vmul.f32 v9, v53;
	[tilespmem:s9+$0xFFFFFFB0] =	vst v5  }
0x12f: {  	v54 =	vmul.f32 v7, v53;
	[tilespmem:s9+$0xFFFFFFC0] =	vst v6;
	v58 =	vpop (erf)  }
0x130: {  	[tilespmem:s9+$0xFFFFFFD0] =	vst v9;
	v59 =	vperm.xlane v58, v0  }
0x131: {  	[tilespmem:s9+$0xFFFFFFE0] =	vst v54;
	v60 =	vpop (erf)  }
0x132: {  	[tilespmem:s0+$0x40] =	vst v58;
	v61 =	vmul.f32 v55, v59;
	v62 =	vperm.xlane v60, v0  }
0x133: {  	[tilespmem:s0+$0xFFFFFFF0] =	vst v60;
	v63 =	vmul.f32 v13, v59  }
0x134: {  	[tilespmem:s0+$0x30] =	vst v61;
	v1 =	vmul.f32 v1, v62  }
0x135: {  	v2 =	vmul.f32 v2, v62;
	[tilespmem:s0+$0x0] =	vst v63  }
0x136: {  	v3 =	vmul.f32 v3, v62;
	[tilespmem:s0+$0xFFFFFFB0] =	vst v1  }
0x137: {  	v1 =	vmul.f32 v4, v62;
	[tilespmem:s0+$0xFFFFFFC0] =	vst v2  }
0x138: {  	v2 =	vmul.f32 v14, v59;
	[tilespmem:s0+$0xFFFFFFD0] =	vst v3  }
0x139: {  	v3 =	vmul.f32 v12, v59;
	[tilespmem:s0+$0xFFFFFFE0] =	vst v1  }
0x13a: {  	[tilespmem:s0+$0x10] =	vst v2  }
0x13b: {  	s15 =	simm.s32 $0x2760;
	[tilespmem:s0+$0x20] =	vst v3  }
0x13c: {  	[spmem:s1] =	stream.indirect.scatter.add.f32 [tilespmem:s22], [sflag:$0x5], $0x50, s15, s21, $0xb8;
	[tilespmem:$0x12930] =	vst v63  }
0x13d: {  	_ =	swait.ge [sflag:s25], $0x50  }
0x13e: {  	[sflag:s25] =	ssyncset.done $0x0  }
0x13f: {  	[sflag:s25] =	ssyncadd.s32 $0xFFFFFFB0  }
0x140: {  	_ =	swait.ge [sflag:s30], $0x1900  }
0x141: {  	[sflag:s30] =	ssyncset.done $0x0  }
0x142: {  	[sflag:s30] =	ssyncadd.s32 $0xFFFFE700  }
0x143: {  	_ =	swait.ge [sflag:s26], $0x1900  }
0x144: {  	[sflag:s26] =	ssyncset.done $0x0  }
0x145: {  	[sflag:s26] =	ssyncadd.s32 $0xFFFFE700  }
0x146: {  	[bflag:$0x0] =	sbarrier.arrive $0xFFFF  }
0x147: {  	s16 =	rddreg [dreg:$0x9]  }
0x148: {  	[hbm:s16], [sflag:s10] =	dma.local [spmem:s17], $0x18B0  }
0x149: {  	_ =	swait.ge [sflag:s18], $0x18B0  }
0x14a: {  	s2 =	sadd.s32 $0x1, s2;
	s19 =	rddreg [dreg:$0xa]  }
0x14b: {  	p0 =	sne.s32 s2, s19  }
.Ltmp4:
0x14c: {  	_ = 	snop;
	(pc) =	sbr.rel @p0 .LBB2_1-.Ltmp4, $3  }
0x14d: {  	_ =	sdelay $0x1  }
0x14e: {  	[sflag:s18] =	ssyncset.done $0x0  }
0x14f: {  	[sflag:s18] =	ssyncadd.s32 $0xFFFFE750  }
0x150: {  	_ =	sfence.sel $0x180000  }
0x151: {  	[bflag:$0x0] =	sbarrier.arrive $0xFFFF  }
0x152: {  	_ =	strace $0x9000004A  }
0x153: {  	s0 =	stileid.u32;
	[bflag:$0x2] =	sbarrier.arrive $0xFFFF  }
0x154: {  	p0 =	sne.s32 s0, $0x0;
	s0 =	rddreg [dreg:$0x3]  }
0x155: {  	s0 =	sadd.s32 @!p0 $0x100000, s0  }
0x156: {  	[sflag:s0] =	ssyncadd.tile.s32 @!p0 $0x1;
	_ =	shalt  }
.Lfunc_end2:
_tile_overlayer_lowered:
.L_overlay_start_2:
0x157: {  	(tag) =	ssettag $0x2  }
0x158: {  	s0 =	rddreg [dreg:$0x0];
	s2 =	stileid.u32  }
0x159: {  	s1 =	rddreg [dreg:$0x1];
	p0 =	sne.s32 s2, $0x0  }
0x15a: {  	s3 =	rddreg [dreg:$0x2];
	[bflag:$0x3] =	sbarrier.arrive $0xFFFF;
	s2 =	simm.s32 @!p0 $0x1C07  }
0x15b: {  	[timem:s3], [sflag:s2] =	dma.local @!p0 [hbm:s0], s1  }
0x15c: {  	s0 =	simm.s32 @!p0 $0x7  }
0x15d: {  	_ =	swait.ge @!p0 [sflag:s0], s1  }
0x15e: {  	s1 =	ssub.s32 @!p0 $0x0, s1;
	[sflag:s0] =	ssyncset.done @!p0 $0x0  }
0x15f: {  	[sflag:s0] =	ssyncadd.s32 @!p0 s1  }
0x160: {  	[bflag:$0x3] =	sbarrier.arrive $0xFFFF  }
0x161: {  	_ =	shalt  }

// kernel: kernel.7.cloned.1.call-start
scs
__scs_entry_jumppad:
0x0: {  	(pc) =	sbr.rel $0x88, $3  }
0x1: {  	(tag) =	ssettag $0x0;
	lr =	simm.s32 $0x1  }
0x2: {  	[smem:$0x3F97] =	sst lr;
	_ =	strace $0xD0000000  }
0x3: {  	_ = 	snop  }
0x4: {  	_ = 	snop  }
0x5: {  	_ = 	snop  }
0x6: {  	_ = 	snop  }
0x7: {  	_ = 	snop  }
__scs_overlays_trampoline_lowered:
0x8: {  	[smem:$0x3FA6] =	sst s0  }
0x9: {  	[smem:$0x3FA7] =	sst s1  }
0xa: {  	[smem:$0x3FA8] =	sst s2  }
0xb: {  	[smem:$0x3FA9] =	sst s3  }
0xc: {  	[smem:$0x3FAA] =	sst s4  }
0xd: {  	[smem:$0x3FAB] =	sst s5  }
0xe: {  	[smem:$0x3FAC] =	sst s6  }
0xf: {  	[smem:$0x3FAD] =	sst s7  }
0x10: {  	[smem:$0x3FAE] =	sst s8  }
0x11: {  	[smem:$0x3FAF] =	sst s9;
	s0 =	simm.s32 @!p0 $0x0  }
0x12: {  	s1 =	sld [smem:$0x3F95];
	s0 =	simm.s32 @p0 $0x1  }
0x13: {  	[smem:$0x3FB0] =	sst s0;
	s0 =	simm.s32 @!p1 $0x0  }
0x14: {  	s2 =	sld [smem:$0x3F94];
	s0 =	simm.s32 @p1 $0x1  }
0x15: {  	[smem:$0x3FB1] =	sst s0;
	s0 =	simm.s32 @!p2 $0x0  }
0x16: {  	s3 =	sld [smem:$0x3FDB];
	s0 =	simm.s32 @p2 $0x1  }
0x17: {  	s4 =	simm.s32 $0x1BF5;
	[smem:$0x3FB3] =	sst s0  }
0x18: {  	s0 =	sld [smem:$0x3F96];
	_ =	swait.ge [sflag:s4], $0x0  }
0x19: {  	s7 =	sld [smem:$0x3F97]  }
0x1a: {  	s8 =	sadd.s32 $0xFFFFE003, lr  }
0x1b: {  	s9 =	sadd.s32 $0xFFFFFEF7, lr;
	s5 =	simm.s32 $0xFFFFFFFF;
	p2 =	slt.u32 s8, $0xFFFFF086  }
0x1c: {  	p1 =	slt.u32 s9, $0xF7A;
	s5 =	simm.s32 @!p2 $0x0  }
0x1d: {  	s5 =	simm.s32 @p1 $0x1;
	p0 =	seq.s32 s7, s2  }
0x1e: {  	s7 =	smul.u32 @!p0 $0xF7A, s2;
	p2 =	seq.s32 @!p0 s5, $0x0  }
0x1f: {  	s9 =	smul.u32 $0xF7A, s1;
	s8 =	simm.s32 @!p0 $0x1BF5;
	p2 =	por !p2, p0  }
0x20: {  	[sflag:s8] =	ssyncset.s32 @!p0 $0xFFFFF086;
	s6 =	sadd.s32 @!p0 s3, s7;
	s7 =	simm.s32 @!p0 $0x108  }
0x21: {  	s3 =	sadd.s32 s3, s9;
	s6 =	sadd.s32 @!p0 $0x88, s6;
	s7 =	simm.s32 @p2 $0x1082  }
0x22: {  	[simem:s7], [sflag:s8] =	dma.local @!p0 [hbm:s6], $0xF7A  }
0x23: {  	s9 =	sor.u32 $0xD0000000, s2;
	s6 =	simm.s32 $0x108;
	_ =	swait.ge @!p0 [sflag:s8], $0x0  }
0x24: {  	s3 =	sadd.s32 $0x88, s3;
	s6 =	simm.s32 @!p1 $0x1082;
	[sflag:s4] =	ssyncset.s32 $0xFFFFF086  }
0x25: {  	[simem:s6], [sflag:s4] =	dma.local [hbm:s3], $0xF7A  }
0x26: {  	[smem:$0x3F97] =	sst s1;
	(tag) =	ssettag s2;
	_ =	strace s9  }
0x27: {  	s1 =	sld [smem:$0x3FA7]  }
0x28: {  	s2 =	sld [smem:$0x3FA8]  }
0x29: {  	s4 =	sld [smem:$0x3FAA]  }
0x2a: {  	p0 =	seq.s32 s5, $0x0;
	s5 =	sld [smem:$0x3FAB]  }
0x2b: {  	s6 =	sld [smem:$0x3FAC]  }
0x2c: {  	s7 =	sld [smem:$0x3FAD]  }
0x2d: {  	s3 =	simm.s32 $0x108;
	s8 =	sld [smem:$0x3FAE]  }
0x2e: {  	s3 =	simm.s32 @!p0 $0x1082;
	s9 =	sld [smem:$0x3FAF]  }
0x2f: {  	lr =	sadd.s32 s0, s3;
	s0 =	sld [smem:$0x3FA6]  }
0x30: {  	s3 =	sld [smem:$0x3FA9]  }
0x31: {  	[smem:$0x3FB2] =	sst s10  }
0x32: {  	s10 =	sld [smem:$0x3FB0];
	_ =	sdelay $0x3  }
0x33: {  	p0 =	seq.s32 s10, $0x1;
	s10 =	sld [smem:$0x3FB2];
	_ =	sdelay $0x3  }
0x34: {  	[smem:$0x3FB2] =	sst s10  }
0x35: {  	s10 =	sld [smem:$0x3FB1];
	_ =	sdelay $0x3  }
0x36: {  	p1 =	seq.s32 s10, $0x1;
	s10 =	sld [smem:$0x3FB2];
	_ =	sdelay $0x3  }
0x37: {  	[smem:$0x3FB2] =	sst s10  }
0x38: {  	s10 =	sld [smem:$0x3FB3]  }
0x39: {  	_ = 	snop;
	(pc) =	sbr.ind lr, $3  }
0x3a: {  	_ = 	snop  }
0x3b: {  	_ = 	snop  }
0x3c: {  	p2 =	seq.s32 s10, $0x1;
	s10 =	sld [smem:$0x3FB2]  }
0x3d: {  	_ =	shalt  }
0x3e: {  	_ =	shalt  }
0x3f: {  	_ =	shalt  }
0x40: {  	_ =	shalt  }
0x41: {  	_ =	shalt  }
0x42: {  	_ =	shalt  }
0x43: {  	_ =	shalt  }
0x44: {  	_ =	shalt  }
0x45: {  	_ =	shalt  }
0x46: {  	_ =	shalt  }
0x47: {  	_ =	shalt  }
0x48: {  	_ =	shalt  }
0x49: {  	_ =	shalt  }
0x4a: {  	_ =	shalt  }
0x4b: {  	_ =	shalt  }
0x4c: {  	_ =	shalt  }
0x4d: {  	_ =	shalt  }
0x4e: {  	_ =	shalt  }
0x4f: {  	_ =	shalt  }
0x50: {  	_ =	shalt  }
0x51: {  	_ =	shalt  }
0x52: {  	_ =	shalt  }
0x53: {  	_ =	shalt  }
0x54: {  	_ =	shalt  }
0x55: {  	_ =	shalt  }
0x56: {  	_ =	shalt  }
0x57: {  	_ =	shalt  }
0x58: {  	_ =	shalt  }
0x59: {  	_ =	shalt  }
0x5a: {  	_ =	shalt  }
0x5b: {  	_ =	shalt  }
0x5c: {  	_ =	shalt  }
0x5d: {  	_ =	shalt  }
0x5e: {  	_ =	shalt  }
0x5f: {  	_ =	shalt  }
0x60: {  	_ =	shalt  }
0x61: {  	_ =	shalt  }
0x62: {  	_ =	shalt  }
0x63: {  	_ =	shalt  }
0x64: {  	_ =	shalt  }
0x65: {  	_ =	shalt  }
0x66: {  	_ =	shalt  }
0x67: {  	_ =	shalt  }
0x68: {  	_ =	shalt  }
0x69: {  	_ =	shalt  }
0x6a: {  	_ =	shalt  }
0x6b: {  	_ =	shalt  }
0x6c: {  	_ =	shalt  }
0x6d: {  	_ =	shalt  }
0x6e: {  	_ =	shalt  }
0x6f: {  	_ =	shalt  }
0x70: {  	_ =	shalt  }
0x71: {  	_ =	shalt  }
0x72: {  	_ =	shalt  }
0x73: {  	_ =	shalt  }
0x74: {  	_ =	shalt  }
0x75: {  	_ =	shalt  }
0x76: {  	_ =	shalt  }
0x77: {  	_ =	shalt  }
0x78: {  	_ =	shalt  }
0x79: {  	_ =	shalt  }
0x7a: {  	_ =	shalt  }
0x7b: {  	_ =	shalt  }
0x7c: {  	_ =	shalt  }
0x7d: {  	_ =	shalt  }
0x7e: {  	_ =	shalt  }
0x7f: {  	_ =	shalt  }
0x80: {  	_ =	shalt  }
0x81: {  	_ =	shalt  }
0x82: {  	_ =	shalt  }
0x83: {  	_ =	shalt  }
0x84: {  	_ =	shalt  }
0x85: {  	_ =	shalt  }
0x86: {  	_ =	shalt  }
0x87: {  	_ =	shalt  }
.Lfunc_end0:
.L_simem_size_0:
called_computation_lowered:
.L_overlay_start_0:
0x88: {  	s2 =	sld [smem:$0x3FD9]  }
0x89: {  	s3 =	sld [smem:$0x3FFE];
	_ =	sdelay $0x1  }
0x8a: {  	s1 =	srdreg.scid  }
0x8b: {  	s0 =	sand.u32 $0x1, s1  }
0x8c: {  	s17 =	sshll.u32 s0, $0xA;
	s2 =	sadd.s32 s3, s2  }
0x8d: {  	s2 =	sadd.s32 s2, s17  }
0x8e: {  	[smem:$0x3FBE] =	sst s2  }
0x8f: {  	_ = 	snop  }
0x90: {  	s2 =	sld [smem:$0x3FD0];
	(tm) =	ssettm $0x1  }
0x91: {  	s18 =	sld [smem:$0x3FFB];
	_ =	sdelay $0x3  }
0x92: {  	_ =	strace s18  }
0x93: {  	s3 =	sld [smem:$0x3FFC];
	_ =	sdelay $0x3  }
0x94: {  	_ =	strace s3  }
0x95: {  	s3 =	sld [smem:$0x3FFD];
	_ =	sdelay $0x3  }
0x96: {  	_ =	strace s3  }
0x97: {  	_ =	strace $0x8FFFFFFF  }
0x98: {  	s19 =	sld [smem:$0x3FDB];
	_ =	sdelay $0x1  }
0x99: {  	s4 =	simm.s32 $_scs_section_size  }
0x9a: {  	s5 =	simm.s32 $_size__tile_overlayer_lowered;
	s6 =	simm.s32 $_tile_overlayer_lowered  }
0x9b: {  	s22 =	simm.s32 $0x1BFF;
	s21 =	sshll.u32 s6, $0x1;
	s3 =	sadd.s32 s4, s19  }
0x9c: {  	s7 =	simm.s32 $0x0;
	s20 =	sshll.u32 s5, $0x1;
	s5 =	sadd.s32 s21, s3  }
0x9d: {  	[timem:s7], [sflag:s22] =	dma.local [hbm:s5], s20  }
0x9e: {  	_ =	swait.ge [sflag:s22], s20  }
0x9f: {  	s4 =	ssub.s32 $0x0, s20;
	[sflag:s22] =	ssyncset.done $0x0  }
0xa0: {  	[sflag:s22] =	ssyncadd.s32 s4;
	_ =	sdelay $0x1  }
0xa1: {  	s23 =	simm.s32 $0x1B8B  }
0xa2: {  	_ =	swait.ge [sflag:s23], $0x1  }
0xa3: {  	[sflag:s23] =	ssyncset.done $0x0  }
0xa4: {  	s25 =	simm.s32 $0x1B8E;
	s24 =	sld [smem:$0x3FFE];
	[sflag:s23] =	ssyncadd.s32 $0xFFFFFFFF  }
0xa5: {  	s26 =	simm.s32 $execute0_lowered;
	[smem:$0x3FD2] =	sst s25  }
0xa6: {  	s5 =	sshll.u32 s26, $0x1;
	_ =	strace $0x80000046;
	[dreg:$0x1] =	wrdreg $0xFFFFFFFF  }
0xa7: {  	s28 =	simm.s32 $_size_execute0_lowered;
	s3 =	sadd.s32 s3, s5;
	[dreg:$0x0] =	wrdreg $0x0  }
0xa8: {  	s5 =	sshll.u32 s28, $0x1;
	[dreg:$0x2] =	wrdreg s3  }
0xa9: {  	[dreg:$0x3] =	wrdreg s5  }
0xaa: {  	[dreg:$0x4] =	wrdreg $0xC0  }
0xab: {  	_ =	task [dreg:s7], $0x5FFFF  }
0xac: {  	[dreg:$0x1] =	wrdreg $0xFFFFFFFF  }
0xad: {  	[dreg:$0x0] =	wrdreg $0x60  }
0xae: {  	[dreg:$0x2] =	wrdreg s24  }
0xaf: {  	[dreg:$0x3] =	wrdreg s2  }
0xb0: {  	[dreg:$0x4] =	wrdreg $0x8BB00  }
0xb1: {  	[dreg:$0x5] =	wrdreg $0x9  }
0xb2: {  	_ =	task.clear_ibuf [dreg:s7], $0x6FFFF;
	_ =	strace $0x90000046  }
0xb3: {  	s29 =	simm.s32 $0x9;
	_ =	strace $0x80000048  }
0xb4: {  	_ =	swait.ge [sflag:s29], $0x1  }
0xb5: {  	[sflag:s29] =	ssyncadd.s32 $0xFFFFFFFF  }
0xb6: {  	_ =	strace $0x90000048  }
0xb7: {  	_ =	sfence  }
0xb8: {  	s30 =	sld [smem:$0x0];
	_ =	sdelay $0x2  }
0xb9: {  	s31 =	sshll.u32 s1, $0xD;
	s1 =	sshrl.u32 s1, $0x2  }
0xba: {  	s3 =	sand.u32 $0x4000, s31;
	s1 =	sadd.s32 s1, s30  }
0xbb: {  	s0 =	sor.u32 s3, s0;
	s1 =	sshll.u32 s1, $0x11  }
0xbc: {  	s0 =	sor.u32 s1, s0  }
0xbd: {  	s0 =	sadd.s32 $0x8F2B, s0  }
0xbe: {  	[sflag:s0] =	ssyncadd.remote.s32 $0x1  }
0xbf: {  	_ =	sfence.sel $0xFFFF  }
0xc0: {  	[dreg:$0x0] =	wrdreg $0xFFFFFFFF;
	(pc) =	sbr.abs _section_cstart, $3  }
0xc1: {  	[dreg:$0x1] =	wrdreg $0xFFFFFFFF  }
0xc2: {  	_ =	task.clear_ibuf [dreg:s7], $0x2FFFF;
	_ =	strace $0x9FFFFFFF  }
0xc3: {  	(tm) =	ssettm $0x7FFFFFFF  }
tec
execute0_lowered:
.L_overlay_start_1:
0x0: {  	(tag) =	ssettag $0x1  }
0x1: {  	s0 =	rddreg [dreg:$0x0]  }
0x2: {  	s2 =	rddreg [dreg:$0x1]  }
0x3: {  	s1 =	rddreg [dreg:$0x2]  }
0x4: {  	s3 =	simm.s32 $0x0;
	s4 =	srdreg.scid;
	s13 =	stileid.u32  }
0x5: {  	s18 =	simm.s32 $0x7;
	s28 =	simm.s32 $0x2CB0;
	s29 =	simm.s32 $0x1  }
0x6: {  	s30 =	simm.s32 $0x5;
	s31 =	simm.s32 $0x2;
	[smem:$0x7FF] =	sst s3  }
0x7: {  	s7 =	sand.u32 $0x1, s4;
	s9 =	smul.u32 $0x16380, s13;
	s4 =	sadd.s32 $0x81000, s0  }
0x8: {  	s5 =	sadd.s32 $0x4F800, s0;
	s6 =	sadd.s32 $0x7C000, s0;
	s14 =	sadd.s32 $0x8AE00, s0  }
0x9: {  	s10 =	sshll.u32 s13, $0x1;
	s22 =	sshll.u32 s13, $0x6;
	_ =	strace $0x80000047  }
0xa: {  	s8 =	smul.u32 $0x163800, s7;
	s11 =	ssub.s32 $0x2, s7;
	s7 =	sor.u32 s7, s10  }
0xb: {  	[dreg:$0x4] =	wrdreg s14;
	s10 =	sor.u32 $0x1C07, s22;
	s22 =	simm.s32 $0x31B0  }
0xc: {  	s12 =	sshrl.u32 s11, $0x1;
	s21 =	sadd.s32 s9, s1;
	s8 =	sadd.s32 s9, s8  }
0xd: {  	s20 =	ssub.s32 s11, s12;
	s9 =	sshrl.u32 s9, $0x3;
	s17 =	sshrl.u32 s21, $0x3  }
0xe: {  	s21 =	simm.s32 $0x50;
	s19 =	sshrl.u32 s8, $0x3;
	s9 =	sadd.s32 s14, s9  }
0xf: {  	s8 =	smul.u32 $0x2710, s7;
	s26 =	smax.u32 s20, $0x1;
	[dreg:$0x5] =	wrdreg s9  }
0x10: {  	s20 =	simm.s32 $0x3;
	s0 =	sadd.s32 s19, s0;
	[dreg:$0xa] =	wrdreg s26  }
0x11: {  	s26 =	simm.s32 $0x6;
	s23 =	sshrl.u32 s8, $0x3;
	s0 =	sadd.s32 $0xB7600, s0  }
0x12: {  	s14 =	sadd.s32 $0xF0, s8;
	s2 =	sadd.s32 s2, s23;
	[dreg:$0x9] =	wrdreg s0  }
0x13: {  	v0 =	vimm.s32 $0x0;
	v1 =	vimm.s32 $0x1;
	s24 =	sadd.s32 s4, s23;
	s23 =	simm.s32 $0x27B0;
	[dreg:$0x7] =	wrdreg s2  }
0x14: {  	v2 =	vimm.s32 $0x2;
	v3 =	vimm.s32 $0x3;
	v4 =	vimm.s32 $0x4;
	[dreg:$0x6] =	wrdreg s24;
	s25 =	sadd.s32 $0xA, s24;
	s24 =	simm.s32 $0x5EB0  }
0x15: {  	v5 =	vimm.s32 $0x5;
	v6 =	vimm.s32 $0x6;
	v7 =	vimm.s32 $0x7;
	s2 =	simm.s32 $0x0;
	[dreg:$0x8] =	wrdreg s25;
	s25 =	simm.s32 $0x4  }
.LBB2_1:
0x16: {  	s0 =	rddreg [dreg:$0x5]  }
0x17: {  	[spmem:s17], [sflag:s10] =	dma.local [hbm:s0], $0x2C70  }
0x18: {  	_ =	swait.ge [sflag:s18], $0x2C70  }
0x19: {  	[sflag:s18] =	ssyncset.done $0x0  }
0x1a: {  	s7 =	simm.s32 $0xA0;
	s13 =	rddreg [dreg:$0x7];
	[sflag:s18] =	ssyncadd.s32 $0xFFFFD390  }
0x1b: {  	[tilespmem:s7], [sflag:$0x7] =	stream.linear.gather [hbm4b:s13+s3], $0x2710, $0x38;
	[tilespmem:$0x1EF30] =	vst v63  }
0x1c: {  	_ =	swait.ge [sflag:s18], $0x2710  }
0x1d: {  	[sflag:s18] =	ssyncset.done $0x0  }
0x1e: {  	[sflag:s18] =	ssyncadd.s32 $0xFFFFD8F0  }
0x1f: {  	[bflag:$0x0] =	sbarrier.arrive $0xFFFF  }
0x20: {  	s15 =	rddreg [dreg:$0x6]  }
0x21: {  	[tilespmem:s3], [sflag:$0x3] =	stream.linear.gather [hbm4b:s15+s3], $0x50, $0x38;
	[tilespmem:$0x1EF30] =	vst v63  }
0x22: {  	_ =	swait.ge [sflag:s20], $0x50  }
0x23: {  	[sflag:s20] =	ssyncset.done $0x0  }
0x24: {  	[sflag:s20] =	ssyncadd.s32 $0xFFFFFFB0  }
0x25: {  	v8 =	vld [tilespmem:$0x0]  }
0x26: {  	v9 =	vld [tilespmem:$0xA0]  }
0x27: {  	v10 =	vld [tilespmem:$0x10]  }
0x28: {  	v11 =	vld [tilespmem:$0xB0]  }
0x29: {  	v12 =	vld [tilespmem:$0x20]  }
0x2a: {  	v13 =	vld [tilespmem:$0xC0]  }
0x2b: {  	v14 =	vld [tilespmem:$0x30]  }
0x2c: {  	v15 =	vld [tilespmem:$0xD0]  }
0x2d: {  	v16 =	vld [tilespmem:$0x40]  }
0x2e: {  	v17 =	vld [tilespmem:$0xE0]  }
0x2f: {  	vm0 =	veq.s32 v8, v9  }
0x30: {  	vm12 =	veq.s32 v10, v11;
	v8 =	vsel vm0, $0x2710, v9  }
0x31: {  	vm13 =	veq.s32 v12, v13;
	[tilespmem:$0xA0] =	vst v8;
	v8 =	vsel vm12, $0x2710, v11  }
0x32: {  	vm14 =	veq.s32 v14, v15;
	[tilespmem:$0xB0] =	vst v8;
	v8 =	vsel vm13, $0x2710, v13  }
0x33: {  	vm15 =	veq.s32 v16, v17;
	[tilespmem:$0xC0] =	vst v8;
	v8 =	vsel vm14, $0x2710, v15  }
0x34: {  	[tilespmem:$0xD0] =	vst v8;
	v8 =	vsel vm15, $0x2710, v17  }
0x35: {  	[tilespmem:$0xE0] =	vst v8  }
0x36: {  	[tilespmem:s22], [sflag:$0x1] =	stream.indirect.gather [hbm4b:s5+s21], $0x90, s3, s21, $0xb8;
	[tilespmem:$0x1EF30] =	vst v63  }
0x37: {  	_ = 	snop  }
0x38: {  	[tilespmem:s23], [sflag:$0x1] =	stream.indirect.gather [hbm4b:s6+s21], $0x10, s7, s21, $0xb8;
	[tilespmem:$0x1EF30] =	vst v63  }
0x39: {  	s16 =	rddreg [dreg:$0x4]  }
0x3a: {  	[tilespmem:s24], [sflag:$0x6] =	stream.linear.gather [hbm4b:s16+s3], $0x2D00, $0x38;
	[tilespmem:$0x1EF30] =	vst v63  }
0x3b: {  	s0 =	simm.s32 $0x0;
	s19 =	rddreg [dreg:$0x8]  }
0x3c: {  	[tilespmem:s21], [sflag:$0x4] =	stream.linear.gather [hbm4b:s19+s3], $0x50, $0x38;
	[tilespmem:$0x1EF30] =	vst v63  }
.LBB2_2:
0x3d: {  	_ =	swait.ge [sflag:s25], $0x50  }
0x3e: {  	[sflag:s25] =	ssyncset.done $0x0  }
0x3f: {  	s9 =	smul.u32 $0xA0, s0;
	[sflag:s25] =	ssyncadd.s32 $0xFFFFFFB0  }
0x40: {  	v8 =	vld [tilespmem:$0x50]  }
0x41: {  	v9 =	vld [tilespmem:s9+$0xF0];
	_ =	sdelay $0x4  }
0x42: {  	vm0 =	veq.s32 v8, v9  }
0x43: {  	v8 =	vsel vm0, $0x2710, v9  }
0x44: {  	v9 =	vld [tilespmem:s9+$0x100];
	[tilespmem:s9+$0xF0] =	vst v8  }
0x45: {  	v8 =	vld [tilespmem:$0x60];
	_ =	sdelay $0x4  }
0x46: {  	vm8 =	veq.s32 v8, v9  }
0x47: {  	v8 =	vsel vm8, $0x2710, v9  }
0x48: {  	v9 =	vld [tilespmem:s9+$0x110];
	[tilespmem:s9+$0x100] =	vst v8  }
0x49: {  	v8 =	vld [tilespmem:$0x70];
	_ =	sdelay $0x4  }
0x4a: {  	vm9 =	veq.s32 v8, v9  }
0x4b: {  	v8 =	vsel vm9, $0x2710, v9  }
0x4c: {  	v9 =	vld [tilespmem:s9+$0x120];
	[tilespmem:s9+$0x110] =	vst v8  }
0x4d: {  	v8 =	vld [tilespmem:$0x80];
	_ =	sdelay $0x4  }
0x4e: {  	vm10 =	veq.s32 v8, v9  }
0x4f: {  	v8 =	vsel vm10, $0x2710, v9  }
0x50: {  	v9 =	vld [tilespmem:s9+$0x130];
	[tilespmem:s9+$0x120] =	vst v8  }
0x51: {  	v8 =	vld [tilespmem:$0x90];
	_ =	sdelay $0x4  }
0x52: {  	vm11 =	veq.s32 v8, v9  }
0x53: {  	v8 =	vsel vm11, $0x2710, v9  }
0x54: {  	[tilespmem:s9+$0x130] =	vst v8  }
0x55: {  	_ =	swait.ge [sflag:s26], $0x2D00  }
0x56: {  	[sflag:s26] =	ssyncset.done $0x0  }
0x57: {  	[sflag:s26] =	ssyncadd.s32 $0xFFFFD300  }
0x58: {  	[tilespmem:s24], [sflag:$0x2] =	stream.indirect.gather [hbm4b:s5+s21], $0x90, s21, s21, $0xb8;
	[tilespmem:$0x1EF30] =	vst v63  }
0x59: {  	s19 =	sadd.s32 $0xF0, s9  }
0x5a: {  	[tilespmem:s28], [sflag:$0x2] =	stream.indirect.gather [hbm4b:s6+s21], $0x10, s19, s21, $0xb8;
	[tilespmem:$0x1EF30] =	vst v63  }
0x5b: {  	_ =	swait.ge [sflag:s29], $0x2D00  }
0x5c: {  	[sflag:s29] =	ssyncset.done $0x0  }
0x5d: {  	s12 =	sadd.s32 $0xA0, s9;
	[sflag:s29] =	ssyncadd.s32 $0xFFFFD300  }
0x5e: {  	s7 =	sadd.s32 s8, s12;
	_ =	swait.ge [sflag:s29], $0x500  }
0x5f: {  	s7 =	sshrl.u32 s7, $0x3;
	[sflag:s29] =	ssyncset.done $0x0  }
0x60: {  	s15 =	simm.s32 $0x3240;
	s7 =	sadd.s32 s4, s7;
	[sflag:s29] =	ssyncadd.s32 $0xFFFFFB00  }
0x61: {  	[tilespmem:s3], [sflag:$0x3] =	stream.linear.gather [hbm4b:s7+s3], $0x50, $0x38;
	[tilespmem:$0x1EF30] =	vst v63  }
0x62: {  	s16 =	simm.s32 $0x27C0;
	v8 =	vld [tilespmem:s15+$0x80]  }
0x63: {  	v9 =	vld [tilespmem:s16+$0x0]  }
0x64: {  	v10 =	vld [tilespmem:s16+$0xFFFFFFF0]  }
0x65: {  	v11 =	vld [tilespmem:s15+$0xFFFFFFF0]  }
0x66: {  	v25 =	vld [tilespmem:s15+$0xFFFFFF70]  }
0x67: {  	v27 =	vld [tilespmem:s15+$0xFFFFFF80]  }
0x68: {  	v28 =	vld [tilespmem:s15+$0xFFFFFF90]  }
0x69: {  	v33 =	vld [tilespmem:s15+$0xFFFFFFA0];
	v8 =	vadd.f32 v9, v8  }
0x6a: {  	v34 =	vld [tilespmem:s15+$0xFFFFFFB0];
	v9 =	vadd.f32 v10, v11  }
0x6b: {  	v35 =	vld [tilespmem:s15+$0xFFFFFFC0];
	v10 =	vmul.f32 $2.000000030e-01, v8  }
0x6c: {  	v36 =	vld [tilespmem:s15+$0xFFFFFFD0];
	vm12 =	vgt.f32 v8, $0.0e+00;
	v11 =	vmul.f32 $2.000000030e-01, v9  }
0x6d: {  	v40 =	vld [tilespmem:s15+$0xFFFFFFE0];
	vm13 =	vgt.f32 v9, $0.0e+00;
	v8 =	vsel vm12, v8, v10  }
0x6e: {  	s13 =	simm.s32 $0x3360;
	v41 =	vld [tilespmem:s15+$0x0];
	v9 =	vsel vm13, v9, v11;
	v8 =	vmul.f32 $1.442695020e+00, v8  }
0x6f: {  	s16 =	simm.s32 $0x27E0;
	v19 =	vld [tilespmem:s13+$0xFFFFFFF0];
	v9 =	vmul.f32 $1.442695020e+00, v9  }
0x70: {  	v17 =	vld [tilespmem:s16+$0xFFFFFFF0];
	(erf) = vpow2.f32 v8  }
0x71: {  	v42 =	vld [tilespmem:s15+$0x10];
	(erf) = vpow2.f32 v9  }
0x72: {  	v13 =	vld [tilespmem:s15+$0x20]  }
0x73: {  	v18 =	vld [tilespmem:s15+$0x50]  }
0x74: {  	v14 =	vld [tilespmem:s15+$0x60]  }
0x75: {  	v12 =	vld [tilespmem:s15+$0x70];
	v21 =	vadd.f32 v17, v19  }
0x76: {  	v15 =	vld [tilespmem:s13+$0x80]  }
0x77: {  	v16 =	vld [tilespmem:s16+$0x0];
	v30 =	vmul.f32 $2.000000030e-01, v21  }
0x78: {  	v17 =	vld [tilespmem:s13+$0xFFFFFFC0];
	vm15 =	vgt.f32 v21, $0.0e+00  }
0x79: {  	v19 =	vld [tilespmem:s13+$0xFFFFFFD0];
	v50 =	vsel vm15, v21, v30;
	v26 =	vpop (erf)  }
0x7a: {  	v10 =	vld [tilespmem:s13+$0xFFFFFF70];
	v50 =	vmul.f32 $1.442695020e+00, v50;
	v20 =	vperm.xlane v26, v7;
	v24 =	vpop (erf)  }
0x7b: {  	v11 =	vld [tilespmem:s13+$0xFFFFFF80];
	v32 =	vperm.xlane v24, v0;
	v37 =	vperm.xlane v24, v1  }
0x7c: {  	v21 =	vld [tilespmem:s13+$0x0];
	v38 =	vperm.xlane v24, v2;
	v22 =	vmul.f32 v12, v20;
	v20 =	vadd.f32 v16, v15  }
0x7d: {  	v8 =	vld [tilespmem:s15+$0x30];
	v39 =	vperm.xlane v24, v3;
	v45 =	vperm.xlane v24, v4  }
0x7e: {  	v9 =	vld [tilespmem:s15+$0x40];
	v46 =	vperm.xlane v24, v5;
	v29 =	vmul.f32 $2.000000030e-01, v20  }
0x7f: {  	v47 =	vperm.xlane v24, v6;
	v48 =	vperm.xlane v24, v7;
	[tilespmem:s15+$0xFFFFFFF0] =	vst v24;
	v24 =	vld [tilespmem:s13+$0x20];
	vm14 =	vgt.f32 v20, $0.0e+00  }
0x80: {  	v43 =	vperm.xlane v26, v0;
	v44 =	vperm.xlane v26, v1;
	v12 =	vld [tilespmem:s13+$0xFFFFFF90];
	v29 =	vsel vm14, v20, v29  }
0x81: {  	v23 =	vperm.xlane v26, v2;
	v15 =	vld [tilespmem:s13+$0xFFFFFFA0];
	v49 =	vmul.f32 $1.442695020e+00, v29  }
0x82: {  	v31 =	vperm.xlane v26, v4;
	v30 =	vperm.xlane v26, v5;
	v16 =	vld [tilespmem:s13+$0xFFFFFFB0]  }
0x83: {  	v61 =	vmul.f32 v25, v32;
	v25 =	vld [tilespmem:s13+$0x40];
	(erf) = vpow2.f32 v49  }
0x84: {  	[tilespmem:s15+$0x80] =	vst v26;
	v32 =	vperm.xlane v26, v6;
	v37 =	vmul.f32 v27, v37;
	v27 =	vld [tilespmem:s13+$0x50]  }
0x85: {  	[tilespmem:s15+$0x70] =	vst v22;
	v29 =	vperm.xlane v26, v3;
	v26 =	vld [tilespmem:s13+$0x30];
	(erf) = vpow2.f32 v50  }
0x86: {  	v62 =	vmul.f32 v28, v38;
	v63 =	vmul.f32 v33, v39;
	v28 =	vld [tilespmem:s13+$0x60];
	[tilespmem:s15+$0xFFFFFF70] =	vst v61  }
0x87: {  	v39 =	vmul.f32 v34, v45;
	v38 =	vmul.f32 v35, v46;
	v33 =	vld [tilespmem:s13+$0x70];
	[tilespmem:s15+$0xFFFFFF80] =	vst v37  }
0x88: {  	v35 =	vmul.f32 v40, v48;
	v34 =	vmul.f32 v42, v44;
	v22 =	vld [tilespmem:s13+$0x10];
	[tilespmem:s15+$0xFFFFFF90] =	vst v62  }
0x89: {  	s11 =	simm.s32 $0x3480;
	s7 =	simm.s32 $0x2;
	v37 =	vmul.f32 v36, v47;
	[tilespmem:s15+$0xFFFFFFA0] =	vst v63;
	v36 =	vmul.f32 v41, v43;
	v20 =	vld [tilespmem:s13+$0xFFFFFFE0]  }
.LBB2_3:
0x8a: {  	v40 =	vld [tilespmem:s11+$0x80];
	s16 =	sadd.s32 $0x20, s16;
	[tilespmem:s15+$0xFFFFFFB0] =	vst v39;
	v39 =	vmul.f32 v13, v23;
	v29 =	vmul.f32 v8, v29;
	v13 =	vmovc v24;
	v8 =	vmov v26  }
0x8b: {  	s7 =	sadd.s32 $0x2, s7;
	v26 =	vmul.f32 v9, v31;
	v30 =	vmul.f32 v18, v30;
	v24 =	vld [tilespmem:s16+$0x0];
	[tilespmem:s15+$0xFFFFFFC0] =	vst v38;
	v9 =	vmov v25  }
0x8c: {  	v31 =	vmul.f32 v14, v32;
	p0 =	slt.u32 s7, $0x4E;
	v25 =	vld [tilespmem:s16+$0xFFFFFFF0];
	v38 =	vpop (erf);
	[tilespmem:s15+$0xFFFFFFD0] =	vst v37;
	v18 =	vmov v27  }
0x8d: {  	v27 =	vld [tilespmem:s11+$0xFFFFFFF0];
	v41 =	vperm.xlane v38, v0;
	v32 =	vperm.xlane v38, v7;
	[tilespmem:s15+$0xFFFFFFE0] =	vst v35;
	v14 =	vmov v28  }
0x8e: {  	v42 =	vperm.xlane v38, v1;
	v23 =	vperm.xlane v38, v2;
	v28 =	vld [tilespmem:s11+$0xFFFFFF70];
	v35 =	vpop (erf);
	[tilespmem:s15+$0x0] =	vst v36  }
0x8f: {  	v36 =	vld [tilespmem:s11+$0xFFFFFF80];
	v37 =	vperm.xlane v35, v0;
	v32 =	vmul.f32 v33, v32;
	[tilespmem:s15+$0x10] =	vst v34  }
0x90: {  	v34 =	vperm.xlane v35, v1;
	v33 =	vld [tilespmem:s11+$0xFFFFFF90];
	v24 =	vadd.f32 v24, v40;
	v40 =	vperm.xlane v35, v2;
	[tilespmem:s15+$0x20] =	vst v39  }
0x91: {  	v43 =	vperm.xlane v35, v3;
	v44 =	vperm.xlane v35, v4;
	v39 =	vld [tilespmem:s11+$0xFFFFFFA0];
	[tilespmem:s13+$0x70] =	vst v32  }
0x92: {  	v46 =	vperm.xlane v35, v5;
	v25 =	vadd.f32 v25, v27;
	v45 =	vld [tilespmem:s11+$0xFFFFFFB0];
	v27 =	vmul.f32 $2.000000030e-01, v24;
	[tilespmem:s15+$0x30] =	vst v29  }
0x93: {  	v48 =	vperm.xlane v35, v6;
	v49 =	vperm.xlane v35, v7;
	vm0 =	vgt.f32 v24, $0.0e+00;
	v47 =	vld [tilespmem:s11+$0xFFFFFFC0];
	[tilespmem:s15+$0x40] =	vst v26  }
0x94: {  	vm1 =	vgt.f32 v25, $0.0e+00;
	v26 =	vmul.f32 $2.000000030e-01, v25;
	v50 =	vld [tilespmem:s11+$0xFFFFFFD0];
	v24 =	vsel vm0, v24, v27;
	[tilespmem:s15+$0x50] =	vst v30  }
0x95: {  	v29 =	vperm.xlane v38, v3;
	v51 =	vld [tilespmem:s11+$0xFFFFFFE0];
	v24 =	vmul.f32 $1.442695020e+00, v24;
	[tilespmem:s15+$0x60] =	vst v31;
	s15 =	smov.u32 s13;
	s13 =	smov.u32 s11  }
0x96: {  	v30 =	vperm.xlane v38, v5;
	v31 =	vperm.xlane v38, v4;
	v25 =	vsel vm1, v25, v26;
	v52 =	vld [tilespmem:s11+$0x0];
	[tilespmem:s15+$0xFFFFFFF0] =	vst v35  }
0x97: {  	v25 =	vmul.f32 $1.442695020e+00, v25;
	v53 =	vld [tilespmem:s11+$0x10];
	(erf) = vpow2.f32 v24;
	[tilespmem:s15+$0x80] =	vst v38  }
0x98: {  	v32 =	vperm.xlane v38, v6;
	v27 =	vmul.f32 v10, v37;
	v10 =	vmov v28;
	v24 =	vld [tilespmem:s11+$0x20]  }
.Ltmp0:
0x99: {  	v28 =	vmul.f32 v11, v34;
	v11 =	vmov v36;
	v26 =	vld [tilespmem:s11+$0x30];
	(erf) = vpow2.f32 v25;
	(pc) =	sbr.rel @p0 .LBB2_3-.Ltmp0, $4  }
0x9a: {  	v34 =	vmul.f32 v12, v40;
	v36 =	vmul.f32 v15, v43;
	v12 =	vmovc v33;
	v15 =	vmov v39;
	v25 =	vld [tilespmem:s11+$0x40];
	[tilespmem:s15+$0xFFFFFF70] =	vst v27  }
0x9b: {  	v39 =	vmul.f32 v16, v44;
	v38 =	vmul.f32 v17, v46;
	v16 =	vmovc v45;
	v17 =	vmov v47;
	v27 =	vld [tilespmem:s11+$0x50];
	[tilespmem:s15+$0xFFFFFF80] =	vst v28  }
0x9c: {  	v37 =	vmul.f32 v19, v48;
	v35 =	vmul.f32 v20, v49;
	v19 =	vmovc v50;
	v20 =	vmov v51;
	v28 =	vld [tilespmem:s11+$0x60];
	[tilespmem:s15+$0xFFFFFF90] =	vst v34  }
0x9d: {  	s11 =	sadd.s32 $0x120, s11;
	v34 =	vmul.f32 v22, v42;
	v22 =	vmovc v53;
	v33 =	vld [tilespmem:s13+$0x70];
	[tilespmem:s15+$0xFFFFFFA0] =	vst v36;
	v36 =	vmul.f32 v21, v41;
	v21 =	vmov v52  }
0x9e: {  	[tilespmem:s15+$0xFFFFFFB0] =	vst v39  }
0x9f: {  	[tilespmem:s15+$0xFFFFFFC0] =	vst v38  }
0xa0: {  	[tilespmem:s15+$0xFFFFFFD0] =	vst v37  }
0xa1: {  	[tilespmem:s15+$0xFFFFFFE0] =	vst v35  }
0xa2: {  	v13 =	vmul.f32 v13, v23;
	[tilespmem:s15+$0x0] =	vst v36  }
0xa3: {  	v8 =	vmul.f32 v8, v29;
	[tilespmem:s15+$0x10] =	vst v34  }
0xa4: {  	v9 =	vmul.f32 v9, v31;
	[tilespmem:s15+$0x20] =	vst v13  }
0xa5: {  	[tilespmem:s15+$0x30] =	vst v8  }
0xa6: {  	v51 =	vpop (erf);
	v13 =	vmul.f32 v18, v30;
	[tilespmem:s15+$0x40] =	vst v9  }
0xa7: {  	v8 =	vmul.f32 v14, v32;
	v52 =	vperm.xlane v51, v7;
	[tilespmem:s13+$0x80] =	vst v51;
	v14 =	vpop (erf)  }
0xa8: {  	[tilespmem:s15+$0x50] =	vst v13;
	v9 =	vperm.xlane v14, v0  }
0xa9: {  	[tilespmem:s15+$0x60] =	vst v8;
	v23 =	vmul.f32 v33, v52;
	v13 =	vperm.xlane v14, v1  }
0xaa: {  	v8 =	vperm.xlane v14, v2;
	[tilespmem:s13+$0xFFFFFFF0] =	vst v14;
	v9 =	vmul.f32 v10, v9  }
0xab: {  	[tilespmem:s13+$0x70] =	vst v23;
	v10 =	vperm.xlane v14, v3;
	v11 =	vmul.f32 v11, v13  }
0xac: {  	v13 =	vperm.xlane v14, v4;
	v8 =	vmul.f32 v12, v8;
	[tilespmem:s13+$0xFFFFFF70] =	vst v9  }
0xad: {  	v9 =	vperm.xlane v14, v5;
	v10 =	vmul.f32 v15, v10;
	[tilespmem:s13+$0xFFFFFF80] =	vst v11  }
0xae: {  	v11 =	vperm.xlane v14, v6;
	v12 =	vmul.f32 v16, v13;
	[tilespmem:s13+$0xFFFFFF90] =	vst v8  }
0xaf: {  	v8 =	vperm.xlane v14, v7;
	v9 =	vmul.f32 v17, v9;
	[tilespmem:s13+$0xFFFFFFA0] =	vst v10  }
0xb0: {  	v10 =	vperm.xlane v51, v0;
	v11 =	vmul.f32 v19, v11;
	[tilespmem:s13+$0xFFFFFFB0] =	vst v12  }
0xb1: {  	v12 =	vperm.xlane v51, v1;
	v8 =	vmul.f32 v20, v8;
	[tilespmem:s13+$0xFFFFFFC0] =	vst v9  }
0xb2: {  	v9 =	vperm.xlane v51, v2;
	v10 =	vmul.f32 v21, v10;
	[tilespmem:s13+$0xFFFFFFD0] =	vst v11  }
0xb3: {  	v11 =	vperm.xlane v51, v3;
	v12 =	vmul.f32 v22, v12;
	[tilespmem:s13+$0xFFFFFFE0] =	vst v8  }
0xb4: {  	v8 =	vperm.xlane v51, v4;
	v9 =	vmul.f32 v24, v9;
	[tilespmem:s13+$0x0] =	vst v10  }
0xb5: {  	v10 =	vperm.xlane v51, v5;
	v11 =	vmul.f32 v26, v11;
	[tilespmem:s13+$0x10] =	vst v12  }
0xb6: {  	v12 =	vperm.xlane v51, v6;
	v8 =	vmul.f32 v25, v8;
	[tilespmem:s13+$0x20] =	vst v9  }
0xb7: {  	s7 =	smul.u32 $0x280, s0;
	v9 =	vmul.f32 v27, v10;
	[tilespmem:s13+$0x30] =	vst v11  }
0xb8: {  	v10 =	vmul.f32 v28, v12;
	[tilespmem:s13+$0x40] =	vst v8  }
0xb9: {  	s7 =	sshra.s32 s7, $0x2;
	[tilespmem:s13+$0x50] =	vst v9  }
0xba: {  	s7 =	sadd.s32 $0xA0, s7;
	[tilespmem:s13+$0x60] =	vst v10  }
0xbb: {  	[spmem:s1] =	stream.indirect.scatter.add.f32 [tilespmem:s22], [sflag:$0x5], $0x90, s7, s21, $0xb8;
	[tilespmem:$0x1EF30] =	vst v63  }
0xbc: {  	_ =	swait.ge [sflag:s20], $0x50  }
0xbd: {  	[sflag:s20] =	ssyncset.done $0x0  }
0xbe: {  	[sflag:s20] =	ssyncadd.s32 $0xFFFFFFB0  }
0xbf: {  	v8 =	vld [tilespmem:$0x0]  }
0xc0: {  	v9 =	vld [tilespmem:s12+$0xA0];
	_ =	sdelay $0x4  }
0xc1: {  	vm0 =	veq.s32 v8, v9  }
0xc2: {  	v8 =	vsel vm0, $0x2710, v9  }
0xc3: {  	[tilespmem:s12+$0xA0] =	vst v8  }
0xc4: {  	v8 =	vld [tilespmem:$0x10]  }
0xc5: {  	v9 =	vld [tilespmem:s9+$0x150];
	_ =	sdelay $0x4  }
0xc6: {  	vm8 =	veq.s32 v8, v9  }
0xc7: {  	v8 =	vsel vm8, $0x2710, v9  }
0xc8: {  	v9 =	vld [tilespmem:s9+$0x160];
	[tilespmem:s9+$0x150] =	vst v8  }
0xc9: {  	v8 =	vld [tilespmem:$0x20];
	_ =	sdelay $0x4  }
0xca: {  	vm9 =	veq.s32 v8, v9  }
0xcb: {  	v8 =	vsel vm9, $0x2710, v9  }
0xcc: {  	v9 =	vld [tilespmem:s9+$0x170];
	[tilespmem:s9+$0x160] =	vst v8  }
0xcd: {  	v8 =	vld [tilespmem:$0x30];
	_ =	sdelay $0x4  }
0xce: {  	vm10 =	veq.s32 v8, v9  }
0xcf: {  	v8 =	vsel vm10, $0x2710, v9  }
0xd0: {  	v9 =	vld [tilespmem:s9+$0x180];
	[tilespmem:s9+$0x170] =	vst v8  }
0xd1: {  	v8 =	vld [tilespmem:$0x40];
	_ =	sdelay $0x4  }
0xd2: {  	vm11 =	veq.s32 v8, v9  }
0xd3: {  	v8 =	vsel vm11, $0x2710, v9  }
0xd4: {  	[tilespmem:s9+$0x180] =	vst v8  }
0xd5: {  	_ =	swait.ge [sflag:s30], $0x2D00  }
0xd6: {  	[sflag:s30] =	ssyncset.done $0x0  }
0xd7: {  	[sflag:s30] =	ssyncadd.s32 $0xFFFFD300  }
0xd8: {  	[tilespmem:s22], [sflag:$0x1] =	stream.indirect.gather [hbm4b:s5+s21], $0x90, s3, s21, $0xb8;
	[tilespmem:$0x1EF30] =	vst v63  }
0xd9: {  	s15 =	sadd.s32 $0xA0, s12;
	s13 =	sshll.u32 s0, $0x1  }
0xda: {  	[tilespmem:s23], [sflag:$0x1] =	stream.indirect.gather [hbm4b:s6+s21], $0x10, s15, s21, $0xb8;
	[tilespmem:$0x1EF30] =	vst v63  }
0xdb: {  	s7 =	smin.u32 s13, $0x79;
	_ =	swait.ge [sflag:s31], $0x2D00  }
0xdc: {  	s7 =	smul.u32 $0x50, s7;
	[sflag:s31] =	ssyncset.done $0x0  }
0xdd: {  	[sflag:s31] =	ssyncadd.s32 $0xFFFFD300  }
0xde: {  	s7 =	sadd.s32 s7, s14;
	_ =	swait.ge [sflag:s31], $0x500  }
0xdf: {  	s7 =	sshrl.u32 s7, $0x3;
	[sflag:s31] =	ssyncset.done $0x0  }
0xe0: {  	s7 =	sadd.s32 s4, s7;
	s12 =	simm.s32 $0x5FC0;
	[sflag:s31] =	ssyncadd.s32 $0xFFFFFB00  }
0xe1: {  	[tilespmem:s21], [sflag:$0x4] =	stream.linear.gather [hbm4b:s7+s3], $0x50, $0x38;
	[tilespmem:$0x1EF30] =	vst v63  }
0xe2: {  	s16 =	simm.s32 $0x2CC0;
	v8 =	vld [tilespmem:s12+$0x0]  }
0xe3: {  	v9 =	vld [tilespmem:s16+$0x0]  }
0xe4: {  	v10 =	vld [tilespmem:s16+$0xFFFFFFF0]  }
0xe5: {  	v11 =	vld [tilespmem:s12+$0xFFFFFF70]  }
0xe6: {  	v25 =	vld [tilespmem:s12+$0xFFFFFEF0]  }
0xe7: {  	v27 =	vld [tilespmem:s12+$0xFFFFFF00]  }
0xe8: {  	v28 =	vld [tilespmem:s12+$0xFFFFFF10]  }
0xe9: {  	v53 =	vld [tilespmem:s12+$0xFFFFFF20];
	v8 =	vadd.f32 v9, v8  }
0xea: {  	v54 =	vld [tilespmem:s12+$0xFFFFFF30]  }
0xeb: {  	v55 =	vld [tilespmem:s12+$0xFFFFFF40];
	v9 =	vadd.f32 v10, v11;
	v10 =	vmul.f32 $2.000000030e-01, v8  }
0xec: {  	v56 =	vld [tilespmem:s12+$0xFFFFFF50];
	vm12 =	vgt.f32 v8, $0.0e+00  }
0xed: {  	v40 =	vld [tilespmem:s12+$0xFFFFFF60];
	v11 =	vmul.f32 $2.000000030e-01, v9;
	v8 =	vsel vm12, v8, v10  }
0xee: {  	s13 =	simm.s32 $0x2CE0;
	v41 =	vld [tilespmem:s12+$0xFFFFFF80];
	vm13 =	vgt.f32 v9, $0.0e+00;
	v8 =	vmul.f32 $1.442695020e+00, v8  }
0xef: {  	s9 =	simm.s32 $0x60E0;
	v17 =	vld [tilespmem:s13+$0xFFFFFFF0];
	v9 =	vsel vm13, v9, v11  }
0xf0: {  	v19 =	vld [tilespmem:s9+$0xFFFFFF70];
	v9 =	vmul.f32 $1.442695020e+00, v9;
	(erf) = vpow2.f32 v8  }
0xf1: {  	v42 =	vld [tilespmem:s12+$0xFFFFFF90]  }
0xf2: {  	v13 =	vld [tilespmem:s12+$0xFFFFFFA0];
	(erf) = vpow2.f32 v9  }
0xf3: {  	v18 =	vld [tilespmem:s12+$0xFFFFFFD0]  }
0xf4: {  	v14 =	vld [tilespmem:s12+$0xFFFFFFE0]  }
0xf5: {  	v12 =	vld [tilespmem:s12+$0xFFFFFFF0];
	v21 =	vadd.f32 v17, v19  }
0xf6: {  	v15 =	vld [tilespmem:s9+$0x0]  }
0xf7: {  	v16 =	vld [tilespmem:s13+$0x0];
	v30 =	vmul.f32 $2.000000030e-01, v21  }
0xf8: {  	v33 =	vld [tilespmem:s9+$0xFFFFFFF0];
	vm15 =	vgt.f32 v21, $0.0e+00  }
0xf9: {  	v17 =	vld [tilespmem:s9+$0xFFFFFF40];
	v50 =	vsel vm15, v21, v30;
	v26 =	vpop (erf)  }
0xfa: {  	v19 =	vld [tilespmem:s9+$0xFFFFFF50];
	v50 =	vmul.f32 $1.442695020e+00, v50;
	v20 =	vperm.xlane v26, v7  }
0xfb: {  	v10 =	vld [tilespmem:s9+$0xFFFFFEF0];
	v43 =	vperm.xlane v26, v0;
	v44 =	vperm.xlane v26, v1;
	v24 =	vpop (erf)  }
0xfc: {  	v11 =	vld [tilespmem:s9+$0xFFFFFF00];
	v57 =	vperm.xlane v24, v0;
	v22 =	vmul.f32 v12, v20;
	v20 =	vadd.f32 v16, v15  }
0xfd: {  	v21 =	vld [tilespmem:s9+$0xFFFFFF80];
	v58 =	vperm.xlane v24, v1;
	v59 =	vperm.xlane v24, v2  }
0xfe: {  	v8 =	vld [tilespmem:s12+$0xFFFFFFB0];
	v60 =	vperm.xlane v24, v3;
	v29 =	vmul.f32 $2.000000030e-01, v20  }
0xff: {  	v9 =	vld [tilespmem:s12+$0xFFFFFFC0];
	v45 =	vperm.xlane v24, v4;
	v46 =	vperm.xlane v24, v5;
	vm14 =	vgt.f32 v20, $0.0e+00  }
0x100: {  	v47 =	vperm.xlane v24, v6;
	v48 =	vperm.xlane v24, v7;
	[tilespmem:s12+$0xFFFFFF70] =	vst v24;
	v24 =	vld [tilespmem:s9+$0xFFFFFFA0];
	v29 =	vsel vm14, v20, v29  }
0x101: {  	v23 =	vperm.xlane v26, v2;
	v12 =	vld [tilespmem:s9+$0xFFFFFF10];
	v49 =	vmul.f32 $1.442695020e+00, v29  }
0x102: {  	v31 =	vperm.xlane v26, v4;
	v30 =	vperm.xlane v26, v5;
	v15 =	vld [tilespmem:s9+$0xFFFFFF20]  }
0x103: {  	v32 =	vperm.xlane v26, v6;
	v16 =	vld [tilespmem:s9+$0xFFFFFF30];
	(erf) = vpow2.f32 v49  }
0x104: {  	[tilespmem:s12+$0x0] =	vst v26;
	v61 =	vmul.f32 v25, v57;
	v37 =	vmul.f32 v27, v58;
	v25 =	vld [tilespmem:s9+$0xFFFFFFC0]  }
0x105: {  	[tilespmem:s12+$0xFFFFFFF0] =	vst v22;
	v29 =	vperm.xlane v26, v3;
	v26 =	vld [tilespmem:s9+$0xFFFFFFB0];
	(erf) = vpow2.f32 v50  }
0x106: {  	v36 =	vmul.f32 v41, v43;
	v62 =	vmul.f32 v28, v59;
	v27 =	vld [tilespmem:s9+$0xFFFFFFD0];
	[tilespmem:s12+$0xFFFFFEF0] =	vst v61  }
0x107: {  	v34 =	vmul.f32 v42, v44;
	v63 =	vmul.f32 v53, v60;
	v28 =	vld [tilespmem:s9+$0xFFFFFFE0];
	[tilespmem:s12+$0xFFFFFF00] =	vst v37  }
0x108: {  	v39 =	vmul.f32 v54, v45;
	v38 =	vmul.f32 v55, v46;
	v22 =	vld [tilespmem:s9+$0xFFFFFF90];
	[tilespmem:s12+$0xFFFFFF10] =	vst v62  }
0x109: {  	s11 =	simm.s32 $0x6200;
	s7 =	simm.s32 $0x2;
	v35 =	vmul.f32 v40, v48;
	v37 =	vmul.f32 v56, v47;
	[tilespmem:s12+$0xFFFFFF20] =	vst v63;
	v20 =	vld [tilespmem:s9+$0xFFFFFF60]  }
.LBB2_5:
0x10a: {  	v40 =	vld [tilespmem:s11+$0x0];
	s13 =	sadd.s32 $0x20, s13;
	[tilespmem:s12+$0xFFFFFF30] =	vst v39;
	v39 =	vmul.f32 v13, v23;
	v29 =	vmul.f32 v8, v29;
	v13 =	vmovc v24;
	v8 =	vmov v26  }
0x10b: {  	s7 =	sadd.s32 $0x2, s7;
	v26 =	vmul.f32 v9, v31;
	v30 =	vmul.f32 v18, v30;
	v24 =	vld [tilespmem:s13+$0x0];
	[tilespmem:s12+$0xFFFFFF40] =	vst v38;
	v9 =	vmov v25  }
0x10c: {  	v31 =	vmul.f32 v14, v32;
	p0 =	slt.u32 s7, $0x4E;
	v25 =	vld [tilespmem:s13+$0xFFFFFFF0];
	v38 =	vpop (erf);
	[tilespmem:s12+$0xFFFFFF50] =	vst v37;
	v18 =	vmov v27  }
0x10d: {  	v27 =	vld [tilespmem:s11+$0xFFFFFF70];
	v41 =	vperm.xlane v38, v0;
	v32 =	vperm.xlane v38, v7;
	[tilespmem:s12+$0xFFFFFF60] =	vst v35;
	v14 =	vmov v28  }
0x10e: {  	v42 =	vperm.xlane v38, v1;
	v23 =	vperm.xlane v38, v2;
	v28 =	vld [tilespmem:s11+$0xFFFFFEF0];
	v35 =	vpop (erf);
	[tilespmem:s12+$0xFFFFFF80] =	vst v36  }
0x10f: {  	v36 =	vld [tilespmem:s11+$0xFFFFFF00];
	v37 =	vperm.xlane v35, v0;
	v32 =	vmul.f32 v33, v32;
	[tilespmem:s12+$0xFFFFFF90] =	vst v34  }
0x110: {  	v34 =	vperm.xlane v35, v1;
	v33 =	vld [tilespmem:s11+$0xFFFFFF10];
	v24 =	vadd.f32 v24, v40;
	v40 =	vperm.xlane v35, v2;
	[tilespmem:s12+$0xFFFFFFA0] =	vst v39  }
0x111: {  	v43 =	vperm.xlane v35, v3;
	v44 =	vperm.xlane v35, v4;
	v39 =	vld [tilespmem:s11+$0xFFFFFF20];
	[tilespmem:s9+$0xFFFFFFF0] =	vst v32  }
0x112: {  	v46 =	vperm.xlane v35, v5;
	v25 =	vadd.f32 v25, v27;
	v45 =	vld [tilespmem:s11+$0xFFFFFF30];
	v27 =	vmul.f32 $2.000000030e-01, v24;
	[tilespmem:s12+$0xFFFFFFB0] =	vst v29  }
0x113: {  	v48 =	vperm.xlane v35, v6;
	v49 =	vperm.xlane v35, v7;
	vm0 =	vgt.f32 v24, $0.0e+00;
	v47 =	vld [tilespmem:s11+$0xFFFFFF40];
	[tilespmem:s12+$0xFFFFFFC0] =	vst v26  }
0x114: {  	vm1 =	vgt.f32 v25, $0.0e+00;
	v26 =	vmul.f32 $2.000000030e-01, v25;
	v50 =	vld [tilespmem:s11+$0xFFFFFF50];
	v24 =	vsel vm0, v24, v27;
	[tilespmem:s12+$0xFFFFFFD0] =	vst v30  }
0x115: {  	v29 =	vperm.xlane v38, v3;
	v51 =	vld [tilespmem:s11+$0xFFFFFF60];
	v24 =	vmul.f32 $1.442695020e+00, v24;
	[tilespmem:s12+$0xFFFFFFE0] =	vst v31;
	s12 =	smov.u32 s9;
	s9 =	smov.u32 s11  }
0x116: {  	v30 =	vperm.xlane v38, v5;
	v31 =	vperm.xlane v38, v4;
	v25 =	vsel vm1, v25, v26;
	v52 =	vld [tilespmem:s11+$0xFFFFFF80];
	[tilespmem:s12+$0xFFFFFF70] =	vst v35  }
0x117: {  	v25 =	vmul.f32 $1.442695020e+00, v25;
	v53 =	vld [tilespmem:s11+$0xFFFFFF90];
	(erf) = vpow2.f32 v24;
	[tilespmem:s12+$0x0] =	vst v38  }
0x118: {  	v32 =	vperm.xlane v38, v6;
	v27 =	vmul.f32 v10, v37;
	v10 =	vmov v28;
	v24 =	vld [tilespmem:s11+$0xFFFFFFA0]  }
.Ltmp1:
0x119: {  	v28 =	vmul.f32 v11, v34;
	v11 =	vmov v36;
	v26 =	vld [tilespmem:s11+$0xFFFFFFB0];
	(erf) = vpow2.f32 v25;
	(pc) =	sbr.rel @p0 .LBB2_5-.Ltmp1, $4  }
0x11a: {  	v34 =	vmul.f32 v12, v40;
	v36 =	vmul.f32 v15, v43;
	v12 =	vmovc v33;
	v15 =	vmov v39;
	v25 =	vld [tilespmem:s11+$0xFFFFFFC0];
	[tilespmem:s12+$0xFFFFFEF0] =	vst v27  }
0x11b: {  	v39 =	vmul.f32 v16, v44;
	v38 =	vmul.f32 v17, v46;
	v16 =	vmovc v45;
	v17 =	vmov v47;
	v27 =	vld [tilespmem:s11+$0xFFFFFFD0];
	[tilespmem:s12+$0xFFFFFF00] =	vst v28  }
0x11c: {  	v37 =	vmul.f32 v19, v48;
	v35 =	vmul.f32 v20, v49;
	v19 =	vmovc v50;
	v20 =	vmov v51;
	v28 =	vld [tilespmem:s11+$0xFFFFFFE0];
	[tilespmem:s12+$0xFFFFFF10] =	vst v34  }
0x11d: {  	s11 =	sadd.s32 $0x120, s11;
	v34 =	vmul.f32 v22, v42;
	v22 =	vmovc v53;
	v33 =	vld [tilespmem:s9+$0xFFFFFFF0];
	[tilespmem:s12+$0xFFFFFF20] =	vst v36;
	v36 =	vmul.f32 v21, v41;
	v21 =	vmov v52  }
0x11e: {  	[tilespmem:s12+$0xFFFFFF30] =	vst v39  }
0x11f: {  	[tilespmem:s12+$0xFFFFFF40] =	vst v38  }
0x120: {  	[tilespmem:s12+$0xFFFFFF50] =	vst v37  }
0x121: {  	[tilespmem:s12+$0xFFFFFF60] =	vst v35  }
0x122: {  	v13 =	vmul.f32 v13, v23;
	[tilespmem:s12+$0xFFFFFF80] =	vst v36  }
0x123: {  	v8 =	vmul.f32 v8, v29;
	[tilespmem:s12+$0xFFFFFF90] =	vst v34  }
0x124: {  	v9 =	vmul.f32 v9, v31;
	[tilespmem:s12+$0xFFFFFFA0] =	vst v13  }
0x125: {  	v47 =	vmul.f32 v18, v30;
	[tilespmem:s12+$0xFFFFFFB0] =	vst v8  }
0x126: {  	v44 =	vpop (erf);
	[tilespmem:s12+$0xFFFFFFC0] =	vst v9  }
0x127: {  	v8 =	vmul.f32 v14, v32;
	[tilespmem:s12+$0xFFFFFFD0] =	vst v47;
	v45 =	vperm.xlane v44, v7  }
0x128: {  	[tilespmem:s9+$0x0] =	vst v44;
	v60 =	vperm.xlane v44, v5  }
0x129: {  	v61 =	vperm.xlane v44, v6;
	v48 =	vpop (erf);
	[tilespmem:s12+$0xFFFFFFE0] =	vst v8;
	v46 =	vmul.f32 v33, v45  }
0x12a: {  	v49 =	vperm.xlane v48, v0;
	[tilespmem:s9+$0xFFFFFF70] =	vst v48;
	v62 =	vmul.f32 v27, v60  }
0x12b: {  	v50 =	vperm.xlane v48, v1;
	v63 =	vmul.f32 v28, v61;
	[tilespmem:s9+$0xFFFFFFF0] =	vst v46  }
0x12c: {  	v8 =	vperm.xlane v48, v2;
	v9 =	vmul.f32 v10, v49;
	[tilespmem:s9+$0xFFFFFFD0] =	vst v62  }
0x12d: {  	v51 =	vperm.xlane v48, v3;
	v11 =	vmul.f32 v11, v50;
	[tilespmem:s9+$0xFFFFFFE0] =	vst v63  }
0x12e: {  	v52 =	vperm.xlane v48, v4;
	v8 =	vmul.f32 v12, v8;
	[tilespmem:s9+$0xFFFFFEF0] =	vst v9  }
0x12f: {  	v57 =	vperm.xlane v44, v1;
	v10 =	vmul.f32 v15, v51;
	[tilespmem:s9+$0xFFFFFF00] =	vst v11  }
0x130: {  	v53 =	vperm.xlane v48, v5;
	v55 =	vmul.f32 v16, v52;
	[tilespmem:s9+$0xFFFFFF10] =	vst v8  }
0x131: {  	v54 =	vperm.xlane v48, v6;
	v12 =	vmul.f32 v22, v57;
	[tilespmem:s9+$0xFFFFFF20] =	vst v10  }
0x132: {  	v8 =	vperm.xlane v48, v7;
	v9 =	vmul.f32 v17, v53;
	[tilespmem:s9+$0xFFFFFF30] =	vst v55  }
0x133: {  	v56 =	vperm.xlane v44, v0;
	v11 =	vmul.f32 v19, v54;
	[tilespmem:s9+$0xFFFFFF90] =	vst v12  }
0x134: {  	v58 =	vperm.xlane v44, v2;
	v8 =	vmul.f32 v20, v8;
	[tilespmem:s9+$0xFFFFFF40] =	vst v9  }
0x135: {  	s0 =	sadd.s32 $0x1, s0;
	v59 =	vperm.xlane v44, v3;
	v10 =	vmul.f32 v21, v56;
	[tilespmem:s9+$0xFFFFFF50] =	vst v11  }
0x136: {  	p0 =	sne.s32 s0, $0x3E;
	v9 =	vmul.f32 v24, v58;
	[tilespmem:s9+$0xFFFFFF60] =	vst v8;
	v8 =	vperm.xlane v44, v4  }
.Ltmp2:
0x137: {  	[tilespmem:s9+$0xFFFFFF80] =	vst v10;
	v11 =	vmul.f32 v26, v59;
	(pc) =	sbr.rel @p0 .LBB2_2-.Ltmp2, $4  }
0x138: {  	[tilespmem:s9+$0xFFFFFFA0] =	vst v9;
	v8 =	vmul.f32 v25, v8  }
0x139: {  	[tilespmem:s9+$0xFFFFFFB0] =	vst v11  }
0x13a: {  	[tilespmem:s9+$0xFFFFFFC0] =	vst v8  }
0x13b: {  	[spmem:s1] =	stream.indirect.scatter.add.f32 [tilespmem:s24], [sflag:$0x6], $0x90, s19, s21, $0xb8;
	[tilespmem:$0x1EF30] =	vst v63  }
0x13c: {  	_ =	swait.ge [sflag:s29], $0x2D00  }
0x13d: {  	[sflag:s29] =	ssyncset.done $0x0  }
0x13e: {  	[sflag:s29] =	ssyncadd.s32 $0xFFFFD300  }
0x13f: {  	_ =	swait.ge [sflag:s29], $0x500  }
0x140: {  	[sflag:s29] =	ssyncset.done $0x0  }
0x141: {  	s9 =	simm.s32 $0x3240;
	[sflag:s29] =	ssyncadd.s32 $0xFFFFFB00  }
0x142: {  	s0 =	simm.s32 $0x27C0;
	v8 =	vld [tilespmem:s9+$0x80]  }
0x143: {  	v9 =	vld [tilespmem:s0+$0x0]  }
0x144: {  	v10 =	vld [tilespmem:s0+$0xFFFFFFF0]  }
0x145: {  	v11 =	vld [tilespmem:s9+$0xFFFFFFF0]  }
0x146: {  	v25 =	vld [tilespmem:s9+$0xFFFFFF70]  }
0x147: {  	v27 =	vld [tilespmem:s9+$0xFFFFFF80]  }
0x148: {  	v28 =	vld [tilespmem:s9+$0xFFFFFF90]  }
0x149: {  	v33 =	vld [tilespmem:s9+$0xFFFFFFA0];
	v8 =	vadd.f32 v9, v8  }
0x14a: {  	v34 =	vld [tilespmem:s9+$0xFFFFFFB0];
	v9 =	vadd.f32 v10, v11  }
0x14b: {  	v35 =	vld [tilespmem:s9+$0xFFFFFFC0];
	v10 =	vmul.f32 $2.000000030e-01, v8  }
0x14c: {  	v36 =	vld [tilespmem:s9+$0xFFFFFFD0];
	vm0 =	vgt.f32 v8, $0.0e+00;
	v11 =	vmul.f32 $2.000000030e-01, v9  }
0x14d: {  	v40 =	vld [tilespmem:s9+$0xFFFFFFE0];
	vm13 =	vgt.f32 v9, $0.0e+00;
	v8 =	vsel vm0, v8, v10  }
0x14e: {  	s12 =	simm.s32 $0x27E0;
	v41 =	vld [tilespmem:s9+$0x0];
	v9 =	vsel vm13, v9, v11;
	v8 =	vmul.f32 $1.442695020e+00, v8  }
0x14f: {  	s0 =	simm.s32 $0x3360;
	v17 =	vld [tilespmem:s12+$0xFFFFFFF0];
	v9 =	vmul.f32 $1.442695020e+00, v9  }
0x150: {  	v19 =	vld [tilespmem:s0+$0xFFFFFFF0];
	(erf) = vpow2.f32 v8  }
0x151: {  	v42 =	vld [tilespmem:s9+$0x10];
	(erf) = vpow2.f32 v9  }
0x152: {  	v13 =	vld [tilespmem:s9+$0x20]  }
0x153: {  	v18 =	vld [tilespmem:s9+$0x50]  }
0x154: {  	v14 =	vld [tilespmem:s9+$0x60]  }
0x155: {  	v12 =	vld [tilespmem:s9+$0x70];
	v21 =	vadd.f32 v17, v19  }
0x156: {  	v16 =	vld [tilespmem:s12+$0x0]  }
0x157: {  	v15 =	vld [tilespmem:s0+$0x80];
	v30 =	vmul.f32 $2.000000030e-01, v21  }
0x158: {  	v17 =	vld [tilespmem:s0+$0xFFFFFFC0];
	vm15 =	vgt.f32 v21, $0.0e+00  }
0x159: {  	v19 =	vld [tilespmem:s0+$0xFFFFFFD0];
	v50 =	vsel vm15, v21, v30;
	v26 =	vpop (erf)  }
0x15a: {  	v10 =	vld [tilespmem:s0+$0xFFFFFF70];
	v50 =	vmul.f32 $1.442695020e+00, v50;
	v20 =	vperm.xlane v26, v7;
	v24 =	vpop (erf)  }
0x15b: {  	v11 =	vld [tilespmem:s0+$0xFFFFFF80];
	v32 =	vperm.xlane v24, v0;
	v37 =	vperm.xlane v24, v1  }
0x15c: {  	v21 =	vld [tilespmem:s0+$0x0];
	v38 =	vperm.xlane v24, v2;
	v22 =	vmul.f32 v12, v20;
	v20 =	vadd.f32 v16, v15  }
0x15d: {  	v8 =	vld [tilespmem:s9+$0x30];
	v39 =	vperm.xlane v24, v3;
	v45 =	vperm.xlane v24, v4  }
0x15e: {  	v9 =	vld [tilespmem:s9+$0x40];
	v46 =	vperm.xlane v24, v5;
	v29 =	vmul.f32 $2.000000030e-01, v20  }
0x15f: {  	v47 =	vperm.xlane v24, v6;
	v48 =	vperm.xlane v24, v7;
	[tilespmem:s9+$0xFFFFFFF0] =	vst v24;
	v24 =	vld [tilespmem:s0+$0x20];
	vm14 =	vgt.f32 v20, $0.0e+00  }
0x160: {  	v43 =	vperm.xlane v26, v0;
	v44 =	vperm.xlane v26, v1;
	v12 =	vld [tilespmem:s0+$0xFFFFFF90];
	v29 =	vsel vm14, v20, v29  }
0x161: {  	v23 =	vperm.xlane v26, v2;
	v15 =	vld [tilespmem:s0+$0xFFFFFFA0];
	v49 =	vmul.f32 $1.442695020e+00, v29  }
0x162: {  	v31 =	vperm.xlane v26, v4;
	v30 =	vperm.xlane v26, v5;
	v16 =	vld [tilespmem:s0+$0xFFFFFFB0]  }
0x163: {  	v61 =	vmul.f32 v25, v32;
	v25 =	vld [tilespmem:s0+$0x40];
	(erf) = vpow2.f32 v49  }
0x164: {  	[tilespmem:s9+$0x80] =	vst v26;
	v32 =	vperm.xlane v26, v6;
	v37 =	vmul.f32 v27, v37;
	v27 =	vld [tilespmem:s0+$0x50]  }
0x165: {  	[tilespmem:s9+$0x70] =	vst v22;
	v29 =	vperm.xlane v26, v3;
	v26 =	vld [tilespmem:s0+$0x30];
	(erf) = vpow2.f32 v50  }
0x166: {  	v62 =	vmul.f32 v28, v38;
	v63 =	vmul.f32 v33, v39;
	v28 =	vld [tilespmem:s0+$0x60];
	[tilespmem:s9+$0xFFFFFF70] =	vst v61  }
0x167: {  	v39 =	vmul.f32 v34, v45;
	v38 =	vmul.f32 v35, v46;
	v33 =	vld [tilespmem:s0+$0x70];
	[tilespmem:s9+$0xFFFFFF80] =	vst v37  }
0x168: {  	v35 =	vmul.f32 v40, v48;
	v34 =	vmul.f32 v42, v44;
	v22 =	vld [tilespmem:s0+$0x10];
	[tilespmem:s9+$0xFFFFFF90] =	vst v62  }
0x169: {  	s7 =	simm.s32 $0x2;
	s11 =	simm.s32 $0x3480;
	v37 =	vmul.f32 v36, v47;
	[tilespmem:s9+$0xFFFFFFA0] =	vst v63;
	v36 =	vmul.f32 v41, v43;
	v20 =	vld [tilespmem:s0+$0xFFFFFFE0]  }
.LBB2_8:
0x16a: {  	v40 =	vld [tilespmem:s11+$0x80];
	s12 =	sadd.s32 $0x20, s12;
	[tilespmem:s9+$0xFFFFFFB0] =	vst v39;
	v39 =	vmul.f32 v13, v23;
	v29 =	vmul.f32 v8, v29;
	v13 =	vmovc v24;
	v8 =	vmov v26  }
0x16b: {  	s7 =	sadd.s32 $0x2, s7;
	v26 =	vmul.f32 v9, v31;
	v30 =	vmul.f32 v18, v30;
	v24 =	vld [tilespmem:s12+$0x0];
	[tilespmem:s9+$0xFFFFFFC0] =	vst v38;
	v9 =	vmov v25  }
0x16c: {  	v31 =	vmul.f32 v14, v32;
	p0 =	slt.u32 s7, $0x4E;
	v25 =	vld [tilespmem:s12+$0xFFFFFFF0];
	v38 =	vpop (erf);
	[tilespmem:s9+$0xFFFFFFD0] =	vst v37;
	v18 =	vmov v27  }
0x16d: {  	v27 =	vld [tilespmem:s11+$0xFFFFFFF0];
	v41 =	vperm.xlane v38, v0;
	v32 =	vperm.xlane v38, v7;
	[tilespmem:s9+$0xFFFFFFE0] =	vst v35;
	v14 =	vmov v28  }
0x16e: {  	v42 =	vperm.xlane v38, v1;
	v23 =	vperm.xlane v38, v2;
	v28 =	vld [tilespmem:s11+$0xFFFFFF70];
	v35 =	vpop (erf);
	[tilespmem:s9+$0x0] =	vst v36  }
0x16f: {  	v36 =	vld [tilespmem:s11+$0xFFFFFF80];
	v37 =	vperm.xlane v35, v0;
	v32 =	vmul.f32 v33, v32;
	[tilespmem:s9+$0x10] =	vst v34  }
0x170: {  	v34 =	vperm.xlane v35, v1;
	v33 =	vld [tilespmem:s11+$0xFFFFFF90];
	v24 =	vadd.f32 v24, v40;
	v40 =	vperm.xlane v35, v2;
	[tilespmem:s9+$0x20] =	vst v39  }
0x171: {  	v43 =	vperm.xlane v35, v3;
	v44 =	vperm.xlane v35, v4;
	v39 =	vld [tilespmem:s11+$0xFFFFFFA0];
	[tilespmem:s0+$0x70] =	vst v32  }
0x172: {  	v46 =	vperm.xlane v35, v5;
	v25 =	vadd.f32 v25, v27;
	v45 =	vld [tilespmem:s11+$0xFFFFFFB0];
	v27 =	vmul.f32 $2.000000030e-01, v24;
	[tilespmem:s9+$0x30] =	vst v29  }
0x173: {  	v48 =	vperm.xlane v35, v6;
	v49 =	vperm.xlane v35, v7;
	vm0 =	vgt.f32 v24, $0.0e+00;
	v47 =	vld [tilespmem:s11+$0xFFFFFFC0];
	[tilespmem:s9+$0x40] =	vst v26  }
0x174: {  	vm1 =	vgt.f32 v25, $0.0e+00;
	v26 =	vmul.f32 $2.000000030e-01, v25;
	v50 =	vld [tilespmem:s11+$0xFFFFFFD0];
	v24 =	vsel vm0, v24, v27;
	[tilespmem:s9+$0x50] =	vst v30  }
0x175: {  	v29 =	vperm.xlane v38, v3;
	v51 =	vld [tilespmem:s11+$0xFFFFFFE0];
	v24 =	vmul.f32 $1.442695020e+00, v24;
	[tilespmem:s9+$0x60] =	vst v31;
	s9 =	smov.u32 s0;
	s0 =	smov.u32 s11  }
0x176: {  	v30 =	vperm.xlane v38, v5;
	v31 =	vperm.xlane v38, v4;
	v25 =	vsel vm1, v25, v26;
	v52 =	vld [tilespmem:s11+$0x0];
	[tilespmem:s9+$0xFFFFFFF0] =	vst v35  }
0x177: {  	v25 =	vmul.f32 $1.442695020e+00, v25;
	v53 =	vld [tilespmem:s11+$0x10];
	(erf) = vpow2.f32 v24;
	[tilespmem:s9+$0x80] =	vst v38  }
0x178: {  	v32 =	vperm.xlane v38, v6;
	v27 =	vmul.f32 v10, v37;
	v10 =	vmov v28;
	v24 =	vld [tilespmem:s11+$0x20]  }
.Ltmp3:
0x179: {  	v28 =	vmul.f32 v11, v34;
	v11 =	vmov v36;
	v26 =	vld [tilespmem:s11+$0x30];
	(erf) = vpow2.f32 v25;
	(pc) =	sbr.rel @p0 .LBB2_8-.Ltmp3, $4  }
0x17a: {  	v34 =	vmul.f32 v12, v40;
	v36 =	vmul.f32 v15, v43;
	v12 =	vmovc v33;
	v15 =	vmov v39;
	v25 =	vld [tilespmem:s11+$0x40];
	[tilespmem:s9+$0xFFFFFF70] =	vst v27  }
0x17b: {  	v39 =	vmul.f32 v16, v44;
	v38 =	vmul.f32 v17, v46;
	v16 =	vmovc v45;
	v17 =	vmov v47;
	v27 =	vld [tilespmem:s11+$0x50];
	[tilespmem:s9+$0xFFFFFF80] =	vst v28  }
0x17c: {  	v37 =	vmul.f32 v19, v48;
	v35 =	vmul.f32 v20, v49;
	v19 =	vmovc v50;
	v20 =	vmov v51;
	v28 =	vld [tilespmem:s11+$0x60];
	[tilespmem:s9+$0xFFFFFF90] =	vst v34  }
0x17d: {  	s11 =	sadd.s32 $0x120, s11;
	v34 =	vmul.f32 v22, v42;
	v22 =	vmovc v53;
	v33 =	vld [tilespmem:s0+$0x70];
	[tilespmem:s9+$0xFFFFFFA0] =	vst v36;
	v36 =	vmul.f32 v21, v41;
	v21 =	vmov v52  }
0x17e: {  	[tilespmem:s9+$0xFFFFFFB0] =	vst v39  }
0x17f: {  	[tilespmem:s9+$0xFFFFFFC0] =	vst v38  }
0x180: {  	[tilespmem:s9+$0xFFFFFFD0] =	vst v37  }
0x181: {  	[tilespmem:s9+$0xFFFFFFE0] =	vst v35  }
0x182: {  	v13 =	vmul.f32 v13, v23;
	[tilespmem:s9+$0x0] =	vst v36  }
0x183: {  	v8 =	vmul.f32 v8, v29;
	[tilespmem:s9+$0x10] =	vst v34  }
0x184: {  	v9 =	vmul.f32 v9, v31;
	[tilespmem:s9+$0x20] =	vst v13  }
0x185: {  	v47 =	vmul.f32 v18, v30;
	[tilespmem:s9+$0x30] =	vst v8  }
0x186: {  	v44 =	vpop (erf);
	[tilespmem:s9+$0x40] =	vst v9  }
0x187: {  	v8 =	vmul.f32 v14, v32;
	[tilespmem:s9+$0x50] =	vst v47;
	v45 =	vperm.xlane v44, v7  }
0x188: {  	[tilespmem:s0+$0x80] =	vst v44;
	v60 =	vperm.xlane v44, v5  }
0x189: {  	v61 =	vperm.xlane v44, v6;
	v48 =	vpop (erf);
	[tilespmem:s9+$0x60] =	vst v8;
	v46 =	vmul.f32 v33, v45  }
0x18a: {  	v49 =	vperm.xlane v48, v0;
	[tilespmem:s0+$0xFFFFFFF0] =	vst v48;
	v62 =	vmul.f32 v27, v60  }
0x18b: {  	v50 =	vperm.xlane v48, v1;
	v63 =	vmul.f32 v28, v61;
	[tilespmem:s0+$0x70] =	vst v46  }
0x18c: {  	v8 =	vperm.xlane v48, v2;
	v9 =	vmul.f32 v10, v49;
	[tilespmem:s0+$0x50] =	vst v62  }
0x18d: {  	v51 =	vperm.xlane v48, v3;
	v11 =	vmul.f32 v11, v50;
	[tilespmem:s0+$0x60] =	vst v63  }
0x18e: {  	v52 =	vperm.xlane v48, v4;
	v8 =	vmul.f32 v12, v8;
	[tilespmem:s0+$0xFFFFFF70] =	vst v9  }
0x18f: {  	v57 =	vperm.xlane v44, v1;
	v10 =	vmul.f32 v15, v51;
	[tilespmem:s0+$0xFFFFFF80] =	vst v11  }
0x190: {  	v53 =	vperm.xlane v48, v5;
	v55 =	vmul.f32 v16, v52;
	[tilespmem:s0+$0xFFFFFF90] =	vst v8  }
0x191: {  	v54 =	vperm.xlane v48, v6;
	v12 =	vmul.f32 v22, v57;
	[tilespmem:s0+$0xFFFFFFA0] =	vst v10  }
0x192: {  	v8 =	vperm.xlane v48, v7;
	v9 =	vmul.f32 v17, v53;
	[tilespmem:s0+$0xFFFFFFB0] =	vst v55  }
0x193: {  	v56 =	vperm.xlane v44, v0;
	v11 =	vmul.f32 v19, v54;
	[tilespmem:s0+$0x10] =	vst v12  }
0x194: {  	v58 =	vperm.xlane v44, v2;
	v8 =	vmul.f32 v20, v8;
	[tilespmem:s0+$0xFFFFFFC0] =	vst v9  }
0x195: {  	v59 =	vperm.xlane v44, v3;
	v10 =	vmul.f32 v21, v56;
	[tilespmem:s0+$0xFFFFFFD0] =	vst v11  }
0x196: {  	v9 =	vmul.f32 v24, v58;
	[tilespmem:s0+$0xFFFFFFE0] =	vst v8;
	v8 =	vperm.xlane v44, v4  }
0x197: {  	[tilespmem:s0+$0x0] =	vst v10;
	v11 =	vmul.f32 v26, v59  }
0x198: {  	[tilespmem:s0+$0x20] =	vst v9;
	v8 =	vmul.f32 v25, v8  }
0x199: {  	[tilespmem:s0+$0x30] =	vst v11  }
0x19a: {  	s15 =	simm.s32 $0x2760;
	[tilespmem:s0+$0x40] =	vst v8  }
0x19b: {  	[spmem:s1] =	stream.indirect.scatter.add.f32 [tilespmem:s22], [sflag:$0x5], $0x90, s15, s21, $0xb8;
	[tilespmem:$0x1EF30] =	vst v63  }
0x19c: {  	_ =	swait.ge [sflag:s25], $0x50  }
0x19d: {  	[sflag:s25] =	ssyncset.done $0x0  }
0x19e: {  	[sflag:s25] =	ssyncadd.s32 $0xFFFFFFB0  }
0x19f: {  	_ =	swait.ge [sflag:s30], $0x2D00  }
0x1a0: {  	[sflag:s30] =	ssyncset.done $0x0  }
0x1a1: {  	[sflag:s30] =	ssyncadd.s32 $0xFFFFD300  }
0x1a2: {  	_ =	swait.ge [sflag:s26], $0x2D00  }
0x1a3: {  	[sflag:s26] =	ssyncset.done $0x0  }
0x1a4: {  	[sflag:s26] =	ssyncadd.s32 $0xFFFFD300  }
0x1a5: {  	[bflag:$0x0] =	sbarrier.arrive $0xFFFF  }
0x1a6: {  	s16 =	rddreg [dreg:$0x9]  }
0x1a7: {  	[hbm:s16], [sflag:s10] =	dma.local [spmem:s17], $0x2C70  }
0x1a8: {  	_ =	swait.ge [sflag:s18], $0x2C70  }
0x1a9: {  	s2 =	sadd.s32 $0x1, s2;
	s19 =	rddreg [dreg:$0xa]  }
0x1aa: {  	p0 =	sne.s32 s2, s19  }
.Ltmp4:
0x1ab: {  	_ = 	snop;
	(pc) =	sbr.rel @p0 .LBB2_1-.Ltmp4, $3  }
0x1ac: {  	_ =	sdelay $0x1  }
0x1ad: {  	[sflag:s18] =	ssyncset.done $0x0  }
0x1ae: {  	[sflag:s18] =	ssyncadd.s32 $0xFFFFD390  }
0x1af: {  	_ =	sfence.sel $0x180000  }
0x1b0: {  	[bflag:$0x0] =	sbarrier.arrive $0xFFFF  }
0x1b1: {  	_ =	strace $0x90000047  }
0x1b2: {  	s0 =	stileid.u32;
	[bflag:$0x2] =	sbarrier.arrive $0xFFFF  }
0x1b3: {  	p0 =	sne.s32 s0, $0x0;
	s0 =	rddreg [dreg:$0x3]  }
0x1b4: {  	s0 =	sadd.s32 @!p0 $0x100000, s0  }
0x1b5: {  	[sflag:s0] =	ssyncadd.tile.s32 @!p0 $0x1;
	_ =	shalt  }
.Lfunc_end2:
_tile_overlayer_lowered:
.L_overlay_start_2:
0x1b6: {  	(tag) =	ssettag $0x2  }
0x1b7: {  	s0 =	rddreg [dreg:$0x0];
	s2 =	stileid.u32  }
0x1b8: {  	s1 =	rddreg [dreg:$0x1];
	p0 =	sne.s32 s2, $0x0  }
0x1b9: {  	s3 =	rddreg [dreg:$0x2];
	[bflag:$0x3] =	sbarrier.arrive $0xFFFF;
	s2 =	simm.s32 @!p0 $0x1C07  }
0x1ba: {  	[timem:s3], [sflag:s2] =	dma.local @!p0 [hbm:s0], s1  }
0x1bb: {  	s0 =	simm.s32 @!p0 $0x7  }
0x1bc: {  	_ =	swait.ge @!p0 [sflag:s0], s1  }
0x1bd: {  	s1 =	ssub.s32 @!p0 $0x0, s1;
	[sflag:s0] =	ssyncset.done @!p0 $0x0  }
0x1be: {  	[sflag:s0] =	ssyncadd.s32 @!p0 s1  }
0x1bf: {  	[bflag:$0x3] =	sbarrier.arrive $0xFFFF  }
0x1c0: {  	_ =	shalt  }

</sc_bundles>
